<compile_context>
chip_gen: v7x
topology: tpu7x:2x2x1
jax: 0.10.2.dev20260603
libtpu: 0.0.44.dev20260713+nightly
codegen_flags: <defaults>
</compile_context>

<pallas_src>
import functools

import jax
import jax.numpy as jnp
from jax import lax
from jax.experimental import pallas as pl
from jax.experimental.pallas import tpu as pltpu
from jax.experimental.pallas import tpu_sc as plsc

_B = 4096
_D = 512
_L = 16
_NC = 2
_NS = 16
_NW = _NC * _NS
_ROWS = _B // _NW

_CHUNKS = (8, 24, 32, 32, 32)
_OFFS = (0, 8, 32, 64, 96)
_BOFFS = (0, 8, 32, 64, 0)
_FB = 96
_SEMS = ((0, 1), (2, 3), (4, 5), (6, 7), (0, 1))


def _mse_body(feat_hbm, lab_hbm, cent_hbm, out_hbm, buf_v, idx_v, acc_v,
              *sems):
    wid = lax.axis_index("s") * _NC + lax.axis_index("c")
    base = wid * _ROWS
    pltpu.sync_copy(lab_hbm.at[pl.ds(base, _ROWS)], idx_v)

    def start(c):
        sg, sf = _SEMS[c]
        g = pltpu.async_copy(
            cent_hbm.at[idx_v.at[pl.ds(_OFFS[c], _CHUNKS[c])]],
            buf_v.at[pl.ds(_BOFFS[c], _CHUNKS[c])], sems[sg])
        f = pltpu.async_copy(
            feat_hbm.at[pl.ds(base + _OFFS[c], _CHUNKS[c])],
            buf_v.at[pl.ds(_FB + _BOFFS[c], _CHUNKS[c])], sems[sf])
        return g, f

    inflight = [start(c) for c in range(4)]
    acc = jnp.zeros((_L,), jnp.float32)
    for c in range(len(_CHUNKS)):
        inflight[c][0].wait()
        inflight[c][1].wait()

        def row_body(r, a, _o=_BOFFS[c]):
            for col in range(0, _D, _L):
                d = buf_v[_FB + _o + r, pl.ds(col, _L)] - \
                    buf_v[_o + r, pl.ds(col, _L)]
                a = d * d + a
            return a

        acc = lax.fori_loop(0, _CHUNKS[c], row_body, acc, unroll=1)
        if c == 1:
            inflight.append(start(4))

    acc_v[...] = acc * (1.0 / (_B * _D))
    pltpu.sync_copy(acc_v, out_hbm.at[wid])


@functools.partial(
    pl.kernel,
    out_type=jax.ShapeDtypeStruct((_NW, _L), jnp.float32),
    mesh=plsc.VectorSubcoreMesh(core_axis_name="c", subcore_axis_name="s"),
    scratch_types=[
        pltpu.VMEM((2 * _FB, _D), jnp.float32),
        pltpu.VMEM((_ROWS,), jnp.int32),
        pltpu.VMEM((_L,), jnp.float32),
    ] + [pltpu.SemaphoreType.DMA] * 8,
)
def _mse_kernel(feat_hbm, lab_hbm, cent_hbm, out_hbm, buf_v, idx_v, acc_v,
                *sems):
    _mse_body(feat_hbm, lab_hbm, cent_hbm, out_hbm, buf_v, idx_v, acc_v,
              *sems)


def kernel(features, labels, centers):
    partials = _mse_kernel(features, labels.astype(jnp.int32), centers)
    return jnp.sum(partials)

# --- scband reference (transcript-rebuilt; emitter-appended) ---
"""Pipeline reference for scband-center-loss-43267500540212 (READ-ONLY COPY).

The authoritative reference and input builder live on the scoring server;
editing this copy changes nothing except your own understanding.
"""

import jax, jax.numpy as jnp
import numpy as np

NUM_CLASSES = 10000
FEAT_DIM = 512
BATCH = 4096

def setup_inputs(seed: int = 0) -> dict:
    key = jax.random.key(seed)
    k1, k2, k3 = jax.random.split(key, 3)
    features = jax.random.normal(k1, (BATCH, FEAT_DIM), dtype=jnp.float32)
    labels = jax.random.randint(k2, (BATCH,), 0, NUM_CLASSES, dtype=jnp.int64 if jax.config.jax_enable_x64 else jnp.int32)
    centers = jax.random.normal(k3, (NUM_CLASSES, FEAT_DIM), dtype=jnp.float32)
    return {"features": features, "labels": labels, "centers": centers}

def reference(features, labels, centers):
    # centers_batch = self.centers[labels]
    centers_batch = jnp.take(centers, labels, axis=0)
    # F.mse_loss with default reduction='mean'
    diff = features - centers_batch
    loss = jnp.mean(diff * diff)
    return loss

if __name__ == "__main__":
    import jax
    _d = setup_inputs()
    print(jax.jit(kernel)(*tuple(_d.values())))

</pallas_src>

<mosaic_0001>
#map = affine_map<(d0, d1) -> (0, 0)>
#map1 = affine_map<(d0, d1) -> (0)>
module attributes {stable_mosaic.version = 14 : i64} {
  func.func @_mse_kernel(%arg0: i32, %arg1: i32, %arg2: memref<4096x512xf32, #tpu.memory_space<hbm>>, %arg3: memref<4096xi32, #tpu.memory_space<hbm>>, %arg4: memref<10000x512xf32, #tpu.memory_space<hbm>>, %arg5: memref<32x16xf32, #tpu.memory_space<hbm>>, %arg6: memref<192x512xf32, #tpu.memory_space<vmem>>, %arg7: memref<128xi32, #tpu.memory_space<vmem>>, %arg8: memref<16xf32, #tpu.memory_space<vmem>>, %arg9: memref<!tpu.dma_semaphore, #tpu.memory_space<semaphore_mem>>, %arg10: memref<!tpu.dma_semaphore, #tpu.memory_space<semaphore_mem>>, %arg11: memref<!tpu.dma_semaphore, #tpu.memory_space<semaphore_mem>>, %arg12: memref<!tpu.dma_semaphore, #tpu.memory_space<semaphore_mem>>, %arg13: memref<!tpu.dma_semaphore, #tpu.memory_space<semaphore_mem>>, %arg14: memref<!tpu.dma_semaphore, #tpu.memory_space<semaphore_mem>>, %arg15: memref<!tpu.dma_semaphore, #tpu.memory_space<semaphore_mem>>, %arg16: memref<!tpu.dma_semaphore, #tpu.memory_space<semaphore_mem>>) attributes {dimension_semantics = [#tpu.dimension_semantics<core_parallel>, #tpu.dimension_semantics<subcore_parallel>], iteration_bounds = array<i64: 2, 16>, scalar_prefetch = 0 : i64, scratch_operands = 11 : i64, tpu.core_type = #tpu.core_type<sc_vector_subcore>, window_params = [{transform_indices = #map}, {transform_indices = #map1}, {transform_indices = #map}, {transform_indices = #map}]} {
    %mul3A = arith.constant 2 : i32
    %mul3A_0 = arith.muli %arg1, %mul3A : i32
    %add3A = arith.addi %mul3A_0, %arg0 : i32
    %mul3A_1 = arith.constant 128 : i32
    %mul3A_2 = arith.muli %add3A, %mul3A_1 : i32
    "tpu.region"() ({
      %run_scoped3A = tpu.sem_alloc : memref<!tpu.dma_semaphore, #tpu.memory_space<semaphore_mem>>
      %dma_start3A_227 = tpu.memref_slice %arg3[%mul3A_2] : memref<4096xi32, #tpu.memory_space<hbm>> -> memref<128xi32, #tpu.memory_space<hbm>>
      %dma_start3A_228 = tpu.memref_slice %arg3[%mul3A_2] : memref<4096xi32, #tpu.memory_space<hbm>> -> memref<128xi32, #tpu.memory_space<hbm>>
      tpu.enqueue_dma source(%dma_start3A_228 : memref<128xi32, #tpu.memory_space<hbm>>) target(%arg7 : memref<128xi32, #tpu.memory_space<vmem>>) target_semaphore(%run_scoped3A : memref<!tpu.dma_semaphore, #tpu.memory_space<semaphore_mem>>)
      %dma_wait3A_229 = tpu.memref_slice %arg3[%mul3A_2] : memref<4096xi32, #tpu.memory_space<hbm>> -> memref<128xi32, #tpu.memory_space<hbm>>
      %dma_wait3A_230 = tpu.memref_slice %arg3[%mul3A_2] : memref<4096xi32, #tpu.memory_space<hbm>> -> memref<128xi32, #tpu.memory_space<hbm>>
      tpu.wait_dma2 semaphore(%run_scoped3A : memref<!tpu.dma_semaphore, #tpu.memory_space<semaphore_mem>>) src(%dma_wait3A_230 : memref<128xi32, #tpu.memory_space<hbm>>) dst(%arg7 : memref<128xi32, #tpu.memory_space<vmem>>)
      tpu.yield
    }) : () -> ()
    %dma_start3A = arith.constant 0 : i32
    %dma_start3A_3 = arith.constant 0 : i32
    %dma_start3A_4 = tpu.memref_slice %arg6[%dma_start3A, %dma_start3A_3] : memref<192x512xf32, #tpu.memory_space<vmem>> -> memref<8x512xf32, #tpu.memory_space<vmem>>
    %dma_start3A_5 = arith.constant 0 : i32
    %dma_start3A_6 = tpu.memref_slice %arg7[%dma_start3A_5] : memref<128xi32, #tpu.memory_space<vmem>> -> memref<8xi32, #tpu.memory_space<vmem>>
    %dma_start3A_7 = arith.constant 0 : i32
    %dma_start3A_8 = arith.constant 0 : i32
    %dma_start3A_9 = tpu.memref_slice %arg4[%dma_start3A_7, %dma_start3A_8] : memref<10000x512xf32, #tpu.memory_space<hbm>> -> memref<10000x512xf32, #tpu.memory_space<hbm>>
    tpu.enqueue_indirect_dma source(%dma_start3A_9 : memref<10000x512xf32, #tpu.memory_space<hbm>>) target(%dma_start3A_4 : memref<8x512xf32, #tpu.memory_space<vmem>>) offsets(%dma_start3A_6 : memref<8xi32, #tpu.memory_space<vmem>>) semaphore(%arg9 : memref<!tpu.dma_semaphore, #tpu.memory_space<semaphore_mem>>)
    %add3A_10 = arith.constant 0 : i32
    %add3A_11 = arith.addi %mul3A_2, %add3A_10 : i32
    %dma_start3A_12 = arith.constant 96 : i32
    %dma_start3A_13 = arith.constant 0 : i32
    %dma_start3A_14 = tpu.memref_slice %arg6[%dma_start3A_12, %dma_start3A_13] : memref<192x512xf32, #tpu.memory_space<vmem>> -> memref<8x512xf32, #tpu.memory_space<vmem>>
    %dma_start3A_15 = arith.constant 0 : i32
    %dma_start3A_16 = tpu.memref_slice %arg2[%add3A_11, %dma_start3A_15] : memref<4096x512xf32, #tpu.memory_space<hbm>> -> memref<8x512xf32, #tpu.memory_space<hbm>>
    %dma_start3A_17 = arith.constant 96 : i32
    %dma_start3A_18 = arith.constant 0 : i32
    %dma_start3A_19 = tpu.memref_slice %arg6[%dma_start3A_17, %dma_start3A_18] : memref<192x512xf32, #tpu.memory_space<vmem>> -> memref<8x512xf32, #tpu.memory_space<vmem>>
    %dma_start3A_20 = arith.constant 0 : i32
    %dma_start3A_21 = tpu.memref_slice %arg2[%add3A_11, %dma_start3A_20] : memref<4096x512xf32, #tpu.memory_space<hbm>> -> memref<8x512xf32, #tpu.memory_space<hbm>>
    tpu.enqueue_dma source(%dma_start3A_21 : memref<8x512xf32, #tpu.memory_space<hbm>>) target(%dma_start3A_19 : memref<8x512xf32, #tpu.memory_space<vmem>>) target_semaphore(%arg10 : memref<!tpu.dma_semaphore, #tpu.memory_space<semaphore_mem>>)
    %dma_start3A_22 = arith.constant 8 : i32
    %dma_start3A_23 = arith.constant 0 : i32
    %dma_start3A_24 = tpu.memref_slice %arg6[%dma_start3A_22, %dma_start3A_23] : memref<192x512xf32, #tpu.memory_space<vmem>> -> memref<24x512xf32, #tpu.memory_space<vmem>>
    %dma_start3A_25 = arith.constant 8 : i32
    %dma_start3A_26 = tpu.memref_slice %arg7[%dma_start3A_25] : memref<128xi32, #tpu.memory_space<vmem>> -> memref<24xi32, #tpu.memory_space<vmem>>
    %dma_start3A_27 = arith.constant 0 : i32
    %dma_start3A_28 = arith.constant 0 : i32
    %dma_start3A_29 = tpu.memref_slice %arg4[%dma_start3A_27, %dma_start3A_28] : memref<10000x512xf32, #tpu.memory_space<hbm>> -> memref<10000x512xf32, #tpu.memory_space<hbm>>
    tpu.enqueue_indirect_dma source(%dma_start3A_29 : memref<10000x512xf32, #tpu.memory_space<hbm>>) target(%dma_start3A_24 : memref<24x512xf32, #tpu.memory_space<vmem>>) offsets(%dma_start3A_26 : memref<24xi32, #tpu.memory_space<vmem>>) semaphore(%arg11 : memref<!tpu.dma_semaphore, #tpu.memory_space<semaphore_mem>>)
    %add3A_30 = arith.constant 8 : i32
    %add3A_31 = arith.addi %mul3A_2, %add3A_30 : i32
    %dma_start3A_32 = arith.constant 104 : i32
    %dma_start3A_33 = arith.constant 0 : i32
    %dma_start3A_34 = tpu.memref_slice %arg6[%dma_start3A_32, %dma_start3A_33] : memref<192x512xf32, #tpu.memory_space<vmem>> -> memref<24x512xf32, #tpu.memory_space<vmem>>
    %dma_start3A_35 = arith.constant 0 : i32
    %dma_start3A_36 = tpu.memref_slice %arg2[%add3A_31, %dma_start3A_35] : memref<4096x512xf32, #tpu.memory_space<hbm>> -> memref<24x512xf32, #tpu.memory_space<hbm>>
    %dma_start3A_37 = arith.constant 104 : i32
    %dma_start3A_38 = arith.constant 0 : i32
    %dma_start3A_39 = tpu.memref_slice %arg6[%dma_start3A_37, %dma_start3A_38] : memref<192x512xf32, #tpu.memory_space<vmem>> -> memref<24x512xf32, #tpu.memory_space<vmem>>
    %dma_start3A_40 = arith.constant 0 : i32
    %dma_start3A_41 = tpu.memref_slice %arg2[%add3A_31, %dma_start3A_40] : memref<4096x512xf32, #tpu.memory_space<hbm>> -> memref<24x512xf32, #tpu.memory_space<hbm>>
    tpu.enqueue_dma source(%dma_start3A_41 : memref<24x512xf32, #tpu.memory_space<hbm>>) target(%dma_start3A_39 : memref<24x512xf32, #tpu.memory_space<vmem>>) target_semaphore(%arg12 : memref<!tpu.dma_semaphore, #tpu.memory_space<semaphore_mem>>)
    %dma_start3A_42 = arith.constant 32 : i32
    %dma_start3A_43 = arith.constant 0 : i32
    %dma_start3A_44 = tpu.memref_slice %arg6[%dma_start3A_42, %dma_start3A_43] : memref<192x512xf32, #tpu.memory_space<vmem>> -> memref<32x512xf32, #tpu.memory_space<vmem>>
    %dma_start3A_45 = arith.constant 32 : i32
    %dma_start3A_46 = tpu.memref_slice %arg7[%dma_start3A_45] : memref<128xi32, #tpu.memory_space<vmem>> -> memref<32xi32, #tpu.memory_space<vmem>>
    %dma_start3A_47 = arith.constant 0 : i32
    %dma_start3A_48 = arith.constant 0 : i32
    %dma_start3A_49 = tpu.memref_slice %arg4[%dma_start3A_47, %dma_start3A_48] : memref<10000x512xf32, #tpu.memory_space<hbm>> -> memref<10000x512xf32, #tpu.memory_space<hbm>>
    tpu.enqueue_indirect_dma source(%dma_start3A_49 : memref<10000x512xf32, #tpu.memory_space<hbm>>) target(%dma_start3A_44 : memref<32x512xf32, #tpu.memory_space<vmem>>) offsets(%dma_start3A_46 : memref<32xi32, #tpu.memory_space<vmem>>) semaphore(%arg13 : memref<!tpu.dma_semaphore, #tpu.memory_space<semaphore_mem>>)
    %add3A_50 = arith.constant 32 : i32
    %add3A_51 = arith.addi %mul3A_2, %add3A_50 : i32
    %dma_start3A_52 = arith.constant 128 : i32
    %dma_start3A_53 = arith.constant 0 : i32
    %dma_start3A_54 = tpu.memref_slice %arg6[%dma_start3A_52, %dma_start3A_53] : memref<192x512xf32, #tpu.memory_space<vmem>> -> memref<32x512xf32, #tpu.memory_space<vmem>>
    %dma_start3A_55 = arith.constant 0 : i32
    %dma_start3A_56 = tpu.memref_slice %arg2[%add3A_51, %dma_start3A_55] : memref<4096x512xf32, #tpu.memory_space<hbm>> -> memref<32x512xf32, #tpu.memory_space<hbm>>
    %dma_start3A_57 = arith.constant 128 : i32
    %dma_start3A_58 = arith.constant 0 : i32
    %dma_start3A_59 = tpu.memref_slice %arg6[%dma_start3A_57, %dma_start3A_58] : memref<192x512xf32, #tpu.memory_space<vmem>> -> memref<32x512xf32, #tpu.memory_space<vmem>>
    %dma_start3A_60 = arith.constant 0 : i32
    %dma_start3A_61 = tpu.memref_slice %arg2[%add3A_51, %dma_start3A_60] : memref<4096x512xf32, #tpu.memory_space<hbm>> -> memref<32x512xf32, #tpu.memory_space<hbm>>
    tpu.enqueue_dma source(%dma_start3A_61 : memref<32x512xf32, #tpu.memory_space<hbm>>) target(%dma_start3A_59 : memref<32x512xf32, #tpu.memory_space<vmem>>) target_semaphore(%arg14 : memref<!tpu.dma_semaphore, #tpu.memory_space<semaphore_mem>>)
    %dma_start3A_62 = arith.constant 64 : i32
    %dma_start3A_63 = arith.constant 0 : i32
    %dma_start3A_64 = tpu.memref_slice %arg6[%dma_start3A_62, %dma_start3A_63] : memref<192x512xf32, #tpu.memory_space<vmem>> -> memref<32x512xf32, #tpu.memory_space<vmem>>
    %dma_start3A_65 = arith.constant 64 : i32
    %dma_start3A_66 = tpu.memref_slice %arg7[%dma_start3A_65] : memref<128xi32, #tpu.memory_space<vmem>> -> memref<32xi32, #tpu.memory_space<vmem>>
    %dma_start3A_67 = arith.constant 0 : i32
    %dma_start3A_68 = arith.constant 0 : i32
    %dma_start3A_69 = tpu.memref_slice %arg4[%dma_start3A_67, %dma_start3A_68] : memref<10000x512xf32, #tpu.memory_space<hbm>> -> memref<10000x512xf32, #tpu.memory_space<hbm>>
    tpu.enqueue_indirect_dma source(%dma_start3A_69 : memref<10000x512xf32, #tpu.memory_space<hbm>>) target(%dma_start3A_64 : memref<32x512xf32, #tpu.memory_space<vmem>>) offsets(%dma_start3A_66 : memref<32xi32, #tpu.memory_space<vmem>>) semaphore(%arg15 : memref<!tpu.dma_semaphore, #tpu.memory_space<semaphore_mem>>)
    %add3A_70 = arith.constant 64 : i32
    %add3A_71 = arith.addi %mul3A_2, %add3A_70 : i32
    %dma_start3A_72 = arith.constant 160 : i32
    %dma_start3A_73 = arith.constant 0 : i32
    %dma_start3A_74 = tpu.memref_slice %arg6[%dma_start3A_72, %dma_start3A_73] : memref<192x512xf32, #tpu.memory_space<vmem>> -> memref<32x512xf32, #tpu.memory_space<vmem>>
    %dma_start3A_75 = arith.constant 0 : i32
    %dma_start3A_76 = tpu.memref_slice %arg2[%add3A_71, %dma_start3A_75] : memref<4096x512xf32, #tpu.memory_space<hbm>> -> memref<32x512xf32, #tpu.memory_space<hbm>>
    %dma_start3A_77 = arith.constant 160 : i32
    %dma_start3A_78 = arith.constant 0 : i32
    %dma_start3A_79 = tpu.memref_slice %arg6[%dma_start3A_77, %dma_start3A_78] : memref<192x512xf32, #tpu.memory_space<vmem>> -> memref<32x512xf32, #tpu.memory_space<vmem>>
    %dma_start3A_80 = arith.constant 0 : i32
    %dma_start3A_81 = tpu.memref_slice %arg2[%add3A_71, %dma_start3A_80] : memref<4096x512xf32, #tpu.memory_space<hbm>> -> memref<32x512xf32, #tpu.memory_space<hbm>>
    tpu.enqueue_dma source(%dma_start3A_81 : memref<32x512xf32, #tpu.memory_space<hbm>>) target(%dma_start3A_79 : memref<32x512xf32, #tpu.memory_space<vmem>>) target_semaphore(%arg16 : memref<!tpu.dma_semaphore, #tpu.memory_space<semaphore_mem>>)
    %broadcast_in_dim3A = arith.constant 0.000000e+00 : f32
    %broadcast_in_dim3A_82 = vector.broadcast %broadcast_in_dim3A : f32 to vector<16xf32>
    %dma_wait3A = arith.constant 0 : i32
    %dma_wait3A_83 = arith.constant 0 : i32
    %dma_wait3A_84 = tpu.memref_slice %arg6[%dma_wait3A, %dma_wait3A_83] : memref<192x512xf32, #tpu.memory_space<vmem>> -> memref<8x512xf32, #tpu.memory_space<vmem>>
    %dma_wait3A_85 = arith.constant 0 : i32
    %dma_wait3A_86 = tpu.memref_slice %arg7[%dma_wait3A_85] : memref<128xi32, #tpu.memory_space<vmem>> -> memref<8xi32, #tpu.memory_space<vmem>>
    %dma_wait3A_87 = arith.constant 0 : i32
    %dma_wait3A_88 = arith.constant 0 : i32
    %dma_wait3A_89 = tpu.memref_slice %arg4[%dma_wait3A_87, %dma_wait3A_88] : memref<10000x512xf32, #tpu.memory_space<hbm>> -> memref<10000x512xf32, #tpu.memory_space<hbm>>
    tpu.wait_indirect_dma semaphore(%arg9 : memref<!tpu.dma_semaphore, #tpu.memory_space<semaphore_mem>>) src(%dma_wait3A_89 : memref<10000x512xf32, #tpu.memory_space<hbm>>) dst(%dma_wait3A_84 : memref<8x512xf32, #tpu.memory_space<vmem>>)
    %dma_wait3A_90 = arith.constant 96 : i32
    %dma_wait3A_91 = arith.constant 0 : i32
    %dma_wait3A_92 = tpu.memref_slice %arg6[%dma_wait3A_90, %dma_wait3A_91] : memref<192x512xf32, #tpu.memory_space<vmem>> -> memref<8x512xf32, #tpu.memory_space<vmem>>
    %dma_wait3A_93 = arith.constant 0 : i32
    %dma_wait3A_94 = tpu.memref_slice %arg2[%add3A_11, %dma_wait3A_93] : memref<4096x512xf32, #tpu.memory_space<hbm>> -> memref<8x512xf32, #tpu.memory_space<hbm>>
    %dma_wait3A_95 = arith.constant 96 : i32
    %dma_wait3A_96 = arith.constant 0 : i32
    %dma_wait3A_97 = tpu.memref_slice %arg6[%dma_wait3A_95, %dma_wait3A_96] : memref<192x512xf32, #tpu.memory_space<vmem>> -> memref<8x512xf32, #tpu.memory_space<vmem>>
    %dma_wait3A_98 = arith.constant 0 : i32
    %dma_wait3A_99 = tpu.memref_slice %arg2[%add3A_11, %dma_wait3A_98] : memref<4096x512xf32, #tpu.memory_space<hbm>> -> memref<8x512xf32, #tpu.memory_space<hbm>>
    tpu.wait_dma2 semaphore(%arg10 : memref<!tpu.dma_semaphore, #tpu.memory_space<semaphore_mem>>) src(%dma_wait3A_99 : memref<8x512xf32, #tpu.memory_space<hbm>>) dst(%dma_wait3A_97 : memref<8x512xf32, #tpu.memory_space<vmem>>)
    %scan3A = arith.constant 0 : i32
    %scan3A_100 = arith.constant 8 : i32
    %scan3A_101 = arith.addi %scan3A, %scan3A_100 : i32
    %scan3A_102 = arith.constant 1 : i32
    %scan3A_103 = scf.for %scan3A_227 = %scan3A to %scan3A_101 step %scan3A_102 iter_args(%scan3A_228 = %broadcast_in_dim3A_82) -> (vector<16xf32>)  : i32 {
      %add3A_229 = arith.constant 96 : i32
      %add3A_230 = arith.addi %add3A_229, %scan3A_227 : i32
      %get3A = arith.index_cast %add3A_230 : i32 to index
      %get3A_231 = arith.constant 0 : index
      %get3A_232 = tpu.vector_load %arg6[%get3A, %get3A_231] {strides = array<i32>} : memref<192x512xf32, #tpu.memory_space<vmem>>, vector<1x16xf32>,
      %get3A_233 = vector.shape_cast %get3A_232 : vector<1x16xf32> to vector<16xf32>
      %add3A_234 = arith.constant 0 : i32
      %add3A_235 = arith.addi %add3A_234, %scan3A_227 : i32
      %get3A_236 = arith.index_cast %add3A_235 : i32 to index
      %get3A_237 = arith.constant 0 : index
      %get3A_238 = tpu.vector_load %arg6[%get3A_236, %get3A_237] {strides = array<i32>} : memref<192x512xf32, #tpu.memory_space<vmem>>, vector<1x16xf32>,
      %get3A_239 = vector.shape_cast %get3A_238 : vector<1x16xf32> to vector<16xf32>
      %sub3A = arith.subf %get3A_233, %get3A_239 : vector<16xf32>
      %mul3A_240 = arith.mulf %sub3A, %sub3A : vector<16xf32>
      %add3A_241 = arith.addf %mul3A_240, %scan3A_228 : vector<16xf32>
      %add3A_242 = arith.constant 96 : i32
      %add3A_243 = arith.addi %add3A_242, %scan3A_227 : i32
      %get3A_244 = arith.index_cast %add3A_243 : i32 to index
      %get3A_245 = arith.constant 16 : index
      %get3A_246 = tpu.vector_load %arg6[%get3A_244, %get3A_245] {strides = array<i32>} : memref<192x512xf32, #tpu.memory_space<vmem>>, vector<1x16xf32>,
      %get3A_247 = vector.shape_cast %get3A_246 : vector<1x16xf32> to vector<16xf32>
      %add3A_248 = arith.constant 0 : i32
      %add3A_249 = arith.addi %add3A_248, %scan3A_227 : i32
      %get3A_250 = arith.index_cast %add3A_249 : i32 to index
      %get3A_251 = arith.constant 16 : index
      %get3A_252 = tpu.vector_load %arg6[%get3A_250, %get3A_251] {strides = array<i32>} : memref<192x512xf32, #tpu.memory_space<vmem>>, vector<1x16xf32>,
      %get3A_253 = vector.shape_cast %get3A_252 : vector<1x16xf32> to vector<16xf32>
      %sub3A_254 = arith.subf %get3A_247, %get3A_253 : vector<16xf32>
      %mul3A_255 = arith.mulf %sub3A_254, %sub3A_254 : vector<16xf32>
      %add3A_256 = arith.addf %mul3A_255, %add3A_241 : vector<16xf32>
      %add3A_257 = arith.constant 96 : i32
      %add3A_258 = arith.addi %add3A_257, %scan3A_227 : i32
      %get3A_259 = arith.index_cast %add3A_258 : i32 to index
      %get3A_260 = arith.constant 32 : index
      %get3A_261 = tpu.vector_load %arg6[%get3A_259, %get3A_260] {strides = array<i32>} : memref<192x512xf32, #tpu.memory_space<vmem>>, vector<1x16xf32>,
      %get3A_262 = vector.shape_cast %get3A_261 : vector<1x16xf32> to vector<16xf32>
      %add3A_263 = arith.constant 0 : i32
      %add3A_264 = arith.addi %add3A_263, %scan3A_227 : i32
      %get3A_265 = arith.index_cast %add3A_264 : i32 to index
      %get3A_266 = arith.constant 32 : index
      %get3A_267 = tpu.vector_load %arg6[%get3A_265, %get3A_266] {strides = array<i32>} : memref<192x512xf32, #tpu.memory_space<vmem>>, vector<1x16xf32>,
      %get3A_268 = vector.shape_cast %get3A_267 : vector<1x16xf32> to vector<16xf32>
      %sub3A_269 = arith.subf %get3A_262, %get3A_268 : vector<16xf32>
      %mul3A_270 = arith.mulf %sub3A_269, %sub3A_269 : vector<16xf32>
      %add3A_271 = arith.addf %mul3A_270, %add3A_256 : vector<16xf32>
      %add3A_272 = arith.constant 96 : i32
      %add3A_273 = arith.addi %add3A_272, %scan3A_227 : i32
      %get3A_274 = arith.index_cast %add3A_273 : i32 to index
      %get3A_275 = arith.constant 48 : index
      %get3A_276 = tpu.vector_load %arg6[%get3A_274, %get3A_275] {strides = array<i32>} : memref<192x512xf32, #tpu.memory_space<vmem>>, vector<1x16xf32>,
      %get3A_277 = vector.shape_cast %get3A_276 : vector<1x16xf32> to vector<16xf32>
      %add3A_278 = arith.constant 0 : i32
      %add3A_279 = arith.addi %add3A_278, %scan3A_227 : i32
      %get3A_280 = arith.index_cast %add3A_279 : i32 to index
      %get3A_281 = arith.constant 48 : index
      %get3A_282 = tpu.vector_load %arg6[%get3A_280, %get3A_281] {strides = array<i32>} : memref<192x512xf32, #tpu.memory_space<vmem>>, vector<1x16xf32>,
      %get3A_283 = vector.shape_cast %get3A_282 : vector<1x16xf32> to vector<16xf32>
      %sub3A_284 = arith.subf %get3A_277, %get3A_283 : vector<16xf32>
      %mul3A_285 = arith.mulf %sub3A_284, %sub3A_284 : vector<16xf32>
      %add3A_286 = arith.addf %mul3A_285, %add3A_271 : vector<16xf32>
      %add3A_287 = arith.constant 96 : i32
      %add3A_288 = arith.addi %add3A_287, %scan3A_227 : i32
      %get3A_289 = arith.index_cast %add3A_288 : i32 to index
      %get3A_290 = arith.constant 64 : index
      %get3A_291 = tpu.vector_load %arg6[%get3A_289, %get3A_290] {strides = array<i32>} : memref<192x512xf32, #tpu.memory_space<vmem>>, vector<1x16xf32>,
      %get3A_292 = vector.shape_cast %get3A_291 : vector<1x16xf32> to vector<16xf32>
      %add3A_293 = arith.constant 0 : i32
      %add3A_294 = arith.addi %add3A_293, %scan3A_227 : i32
      %get3A_295 = arith.index_cast %add3A_294 : i32 to index
      %get3A_296 = arith.constant 64 : index
      %get3A_297 = tpu.vector_load %arg6[%get3A_295, %get3A_296] {strides = array<i32>} : memref<192x512xf32, #tpu.memory_space<vmem>>, vector<1x16xf32>,
      %get3A_298 = vector.shape_cast %get3A_297 : vector<1x16xf32> to vector<16xf32>
      %sub3A_299 = arith.subf %get3A_292, %get3A_298 : vector<16xf32>
      %mul3A_300 = arith.mulf %sub3A_299, %sub3A_299 : vector<16xf32>
      %add3A_301 = arith.addf %mul3A_300, %add3A_286 : vector<16xf32>
      %add3A_302 = arith.constant 96 : i32
      %add3A_303 = arith.addi %add3A_302, %scan3A_227 : i32
      %get3A_304 = arith.index_cast %add3A_303 : i32 to index
      %get3A_305 = arith.constant 80 : index
      %get3A_306 = tpu.vector_load %arg6[%get3A_304, %get3A_305] {strides = array<i32>} : memref<192x512xf32, #tpu.memory_space<vmem>>, vector<1x16xf32>,
      %get3A_307 = vector.shape_cast %get3A_306 : vector<1x16xf32> to vector<16xf32>
      %add3A_308 = arith.constant 0 : i32
      %add3A_309 = arith.addi %add3A_308, %scan3A_227 : i32
      %get3A_310 = arith.index_cast %add3A_309 : i32 to index
      %get3A_311 = arith.constant 80 : index
      %get3A_312 = tpu.vector_load %arg6[%get3A_310, %get3A_311] {strides = array<i32>} : memref<192x512xf32, #tpu.memory_space<vmem>>, vector<1x16xf32>,
      %get3A_313 = vector.shape_cast %get3A_312 : vector<1x16xf32> to vector<16xf32>
      %sub3A_314 = arith.subf %get3A_307, %get3A_313 : vector<16xf32>
      %mul3A_315 = arith.mulf %sub3A_314, %sub3A_314 : vector<16xf32>
      %add3A_316 = arith.addf %mul3A_315, %add3A_301 : vector<16xf32>
      %add3A_317 = arith.constant 96 : i32
      %add3A_318 = arith.addi %add3A_317, %scan3A_227 : i32
      %get3A_319 = arith.index_cast %add3A_318 : i32 to index
      %get3A_320 = arith.constant 96 : index
      %get3A_321 = tpu.vector_load %arg6[%get3A_319, %get3A_320] {strides = array<i32>} : memref<192x512xf32, #tpu.memory_space<vmem>>, vector<1x16xf32>,
      %get3A_322 = vector.shape_cast %get3A_321 : vector<1x16xf32> to vector<16xf32>
      %add3A_323 = arith.constant 0 : i32
      %add3A_324 = arith.addi %add3A_323, %scan3A_227 : i32
      %get3A_325 = arith.index_cast %add3A_324 : i32 to index
      %get3A_326 = arith.constant 96 : index
      %get3A_327 = tpu.vector_load %arg6[%get3A_325, %get3A_326] {strides = array<i32>} : memref<192x512xf32, #tpu.memory_space<vmem>>, vector<1x16xf32>,
      %get3A_328 = vector.shape_cast %get3A_327 : vector<1x16xf32> to vector<16xf32>
      %sub3A_329 = arith.subf %get3A_322, %get3A_328 : vector<16xf32>
      %mul3A_330 = arith.mulf %sub3A_329, %sub3A_329 : vector<16xf32>
      %add3A_331 = arith.addf %mul3A_330, %add3A_316 : vector<16xf32>
      %add3A_332 = arith.constant 96 : i32
      %add3A_333 = arith.addi %add3A_332, %scan3A_227 : i32
      %get3A_334 = arith.index_cast %add3A_333 : i32 to index
      %get3A_335 = arith.constant 112 : index
      %get3A_336 = tpu.vector_load %arg6[%get3A_334, %get3A_335] {strides = array<i32>} : memref<192x512xf32, #tpu.memory_space<vmem>>, vector<1x16xf32>,
      %get3A_337 = vector.shape_cast %get3A_336 : vector<1x16xf32> to vector<16xf32>
      %add3A_338 = arith.constant 0 : i32
      %add3A_339 = arith.addi %add3A_338, %scan3A_227 : i32
      %get3A_340 = arith.index_cast %add3A_339 : i32 to index
      %get3A_341 = arith.constant 112 : index
      %get3A_342 = tpu.vector_load %arg6[%get3A_340, %get3A_341] {strides = array<i32>} : memref<192x512xf32, #tpu.memory_space<vmem>>, vector<1x16xf32>,
      %get3A_343 = vector.shape_cast %get3A_342 : vector<1x16xf32> to vector<16xf32>
      %sub3A_344 = arith.subf %get3A_337, %get3A_343 : vector<16xf32>
      %mul3A_345 = arith.mulf %sub3A_344, %sub3A_344 : vector<16xf32>
      %add3A_346 = arith.addf %mul3A_345, %add3A_331 : vector<16xf32>
      %add3A_347 = arith.constant 96 : i32
      %add3A_348 = arith.addi %add3A_347, %scan3A_227 : i32
      %get3A_349 = arith.index_cast %add3A_348 : i32 to index
      %get3A_350 = arith.constant 128 : index
      %get3A_351 = tpu.vector_load %arg6[%get3A_349, %get3A_350] {strides = array<i32>} : memref<192x512xf32, #tpu.memory_space<vmem>>, vector<1x16xf32>,
      %get3A_352 = vector.shape_cast %get3A_351 : vector<1x16xf32> to vector<16xf32>
      %add3A_353 = arith.constant 0 : i32
      %add3A_354 = arith.addi %add3A_353, %scan3A_227 : i32
      %get3A_355 = arith.index_cast %add3A_354 : i32 to index
      %get3A_356 = arith.constant 128 : index
      %get3A_357 = tpu.vector_load %arg6[%get3A_355, %get3A_356] {strides = array<i32>} : memref<192x512xf32, #tpu.memory_space<vmem>>, vector<1x16xf32>,
      %get3A_358 = vector.shape_cast %get3A_357 : vector<1x16xf32> to vector<16xf32>
      %sub3A_359 = arith.subf %get3A_352, %get3A_358 : vector<16xf32>
      %mul3A_360 = arith.mulf %sub3A_359, %sub3A_359 : vector<16xf32>
      %add3A_361 = arith.addf %mul3A_360, %add3A_346 : vector<16xf32>
      %add3A_362 = arith.constant 96 : i32
      %add3A_363 = arith.addi %add3A_362, %scan3A_227 : i32
      %get3A_364 = arith.index_cast %add3A_363 : i32 to index
      %get3A_365 = arith.constant 144 : index
      %get3A_366 = tpu.vector_load %arg6[%get3A_364, %get3A_365] {strides = array<i32>} : memref<192x512xf32, #tpu.memory_space<vmem>>, vector<1x16xf32>,
      %get3A_367 = vector.shape_cast %get3A_366 : vector<1x16xf32> to vector<16xf32>
      %add3A_368 = arith.constant 0 : i32
      %add3A_369 = arith.addi %add3A_368, %scan3A_227 : i32
      %get3A_370 = arith.index_cast %add3A_369 : i32 to index
      %get3A_371 = arith.constant 144 : index
      %get3A_372 = tpu.vector_load %arg6[%get3A_370, %get3A_371] {strides = array<i32>} : memref<192x512xf32, #tpu.memory_space<vmem>>, vector<1x16xf32>,
      %get3A_373 = vector.shape_cast %get3A_372 : vector<1x16xf32> to vector<16xf32>
      %sub3A_374 = arith.subf %get3A_367, %get3A_373 : vector<16xf32>
      %mul3A_375 = arith.mulf %sub3A_374, %sub3A_374 : vector<16xf32>
      %add3A_376 = arith.addf %mul3A_375, %add3A_361 : vector<16xf32>
      %add3A_377 = arith.constant 96 : i32
      %add3A_378 = arith.addi %add3A_377, %scan3A_227 : i32
      %get3A_379 = arith.index_cast %add3A_378 : i32 to index
      %get3A_380 = arith.constant 160 : index
      %get3A_381 = tpu.vector_load %arg6[%get3A_379, %get3A_380] {strides = array<i32>} : memref<192x512xf32, #tpu.memory_space<vmem>>, vector<1x16xf32>,
      %get3A_382 = vector.shape_cast %get3A_381 : vector<1x16xf32> to vector<16xf32>
      %add3A_383 = arith.constant 0 : i32
      %add3A_384 = arith.addi %add3A_383, %scan3A_227 : i32
      %get3A_385 = arith.index_cast %add3A_384 : i32 to index
      %get3A_386 = arith.constant 160 : index
      %get3A_387 = tpu.vector_load %arg6[%get3A_385, %get3A_386] {strides = array<i32>} : memref<192x512xf32, #tpu.memory_space<vmem>>, vector<1x16xf32>,
      %get3A_388 = vector.shape_cast %get3A_387 : vector<1x16xf32> to vector<16xf32>
      %sub3A_389 = arith.subf %get3A_382, %get3A_388 : vector<16xf32>
      %mul3A_390 = arith.mulf %sub3A_389, %sub3A_389 : vector<16xf32>
      %add3A_391 = arith.addf %mul3A_390, %add3A_376 : vector<16xf32>
      %add3A_392 = arith.constant 96 : i32
      %add3A_393 = arith.addi %add3A_392, %scan3A_227 : i32
      %get3A_394 = arith.index_cast %add3A_393 : i32 to index
      %get3A_395 = arith.constant 176 : index
      %get3A_396 = tpu.vector_load %arg6[%get3A_394, %get3A_395] {strides = array<i32>} : memref<192x512xf32, #tpu.memory_space<vmem>>, vector<1x16xf32>,
      %get3A_397 = vector.shape_cast %get3A_396 : vector<1x16xf32> to vector<16xf32>
      %add3A_398 = arith.constant 0 : i32
      %add3A_399 = arith.addi %add3A_398, %scan3A_227 : i32
      %get3A_400 = arith.index_cast %add3A_399 : i32 to index
      %get3A_401 = arith.constant 176 : index
      %get3A_402 = tpu.vector_load %arg6[%get3A_400, %get3A_401] {strides = array<i32>} : memref<192x512xf32, #tpu.memory_space<vmem>>, vector<1x16xf32>,
      %get3A_403 = vector.shape_cast %get3A_402 : vector<1x16xf32> to vector<16xf32>
      %sub3A_404 = arith.subf %get3A_397, %get3A_403 : vector<16xf32>
      %mul3A_405 = arith.mulf %sub3A_404, %sub3A_404 : vector<16xf32>
      %add3A_406 = arith.addf %mul3A_405, %add3A_391 : vector<16xf32>
      %add3A_407 = arith.constant 96 : i32
      %add3A_408 = arith.addi %add3A_407, %scan3A_227 : i32
      %get3A_409 = arith.index_cast %add3A_408 : i32 to index
      %get3A_410 = arith.constant 192 : index
      %get3A_411 = tpu.vector_load %arg6[%get3A_409, %get3A_410] {strides = array<i32>} : memref<192x512xf32, #tpu.memory_space<vmem>>, vector<1x16xf32>,
      %get3A_412 = vector.shape_cast %get3A_411 : vector<1x16xf32> to vector<16xf32>
      %add3A_413 = arith.constant 0 : i32
      %add3A_414 = arith.addi %add3A_413, %scan3A_227 : i32
      %get3A_415 = arith.index_cast %add3A_414 : i32 to index
      %get3A_416 = arith.constant 192 : index
      %get3A_417 = tpu.vector_load %arg6[%get3A_415, %get3A_416] {strides = array<i32>} : memref<192x512xf32, #tpu.memory_space<vmem>>, vector<1x16xf32>,
      %get3A_418 = vector.shape_cast %get3A_417 : vector<1x16xf32> to vector<16xf32>
      %sub3A_419 = arith.subf %get3A_412, %get3A_418 : vector<16xf32>
      %mul3A_420 = arith.mulf %sub3A_419, %sub3A_419 : vector<16xf32>
      %add3A_421 = arith.addf %mul3A_420, %add3A_406 : vector<16xf32>
      %add3A_422 = arith.constant 96 : i32
      %add3A_423 = arith.addi %add3A_422, %scan3A_227 : i32
      %get3A_424 = arith.index_cast %add3A_423 : i32 to index
      %get3A_425 = arith.constant 208 : index
      %get3A_426 = tpu.vector_load %arg6[%get3A_424, %get3A_425] {strides = array<i32>} : memref<192x512xf32, #tpu.memory_space<vmem>>, vector<1x16xf32>,
      %get3A_427 = vector.shape_cast %get3A_426 : vector<1x16xf32> to vector<16xf32>
      %add3A_428 = arith.constant 0 : i32
      %add3A_429 = arith.addi %add3A_428, %scan3A_227 : i32
      %get3A_430 = arith.index_cast %add3A_429 : i32 to index
      %get3A_431 = arith.constant 208 : index
      %get3A_432 = tpu.vector_load %arg6[%get3A_430, %get3A_431] {strides = array<i32>} : memref<192x512xf32, #tpu.memory_space<vmem>>, vector<1x16xf32>,
      %get3A_433 = vector.shape_cast %get3A_432 : vector<1x16xf32> to vector<16xf32>
      %sub3A_434 = arith.subf %get3A_427, %get3A_433 : vector<16xf32>
      %mul3A_435 = arith.mulf %sub3A_434, %sub3A_434 : vector<16xf32>
      %add3A_436 = arith.addf %mul3A_435, %add3A_421 : vector<16xf32>
      %add3A_437 = arith.constant 96 : i32
      %add3A_438 = arith.addi %add3A_437, %scan3A_227 : i32
      %get3A_439 = arith.index_cast %add3A_438 : i32 to index
      %get3A_440 = arith.constant 224 : index
      %get3A_441 = tpu.vector_load %arg6[%get3A_439, %get3A_440] {strides = array<i32>} : memref<192x512xf32, #tpu.memory_space<vmem>>, vector<1x16xf32>,
      %get3A_442 = vector.shape_cast %get3A_441 : vector<1x16xf32> to vector<16xf32>
      %add3A_443 = arith.constant 0 : i32
      %add3A_444 = arith.addi %add3A_443, %scan3A_227 : i32
      %get3A_445 = arith.index_cast %add3A_444 : i32 to index
      %get3A_446 = arith.constant 224 : index
      %get3A_447 = tpu.vector_load %arg6[%get3A_445, %get3A_446] {strides = array<i32>} : memref<192x512xf32, #tpu.memory_space<vmem>>, vector<1x16xf32>,
      %get3A_448 = vector.shape_cast %get3A_447 : vector<1x16xf32> to vector<16xf32>
      %sub3A_449 = arith.subf %get3A_442, %get3A_448 : vector<16xf32>
      %mul3A_450 = arith.mulf %sub3A_449, %sub3A_449 : vector<16xf32>
      %add3A_451 = arith.addf %mul3A_450, %add3A_436 : vector<16xf32>
      %add3A_452 = arith.constant 96 : i32
      %add3A_453 = arith.addi %add3A_452, %scan3A_227 : i32
      %get3A_454 = arith.index_cast %add3A_453 : i32 to index
      %get3A_455 = arith.constant 240 : index
      %get3A_456 = tpu.vector_load %arg6[%get3A_454, %get3A_455] {strides = array<i32>} : memref<192x512xf32, #tpu.memory_space<vmem>>, vector<1x16xf32>,
      %get3A_457 = vector.shape_cast %get3A_456 : vector<1x16xf32> to vector<16xf32>
      %add3A_458 = arith.constant 0 : i32
      %add3A_459 = arith.addi %add3A_458, %scan3A_227 : i32
      %get3A_460 = arith.index_cast %add3A_459 : i32 to index
      %get3A_461 = arith.constant 240 : index
      %get3A_462 = tpu.vector_load %arg6[%get3A_460, %get3A_461] {strides = array<i32>} : memref<192x512xf32, #tpu.memory_space<vmem>>, vector<1x16xf32>,
      %get3A_463 = vector.shape_cast %get3A_462 : vector<1x16xf32> to vector<16xf32>
      %sub3A_464 = arith.subf %get3A_457, %get3A_463 : vector<16xf32>
      %mul3A_465 = arith.mulf %sub3A_464, %sub3A_464 : vector<16xf32>
      %add3A_466 = arith.addf %mul3A_465, %add3A_451 : vector<16xf32>
      %add3A_467 = arith.constant 96 : i32
      %add3A_468 = arith.addi %add3A_467, %scan3A_227 : i32
      %get3A_469 = arith.index_cast %add3A_468 : i32 to index
      %get3A_470 = arith.constant 256 : index
      %get3A_471 = tpu.vector_load %arg6[%get3A_469, %get3A_470] {strides = array<i32>} : memref<192x512xf32, #tpu.memory_space<vmem>>, vector<1x16xf32>,
      %get3A_472 = vector.shape_cast %get3A_471 : vector<1x16xf32> to vector<16xf32>
      %add3A_473 = arith.constant 0 : i32
      %add3A_474 = arith.addi %add3A_473, %scan3A_227 : i32
      %get3A_475 = arith.index_cast %add3A_474 : i32 to index
      %get3A_476 = arith.constant 256 : index
      %get3A_477 = tpu.vector_load %arg6[%get3A_475, %get3A_476] {strides = array<i32>} : memref<192x512xf32, #tpu.memory_space<vmem>>, vector<1x16xf32>,
      %get3A_478 = vector.shape_cast %get3A_477 : vector<1x16xf32> to vector<16xf32>
      %sub3A_479 = arith.subf %get3A_472, %get3A_478 : vector<16xf32>
      %mul3A_480 = arith.mulf %sub3A_479, %sub3A_479 : vector<16xf32>
      %add3A_481 = arith.addf %mul3A_480, %add3A_466 : vector<16xf32>
      %add3A_482 = arith.constant 96 : i32
      %add3A_483 = arith.addi %add3A_482, %scan3A_227 : i32
      %get3A_484 = arith.index_cast %add3A_483 : i32 to index
      %get3A_485 = arith.constant 272 : index
      %get3A_486 = tpu.vector_load %arg6[%get3A_484, %get3A_485] {strides = array<i32>} : memref<192x512xf32, #tpu.memory_space<vmem>>, vector<1x16xf32>,
      %get3A_487 = vector.shape_cast %get3A_486 : vector<1x16xf32> to vector<16xf32>
      %add3A_488 = arith.constant 0 : i32
      %add3A_489 = arith.addi %add3A_488, %scan3A_227 : i32
      %get3A_490 = arith.index_cast %add3A_489 : i32 to index
      %get3A_491 = arith.constant 272 : index
      %get3A_492 = tpu.vector_load %arg6[%get3A_490, %get3A_491] {strides = array<i32>} : memref<192x512xf32, #tpu.memory_space<vmem>>, vector<1x16xf32>,
      %get3A_493 = vector.shape_cast %get3A_492 : vector<1x16xf32> to vector<16xf32>
      %sub3A_494 = arith.subf %get3A_487, %get3A_493 : vector<16xf32>
      %mul3A_495 = arith.mulf %sub3A_494, %sub3A_494 : vector<16xf32>
      %add3A_496 = arith.addf %mul3A_495, %add3A_481 : vector<16xf32>
      %add3A_497 = arith.constant 96 : i32
      %add3A_498 = arith.addi %add3A_497, %scan3A_227 : i32
      %get3A_499 = arith.index_cast %add3A_498 : i32 to index
      %get3A_500 = arith.constant 288 : index
      %get3A_501 = tpu.vector_load %arg6[%get3A_499, %get3A_500] {strides = array<i32>} : memref<192x512xf32, #tpu.memory_space<vmem>>, vector<1x16xf32>,
      %get3A_502 = vector.shape_cast %get3A_501 : vector<1x16xf32> to vector<16xf32>
      %add3A_503 = arith.constant 0 : i32
      %add3A_504 = arith.addi %add3A_503, %scan3A_227 : i32
      %get3A_505 = arith.index_cast %add3A_504 : i32 to index
      %get3A_506 = arith.constant 288 : index
      %get3A_507 = tpu.vector_load %arg6[%get3A_505, %get3A_506] {strides = array<i32>} : memref<192x512xf32, #tpu.memory_space<vmem>>, vector<1x16xf32>,
      %get3A_508 = vector.shape_cast %get3A_507 : vector<1x16xf32> to vector<16xf32>
      %sub3A_509 = arith.subf %get3A_502, %get3A_508 : vector<16xf32>
      %mul3A_510 = arith.mulf %sub3A_509, %sub3A_509 : vector<16xf32>
      %add3A_511 = arith.addf %mul3A_510, %add3A_496 : vector<16xf32>
      %add3A_512 = arith.constant 96 : i32
      %add3A_513 = arith.addi %add3A_512, %scan3A_227 : i32
      %get3A_514 = arith.index_cast %add3A_513 : i32 to index
      %get3A_515 = arith.constant 304 : index
      %get3A_516 = tpu.vector_load %arg6[%get3A_514, %get3A_515] {strides = array<i32>} : memref<192x512xf32, #tpu.memory_space<vmem>>, vector<1x16xf32>,
      %get3A_517 = vector.shape_cast %get3A_516 : vector<1x16xf32> to vector<16xf32>
      %add3A_518 = arith.constant 0 : i32
      %add3A_519 = arith.addi %add3A_518, %scan3A_227 : i32
      %get3A_520 = arith.index_cast %add3A_519 : i32 to index
      %get3A_521 = arith.constant 304 : index
      %get3A_522 = tpu.vector_load %arg6[%get3A_520, %get3A_521] {strides = array<i32>} : memref<192x512xf32, #tpu.memory_space<vmem>>, vector<1x16xf32>,
      %get3A_523 = vector.shape_cast %get3A_522 : vector<1x16xf32> to vector<16xf32>
      %sub3A_524 = arith.subf %get3A_517, %get3A_523 : vector<16xf32>
      %mul3A_525 = arith.mulf %sub3A_524, %sub3A_524 : vector<16xf32>
      %add3A_526 = arith.addf %mul3A_525, %add3A_511 : vector<16xf32>
      %add3A_527 = arith.constant 96 : i32
      %add3A_528 = arith.addi %add3A_527, %scan3A_227 : i32
      %get3A_529 = arith.index_cast %add3A_528 : i32 to index
      %get3A_530 = arith.constant 320 : index
      %get3A_531 = tpu.vector_load %arg6[%get3A_529, %get3A_530] {strides = array<i32>} : memref<192x512xf32, #tpu.memory_space<vmem>>, vector<1x16xf32>,
      %get3A_532 = vector.shape_cast %get3A_531 : vector<1x16xf32> to vector<16xf32>
      %add3A_533 = arith.constant 0 : i32
      %add3A_534 = arith.addi %add3A_533, %scan3A_227 : i32
      %get3A_535 = arith.index_cast %add3A_534 : i32 to index
      %get3A_536 = arith.constant 320 : index
      %get3A_537 = tpu.vector_load %arg6[%get3A_535, %get3A_536] {strides = array<i32>} : memref<192x512xf32, #tpu.memory_space<vmem>>, vector<1x16xf32>,
      %get3A_538 = vector.shape_cast %get3A_537 : vector<1x16xf32> to vector<16xf32>
      %sub3A_539 = arith.subf %get3A_532, %get3A_538 : vector<16xf32>
      %mul3A_540 = arith.mulf %sub3A_539, %sub3A_539 : vector<16xf32>
      %add3A_541 = arith.addf %mul3A_540, %add3A_526 : vector<16xf32>
      %add3A_542 = arith.constant 96 : i32
      %add3A_543 = arith.addi %add3A_542, %scan3A_227 : i32
      %get3A_544 = arith.index_cast %add3A_543 : i32 to index
      %get3A_545 = arith.constant 336 : index
      %get3A_546 = tpu.vector_load %arg6[%get3A_544, %get3A_545] {strides = array<i32>} : memref<192x512xf32, #tpu.memory_space<vmem>>, vector<1x16xf32>,
      %get3A_547 = vector.shape_cast %get3A_546 : vector<1x16xf32> to vector<16xf32>
      %add3A_548 = arith.constant 0 : i32
      %add3A_549 = arith.addi %add3A_548, %scan3A_227 : i32
      %get3A_550 = arith.index_cast %add3A_549 : i32 to index
      %get3A_551 = arith.constant 336 : index
      %get3A_552 = tpu.vector_load %arg6[%get3A_550, %get3A_551] {strides = array<i32>} : memref<192x512xf32, #tpu.memory_space<vmem>>, vector<1x16xf32>,
      %get3A_553 = vector.shape_cast %get3A_552 : vector<1x16xf32> to vector<16xf32>
      %sub3A_554 = arith.subf %get3A_547, %get3A_553 : vector<16xf32>
      %mul3A_555 = arith.mulf %sub3A_554, %sub3A_554 : vector<16xf32>
      %add3A_556 = arith.addf %mul3A_555, %add3A_541 : vector<16xf32>
      %add3A_557 = arith.constant 96 : i32
      %add3A_558 = arith.addi %add3A_557, %scan3A_227 : i32
      %get3A_559 = arith.index_cast %add3A_558 : i32 to index
      %get3A_560 = arith.constant 352 : index
      %get3A_561 = tpu.vector_load %arg6[%get3A_559, %get3A_560] {strides = array<i32>} : memref<192x512xf32, #tpu.memory_space<vmem>>, vector<1x16xf32>,
      %get3A_562 = vector.shape_cast %get3A_561 : vector<1x16xf32> to vector<16xf32>
      %add3A_563 = arith.constant 0 : i32
      %add3A_564 = arith.addi %add3A_563, %scan3A_227 : i32
      %get3A_565 = arith.index_cast %add3A_564 : i32 to index
      %get3A_566 = arith.constant 352 : index
      %get3A_567 = tpu.vector_load %arg6[%get3A_565, %get3A_566] {strides = array<i32>} : memref<192x512xf32, #tpu.memory_space<vmem>>, vector<1x16xf32>,
      %get3A_568 = vector.shape_cast %get3A_567 : vector<1x16xf32> to vector<16xf32>
      %sub3A_569 = arith.subf %get3A_562, %get3A_568 : vector<16xf32>
      %mul3A_570 = arith.mulf %sub3A_569, %sub3A_569 : vector<16xf32>
      %add3A_571 = arith.addf %mul3A_570, %add3A_556 : vector<16xf32>
      %add3A_572 = arith.constant 96 : i32
      %add3A_573 = arith.addi %add3A_572, %scan3A_227 : i32
      %get3A_574 = arith.index_cast %add3A_573 : i32 to index
      %get3A_575 = arith.constant 368 : index
      %get3A_576 = tpu.vector_load %arg6[%get3A_574, %get3A_575] {strides = array<i32>} : memref<192x512xf32, #tpu.memory_space<vmem>>, vector<1x16xf32>,
      %get3A_577 = vector.shape_cast %get3A_576 : vector<1x16xf32> to vector<16xf32>
      %add3A_578 = arith.constant 0 : i32
      %add3A_579 = arith.addi %add3A_578, %scan3A_227 : i32
      %get3A_580 = arith.index_cast %add3A_579 : i32 to index
      %get3A_581 = arith.constant 368 : index
      %get3A_582 = tpu.vector_load %arg6[%get3A_580, %get3A_581] {strides = array<i32>} : memref<192x512xf32, #tpu.memory_space<vmem>>, vector<1x16xf32>,
      %get3A_583 = vector.shape_cast %get3A_582 : vector<1x16xf32> to vector<16xf32>
      %sub3A_584 = arith.subf %get3A_577, %get3A_583 : vector<16xf32>
      %mul3A_585 = arith.mulf %sub3A_584, %sub3A_584 : vector<16xf32>
      %add3A_586 = arith.addf %mul3A_585, %add3A_571 : vector<16xf32>
      %add3A_587 = arith.constant 96 : i32
      %add3A_588 = arith.addi %add3A_587, %scan3A_227 : i32
      %get3A_589 = arith.index_cast %add3A_588 : i32 to index
      %get3A_590 = arith.constant 384 : index
      %get3A_591 = tpu.vector_load %arg6[%get3A_589, %get3A_590] {strides = array<i32>} : memref<192x512xf32, #tpu.memory_space<vmem>>, vector<1x16xf32>,
      %get3A_592 = vector.shape_cast %get3A_591 : vector<1x16xf32> to vector<16xf32>
      %add3A_593 = arith.constant 0 : i32
      %add3A_594 = arith.addi %add3A_593, %scan3A_227 : i32
      %get3A_595 = arith.index_cast %add3A_594 : i32 to index
      %get3A_596 = arith.constant 384 : index
      %get3A_597 = tpu.vector_load %arg6[%get3A_595, %get3A_596] {strides = array<i32>} : memref<192x512xf32, #tpu.memory_space<vmem>>, vector<1x16xf32>,
      %get3A_598 = vector.shape_cast %get3A_597 : vector<1x16xf32> to vector<16xf32>
      %sub3A_599 = arith.subf %get3A_592, %get3A_598 : vector<16xf32>
      %mul3A_600 = arith.mulf %sub3A_599, %sub3A_599 : vector<16xf32>
      %add3A_601 = arith.addf %mul3A_600, %add3A_586 : vector<16xf32>
      %add3A_602 = arith.constant 96 : i32
      %add3A_603 = arith.addi %add3A_602, %scan3A_227 : i32
      %get3A_604 = arith.index_cast %add3A_603 : i32 to index
      %get3A_605 = arith.constant 400 : index
      %get3A_606 = tpu.vector_load %arg6[%get3A_604, %get3A_605] {strides = array<i32>} : memref<192x512xf32, #tpu.memory_space<vmem>>, vector<1x16xf32>,
      %get3A_607 = vector.shape_cast %get3A_606 : vector<1x16xf32> to vector<16xf32>
      %add3A_608 = arith.constant 0 : i32
      %add3A_609 = arith.addi %add3A_608, %scan3A_227 : i32
      %get3A_610 = arith.index_cast %add3A_609 : i32 to index
      %get3A_611 = arith.constant 400 : index
      %get3A_612 = tpu.vector_load %arg6[%get3A_610, %get3A_611] {strides = array<i32>} : memref<192x512xf32, #tpu.memory_space<vmem>>, vector<1x16xf32>,
      %get3A_613 = vector.shape_cast %get3A_612 : vector<1x16xf32> to vector<16xf32>
      %sub3A_614 = arith.subf %get3A_607, %get3A_613 : vector<16xf32>
      %mul3A_615 = arith.mulf %sub3A_614, %sub3A_614 : vector<16xf32>
      %add3A_616 = arith.addf %mul3A_615, %add3A_601 : vector<16xf32>
      %add3A_617 = arith.constant 96 : i32
      %add3A_618 = arith.addi %add3A_617, %scan3A_227 : i32
      %get3A_619 = arith.index_cast %add3A_618 : i32 to index
      %get3A_620 = arith.constant 416 : index
      %get3A_621 = tpu.vector_load %arg6[%get3A_619, %get3A_620] {strides = array<i32>} : memref<192x512xf32, #tpu.memory_space<vmem>>, vector<1x16xf32>,
      %get3A_622 = vector.shape_cast %get3A_621 : vector<1x16xf32> to vector<16xf32>
      %add3A_623 = arith.constant 0 : i32
      %add3A_624 = arith.addi %add3A_623, %scan3A_227 : i32
      %get3A_625 = arith.index_cast %add3A_624 : i32 to index
      %get3A_626 = arith.constant 416 : index
      %get3A_627 = tpu.vector_load %arg6[%get3A_625, %get3A_626] {strides = array<i32>} : memref<192x512xf32, #tpu.memory_space<vmem>>, vector<1x16xf32>,
      %get3A_628 = vector.shape_cast %get3A_627 : vector<1x16xf32> to vector<16xf32>
      %sub3A_629 = arith.subf %get3A_622, %get3A_628 : vector<16xf32>
      %mul3A_630 = arith.mulf %sub3A_629, %sub3A_629 : vector<16xf32>
      %add3A_631 = arith.addf %mul3A_630, %add3A_616 : vector<16xf32>
      %add3A_632 = arith.constant 96 : i32
      %add3A_633 = arith.addi %add3A_632, %scan3A_227 : i32
      %get3A_634 = arith.index_cast %add3A_633 : i32 to index
      %get3A_635 = arith.constant 432 : index
      %get3A_636 = tpu.vector_load %arg6[%get3A_634, %get3A_635] {strides = array<i32>} : memref<192x512xf32, #tpu.memory_space<vmem>>, vector<1x16xf32>,
      %get3A_637 = vector.shape_cast %get3A_636 : vector<1x16xf32> to vector<16xf32>
      %add3A_638 = arith.constant 0 : i32
      %add3A_639 = arith.addi %add3A_638, %scan3A_227 : i32
      %get3A_640 = arith.index_cast %add3A_639 : i32 to index
      %get3A_641 = arith.constant 432 : index
      %get3A_642 = tpu.vector_load %arg6[%get3A_640, %get3A_641] {strides = array<i32>} : memref<192x512xf32, #tpu.memory_space<vmem>>, vector<1x16xf32>,
      %get3A_643 = vector.shape_cast %get3A_642 : vector<1x16xf32> to vector<16xf32>
      %sub3A_644 = arith.subf %get3A_637, %get3A_643 : vector<16xf32>
      %mul3A_645 = arith.mulf %sub3A_644, %sub3A_644 : vector<16xf32>
      %add3A_646 = arith.addf %mul3A_645, %add3A_631 : vector<16xf32>
      %add3A_647 = arith.constant 96 : i32
      %add3A_648 = arith.addi %add3A_647, %scan3A_227 : i32
      %get3A_649 = arith.index_cast %add3A_648 : i32 to index
      %get3A_650 = arith.constant 448 : index
      %get3A_651 = tpu.vector_load %arg6[%get3A_649, %get3A_650] {strides = array<i32>} : memref<192x512xf32, #tpu.memory_space<vmem>>, vector<1x16xf32>,
      %get3A_652 = vector.shape_cast %get3A_651 : vector<1x16xf32> to vector<16xf32>
      %add3A_653 = arith.constant 0 : i32
      %add3A_654 = arith.addi %add3A_653, %scan3A_227 : i32
      %get3A_655 = arith.index_cast %add3A_654 : i32 to index
      %get3A_656 = arith.constant 448 : index
      %get3A_657 = tpu.vector_load %arg6[%get3A_655, %get3A_656] {strides = array<i32>} : memref<192x512xf32, #tpu.memory_space<vmem>>, vector<1x16xf32>,
      %get3A_658 = vector.shape_cast %get3A_657 : vector<1x16xf32> to vector<16xf32>
      %sub3A_659 = arith.subf %get3A_652, %get3A_658 : vector<16xf32>
      %mul3A_660 = arith.mulf %sub3A_659, %sub3A_659 : vector<16xf32>
      %add3A_661 = arith.addf %mul3A_660, %add3A_646 : vector<16xf32>
      %add3A_662 = arith.constant 96 : i32
      %add3A_663 = arith.addi %add3A_662, %scan3A_227 : i32
      %get3A_664 = arith.index_cast %add3A_663 : i32 to index
      %get3A_665 = arith.constant 464 : index
      %get3A_666 = tpu.vector_load %arg6[%get3A_664, %get3A_665] {strides = array<i32>} : memref<192x512xf32, #tpu.memory_space<vmem>>, vector<1x16xf32>,
      %get3A_667 = vector.shape_cast %get3A_666 : vector<1x16xf32> to vector<16xf32>
      %add3A_668 = arith.constant 0 : i32
      %add3A_669 = arith.addi %add3A_668, %scan3A_227 : i32
      %get3A_670 = arith.index_cast %add3A_669 : i32 to index
      %get3A_671 = arith.constant 464 : index
      %get3A_672 = tpu.vector_load %arg6[%get3A_670, %get3A_671] {strides = array<i32>} : memref<192x512xf32, #tpu.memory_space<vmem>>, vector<1x16xf32>,
      %get3A_673 = vector.shape_cast %get3A_672 : vector<1x16xf32> to vector<16xf32>
      %sub3A_674 = arith.subf %get3A_667, %get3A_673 : vector<16xf32>
      %mul3A_675 = arith.mulf %sub3A_674, %sub3A_674 : vector<16xf32>
      %add3A_676 = arith.addf %mul3A_675, %add3A_661 : vector<16xf32>
      %add3A_677 = arith.constant 96 : i32
      %add3A_678 = arith.addi %add3A_677, %scan3A_227 : i32
      %get3A_679 = arith.index_cast %add3A_678 : i32 to index
      %get3A_680 = arith.constant 480 : index
      %get3A_681 = tpu.vector_load %arg6[%get3A_679, %get3A_680] {strides = array<i32>} : memref<192x512xf32, #tpu.memory_space<vmem>>, vector<1x16xf32>,
      %get3A_682 = vector.shape_cast %get3A_681 : vector<1x16xf32> to vector<16xf32>
      %add3A_683 = arith.constant 0 : i32
      %add3A_684 = arith.addi %add3A_683, %scan3A_227 : i32
      %get3A_685 = arith.index_cast %add3A_684 : i32 to index
      %get3A_686 = arith.constant 480 : index
      %get3A_687 = tpu.vector_load %arg6[%get3A_685, %get3A_686] {strides = array<i32>} : memref<192x512xf32, #tpu.memory_space<vmem>>, vector<1x16xf32>,
      %get3A_688 = vector.shape_cast %get3A_687 : vector<1x16xf32> to vector<16xf32>
      %sub3A_689 = arith.subf %get3A_682, %get3A_688 : vector<16xf32>
      %mul3A_690 = arith.mulf %sub3A_689, %sub3A_689 : vector<16xf32>
      %add3A_691 = arith.addf %mul3A_690, %add3A_676 : vector<16xf32>
      %add3A_692 = arith.constant 96 : i32
      %add3A_693 = arith.addi %add3A_692, %scan3A_227 : i32
      %get3A_694 = arith.index_cast %add3A_693 : i32 to index
      %get3A_695 = arith.constant 496 : index
      %get3A_696 = tpu.vector_load %arg6[%get3A_694, %get3A_695] {strides = array<i32>} : memref<192x512xf32, #tpu.memory_space<vmem>>, vector<1x16xf32>,
      %get3A_697 = vector.shape_cast %get3A_696 : vector<1x16xf32> to vector<16xf32>
      %add3A_698 = arith.constant 0 : i32
      %add3A_699 = arith.addi %add3A_698, %scan3A_227 : i32
      %get3A_700 = arith.index_cast %add3A_699 : i32 to index
      %get3A_701 = arith.constant 496 : index
      %get3A_702 = tpu.vector_load %arg6[%get3A_700, %get3A_701] {strides = array<i32>} : memref<192x512xf32, #tpu.memory_space<vmem>>, vector<1x16xf32>,
      %get3A_703 = vector.shape_cast %get3A_702 : vector<1x16xf32> to vector<16xf32>
      %sub3A_704 = arith.subf %get3A_697, %get3A_703 : vector<16xf32>
      %mul3A_705 = arith.mulf %sub3A_704, %sub3A_704 : vector<16xf32>
      %add3A_706 = arith.addf %mul3A_705, %add3A_691 : vector<16xf32>
      scf.yield %add3A_706 : vector<16xf32>
    }
    %scan3A_104 = arith.constant 8 : i32
    %dma_wait3A_105 = arith.constant 8 : i32
    %dma_wait3A_106 = arith.constant 0 : i32
    %dma_wait3A_107 = tpu.memref_slice %arg6[%dma_wait3A_105, %dma_wait3A_106] : memref<192x512xf32, #tpu.memory_space<vmem>> -> memref<24x512xf32, #tpu.memory_space<vmem>>
    %dma_wait3A_108 = arith.constant 8 : i32
    %dma_wait3A_109 = tpu.memref_slice %arg7[%dma_wait3A_108] : memref<128xi32, #tpu.memory_space<vmem>> -> memref<24xi32, #tpu.memory_space<vmem>>
    %dma_wait3A_110 = arith.constant 0 : i32
    %dma_wait3A_111 = arith.constant 0 : i32
    %dma_wait3A_112 = tpu.memref_slice %arg4[%dma_wait3A_110, %dma_wait3A_111] : memref<10000x512xf32, #tpu.memory_space<hbm>> -> memref<10000x512xf32, #tpu.memory_space<hbm>>
    tpu.wait_indirect_dma semaphore(%arg11 : memref<!tpu.dma_semaphore, #tpu.memory_space<semaphore_mem>>) src(%dma_wait3A_112 : memref<10000x512xf32, #tpu.memory_space<hbm>>) dst(%dma_wait3A_107 : memref<24x512xf32, #tpu.memory_space<vmem>>)
    %dma_wait3A_113 = arith.constant 104 : i32
    %dma_wait3A_114 = arith.constant 0 : i32
    %dma_wait3A_115 = tpu.memref_slice %arg6[%dma_wait3A_113, %dma_wait3A_114] : memref<192x512xf32, #tpu.memory_space<vmem>> -> memref<24x512xf32, #tpu.memory_space<vmem>>
    %dma_wait3A_116 = arith.constant 0 : i32
    %dma_wait3A_117 = tpu.memref_slice %arg2[%add3A_31, %dma_wait3A_116] : memref<4096x512xf32, #tpu.memory_space<hbm>> -> memref<24x512xf32, #tpu.memory_space<hbm>>
    %dma_wait3A_118 = arith.constant 104 : i32
    %dma_wait3A_119 = arith.constant 0 : i32
    %dma_wait3A_120 = tpu.memref_slice %arg6[%dma_wait3A_118, %dma_wait3A_119] : memref<192x512xf32, #tpu.memory_space<vmem>> -> memref<24x512xf32, #tpu.memory_space<vmem>>
    %dma_wait3A_121 = arith.constant 0 : i32
    %dma_wait3A_122 = tpu.memref_slice %arg2[%add3A_31, %dma_wait3A_121] : memref<4096x512xf32, #tpu.memory_space<hbm>> -> memref<24x512xf32, #tpu.memory_space<hbm>>
    tpu.wait_dma2 semaphore(%arg12 : memref<!tpu.dma_semaphore, #tpu.memory_space<semaphore_mem>>) src(%dma_wait3A_122 : memref<24x512xf32, #tpu.memory_space<hbm>>) dst(%dma_wait3A_120 : memref<24x512xf32, #tpu.memory_space<vmem>>)
    %scan3A_123 = arith.constant 0 : i32
    %scan3A_124 = arith.constant 24 : i32
    %scan3A_125 = arith.addi %scan3A_123, %scan3A_124 : i32
    %scan3A_126 = arith.constant 1 : i32
    %scan3A_127 = scf.for %scan3A_227 = %scan3A_123 to %scan3A_125 step %scan3A_126 iter_args(%scan3A_228 = %scan3A_103) -> (vector<16xf32>)  : i32 {
      %add3A_229 = arith.constant 104 : i32
      %add3A_230 = arith.addi %add3A_229, %scan3A_227 : i32
      %get3A = arith.index_cast %add3A_230 : i32 to index
      %get3A_231 = arith.constant 0 : index
      %get3A_232 = tpu.vector_load %arg6[%get3A, %get3A_231] {strides = array<i32>} : memref<192x512xf32, #tpu.memory_space<vmem>>, vector<1x16xf32>,
      %get3A_233 = vector.shape_cast %get3A_232 : vector<1x16xf32> to vector<16xf32>
      %add3A_234 = arith.constant 8 : i32
      %add3A_235 = arith.addi %add3A_234, %scan3A_227 : i32
      %get3A_236 = arith.index_cast %add3A_235 : i32 to index
      %get3A_237 = arith.constant 0 : index
      %get3A_238 = tpu.vector_load %arg6[%get3A_236, %get3A_237] {strides = array<i32>} : memref<192x512xf32, #tpu.memory_space<vmem>>, vector<1x16xf32>,
      %get3A_239 = vector.shape_cast %get3A_238 : vector<1x16xf32> to vector<16xf32>
      %sub3A = arith.subf %get3A_233, %get3A_239 : vector<16xf32>
      %mul3A_240 = arith.mulf %sub3A, %sub3A : vector<16xf32>
      %add3A_241 = arith.addf %mul3A_240, %scan3A_228 : vector<16xf32>
      %add3A_242 = arith.constant 104 : i32
      %add3A_243 = arith.addi %add3A_242, %scan3A_227 : i32
      %get3A_244 = arith.index_cast %add3A_243 : i32 to index
      %get3A_245 = arith.constant 16 : index
      %get3A_246 = tpu.vector_load %arg6[%get3A_244, %get3A_245] {strides = array<i32>} : memref<192x512xf32, #tpu.memory_space<vmem>>, vector<1x16xf32>,
      %get3A_247 = vector.shape_cast %get3A_246 : vector<1x16xf32> to vector<16xf32>
      %add3A_248 = arith.constant 8 : i32
      %add3A_249 = arith.addi %add3A_248, %scan3A_227 : i32
      %get3A_250 = arith.index_cast %add3A_249 : i32 to index
      %get3A_251 = arith.constant 16 : index
      %get3A_252 = tpu.vector_load %arg6[%get3A_250, %get3A_251] {strides = array<i32>} : memref<192x512xf32, #tpu.memory_space<vmem>>, vector<1x16xf32>,
      %get3A_253 = vector.shape_cast %get3A_252 : vector<1x16xf32> to vector<16xf32>
      %sub3A_254 = arith.subf %get3A_247, %get3A_253 : vector<16xf32>
      %mul3A_255 = arith.mulf %sub3A_254, %sub3A_254 : vector<16xf32>
      %add3A_256 = arith.addf %mul3A_255, %add3A_241 : vector<16xf32>
      %add3A_257 = arith.constant 104 : i32
      %add3A_258 = arith.addi %add3A_257, %scan3A_227 : i32
      %get3A_259 = arith.index_cast %add3A_258 : i32 to index
      %get3A_260 = arith.constant 32 : index
      %get3A_261 = tpu.vector_load %arg6[%get3A_259, %get3A_260] {strides = array<i32>} : memref<192x512xf32, #tpu.memory_space<vmem>>, vector<1x16xf32>,
      %get3A_262 = vector.shape_cast %get3A_261 : vector<1x16xf32> to vector<16xf32>
      %add3A_263 = arith.constant 8 : i32
      %add3A_264 = arith.addi %add3A_263, %scan3A_227 : i32
      %get3A_265 = arith.index_cast %add3A_264 : i32 to index
      %get3A_266 = arith.constant 32 : index
      %get3A_267 = tpu.vector_load %arg6[%get3A_265, %get3A_266] {strides = array<i32>} : memref<192x512xf32, #tpu.memory_space<vmem>>, vector<1x16xf32>,
      %get3A_268 = vector.shape_cast %get3A_267 : vector<1x16xf32> to vector<16xf32>
      %sub3A_269 = arith.subf %get3A_262, %get3A_268 : vector<16xf32>
      %mul3A_270 = arith.mulf %sub3A_269, %sub3A_269 : vector<16xf32>
      %add3A_271 = arith.addf %mul3A_270, %add3A_256 : vector<16xf32>
      %add3A_272 = arith.constant 104 : i32
      %add3A_273 = arith.addi %add3A_272, %scan3A_227 : i32
      %get3A_274 = arith.index_cast %add3A_273 : i32 to index
      %get3A_275 = arith.constant 48 : index
      %get3A_276 = tpu.vector_load %arg6[%get3A_274, %get3A_275] {strides = array<i32>} : memref<192x512xf32, #tpu.memory_space<vmem>>, vector<1x16xf32>,
      %get3A_277 = vector.shape_cast %get3A_276 : vector<1x16xf32> to vector<16xf32>
      %add3A_278 = arith.constant 8 : i32
      %add3A_279 = arith.addi %add3A_278, %scan3A_227 : i32
      %get3A_280 = arith.index_cast %add3A_279 : i32 to index
      %get3A_281 = arith.constant 48 : index
      %get3A_282 = tpu.vector_load %arg6[%get3A_280, %get3A_281] {strides = array<i32>} : memref<192x512xf32, #tpu.memory_space<vmem>>, vector<1x16xf32>,
      %get3A_283 = vector.shape_cast %get3A_282 : vector<1x16xf32> to vector<16xf32>
      %sub3A_284 = arith.subf %get3A_277, %get3A_283 : vector<16xf32>
      %mul3A_285 = arith.mulf %sub3A_284, %sub3A_284 : vector<16xf32>
      %add3A_286 = arith.addf %mul3A_285, %add3A_271 : vector<16xf32>
      %add3A_287 = arith.constant 104 : i32
      %add3A_288 = arith.addi %add3A_287, %scan3A_227 : i32
      %get3A_289 = arith.index_cast %add3A_288 : i32 to index
      %get3A_290 = arith.constant 64 : index
      %get3A_291 = tpu.vector_load %arg6[%get3A_289, %get3A_290] {strides = array<i32>} : memref<192x512xf32, #tpu.memory_space<vmem>>, vector<1x16xf32>,
      %get3A_292 = vector.shape_cast %get3A_291 : vector<1x16xf32> to vector<16xf32>
      %add3A_293 = arith.constant 8 : i32
      %add3A_294 = arith.addi %add3A_293, %scan3A_227 : i32
      %get3A_295 = arith.index_cast %add3A_294 : i32 to index
      %get3A_296 = arith.constant 64 : index
      %get3A_297 = tpu.vector_load %arg6[%get3A_295, %get3A_296] {strides = array<i32>} : memref<192x512xf32, #tpu.memory_space<vmem>>, vector<1x16xf32>,
      %get3A_298 = vector.shape_cast %get3A_297 : vector<1x16xf32> to vector<16xf32>
      %sub3A_299 = arith.subf %get3A_292, %get3A_298 : vector<16xf32>
      %mul3A_300 = arith.mulf %sub3A_299, %sub3A_299 : vector<16xf32>
      %add3A_301 = arith.addf %mul3A_300, %add3A_286 : vector<16xf32>
      %add3A_302 = arith.constant 104 : i32
      %add3A_303 = arith.addi %add3A_302, %scan3A_227 : i32
      %get3A_304 = arith.index_cast %add3A_303 : i32 to index
      %get3A_305 = arith.constant 80 : index
      %get3A_306 = tpu.vector_load %arg6[%get3A_304, %get3A_305] {strides = array<i32>} : memref<192x512xf32, #tpu.memory_space<vmem>>, vector<1x16xf32>,
      %get3A_307 = vector.shape_cast %get3A_306 : vector<1x16xf32> to vector<16xf32>
      %add3A_308 = arith.constant 8 : i32
      %add3A_309 = arith.addi %add3A_308, %scan3A_227 : i32
      %get3A_310 = arith.index_cast %add3A_309 : i32 to index
      %get3A_311 = arith.constant 80 : index
      %get3A_312 = tpu.vector_load %arg6[%get3A_310, %get3A_311] {strides = array<i32>} : memref<192x512xf32, #tpu.memory_space<vmem>>, vector<1x16xf32>,
      %get3A_313 = vector.shape_cast %get3A_312 : vector<1x16xf32> to vector<16xf32>
      %sub3A_314 = arith.subf %get3A_307, %get3A_313 : vector<16xf32>
      %mul3A_315 = arith.mulf %sub3A_314, %sub3A_314 : vector<16xf32>
      %add3A_316 = arith.addf %mul3A_315, %add3A_301 : vector<16xf32>
      %add3A_317 = arith.constant 104 : i32
      %add3A_318 = arith.addi %add3A_317, %scan3A_227 : i32
      %get3A_319 = arith.index_cast %add3A_318 : i32 to index
      %get3A_320 = arith.constant 96 : index
      %get3A_321 = tpu.vector_load %arg6[%get3A_319, %get3A_320] {strides = array<i32>} : memref<192x512xf32, #tpu.memory_space<vmem>>, vector<1x16xf32>,
      %get3A_322 = vector.shape_cast %get3A_321 : vector<1x16xf32> to vector<16xf32>
      %add3A_323 = arith.constant 8 : i32
      %add3A_324 = arith.addi %add3A_323, %scan3A_227 : i32
      %get3A_325 = arith.index_cast %add3A_324 : i32 to index
      %get3A_326 = arith.constant 96 : index
      %get3A_327 = tpu.vector_load %arg6[%get3A_325, %get3A_326] {strides = array<i32>} : memref<192x512xf32, #tpu.memory_space<vmem>>, vector<1x16xf32>,
      %get3A_328 = vector.shape_cast %get3A_327 : vector<1x16xf32> to vector<16xf32>
      %sub3A_329 = arith.subf %get3A_322, %get3A_328 : vector<16xf32>
      %mul3A_330 = arith.mulf %sub3A_329, %sub3A_329 : vector<16xf32>
      %add3A_331 = arith.addf %mul3A_330, %add3A_316 : vector<16xf32>
      %add3A_332 = arith.constant 104 : i32
      %add3A_333 = arith.addi %add3A_332, %scan3A_227 : i32
      %get3A_334 = arith.index_cast %add3A_333 : i32 to index
      %get3A_335 = arith.constant 112 : index
      %get3A_336 = tpu.vector_load %arg6[%get3A_334, %get3A_335] {strides = array<i32>} : memref<192x512xf32, #tpu.memory_space<vmem>>, vector<1x16xf32>,
      %get3A_337 = vector.shape_cast %get3A_336 : vector<1x16xf32> to vector<16xf32>
      %add3A_338 = arith.constant 8 : i32
      %add3A_339 = arith.addi %add3A_338, %scan3A_227 : i32
      %get3A_340 = arith.index_cast %add3A_339 : i32 to index
      %get3A_341 = arith.constant 112 : index
      %get3A_342 = tpu.vector_load %arg6[%get3A_340, %get3A_341] {strides = array<i32>} : memref<192x512xf32, #tpu.memory_space<vmem>>, vector<1x16xf32>,
      %get3A_343 = vector.shape_cast %get3A_342 : vector<1x16xf32> to vector<16xf32>
      %sub3A_344 = arith.subf %get3A_337, %get3A_343 : vector<16xf32>
      %mul3A_345 = arith.mulf %sub3A_344, %sub3A_344 : vector<16xf32>
      %add3A_346 = arith.addf %mul3A_345, %add3A_331 : vector<16xf32>
      %add3A_347 = arith.constant 104 : i32
      %add3A_348 = arith.addi %add3A_347, %scan3A_227 : i32
      %get3A_349 = arith.index_cast %add3A_348 : i32 to index
      %get3A_350 = arith.constant 128 : index
      %get3A_351 = tpu.vector_load %arg6[%get3A_349, %get3A_350] {strides = array<i32>} : memref<192x512xf32, #tpu.memory_space<vmem>>, vector<1x16xf32>,
      %get3A_352 = vector.shape_cast %get3A_351 : vector<1x16xf32> to vector<16xf32>
      %add3A_353 = arith.constant 8 : i32
      %add3A_354 = arith.addi %add3A_353, %scan3A_227 : i32
      %get3A_355 = arith.index_cast %add3A_354 : i32 to index
      %get3A_356 = arith.constant 128 : index
      %get3A_357 = tpu.vector_load %arg6[%get3A_355, %get3A_356] {strides = array<i32>} : memref<192x512xf32, #tpu.memory_space<vmem>>, vector<1x16xf32>,
      %get3A_358 = vector.shape_cast %get3A_357 : vector<1x16xf32> to vector<16xf32>
      %sub3A_359 = arith.subf %get3A_352, %get3A_358 : vector<16xf32>
      %mul3A_360 = arith.mulf %sub3A_359, %sub3A_359 : vector<16xf32>
      %add3A_361 = arith.addf %mul3A_360, %add3A_346 : vector<16xf32>
      %add3A_362 = arith.constant 104 : i32
      %add3A_363 = arith.addi %add3A_362, %scan3A_227 : i32
      %get3A_364 = arith.index_cast %add3A_363 : i32 to index
      %get3A_365 = arith.constant 144 : index
      %get3A_366 = tpu.vector_load %arg6[%get3A_364, %get3A_365] {strides = array<i32>} : memref<192x512xf32, #tpu.memory_space<vmem>>, vector<1x16xf32>,
      %get3A_367 = vector.shape_cast %get3A_366 : vector<1x16xf32> to vector<16xf32>
      %add3A_368 = arith.constant 8 : i32
      %add3A_369 = arith.addi %add3A_368, %scan3A_227 : i32
      %get3A_370 = arith.index_cast %add3A_369 : i32 to index
      %get3A_371 = arith.constant 144 : index
      %get3A_372 = tpu.vector_load %arg6[%get3A_370, %get3A_371] {strides = array<i32>} : memref<192x512xf32, #tpu.memory_space<vmem>>, vector<1x16xf32>,
      %get3A_373 = vector.shape_cast %get3A_372 : vector<1x16xf32> to vector<16xf32>
      %sub3A_374 = arith.subf %get3A_367, %get3A_373 : vector<16xf32>
      %mul3A_375 = arith.mulf %sub3A_374, %sub3A_374 : vector<16xf32>
      %add3A_376 = arith.addf %mul3A_375, %add3A_361 : vector<16xf32>
      %add3A_377 = arith.constant 104 : i32
      %add3A_378 = arith.addi %add3A_377, %scan3A_227 : i32
      %get3A_379 = arith.index_cast %add3A_378 : i32 to index
      %get3A_380 = arith.constant 160 : index
      %get3A_381 = tpu.vector_load %arg6[%get3A_379, %get3A_380] {strides = array<i32>} : memref<192x512xf32, #tpu.memory_space<vmem>>, vector<1x16xf32>,
      %get3A_382 = vector.shape_cast %get3A_381 : vector<1x16xf32> to vector<16xf32>
      %add3A_383 = arith.constant 8 : i32
      %add3A_384 = arith.addi %add3A_383, %scan3A_227 : i32
      %get3A_385 = arith.index_cast %add3A_384 : i32 to index
      %get3A_386 = arith.constant 160 : index
      %get3A_387 = tpu.vector_load %arg6[%get3A_385, %get3A_386] {strides = array<i32>} : memref<192x512xf32, #tpu.memory_space<vmem>>, vector<1x16xf32>,
      %get3A_388 = vector.shape_cast %get3A_387 : vector<1x16xf32> to vector<16xf32>
      %sub3A_389 = arith.subf %get3A_382, %get3A_388 : vector<16xf32>
      %mul3A_390 = arith.mulf %sub3A_389, %sub3A_389 : vector<16xf32>
      %add3A_391 = arith.addf %mul3A_390, %add3A_376 : vector<16xf32>
      %add3A_392 = arith.constant 104 : i32
      %add3A_393 = arith.addi %add3A_392, %scan3A_227 : i32
      %get3A_394 = arith.index_cast %add3A_393 : i32 to index
      %get3A_395 = arith.constant 176 : index
      %get3A_396 = tpu.vector_load %arg6[%get3A_394, %get3A_395] {strides = array<i32>} : memref<192x512xf32, #tpu.memory_space<vmem>>, vector<1x16xf32>,
      %get3A_397 = vector.shape_cast %get3A_396 : vector<1x16xf32> to vector<16xf32>
      %add3A_398 = arith.constant 8 : i32
      %add3A_399 = arith.addi %add3A_398, %scan3A_227 : i32
      %get3A_400 = arith.index_cast %add3A_399 : i32 to index
      %get3A_401 = arith.constant 176 : index
      %get3A_402 = tpu.vector_load %arg6[%get3A_400, %get3A_401] {strides = array<i32>} : memref<192x512xf32, #tpu.memory_space<vmem>>, vector<1x16xf32>,
      %get3A_403 = vector.shape_cast %get3A_402 : vector<1x16xf32> to vector<16xf32>
      %sub3A_404 = arith.subf %get3A_397, %get3A_403 : vector<16xf32>
      %mul3A_405 = arith.mulf %sub3A_404, %sub3A_404 : vector<16xf32>
      %add3A_406 = arith.addf %mul3A_405, %add3A_391 : vector<16xf32>
      %add3A_407 = arith.constant 104 : i32
      %add3A_408 = arith.addi %add3A_407, %scan3A_227 : i32
      %get3A_409 = arith.index_cast %add3A_408 : i32 to index
      %get3A_410 = arith.constant 192 : index
      %get3A_411 = tpu.vector_load %arg6[%get3A_409, %get3A_410] {strides = array<i32>} : memref<192x512xf32, #tpu.memory_space<vmem>>, vector<1x16xf32>,
      %get3A_412 = vector.shape_cast %get3A_411 : vector<1x16xf32> to vector<16xf32>
      %add3A_413 = arith.constant 8 : i32
      %add3A_414 = arith.addi %add3A_413, %scan3A_227 : i32
      %get3A_415 = arith.index_cast %add3A_414 : i32 to index
      %get3A_416 = arith.constant 192 : index
      %get3A_417 = tpu.vector_load %arg6[%get3A_415, %get3A_416] {strides = array<i32>} : memref<192x512xf32, #tpu.memory_space<vmem>>, vector<1x16xf32>,
      %get3A_418 = vector.shape_cast %get3A_417 : vector<1x16xf32> to vector<16xf32>
      %sub3A_419 = arith.subf %get3A_412, %get3A_418 : vector<16xf32>
      %mul3A_420 = arith.mulf %sub3A_419, %sub3A_419 : vector<16xf32>
      %add3A_421 = arith.addf %mul3A_420, %add3A_406 : vector<16xf32>
      %add3A_422 = arith.constant 104 : i32
      %add3A_423 = arith.addi %add3A_422, %scan3A_227 : i32
      %get3A_424 = arith.index_cast %add3A_423 : i32 to index
      %get3A_425 = arith.constant 208 : index
      %get3A_426 = tpu.vector_load %arg6[%get3A_424, %get3A_425] {strides = array<i32>} : memref<192x512xf32, #tpu.memory_space<vmem>>, vector<1x16xf32>,
      %get3A_427 = vector.shape_cast %get3A_426 : vector<1x16xf32> to vector<16xf32>
      %add3A_428 = arith.constant 8 : i32
      %add3A_429 = arith.addi %add3A_428, %scan3A_227 : i32
      %get3A_430 = arith.index_cast %add3A_429 : i32 to index
      %get3A_431 = arith.constant 208 : index
      %get3A_432 = tpu.vector_load %arg6[%get3A_430, %get3A_431] {strides = array<i32>} : memref<192x512xf32, #tpu.memory_space<vmem>>, vector<1x16xf32>,
      %get3A_433 = vector.shape_cast %get3A_432 : vector<1x16xf32> to vector<16xf32>
      %sub3A_434 = arith.subf %get3A_427, %get3A_433 : vector<16xf32>
      %mul3A_435 = arith.mulf %sub3A_434, %sub3A_434 : vector<16xf32>
      %add3A_436 = arith.addf %mul3A_435, %add3A_421 : vector<16xf32>
      %add3A_437 = arith.constant 104 : i32
      %add3A_438 = arith.addi %add3A_437, %scan3A_227 : i32
      %get3A_439 = arith.index_cast %add3A_438 : i32 to index
      %get3A_440 = arith.constant 224 : index
      %get3A_441 = tpu.vector_load %arg6[%get3A_439, %get3A_440] {strides = array<i32>} : memref<192x512xf32, #tpu.memory_space<vmem>>, vector<1x16xf32>,
      %get3A_442 = vector.shape_cast %get3A_441 : vector<1x16xf32> to vector<16xf32>
      %add3A_443 = arith.constant 8 : i32
      %add3A_444 = arith.addi %add3A_443, %scan3A_227 : i32
      %get3A_445 = arith.index_cast %add3A_444 : i32 to index
      %get3A_446 = arith.constant 224 : index
      %get3A_447 = tpu.vector_load %arg6[%get3A_445, %get3A_446] {strides = array<i32>} : memref<192x512xf32, #tpu.memory_space<vmem>>, vector<1x16xf32>,
      %get3A_448 = vector.shape_cast %get3A_447 : vector<1x16xf32> to vector<16xf32>
      %sub3A_449 = arith.subf %get3A_442, %get3A_448 : vector<16xf32>
      %mul3A_450 = arith.mulf %sub3A_449, %sub3A_449 : vector<16xf32>
      %add3A_451 = arith.addf %mul3A_450, %add3A_436 : vector<16xf32>
      %add3A_452 = arith.constant 104 : i32
      %add3A_453 = arith.addi %add3A_452, %scan3A_227 : i32
      %get3A_454 = arith.index_cast %add3A_453 : i32 to index
      %get3A_455 = arith.constant 240 : index
      %get3A_456 = tpu.vector_load %arg6[%get3A_454, %get3A_455] {strides = array<i32>} : memref<192x512xf32, #tpu.memory_space<vmem>>, vector<1x16xf32>,
      %get3A_457 = vector.shape_cast %get3A_456 : vector<1x16xf32> to vector<16xf32>
      %add3A_458 = arith.constant 8 : i32
      %add3A_459 = arith.addi %add3A_458, %scan3A_227 : i32
      %get3A_460 = arith.index_cast %add3A_459 : i32 to index
      %get3A_461 = arith.constant 240 : index
      %get3A_462 = tpu.vector_load %arg6[%get3A_460, %get3A_461] {strides = array<i32>} : memref<192x512xf32, #tpu.memory_space<vmem>>, vector<1x16xf32>,
      %get3A_463 = vector.shape_cast %get3A_462 : vector<1x16xf32> to vector<16xf32>
      %sub3A_464 = arith.subf %get3A_457, %get3A_463 : vector<16xf32>
      %mul3A_465 = arith.mulf %sub3A_464, %sub3A_464 : vector<16xf32>
      %add3A_466 = arith.addf %mul3A_465, %add3A_451 : vector<16xf32>
      %add3A_467 = arith.constant 104 : i32
      %add3A_468 = arith.addi %add3A_467, %scan3A_227 : i32
      %get3A_469 = arith.index_cast %add3A_468 : i32 to index
      %get3A_470 = arith.constant 256 : index
      %get3A_471 = tpu.vector_load %arg6[%get3A_469, %get3A_470] {strides = array<i32>} : memref<192x512xf32, #tpu.memory_space<vmem>>, vector<1x16xf32>,
      %get3A_472 = vector.shape_cast %get3A_471 : vector<1x16xf32> to vector<16xf32>
      %add3A_473 = arith.constant 8 : i32
      %add3A_474 = arith.addi %add3A_473, %scan3A_227 : i32
      %get3A_475 = arith.index_cast %add3A_474 : i32 to index
      %get3A_476 = arith.constant 256 : index
      %get3A_477 = tpu.vector_load %arg6[%get3A_475, %get3A_476] {strides = array<i32>} : memref<192x512xf32, #tpu.memory_space<vmem>>, vector<1x16xf32>,
      %get3A_478 = vector.shape_cast %get3A_477 : vector<1x16xf32> to vector<16xf32>
      %sub3A_479 = arith.subf %get3A_472, %get3A_478 : vector<16xf32>
      %mul3A_480 = arith.mulf %sub3A_479, %sub3A_479 : vector<16xf32>
      %add3A_481 = arith.addf %mul3A_480, %add3A_466 : vector<16xf32>
      %add3A_482 = arith.constant 104 : i32
      %add3A_483 = arith.addi %add3A_482, %scan3A_227 : i32
      %get3A_484 = arith.index_cast %add3A_483 : i32 to index
      %get3A_485 = arith.constant 272 : index
      %get3A_486 = tpu.vector_load %arg6[%get3A_484, %get3A_485] {strides = array<i32>} : memref<192x512xf32, #tpu.memory_space<vmem>>, vector<1x16xf32>,
      %get3A_487 = vector.shape_cast %get3A_486 : vector<1x16xf32> to vector<16xf32>
      %add3A_488 = arith.constant 8 : i32
      %add3A_489 = arith.addi %add3A_488, %scan3A_227 : i32
      %get3A_490 = arith.index_cast %add3A_489 : i32 to index
      %get3A_491 = arith.constant 272 : index
      %get3A_492 = tpu.vector_load %arg6[%get3A_490, %get3A_491] {strides = array<i32>} : memref<192x512xf32, #tpu.memory_space<vmem>>, vector<1x16xf32>,
      %get3A_493 = vector.shape_cast %get3A_492 : vector<1x16xf32> to vector<16xf32>
      %sub3A_494 = arith.subf %get3A_487, %get3A_493 : vector<16xf32>
      %mul3A_495 = arith.mulf %sub3A_494, %sub3A_494 : vector<16xf32>
      %add3A_496 = arith.addf %mul3A_495, %add3A_481 : vector<16xf32>
      %add3A_497 = arith.constant 104 : i32
      %add3A_498 = arith.addi %add3A_497, %scan3A_227 : i32
      %get3A_499 = arith.index_cast %add3A_498 : i32 to index
      %get3A_500 = arith.constant 288 : index
      %get3A_501 = tpu.vector_load %arg6[%get3A_499, %get3A_500] {strides = array<i32>} : memref<192x512xf32, #tpu.memory_space<vmem>>, vector<1x16xf32>,
      %get3A_502 = vector.shape_cast %get3A_501 : vector<1x16xf32> to vector<16xf32>
      %add3A_503 = arith.constant 8 : i32
      %add3A_504 = arith.addi %add3A_503, %scan3A_227 : i32
      %get3A_505 = arith.index_cast %add3A_504 : i32 to index
      %get3A_506 = arith.constant 288 : index
      %get3A_507 = tpu.vector_load %arg6[%get3A_505, %get3A_506] {strides = array<i32>} : memref<192x512xf32, #tpu.memory_space<vmem>>, vector<1x16xf32>,
      %get3A_508 = vector.shape_cast %get3A_507 : vector<1x16xf32> to vector<16xf32>
      %sub3A_509 = arith.subf %get3A_502, %get3A_508 : vector<16xf32>
      %mul3A_510 = arith.mulf %sub3A_509, %sub3A_509 : vector<16xf32>
      %add3A_511 = arith.addf %mul3A_510, %add3A_496 : vector<16xf32>
      %add3A_512 = arith.constant 104 : i32
      %add3A_513 = arith.addi %add3A_512, %scan3A_227 : i32
      %get3A_514 = arith.index_cast %add3A_513 : i32 to index
      %get3A_515 = arith.constant 304 : index
      %get3A_516 = tpu.vector_load %arg6[%get3A_514, %get3A_515] {strides = array<i32>} : memref<192x512xf32, #tpu.memory_space<vmem>>, vector<1x16xf32>,
      %get3A_517 = vector.shape_cast %get3A_516 : vector<1x16xf32> to vector<16xf32>
      %add3A_518 = arith.constant 8 : i32
      %add3A_519 = arith.addi %add3A_518, %scan3A_227 : i32
      %get3A_520 = arith.index_cast %add3A_519 : i32 to index
      %get3A_521 = arith.constant 304 : index
      %get3A_522 = tpu.vector_load %arg6[%get3A_520, %get3A_521] {strides = array<i32>} : memref<192x512xf32, #tpu.memory_space<vmem>>, vector<1x16xf32>,
      %get3A_523 = vector.shape_cast %get3A_522 : vector<1x16xf32> to vector<16xf32>
      %sub3A_524 = arith.subf %get3A_517, %get3A_523 : vector<16xf32>
      %mul3A_525 = arith.mulf %sub3A_524, %sub3A_524 : vector<16xf32>
      %add3A_526 = arith.addf %mul3A_525, %add3A_511 : vector<16xf32>
      %add3A_527 = arith.constant 104 : i32
      %add3A_528 = arith.addi %add3A_527, %scan3A_227 : i32
      %get3A_529 = arith.index_cast %add3A_528 : i32 to index
      %get3A_530 = arith.constant 320 : index
      %get3A_531 = tpu.vector_load %arg6[%get3A_529, %get3A_530] {strides = array<i32>} : memref<192x512xf32, #tpu.memory_space<vmem>>, vector<1x16xf32>,
      %get3A_532 = vector.shape_cast %get3A_531 : vector<1x16xf32> to vector<16xf32>
      %add3A_533 = arith.constant 8 : i32
      %add3A_534 = arith.addi %add3A_533, %scan3A_227 : i32
      %get3A_535 = arith.index_cast %add3A_534 : i32 to index
      %get3A_536 = arith.constant 320 : index
      %get3A_537 = tpu.vector_load %arg6[%get3A_535, %get3A_536] {strides = array<i32>} : memref<192x512xf32, #tpu.memory_space<vmem>>, vector<1x16xf32>,
      %get3A_538 = vector.shape_cast %get3A_537 : vector<1x16xf32> to vector<16xf32>
      %sub3A_539 = arith.subf %get3A_532, %get3A_538 : vector<16xf32>
      %mul3A_540 = arith.mulf %sub3A_539, %sub3A_539 : vector<16xf32>
      %add3A_541 = arith.addf %mul3A_540, %add3A_526 : vector<16xf32>
      %add3A_542 = arith.constant 104 : i32
      %add3A_543 = arith.addi %add3A_542, %scan3A_227 : i32
      %get3A_544 = arith.index_cast %add3A_543 : i32 to index
      %get3A_545 = arith.constant 336 : index
      %get3A_546 = tpu.vector_load %arg6[%get3A_544, %get3A_545] {strides = array<i32>} : memref<192x512xf32, #tpu.memory_space<vmem>>, vector<1x16xf32>,
      %get3A_547 = vector.shape_cast %get3A_546 : vector<1x16xf32> to vector<16xf32>
      %add3A_548 = arith.constant 8 : i32
      %add3A_549 = arith.addi %add3A_548, %scan3A_227 : i32
      %get3A_550 = arith.index_cast %add3A_549 : i32 to index
      %get3A_551 = arith.constant 336 : index
      %get3A_552 = tpu.vector_load %arg6[%get3A_550, %get3A_551] {strides = array<i32>} : memref<192x512xf32, #tpu.memory_space<vmem>>, vector<1x16xf32>,
      %get3A_553 = vector.shape_cast %get3A_552 : vector<1x16xf32> to vector<16xf32>
      %sub3A_554 = arith.subf %get3A_547, %get3A_553 : vector<16xf32>
      %mul3A_555 = arith.mulf %sub3A_554, %sub3A_554 : vector<16xf32>
      %add3A_556 = arith.addf %mul3A_555, %add3A_541 : vector<16xf32>
      %add3A_557 = arith.constant 104 : i32
      %add3A_558 = arith.addi %add3A_557, %scan3A_227 : i32
      %get3A_559 = arith.index_cast %add3A_558 : i32 to index
      %get3A_560 = arith.constant 352 : index
      %get3A_561 = tpu.vector_load %arg6[%get3A_559, %get3A_560] {strides = array<i32>} : memref<192x512xf32, #tpu.memory_space<vmem>>, vector<1x16xf32>,
      %get3A_562 = vector.shape_cast %get3A_561 : vector<1x16xf32> to vector<16xf32>
      %add3A_563 = arith.constant 8 : i32
      %add3A_564 = arith.addi %add3A_563, %scan3A_227 : i32
      %get3A_565 = arith.index_cast %add3A_564 : i32 to index
      %get3A_566 = arith.constant 352 : index
      %get3A_567 = tpu.vector_load %arg6[%get3A_565, %get3A_566] {strides = array<i32>} : memref<192x512xf32, #tpu.memory_space<vmem>>, vector<1x16xf32>,
      %get3A_568 = vector.shape_cast %get3A_567 : vector<1x16xf32> to vector<16xf32>
      %sub3A_569 = arith.subf %get3A_562, %get3A_568 : vector<16xf32>
      %mul3A_570 = arith.mulf %sub3A_569, %sub3A_569 : vector<16xf32>
      %add3A_571 = arith.addf %mul3A_570, %add3A_556 : vector<16xf32>
      %add3A_572 = arith.constant 104 : i32
      %add3A_573 = arith.addi %add3A_572, %scan3A_227 : i32
      %get3A_574 = arith.index_cast %add3A_573 : i32 to index
      %get3A_575 = arith.constant 368 : index
      %get3A_576 = tpu.vector_load %arg6[%get3A_574, %get3A_575] {strides = array<i32>} : memref<192x512xf32, #tpu.memory_space<vmem>>, vector<1x16xf32>,
      %get3A_577 = vector.shape_cast %get3A_576 : vector<1x16xf32> to vector<16xf32>
      %add3A_578 = arith.constant 8 : i32
      %add3A_579 = arith.addi %add3A_578, %scan3A_227 : i32
      %get3A_580 = arith.index_cast %add3A_579 : i32 to index
      %get3A_581 = arith.constant 368 : index
      %get3A_582 = tpu.vector_load %arg6[%get3A_580, %get3A_581] {strides = array<i32>} : memref<192x512xf32, #tpu.memory_space<vmem>>, vector<1x16xf32>,
      %get3A_583 = vector.shape_cast %get3A_582 : vector<1x16xf32> to vector<16xf32>
      %sub3A_584 = arith.subf %get3A_577, %get3A_583 : vector<16xf32>
      %mul3A_585 = arith.mulf %sub3A_584, %sub3A_584 : vector<16xf32>
      %add3A_586 = arith.addf %mul3A_585, %add3A_571 : vector<16xf32>
      %add3A_587 = arith.constant 104 : i32
      %add3A_588 = arith.addi %add3A_587, %scan3A_227 : i32
      %get3A_589 = arith.index_cast %add3A_588 : i32 to index
      %get3A_590 = arith.constant 384 : index
      %get3A_591 = tpu.vector_load %arg6[%get3A_589, %get3A_590] {strides = array<i32>} : memref<192x512xf32, #tpu.memory_space<vmem>>, vector<1x16xf32>,
      %get3A_592 = vector.shape_cast %get3A_591 : vector<1x16xf32> to vector<16xf32>
      %add3A_593 = arith.constant 8 : i32
      %add3A_594 = arith.addi %add3A_593, %scan3A_227 : i32
      %get3A_595 = arith.index_cast %add3A_594 : i32 to index
      %get3A_596 = arith.constant 384 : index
      %get3A_597 = tpu.vector_load %arg6[%get3A_595, %get3A_596] {strides = array<i32>} : memref<192x512xf32, #tpu.memory_space<vmem>>, vector<1x16xf32>,
      %get3A_598 = vector.shape_cast %get3A_597 : vector<1x16xf32> to vector<16xf32>
      %sub3A_599 = arith.subf %get3A_592, %get3A_598 : vector<16xf32>
      %mul3A_600 = arith.mulf %sub3A_599, %sub3A_599 : vector<16xf32>
      %add3A_601 = arith.addf %mul3A_600, %add3A_586 : vector<16xf32>
      %add3A_602 = arith.constant 104 : i32
      %add3A_603 = arith.addi %add3A_602, %scan3A_227 : i32
      %get3A_604 = arith.index_cast %add3A_603 : i32 to index
      %get3A_605 = arith.constant 400 : index
      %get3A_606 = tpu.vector_load %arg6[%get3A_604, %get3A_605] {strides = array<i32>} : memref<192x512xf32, #tpu.memory_space<vmem>>, vector<1x16xf32>,
      %get3A_607 = vector.shape_cast %get3A_606 : vector<1x16xf32> to vector<16xf32>
      %add3A_608 = arith.constant 8 : i32
      %add3A_609 = arith.addi %add3A_608, %scan3A_227 : i32
      %get3A_610 = arith.index_cast %add3A_609 : i32 to index
      %get3A_611 = arith.constant 400 : index
      %get3A_612 = tpu.vector_load %arg6[%get3A_610, %get3A_611] {strides = array<i32>} : memref<192x512xf32, #tpu.memory_space<vmem>>, vector<1x16xf32>,
      %get3A_613 = vector.shape_cast %get3A_612 : vector<1x16xf32> to vector<16xf32>
      %sub3A_614 = arith.subf %get3A_607, %get3A_613 : vector<16xf32>
      %mul3A_615 = arith.mulf %sub3A_614, %sub3A_614 : vector<16xf32>
      %add3A_616 = arith.addf %mul3A_615, %add3A_601 : vector<16xf32>
      %add3A_617 = arith.constant 104 : i32
      %add3A_618 = arith.addi %add3A_617, %scan3A_227 : i32
      %get3A_619 = arith.index_cast %add3A_618 : i32 to index
      %get3A_620 = arith.constant 416 : index
      %get3A_621 = tpu.vector_load %arg6[%get3A_619, %get3A_620] {strides = array<i32>} : memref<192x512xf32, #tpu.memory_space<vmem>>, vector<1x16xf32>,
      %get3A_622 = vector.shape_cast %get3A_621 : vector<1x16xf32> to vector<16xf32>
      %add3A_623 = arith.constant 8 : i32
      %add3A_624 = arith.addi %add3A_623, %scan3A_227 : i32
      %get3A_625 = arith.index_cast %add3A_624 : i32 to index
      %get3A_626 = arith.constant 416 : index
      %get3A_627 = tpu.vector_load %arg6[%get3A_625, %get3A_626] {strides = array<i32>} : memref<192x512xf32, #tpu.memory_space<vmem>>, vector<1x16xf32>,
      %get3A_628 = vector.shape_cast %get3A_627 : vector<1x16xf32> to vector<16xf32>
      %sub3A_629 = arith.subf %get3A_622, %get3A_628 : vector<16xf32>
      %mul3A_630 = arith.mulf %sub3A_629, %sub3A_629 : vector<16xf32>
      %add3A_631 = arith.addf %mul3A_630, %add3A_616 : vector<16xf32>
      %add3A_632 = arith.constant 104 : i32
      %add3A_633 = arith.addi %add3A_632, %scan3A_227 : i32
      %get3A_634 = arith.index_cast %add3A_633 : i32 to index
      %get3A_635 = arith.constant 432 : index
      %get3A_636 = tpu.vector_load %arg6[%get3A_634, %get3A_635] {strides = array<i32>} : memref<192x512xf32, #tpu.memory_space<vmem>>, vector<1x16xf32>,
      %get3A_637 = vector.shape_cast %get3A_636 : vector<1x16xf32> to vector<16xf32>
      %add3A_638 = arith.constant 8 : i32
      %add3A_639 = arith.addi %add3A_638, %scan3A_227 : i32
      %get3A_640 = arith.index_cast %add3A_639 : i32 to index
      %get3A_641 = arith.constant 432 : index
      %get3A_642 = tpu.vector_load %arg6[%get3A_640, %get3A_641] {strides = array<i32>} : memref<192x512xf32, #tpu.memory_space<vmem>>, vector<1x16xf32>,
      %get3A_643 = vector.shape_cast %get3A_642 : vector<1x16xf32> to vector<16xf32>
      %sub3A_644 = arith.subf %get3A_637, %get3A_643 : vector<16xf32>
      %mul3A_645 = arith.mulf %sub3A_644, %sub3A_644 : vector<16xf32>
      %add3A_646 = arith.addf %mul3A_645, %add3A_631 : vector<16xf32>
      %add3A_647 = arith.constant 104 : i32
      %add3A_648 = arith.addi %add3A_647, %scan3A_227 : i32
      %get3A_649 = arith.index_cast %add3A_648 : i32 to index
      %get3A_650 = arith.constant 448 : index
      %get3A_651 = tpu.vector_load %arg6[%get3A_649, %get3A_650] {strides = array<i32>} : memref<192x512xf32, #tpu.memory_space<vmem>>, vector<1x16xf32>,
      %get3A_652 = vector.shape_cast %get3A_651 : vector<1x16xf32> to vector<16xf32>
      %add3A_653 = arith.constant 8 : i32
      %add3A_654 = arith.addi %add3A_653, %scan3A_227 : i32
      %get3A_655 = arith.index_cast %add3A_654 : i32 to index
      %get3A_656 = arith.constant 448 : index
      %get3A_657 = tpu.vector_load %arg6[%get3A_655, %get3A_656] {strides = array<i32>} : memref<192x512xf32, #tpu.memory_space<vmem>>, vector<1x16xf32>,
      %get3A_658 = vector.shape_cast %get3A_657 : vector<1x16xf32> to vector<16xf32>
      %sub3A_659 = arith.subf %get3A_652, %get3A_658 : vector<16xf32>
      %mul3A_660 = arith.mulf %sub3A_659, %sub3A_659 : vector<16xf32>
      %add3A_661 = arith.addf %mul3A_660, %add3A_646 : vector<16xf32>
      %add3A_662 = arith.constant 104 : i32
      %add3A_663 = arith.addi %add3A_662, %scan3A_227 : i32
      %get3A_664 = arith.index_cast %add3A_663 : i32 to index
      %get3A_665 = arith.constant 464 : index
      %get3A_666 = tpu.vector_load %arg6[%get3A_664, %get3A_665] {strides = array<i32>} : memref<192x512xf32, #tpu.memory_space<vmem>>, vector<1x16xf32>,
      %get3A_667 = vector.shape_cast %get3A_666 : vector<1x16xf32> to vector<16xf32>
      %add3A_668 = arith.constant 8 : i32
      %add3A_669 = arith.addi %add3A_668, %scan3A_227 : i32
      %get3A_670 = arith.index_cast %add3A_669 : i32 to index
      %get3A_671 = arith.constant 464 : index
      %get3A_672 = tpu.vector_load %arg6[%get3A_670, %get3A_671] {strides = array<i32>} : memref<192x512xf32, #tpu.memory_space<vmem>>, vector<1x16xf32>,
      %get3A_673 = vector.shape_cast %get3A_672 : vector<1x16xf32> to vector<16xf32>
      %sub3A_674 = arith.subf %get3A_667, %get3A_673 : vector<16xf32>
      %mul3A_675 = arith.mulf %sub3A_674, %sub3A_674 : vector<16xf32>
      %add3A_676 = arith.addf %mul3A_675, %add3A_661 : vector<16xf32>
      %add3A_677 = arith.constant 104 : i32
      %add3A_678 = arith.addi %add3A_677, %scan3A_227 : i32
      %get3A_679 = arith.index_cast %add3A_678 : i32 to index
      %get3A_680 = arith.constant 480 : index
      %get3A_681 = tpu.vector_load %arg6[%get3A_679, %get3A_680] {strides = array<i32>} : memref<192x512xf32, #tpu.memory_space<vmem>>, vector<1x16xf32>,
      %get3A_682 = vector.shape_cast %get3A_681 : vector<1x16xf32> to vector<16xf32>
      %add3A_683 = arith.constant 8 : i32
      %add3A_684 = arith.addi %add3A_683, %scan3A_227 : i32
      %get3A_685 = arith.index_cast %add3A_684 : i32 to index
      %get3A_686 = arith.constant 480 : index
      %get3A_687 = tpu.vector_load %arg6[%get3A_685, %get3A_686] {strides = array<i32>} : memref<192x512xf32, #tpu.memory_space<vmem>>, vector<1x16xf32>,
      %get3A_688 = vector.shape_cast %get3A_687 : vector<1x16xf32> to vector<16xf32>
      %sub3A_689 = arith.subf %get3A_682, %get3A_688 : vector<16xf32>
      %mul3A_690 = arith.mulf %sub3A_689, %sub3A_689 : vector<16xf32>
      %add3A_691 = arith.addf %mul3A_690, %add3A_676 : vector<16xf32>
      %add3A_692 = arith.constant 104 : i32
      %add3A_693 = arith.addi %add3A_692, %scan3A_227 : i32
      %get3A_694 = arith.index_cast %add3A_693 : i32 to index
      %get3A_695 = arith.constant 496 : index
      %get3A_696 = tpu.vector_load %arg6[%get3A_694, %get3A_695] {strides = array<i32>} : memref<192x512xf32, #tpu.memory_space<vmem>>, vector<1x16xf32>,
      %get3A_697 = vector.shape_cast %get3A_696 : vector<1x16xf32> to vector<16xf32>
      %add3A_698 = arith.constant 8 : i32
      %add3A_699 = arith.addi %add3A_698, %scan3A_227 : i32
      %get3A_700 = arith.index_cast %add3A_699 : i32 to index
      %get3A_701 = arith.constant 496 : index
      %get3A_702 = tpu.vector_load %arg6[%get3A_700, %get3A_701] {strides = array<i32>} : memref<192x512xf32, #tpu.memory_space<vmem>>, vector<1x16xf32>,
      %get3A_703 = vector.shape_cast %get3A_702 : vector<1x16xf32> to vector<16xf32>
      %sub3A_704 = arith.subf %get3A_697, %get3A_703 : vector<16xf32>
      %mul3A_705 = arith.mulf %sub3A_704, %sub3A_704 : vector<16xf32>
      %add3A_706 = arith.addf %mul3A_705, %add3A_691 : vector<16xf32>
      scf.yield %add3A_706 : vector<16xf32>
    }
    %scan3A_128 = arith.constant 24 : i32
    %dma_start3A_129 = arith.constant 0 : i32
    %dma_start3A_130 = arith.constant 0 : i32
    %dma_start3A_131 = tpu.memref_slice %arg6[%dma_start3A_129, %dma_start3A_130] : memref<192x512xf32, #tpu.memory_space<vmem>> -> memref<32x512xf32, #tpu.memory_space<vmem>>
    %dma_start3A_132 = arith.constant 96 : i32
    %dma_start3A_133 = tpu.memref_slice %arg7[%dma_start3A_132] : memref<128xi32, #tpu.memory_space<vmem>> -> memref<32xi32, #tpu.memory_space<vmem>>
    %dma_start3A_134 = arith.constant 0 : i32
    %dma_start3A_135 = arith.constant 0 : i32
    %dma_start3A_136 = tpu.memref_slice %arg4[%dma_start3A_134, %dma_start3A_135] : memref<10000x512xf32, #tpu.memory_space<hbm>> -> memref<10000x512xf32, #tpu.memory_space<hbm>>
    tpu.enqueue_indirect_dma source(%dma_start3A_136 : memref<10000x512xf32, #tpu.memory_space<hbm>>) target(%dma_start3A_131 : memref<32x512xf32, #tpu.memory_space<vmem>>) offsets(%dma_start3A_133 : memref<32xi32, #tpu.memory_space<vmem>>) semaphore(%arg9 : memref<!tpu.dma_semaphore, #tpu.memory_space<semaphore_mem>>)
    %add3A_137 = arith.constant 96 : i32
    %add3A_138 = arith.addi %mul3A_2, %add3A_137 : i32
    %dma_start3A_139 = arith.constant 96 : i32
    %dma_start3A_140 = arith.constant 0 : i32
    %dma_start3A_141 = tpu.memref_slice %arg6[%dma_start3A_139, %dma_start3A_140] : memref<192x512xf32, #tpu.memory_space<vmem>> -> memref<32x512xf32, #tpu.memory_space<vmem>>
    %dma_start3A_142 = arith.constant 0 : i32
    %dma_start3A_143 = tpu.memref_slice %arg2[%add3A_138, %dma_start3A_142] : memref<4096x512xf32, #tpu.memory_space<hbm>> -> memref<32x512xf32, #tpu.memory_space<hbm>>
    %dma_start3A_144 = arith.constant 96 : i32
    %dma_start3A_145 = arith.constant 0 : i32
    %dma_start3A_146 = tpu.memref_slice %arg6[%dma_start3A_144, %dma_start3A_145] : memref<192x512xf32, #tpu.memory_space<vmem>> -> memref<32x512xf32, #tpu.memory_space<vmem>>
    %dma_start3A_147 = arith.constant 0 : i32
    %dma_start3A_148 = tpu.memref_slice %arg2[%add3A_138, %dma_start3A_147] : memref<4096x512xf32, #tpu.memory_space<hbm>> -> memref<32x512xf32, #tpu.memory_space<hbm>>
    tpu.enqueue_dma source(%dma_start3A_148 : memref<32x512xf32, #tpu.memory_space<hbm>>) target(%dma_start3A_146 : memref<32x512xf32, #tpu.memory_space<vmem>>) target_semaphore(%arg10 : memref<!tpu.dma_semaphore, #tpu.memory_space<semaphore_mem>>)
    %dma_wait3A_149 = arith.constant 32 : i32
    %dma_wait3A_150 = arith.constant 0 : i32
    %dma_wait3A_151 = tpu.memref_slice %arg6[%dma_wait3A_149, %dma_wait3A_150] : memref<192x512xf32, #tpu.memory_space<vmem>> -> memref<32x512xf32, #tpu.memory_space<vmem>>
    %dma_wait3A_152 = arith.constant 32 : i32
    %dma_wait3A_153 = tpu.memref_slice %arg7[%dma_wait3A_152] : memref<128xi32, #tpu.memory_space<vmem>> -> memref<32xi32, #tpu.memory_space<vmem>>
    %dma_wait3A_154 = arith.constant 0 : i32
    %dma_wait3A_155 = arith.constant 0 : i32
    %dma_wait3A_156 = tpu.memref_slice %arg4[%dma_wait3A_154, %dma_wait3A_155] : memref<10000x512xf32, #tpu.memory_space<hbm>> -> memref<10000x512xf32, #tpu.memory_space<hbm>>
    tpu.wait_indirect_dma semaphore(%arg13 : memref<!tpu.dma_semaphore, #tpu.memory_space<semaphore_mem>>) src(%dma_wait3A_156 : memref<10000x512xf32, #tpu.memory_space<hbm>>) dst(%dma_wait3A_151 : memref<32x512xf32, #tpu.memory_space<vmem>>)
    %dma_wait3A_157 = arith.constant 128 : i32
    %dma_wait3A_158 = arith.constant 0 : i32
    %dma_wait3A_159 = tpu.memref_slice %arg6[%dma_wait3A_157, %dma_wait3A_158] : memref<192x512xf32, #tpu.memory_space<vmem>> -> memref<32x512xf32, #tpu.memory_space<vmem>>
    %dma_wait3A_160 = arith.constant 0 : i32
    %dma_wait3A_161 = tpu.memref_slice %arg2[%add3A_51, %dma_wait3A_160] : memref<4096x512xf32, #tpu.memory_space<hbm>> -> memref<32x512xf32, #tpu.memory_space<hbm>>
    %dma_wait3A_162 = arith.constant 128 : i32
    %dma_wait3A_163 = arith.constant 0 : i32
    %dma_wait3A_164 = tpu.memref_slice %arg6[%dma_wait3A_162, %dma_wait3A_163] : memref<192x512xf32, #tpu.memory_space<vmem>> -> memref<32x512xf32, #tpu.memory_space<vmem>>
    %dma_wait3A_165 = arith.constant 0 : i32
    %dma_wait3A_166 = tpu.memref_slice %arg2[%add3A_51, %dma_wait3A_165] : memref<4096x512xf32, #tpu.memory_space<hbm>> -> memref<32x512xf32, #tpu.memory_space<hbm>>
    tpu.wait_dma2 semaphore(%arg14 : memref<!tpu.dma_semaphore, #tpu.memory_space<semaphore_mem>>) src(%dma_wait3A_166 : memref<32x512xf32, #tpu.memory_space<hbm>>) dst(%dma_wait3A_164 : memref<32x512xf32, #tpu.memory_space<vmem>>)
    %scan3A_167 = arith.constant 0 : i32
    %scan3A_168 = arith.constant 32 : i32
    %scan3A_169 = arith.addi %scan3A_167, %scan3A_168 : i32
    %scan3A_170 = arith.constant 1 : i32
    %scan3A_171 = scf.for %scan3A_227 = %scan3A_167 to %scan3A_169 step %scan3A_170 iter_args(%scan3A_228 = %scan3A_127) -> (vector<16xf32>)  : i32 {
      %add3A_229 = arith.constant 128 : i32
      %add3A_230 = arith.addi %add3A_229, %scan3A_227 : i32
      %get3A = arith.index_cast %add3A_230 : i32 to index
      %get3A_231 = arith.constant 0 : index
      %get3A_232 = tpu.vector_load %arg6[%get3A, %get3A_231] {strides = array<i32>} : memref<192x512xf32, #tpu.memory_space<vmem>>, vector<1x16xf32>,
      %get3A_233 = vector.shape_cast %get3A_232 : vector<1x16xf32> to vector<16xf32>
      %add3A_234 = arith.constant 32 : i32
      %add3A_235 = arith.addi %add3A_234, %scan3A_227 : i32
      %get3A_236 = arith.index_cast %add3A_235 : i32 to index
      %get3A_237 = arith.constant 0 : index
      %get3A_238 = tpu.vector_load %arg6[%get3A_236, %get3A_237] {strides = array<i32>} : memref<192x512xf32, #tpu.memory_space<vmem>>, vector<1x16xf32>,
      %get3A_239 = vector.shape_cast %get3A_238 : vector<1x16xf32> to vector<16xf32>
      %sub3A = arith.subf %get3A_233, %get3A_239 : vector<16xf32>
      %mul3A_240 = arith.mulf %sub3A, %sub3A : vector<16xf32>
      %add3A_241 = arith.addf %mul3A_240, %scan3A_228 : vector<16xf32>
      %add3A_242 = arith.constant 128 : i32
      %add3A_243 = arith.addi %add3A_242, %scan3A_227 : i32
      %get3A_244 = arith.index_cast %add3A_243 : i32 to index
      %get3A_245 = arith.constant 16 : index
      %get3A_246 = tpu.vector_load %arg6[%get3A_244, %get3A_245] {strides = array<i32>} : memref<192x512xf32, #tpu.memory_space<vmem>>, vector<1x16xf32>,
      %get3A_247 = vector.shape_cast %get3A_246 : vector<1x16xf32> to vector<16xf32>
      %add3A_248 = arith.constant 32 : i32
      %add3A_249 = arith.addi %add3A_248, %scan3A_227 : i32
      %get3A_250 = arith.index_cast %add3A_249 : i32 to index
      %get3A_251 = arith.constant 16 : index
      %get3A_252 = tpu.vector_load %arg6[%get3A_250, %get3A_251] {strides = array<i32>} : memref<192x512xf32, #tpu.memory_space<vmem>>, vector<1x16xf32>,
      %get3A_253 = vector.shape_cast %get3A_252 : vector<1x16xf32> to vector<16xf32>
      %sub3A_254 = arith.subf %get3A_247, %get3A_253 : vector<16xf32>
      %mul3A_255 = arith.mulf %sub3A_254, %sub3A_254 : vector<16xf32>
      %add3A_256 = arith.addf %mul3A_255, %add3A_241 : vector<16xf32>
      %add3A_257 = arith.constant 128 : i32
      %add3A_258 = arith.addi %add3A_257, %scan3A_227 : i32
      %get3A_259 = arith.index_cast %add3A_258 : i32 to index
      %get3A_260 = arith.constant 32 : index
      %get3A_261 = tpu.vector_load %arg6[%get3A_259, %get3A_260] {strides = array<i32>} : memref<192x512xf32, #tpu.memory_space<vmem>>, vector<1x16xf32>,
      %get3A_262 = vector.shape_cast %get3A_261 : vector<1x16xf32> to vector<16xf32>
      %add3A_263 = arith.constant 32 : i32
      %add3A_264 = arith.addi %add3A_263, %scan3A_227 : i32
      %get3A_265 = arith.index_cast %add3A_264 : i32 to index
      %get3A_266 = arith.constant 32 : index
      %get3A_267 = tpu.vector_load %arg6[%get3A_265, %get3A_266] {strides = array<i32>} : memref<192x512xf32, #tpu.memory_space<vmem>>, vector<1x16xf32>,
      %get3A_268 = vector.shape_cast %get3A_267 : vector<1x16xf32> to vector<16xf32>
      %sub3A_269 = arith.subf %get3A_262, %get3A_268 : vector<16xf32>
      %mul3A_270 = arith.mulf %sub3A_269, %sub3A_269 : vector<16xf32>
      %add3A_271 = arith.addf %mul3A_270, %add3A_256 : vector<16xf32>
      %add3A_272 = arith.constant 128 : i32
      %add3A_273 = arith.addi %add3A_272, %scan3A_227 : i32
      %get3A_274 = arith.index_cast %add3A_273 : i32 to index
      %get3A_275 = arith.constant 48 : index
      %get3A_276 = tpu.vector_load %arg6[%get3A_274, %get3A_275] {strides = array<i32>} : memref<192x512xf32, #tpu.memory_space<vmem>>, vector<1x16xf32>,
      %get3A_277 = vector.shape_cast %get3A_276 : vector<1x16xf32> to vector<16xf32>
      %add3A_278 = arith.constant 32 : i32
      %add3A_279 = arith.addi %add3A_278, %scan3A_227 : i32
      %get3A_280 = arith.index_cast %add3A_279 : i32 to index
      %get3A_281 = arith.constant 48 : index
      %get3A_282 = tpu.vector_load %arg6[%get3A_280, %get3A_281] {strides = array<i32>} : memref<192x512xf32, #tpu.memory_space<vmem>>, vector<1x16xf32>,
      %get3A_283 = vector.shape_cast %get3A_282 : vector<1x16xf32> to vector<16xf32>
      %sub3A_284 = arith.subf %get3A_277, %get3A_283 : vector<16xf32>
      %mul3A_285 = arith.mulf %sub3A_284, %sub3A_284 : vector<16xf32>
      %add3A_286 = arith.addf %mul3A_285, %add3A_271 : vector<16xf32>
      %add3A_287 = arith.constant 128 : i32
      %add3A_288 = arith.addi %add3A_287, %scan3A_227 : i32
      %get3A_289 = arith.index_cast %add3A_288 : i32 to index
      %get3A_290 = arith.constant 64 : index
      %get3A_291 = tpu.vector_load %arg6[%get3A_289, %get3A_290] {strides = array<i32>} : memref<192x512xf32, #tpu.memory_space<vmem>>, vector<1x16xf32>,
      %get3A_292 = vector.shape_cast %get3A_291 : vector<1x16xf32> to vector<16xf32>
      %add3A_293 = arith.constant 32 : i32
      %add3A_294 = arith.addi %add3A_293, %scan3A_227 : i32
      %get3A_295 = arith.index_cast %add3A_294 : i32 to index
      %get3A_296 = arith.constant 64 : index
      %get3A_297 = tpu.vector_load %arg6[%get3A_295, %get3A_296] {strides = array<i32>} : memref<192x512xf32, #tpu.memory_space<vmem>>, vector<1x16xf32>,
      %get3A_298 = vector.shape_cast %get3A_297 : vector<1x16xf32> to vector<16xf32>
      %sub3A_299 = arith.subf %get3A_292, %get3A_298 : vector<16xf32>
      %mul3A_300 = arith.mulf %sub3A_299, %sub3A_299 : vector<16xf32>
      %add3A_301 = arith.addf %mul3A_300, %add3A_286 : vector<16xf32>
      %add3A_302 = arith.constant 128 : i32
      %add3A_303 = arith.addi %add3A_302, %scan3A_227 : i32
      %get3A_304 = arith.index_cast %add3A_303 : i32 to index
      %get3A_305 = arith.constant 80 : index
      %get3A_306 = tpu.vector_load %arg6[%get3A_304, %get3A_305] {strides = array<i32>} : memref<192x512xf32, #tpu.memory_space<vmem>>, vector<1x16xf32>,
      %get3A_307 = vector.shape_cast %get3A_306 : vector<1x16xf32> to vector<16xf32>
      %add3A_308 = arith.constant 32 : i32
      %add3A_309 = arith.addi %add3A_308, %scan3A_227 : i32
      %get3A_310 = arith.index_cast %add3A_309 : i32 to index
      %get3A_311 = arith.constant 80 : index
      %get3A_312 = tpu.vector_load %arg6[%get3A_310, %get3A_311] {strides = array<i32>} : memref<192x512xf32, #tpu.memory_space<vmem>>, vector<1x16xf32>,
      %get3A_313 = vector.shape_cast %get3A_312 : vector<1x16xf32> to vector<16xf32>
      %sub3A_314 = arith.subf %get3A_307, %get3A_313 : vector<16xf32>
      %mul3A_315 = arith.mulf %sub3A_314, %sub3A_314 : vector<16xf32>
      %add3A_316 = arith.addf %mul3A_315, %add3A_301 : vector<16xf32>
      %add3A_317 = arith.constant 128 : i32
      %add3A_318 = arith.addi %add3A_317, %scan3A_227 : i32
      %get3A_319 = arith.index_cast %add3A_318 : i32 to index
      %get3A_320 = arith.constant 96 : index
      %get3A_321 = tpu.vector_load %arg6[%get3A_319, %get3A_320] {strides = array<i32>} : memref<192x512xf32, #tpu.memory_space<vmem>>, vector<1x16xf32>,
      %get3A_322 = vector.shape_cast %get3A_321 : vector<1x16xf32> to vector<16xf32>
      %add3A_323 = arith.constant 32 : i32
      %add3A_324 = arith.addi %add3A_323, %scan3A_227 : i32
      %get3A_325 = arith.index_cast %add3A_324 : i32 to index
      %get3A_326 = arith.constant 96 : index
      %get3A_327 = tpu.vector_load %arg6[%get3A_325, %get3A_326] {strides = array<i32>} : memref<192x512xf32, #tpu.memory_space<vmem>>, vector<1x16xf32>,
      %get3A_328 = vector.shape_cast %get3A_327 : vector<1x16xf32> to vector<16xf32>
      %sub3A_329 = arith.subf %get3A_322, %get3A_328 : vector<16xf32>
      %mul3A_330 = arith.mulf %sub3A_329, %sub3A_329 : vector<16xf32>
      %add3A_331 = arith.addf %mul3A_330, %add3A_316 : vector<16xf32>
      %add3A_332 = arith.constant 128 : i32
      %add3A_333 = arith.addi %add3A_332, %scan3A_227 : i32
      %get3A_334 = arith.index_cast %add3A_333 : i32 to index
      %get3A_335 = arith.constant 112 : index
      %get3A_336 = tpu.vector_load %arg6[%get3A_334, %get3A_335] {strides = array<i32>} : memref<192x512xf32, #tpu.memory_space<vmem>>, vector<1x16xf32>,
      %get3A_337 = vector.shape_cast %get3A_336 : vector<1x16xf32> to vector<16xf32>
      %add3A_338 = arith.constant 32 : i32
      %add3A_339 = arith.addi %add3A_338, %scan3A_227 : i32
      %get3A_340 = arith.index_cast %add3A_339 : i32 to index
      %get3A_341 = arith.constant 112 : index
      %get3A_342 = tpu.vector_load %arg6[%get3A_340, %get3A_341] {strides = array<i32>} : memref<192x512xf32, #tpu.memory_space<vmem>>, vector<1x16xf32>,
      %get3A_343 = vector.shape_cast %get3A_342 : vector<1x16xf32> to vector<16xf32>
      %sub3A_344 = arith.subf %get3A_337, %get3A_343 : vector<16xf32>
      %mul3A_345 = arith.mulf %sub3A_344, %sub3A_344 : vector<16xf32>
      %add3A_346 = arith.addf %mul3A_345, %add3A_331 : vector<16xf32>
      %add3A_347 = arith.constant 128 : i32
      %add3A_348 = arith.addi %add3A_347, %scan3A_227 : i32
      %get3A_349 = arith.index_cast %add3A_348 : i32 to index
      %get3A_350 = arith.constant 128 : index
      %get3A_351 = tpu.vector_load %arg6[%get3A_349, %get3A_350] {strides = array<i32>} : memref<192x512xf32, #tpu.memory_space<vmem>>, vector<1x16xf32>,
      %get3A_352 = vector.shape_cast %get3A_351 : vector<1x16xf32> to vector<16xf32>
      %add3A_353 = arith.constant 32 : i32
      %add3A_354 = arith.addi %add3A_353, %scan3A_227 : i32
      %get3A_355 = arith.index_cast %add3A_354 : i32 to index
      %get3A_356 = arith.constant 128 : index
      %get3A_357 = tpu.vector_load %arg6[%get3A_355, %get3A_356] {strides = array<i32>} : memref<192x512xf32, #tpu.memory_space<vmem>>, vector<1x16xf32>,
      %get3A_358 = vector.shape_cast %get3A_357 : vector<1x16xf32> to vector<16xf32>
      %sub3A_359 = arith.subf %get3A_352, %get3A_358 : vector<16xf32>
      %mul3A_360 = arith.mulf %sub3A_359, %sub3A_359 : vector<16xf32>
      %add3A_361 = arith.addf %mul3A_360, %add3A_346 : vector<16xf32>
      %add3A_362 = arith.constant 128 : i32
      %add3A_363 = arith.addi %add3A_362, %scan3A_227 : i32
      %get3A_364 = arith.index_cast %add3A_363 : i32 to index
      %get3A_365 = arith.constant 144 : index
      %get3A_366 = tpu.vector_load %arg6[%get3A_364, %get3A_365] {strides = array<i32>} : memref<192x512xf32, #tpu.memory_space<vmem>>, vector<1x16xf32>,
      %get3A_367 = vector.shape_cast %get3A_366 : vector<1x16xf32> to vector<16xf32>
      %add3A_368 = arith.constant 32 : i32
      %add3A_369 = arith.addi %add3A_368, %scan3A_227 : i32
      %get3A_370 = arith.index_cast %add3A_369 : i32 to index
      %get3A_371 = arith.constant 144 : index
      %get3A_372 = tpu.vector_load %arg6[%get3A_370, %get3A_371] {strides = array<i32>} : memref<192x512xf32, #tpu.memory_space<vmem>>, vector<1x16xf32>,
      %get3A_373 = vector.shape_cast %get3A_372 : vector<1x16xf32> to vector<16xf32>
      %sub3A_374 = arith.subf %get3A_367, %get3A_373 : vector<16xf32>
      %mul3A_375 = arith.mulf %sub3A_374, %sub3A_374 : vector<16xf32>
      %add3A_376 = arith.addf %mul3A_375, %add3A_361 : vector<16xf32>
      %add3A_377 = arith.constant 128 : i32
      %add3A_378 = arith.addi %add3A_377, %scan3A_227 : i32
      %get3A_379 = arith.index_cast %add3A_378 : i32 to index
      %get3A_380 = arith.constant 160 : index
      %get3A_381 = tpu.vector_load %arg6[%get3A_379, %get3A_380] {strides = array<i32>} : memref<192x512xf32, #tpu.memory_space<vmem>>, vector<1x16xf32>,
      %get3A_382 = vector.shape_cast %get3A_381 : vector<1x16xf32> to vector<16xf32>
      %add3A_383 = arith.constant 32 : i32
      %add3A_384 = arith.addi %add3A_383, %scan3A_227 : i32
      %get3A_385 = arith.index_cast %add3A_384 : i32 to index
      %get3A_386 = arith.constant 160 : index
      %get3A_387 = tpu.vector_load %arg6[%get3A_385, %get3A_386] {strides = array<i32>} : memref<192x512xf32, #tpu.memory_space<vmem>>, vector<1x16xf32>,
      %get3A_388 = vector.shape_cast %get3A_387 : vector<1x16xf32> to vector<16xf32>
      %sub3A_389 = arith.subf %get3A_382, %get3A_388 : vector<16xf32>
      %mul3A_390 = arith.mulf %sub3A_389, %sub3A_389 : vector<16xf32>
      %add3A_391 = arith.addf %mul3A_390, %add3A_376 : vector<16xf32>
      %add3A_392 = arith.constant 128 : i32
      %add3A_393 = arith.addi %add3A_392, %scan3A_227 : i32
      %get3A_394 = arith.index_cast %add3A_393 : i32 to index
      %get3A_395 = arith.constant 176 : index
      %get3A_396 = tpu.vector_load %arg6[%get3A_394, %get3A_395] {strides = array<i32>} : memref<192x512xf32, #tpu.memory_space<vmem>>, vector<1x16xf32>,
      %get3A_397 = vector.shape_cast %get3A_396 : vector<1x16xf32> to vector<16xf32>
      %add3A_398 = arith.constant 32 : i32
      %add3A_399 = arith.addi %add3A_398, %scan3A_227 : i32
      %get3A_400 = arith.index_cast %add3A_399 : i32 to index
      %get3A_401 = arith.constant 176 : index
      %get3A_402 = tpu.vector_load %arg6[%get3A_400, %get3A_401] {strides = array<i32>} : memref<192x512xf32, #tpu.memory_space<vmem>>, vector<1x16xf32>,
      %get3A_403 = vector.shape_cast %get3A_402 : vector<1x16xf32> to vector<16xf32>
      %sub3A_404 = arith.subf %get3A_397, %get3A_403 : vector<16xf32>
      %mul3A_405 = arith.mulf %sub3A_404, %sub3A_404 : vector<16xf32>
      %add3A_406 = arith.addf %mul3A_405, %add3A_391 : vector<16xf32>
      %add3A_407 = arith.constant 128 : i32
      %add3A_408 = arith.addi %add3A_407, %scan3A_227 : i32
      %get3A_409 = arith.index_cast %add3A_408 : i32 to index
      %get3A_410 = arith.constant 192 : index
      %get3A_411 = tpu.vector_load %arg6[%get3A_409, %get3A_410] {strides = array<i32>} : memref<192x512xf32, #tpu.memory_space<vmem>>, vector<1x16xf32>,
      %get3A_412 = vector.shape_cast %get3A_411 : vector<1x16xf32> to vector<16xf32>
      %add3A_413 = arith.constant 32 : i32
      %add3A_414 = arith.addi %add3A_413, %scan3A_227 : i32
      %get3A_415 = arith.index_cast %add3A_414 : i32 to index
      %get3A_416 = arith.constant 192 : index
      %get3A_417 = tpu.vector_load %arg6[%get3A_415, %get3A_416] {strides = array<i32>} : memref<192x512xf32, #tpu.memory_space<vmem>>, vector<1x16xf32>,
      %get3A_418 = vector.shape_cast %get3A_417 : vector<1x16xf32> to vector<16xf32>
      %sub3A_419 = arith.subf %get3A_412, %get3A_418 : vector<16xf32>
      %mul3A_420 = arith.mulf %sub3A_419, %sub3A_419 : vector<16xf32>
      %add3A_421 = arith.addf %mul3A_420, %add3A_406 : vector<16xf32>
      %add3A_422 = arith.constant 128 : i32
      %add3A_423 = arith.addi %add3A_422, %scan3A_227 : i32
      %get3A_424 = arith.index_cast %add3A_423 : i32 to index
      %get3A_425 = arith.constant 208 : index
      %get3A_426 = tpu.vector_load %arg6[%get3A_424, %get3A_425] {strides = array<i32>} : memref<192x512xf32, #tpu.memory_space<vmem>>, vector<1x16xf32>,
      %get3A_427 = vector.shape_cast %get3A_426 : vector<1x16xf32> to vector<16xf32>
      %add3A_428 = arith.constant 32 : i32
      %add3A_429 = arith.addi %add3A_428, %scan3A_227 : i32
      %get3A_430 = arith.index_cast %add3A_429 : i32 to index
      %get3A_431 = arith.constant 208 : index
      %get3A_432 = tpu.vector_load %arg6[%get3A_430, %get3A_431] {strides = array<i32>} : memref<192x512xf32, #tpu.memory_space<vmem>>, vector<1x16xf32>,
      %get3A_433 = vector.shape_cast %get3A_432 : vector<1x16xf32> to vector<16xf32>
      %sub3A_434 = arith.subf %get3A_427, %get3A_433 : vector<16xf32>
      %mul3A_435 = arith.mulf %sub3A_434, %sub3A_434 : vector<16xf32>
      %add3A_436 = arith.addf %mul3A_435, %add3A_421 : vector<16xf32>
      %add3A_437 = arith.constant 128 : i32
      %add3A_438 = arith.addi %add3A_437, %scan3A_227 : i32
      %get3A_439 = arith.index_cast %add3A_438 : i32 to index
      %get3A_440 = arith.constant 224 : index
      %get3A_441 = tpu.vector_load %arg6[%get3A_439, %get3A_440] {strides = array<i32>} : memref<192x512xf32, #tpu.memory_space<vmem>>, vector<1x16xf32>,
      %get3A_442 = vector.shape_cast %get3A_441 : vector<1x16xf32> to vector<16xf32>
      %add3A_443 = arith.constant 32 : i32
      %add3A_444 = arith.addi %add3A_443, %scan3A_227 : i32
      %get3A_445 = arith.index_cast %add3A_444 : i32 to index
      %get3A_446 = arith.constant 224 : index
      %get3A_447 = tpu.vector_load %arg6[%get3A_445, %get3A_446] {strides = array<i32>} : memref<192x512xf32, #tpu.memory_space<vmem>>, vector<1x16xf32>,
      %get3A_448 = vector.shape_cast %get3A_447 : vector<1x16xf32> to vector<16xf32>
      %sub3A_449 = arith.subf %get3A_442, %get3A_448 : vector<16xf32>
      %mul3A_450 = arith.mulf %sub3A_449, %sub3A_449 : vector<16xf32>
      %add3A_451 = arith.addf %mul3A_450, %add3A_436 : vector<16xf32>
      %add3A_452 = arith.constant 128 : i32
      %add3A_453 = arith.addi %add3A_452, %scan3A_227 : i32
      %get3A_454 = arith.index_cast %add3A_453 : i32 to index
      %get3A_455 = arith.constant 240 : index
      %get3A_456 = tpu.vector_load %arg6[%get3A_454, %get3A_455] {strides = array<i32>} : memref<192x512xf32, #tpu.memory_space<vmem>>, vector<1x16xf32>,
      %get3A_457 = vector.shape_cast %get3A_456 : vector<1x16xf32> to vector<16xf32>
      %add3A_458 = arith.constant 32 : i32
      %add3A_459 = arith.addi %add3A_458, %scan3A_227 : i32
      %get3A_460 = arith.index_cast %add3A_459 : i32 to index
      %get3A_461 = arith.constant 240 : index
      %get3A_462 = tpu.vector_load %arg6[%get3A_460, %get3A_461] {strides = array<i32>} : memref<192x512xf32, #tpu.memory_space<vmem>>, vector<1x16xf32>,
      %get3A_463 = vector.shape_cast %get3A_462 : vector<1x16xf32> to vector<16xf32>
      %sub3A_464 = arith.subf %get3A_457, %get3A_463 : vector<16xf32>
      %mul3A_465 = arith.mulf %sub3A_464, %sub3A_464 : vector<16xf32>
      %add3A_466 = arith.addf %mul3A_465, %add3A_451 : vector<16xf32>
      %add3A_467 = arith.constant 128 : i32
      %add3A_468 = arith.addi %add3A_467, %scan3A_227 : i32
      %get3A_469 = arith.index_cast %add3A_468 : i32 to index
      %get3A_470 = arith.constant 256 : index
      %get3A_471 = tpu.vector_load %arg6[%get3A_469, %get3A_470] {strides = array<i32>} : memref<192x512xf32, #tpu.memory_space<vmem>>, vector<1x16xf32>,
      %get3A_472 = vector.shape_cast %get3A_471 : vector<1x16xf32> to vector<16xf32>
      %add3A_473 = arith.constant 32 : i32
      %add3A_474 = arith.addi %add3A_473, %scan3A_227 : i32
      %get3A_475 = arith.index_cast %add3A_474 : i32 to index
      %get3A_476 = arith.constant 256 : index
      %get3A_477 = tpu.vector_load %arg6[%get3A_475, %get3A_476] {strides = array<i32>} : memref<192x512xf32, #tpu.memory_space<vmem>>, vector<1x16xf32>,
      %get3A_478 = vector.shape_cast %get3A_477 : vector<1x16xf32> to vector<16xf32>
      %sub3A_479 = arith.subf %get3A_472, %get3A_478 : vector<16xf32>
      %mul3A_480 = arith.mulf %sub3A_479, %sub3A_479 : vector<16xf32>
      %add3A_481 = arith.addf %mul3A_480, %add3A_466 : vector<16xf32>
      %add3A_482 = arith.constant 128 : i32
      %add3A_483 = arith.addi %add3A_482, %scan3A_227 : i32
      %get3A_484 = arith.index_cast %add3A_483 : i32 to index
      %get3A_485 = arith.constant 272 : index
      %get3A_486 = tpu.vector_load %arg6[%get3A_484, %get3A_485] {strides = array<i32>} : memref<192x512xf32, #tpu.memory_space<vmem>>, vector<1x16xf32>,
      %get3A_487 = vector.shape_cast %get3A_486 : vector<1x16xf32> to vector<16xf32>
      %add3A_488 = arith.constant 32 : i32
      %add3A_489 = arith.addi %add3A_488, %scan3A_227 : i32
      %get3A_490 = arith.index_cast %add3A_489 : i32 to index
      %get3A_491 = arith.constant 272 : index
      %get3A_492 = tpu.vector_load %arg6[%get3A_490, %get3A_491] {strides = array<i32>} : memref<192x512xf32, #tpu.memory_space<vmem>>, vector<1x16xf32>,
      %get3A_493 = vector.shape_cast %get3A_492 : vector<1x16xf32> to vector<16xf32>
      %sub3A_494 = arith.subf %get3A_487, %get3A_493 : vector<16xf32>
      %mul3A_495 = arith.mulf %sub3A_494, %sub3A_494 : vector<16xf32>
      %add3A_496 = arith.addf %mul3A_495, %add3A_481 : vector<16xf32>
      %add3A_497 = arith.constant 128 : i32
      %add3A_498 = arith.addi %add3A_497, %scan3A_227 : i32
      %get3A_499 = arith.index_cast %add3A_498 : i32 to index
      %get3A_500 = arith.constant 288 : index
      %get3A_501 = tpu.vector_load %arg6[%get3A_499, %get3A_500] {strides = array<i32>} : memref<192x512xf32, #tpu.memory_space<vmem>>, vector<1x16xf32>,
      %get3A_502 = vector.shape_cast %get3A_501 : vector<1x16xf32> to vector<16xf32>
      %add3A_503 = arith.constant 32 : i32
      %add3A_504 = arith.addi %add3A_503, %scan3A_227 : i32
      %get3A_505 = arith.index_cast %add3A_504 : i32 to index
      %get3A_506 = arith.constant 288 : index
      %get3A_507 = tpu.vector_load %arg6[%get3A_505, %get3A_506] {strides = array<i32>} : memref<192x512xf32, #tpu.memory_space<vmem>>, vector<1x16xf32>,
      %get3A_508 = vector.shape_cast %get3A_507 : vector<1x16xf32> to vector<16xf32>
      %sub3A_509 = arith.subf %get3A_502, %get3A_508 : vector<16xf32>
      %mul3A_510 = arith.mulf %sub3A_509, %sub3A_509 : vector<16xf32>
      %add3A_511 = arith.addf %mul3A_510, %add3A_496 : vector<16xf32>
      %add3A_512 = arith.constant 128 : i32
      %add3A_513 = arith.addi %add3A_512, %scan3A_227 : i32
      %get3A_514 = arith.index_cast %add3A_513 : i32 to index
      %get3A_515 = arith.constant 304 : index
      %get3A_516 = tpu.vector_load %arg6[%get3A_514, %get3A_515] {strides = array<i32>} : memref<192x512xf32, #tpu.memory_space<vmem>>, vector<1x16xf32>,
      %get3A_517 = vector.shape_cast %get3A_516 : vector<1x16xf32> to vector<16xf32>
      %add3A_518 = arith.constant 32 : i32
      %add3A_519 = arith.addi %add3A_518, %scan3A_227 : i32
      %get3A_520 = arith.index_cast %add3A_519 : i32 to index
      %get3A_521 = arith.constant 304 : index
      %get3A_522 = tpu.vector_load %arg6[%get3A_520, %get3A_521] {strides = array<i32>} : memref<192x512xf32, #tpu.memory_space<vmem>>, vector<1x16xf32>,
      %get3A_523 = vector.shape_cast %get3A_522 : vector<1x16xf32> to vector<16xf32>
      %sub3A_524 = arith.subf %get3A_517, %get3A_523 : vector<16xf32>
      %mul3A_525 = arith.mulf %sub3A_524, %sub3A_524 : vector<16xf32>
      %add3A_526 = arith.addf %mul3A_525, %add3A_511 : vector<16xf32>
      %add3A_527 = arith.constant 128 : i32
      %add3A_528 = arith.addi %add3A_527, %scan3A_227 : i32
      %get3A_529 = arith.index_cast %add3A_528 : i32 to index
      %get3A_530 = arith.constant 320 : index
      %get3A_531 = tpu.vector_load %arg6[%get3A_529, %get3A_530] {strides = array<i32>} : memref<192x512xf32, #tpu.memory_space<vmem>>, vector<1x16xf32>,
      %get3A_532 = vector.shape_cast %get3A_531 : vector<1x16xf32> to vector<16xf32>
      %add3A_533 = arith.constant 32 : i32
      %add3A_534 = arith.addi %add3A_533, %scan3A_227 : i32
      %get3A_535 = arith.index_cast %add3A_534 : i32 to index
      %get3A_536 = arith.constant 320 : index
      %get3A_537 = tpu.vector_load %arg6[%get3A_535, %get3A_536] {strides = array<i32>} : memref<192x512xf32, #tpu.memory_space<vmem>>, vector<1x16xf32>,
      %get3A_538 = vector.shape_cast %get3A_537 : vector<1x16xf32> to vector<16xf32>
      %sub3A_539 = arith.subf %get3A_532, %get3A_538 : vector<16xf32>
      %mul3A_540 = arith.mulf %sub3A_539, %sub3A_539 : vector<16xf32>
      %add3A_541 = arith.addf %mul3A_540, %add3A_526 : vector<16xf32>
      %add3A_542 = arith.constant 128 : i32
      %add3A_543 = arith.addi %add3A_542, %scan3A_227 : i32
      %get3A_544 = arith.index_cast %add3A_543 : i32 to index
      %get3A_545 = arith.constant 336 : index
      %get3A_546 = tpu.vector_load %arg6[%get3A_544, %get3A_545] {strides = array<i32>} : memref<192x512xf32, #tpu.memory_space<vmem>>, vector<1x16xf32>,
      %get3A_547 = vector.shape_cast %get3A_546 : vector<1x16xf32> to vector<16xf32>
      %add3A_548 = arith.constant 32 : i32
      %add3A_549 = arith.addi %add3A_548, %scan3A_227 : i32
      %get3A_550 = arith.index_cast %add3A_549 : i32 to index
      %get3A_551 = arith.constant 336 : index
      %get3A_552 = tpu.vector_load %arg6[%get3A_550, %get3A_551] {strides = array<i32>} : memref<192x512xf32, #tpu.memory_space<vmem>>, vector<1x16xf32>,
      %get3A_553 = vector.shape_cast %get3A_552 : vector<1x16xf32> to vector<16xf32>
      %sub3A_554 = arith.subf %get3A_547, %get3A_553 : vector<16xf32>
      %mul3A_555 = arith.mulf %sub3A_554, %sub3A_554 : vector<16xf32>
      %add3A_556 = arith.addf %mul3A_555, %add3A_541 : vector<16xf32>
      %add3A_557 = arith.constant 128 : i32
      %add3A_558 = arith.addi %add3A_557, %scan3A_227 : i32
      %get3A_559 = arith.index_cast %add3A_558 : i32 to index
      %get3A_560 = arith.constant 352 : index
      %get3A_561 = tpu.vector_load %arg6[%get3A_559, %get3A_560] {strides = array<i32>} : memref<192x512xf32, #tpu.memory_space<vmem>>, vector<1x16xf32>,
      %get3A_562 = vector.shape_cast %get3A_561 : vector<1x16xf32> to vector<16xf32>
      %add3A_563 = arith.constant 32 : i32
      %add3A_564 = arith.addi %add3A_563, %scan3A_227 : i32
      %get3A_565 = arith.index_cast %add3A_564 : i32 to index
      %get3A_566 = arith.constant 352 : index
      %get3A_567 = tpu.vector_load %arg6[%get3A_565, %get3A_566] {strides = array<i32>} : memref<192x512xf32, #tpu.memory_space<vmem>>, vector<1x16xf32>,
      %get3A_568 = vector.shape_cast %get3A_567 : vector<1x16xf32> to vector<16xf32>
      %sub3A_569 = arith.subf %get3A_562, %get3A_568 : vector<16xf32>
      %mul3A_570 = arith.mulf %sub3A_569, %sub3A_569 : vector<16xf32>
      %add3A_571 = arith.addf %mul3A_570, %add3A_556 : vector<16xf32>
      %add3A_572 = arith.constant 128 : i32
      %add3A_573 = arith.addi %add3A_572, %scan3A_227 : i32
      %get3A_574 = arith.index_cast %add3A_573 : i32 to index
      %get3A_575 = arith.constant 368 : index
      %get3A_576 = tpu.vector_load %arg6[%get3A_574, %get3A_575] {strides = array<i32>} : memref<192x512xf32, #tpu.memory_space<vmem>>, vector<1x16xf32>,
      %get3A_577 = vector.shape_cast %get3A_576 : vector<1x16xf32> to vector<16xf32>
      %add3A_578 = arith.constant 32 : i32
      %add3A_579 = arith.addi %add3A_578, %scan3A_227 : i32
      %get3A_580 = arith.index_cast %add3A_579 : i32 to index
      %get3A_581 = arith.constant 368 : index
      %get3A_582 = tpu.vector_load %arg6[%get3A_580, %get3A_581] {strides = array<i32>} : memref<192x512xf32, #tpu.memory_space<vmem>>, vector<1x16xf32>,
      %get3A_583 = vector.shape_cast %get3A_582 : vector<1x16xf32> to vector<16xf32>
      %sub3A_584 = arith.subf %get3A_577, %get3A_583 : vector<16xf32>
      %mul3A_585 = arith.mulf %sub3A_584, %sub3A_584 : vector<16xf32>
      %add3A_586 = arith.addf %mul3A_585, %add3A_571 : vector<16xf32>
      %add3A_587 = arith.constant 128 : i32
      %add3A_588 = arith.addi %add3A_587, %scan3A_227 : i32
      %get3A_589 = arith.index_cast %add3A_588 : i32 to index
      %get3A_590 = arith.constant 384 : index
      %get3A_591 = tpu.vector_load %arg6[%get3A_589, %get3A_590] {strides = array<i32>} : memref<192x512xf32, #tpu.memory_space<vmem>>, vector<1x16xf32>,
      %get3A_592 = vector.shape_cast %get3A_591 : vector<1x16xf32> to vector<16xf32>
      %add3A_593 = arith.constant 32 : i32
      %add3A_594 = arith.addi %add3A_593, %scan3A_227 : i32
      %get3A_595 = arith.index_cast %add3A_594 : i32 to index
      %get3A_596 = arith.constant 384 : index
      %get3A_597 = tpu.vector_load %arg6[%get3A_595, %get3A_596] {strides = array<i32>} : memref<192x512xf32, #tpu.memory_space<vmem>>, vector<1x16xf32>,
      %get3A_598 = vector.shape_cast %get3A_597 : vector<1x16xf32> to vector<16xf32>
      %sub3A_599 = arith.subf %get3A_592, %get3A_598 : vector<16xf32>
      %mul3A_600 = arith.mulf %sub3A_599, %sub3A_599 : vector<16xf32>
      %add3A_601 = arith.addf %mul3A_600, %add3A_586 : vector<16xf32>
      %add3A_602 = arith.constant 128 : i32
      %add3A_603 = arith.addi %add3A_602, %scan3A_227 : i32
      %get3A_604 = arith.index_cast %add3A_603 : i32 to index
      %get3A_605 = arith.constant 400 : index
      %get3A_606 = tpu.vector_load %arg6[%get3A_604, %get3A_605] {strides = array<i32>} : memref<192x512xf32, #tpu.memory_space<vmem>>, vector<1x16xf32>,
      %get3A_607 = vector.shape_cast %get3A_606 : vector<1x16xf32> to vector<16xf32>
      %add3A_608 = arith.constant 32 : i32
      %add3A_609 = arith.addi %add3A_608, %scan3A_227 : i32
      %get3A_610 = arith.index_cast %add3A_609 : i32 to index
      %get3A_611 = arith.constant 400 : index
      %get3A_612 = tpu.vector_load %arg6[%get3A_610, %get3A_611] {strides = array<i32>} : memref<192x512xf32, #tpu.memory_space<vmem>>, vector<1x16xf32>,
      %get3A_613 = vector.shape_cast %get3A_612 : vector<1x16xf32> to vector<16xf32>
      %sub3A_614 = arith.subf %get3A_607, %get3A_613 : vector<16xf32>
      %mul3A_615 = arith.mulf %sub3A_614, %sub3A_614 : vector<16xf32>
      %add3A_616 = arith.addf %mul3A_615, %add3A_601 : vector<16xf32>
      %add3A_617 = arith.constant 128 : i32
      %add3A_618 = arith.addi %add3A_617, %scan3A_227 : i32
      %get3A_619 = arith.index_cast %add3A_618 : i32 to index
      %get3A_620 = arith.constant 416 : index
      %get3A_621 = tpu.vector_load %arg6[%get3A_619, %get3A_620] {strides = array<i32>} : memref<192x512xf32, #tpu.memory_space<vmem>>, vector<1x16xf32>,
      %get3A_622 = vector.shape_cast %get3A_621 : vector<1x16xf32> to vector<16xf32>
      %add3A_623 = arith.constant 32 : i32
      %add3A_624 = arith.addi %add3A_623, %scan3A_227 : i32
      %get3A_625 = arith.index_cast %add3A_624 : i32 to index
      %get3A_626 = arith.constant 416 : index
      %get3A_627 = tpu.vector_load %arg6[%get3A_625, %get3A_626] {strides = array<i32>} : memref<192x512xf32, #tpu.memory_space<vmem>>, vector<1x16xf32>,
      %get3A_628 = vector.shape_cast %get3A_627 : vector<1x16xf32> to vector<16xf32>
      %sub3A_629 = arith.subf %get3A_622, %get3A_628 : vector<16xf32>
      %mul3A_630 = arith.mulf %sub3A_629, %sub3A_629 : vector<16xf32>
      %add3A_631 = arith.addf %mul3A_630, %add3A_616 : vector<16xf32>
      %add3A_632 = arith.constant 128 : i32
      %add3A_633 = arith.addi %add3A_632, %scan3A_227 : i32
      %get3A_634 = arith.index_cast %add3A_633 : i32 to index
      %get3A_635 = arith.constant 432 : index
      %get3A_636 = tpu.vector_load %arg6[%get3A_634, %get3A_635] {strides = array<i32>} : memref<192x512xf32, #tpu.memory_space<vmem>>, vector<1x16xf32>,
      %get3A_637 = vector.shape_cast %get3A_636 : vector<1x16xf32> to vector<16xf32>
      %add3A_638 = arith.constant 32 : i32
      %add3A_639 = arith.addi %add3A_638, %scan3A_227 : i32
      %get3A_640 = arith.index_cast %add3A_639 : i32 to index
      %get3A_641 = arith.constant 432 : index
      %get3A_642 = tpu.vector_load %arg6[%get3A_640, %get3A_641] {strides = array<i32>} : memref<192x512xf32, #tpu.memory_space<vmem>>, vector<1x16xf32>,
      %get3A_643 = vector.shape_cast %get3A_642 : vector<1x16xf32> to vector<16xf32>
      %sub3A_644 = arith.subf %get3A_637, %get3A_643 : vector<16xf32>
      %mul3A_645 = arith.mulf %sub3A_644, %sub3A_644 : vector<16xf32>
      %add3A_646 = arith.addf %mul3A_645, %add3A_631 : vector<16xf32>
      %add3A_647 = arith.constant 128 : i32
      %add3A_648 = arith.addi %add3A_647, %scan3A_227 : i32
      %get3A_649 = arith.index_cast %add3A_648 : i32 to index
      %get3A_650 = arith.constant 448 : index
      %get3A_651 = tpu.vector_load %arg6[%get3A_649, %get3A_650] {strides = array<i32>} : memref<192x512xf32, #tpu.memory_space<vmem>>, vector<1x16xf32>,
      %get3A_652 = vector.shape_cast %get3A_651 : vector<1x16xf32> to vector<16xf32>
      %add3A_653 = arith.constant 32 : i32
      %add3A_654 = arith.addi %add3A_653, %scan3A_227 : i32
      %get3A_655 = arith.index_cast %add3A_654 : i32 to index
      %get3A_656 = arith.constant 448 : index
      %get3A_657 = tpu.vector_load %arg6[%get3A_655, %get3A_656] {strides = array<i32>} : memref<192x512xf32, #tpu.memory_space<vmem>>, vector<1x16xf32>,
      %get3A_658 = vector.shape_cast %get3A_657 : vector<1x16xf32> to vector<16xf32>
      %sub3A_659 = arith.subf %get3A_652, %get3A_658 : vector<16xf32>
      %mul3A_660 = arith.mulf %sub3A_659, %sub3A_659 : vector<16xf32>
      %add3A_661 = arith.addf %mul3A_660, %add3A_646 : vector<16xf32>
      %add3A_662 = arith.constant 128 : i32
      %add3A_663 = arith.addi %add3A_662, %scan3A_227 : i32
      %get3A_664 = arith.index_cast %add3A_663 : i32 to index
      %get3A_665 = arith.constant 464 : index
      %get3A_666 = tpu.vector_load %arg6[%get3A_664, %get3A_665] {strides = array<i32>} : memref<192x512xf32, #tpu.memory_space<vmem>>, vector<1x16xf32>,
      %get3A_667 = vector.shape_cast %get3A_666 : vector<1x16xf32> to vector<16xf32>
      %add3A_668 = arith.constant 32 : i32
      %add3A_669 = arith.addi %add3A_668, %scan3A_227 : i32
      %get3A_670 = arith.index_cast %add3A_669 : i32 to index
      %get3A_671 = arith.constant 464 : index
      %get3A_672 = tpu.vector_load %arg6[%get3A_670, %get3A_671] {strides = array<i32>} : memref<192x512xf32, #tpu.memory_space<vmem>>, vector<1x16xf32>,
      %get3A_673 = vector.shape_cast %get3A_672 : vector<1x16xf32> to vector<16xf32>
      %sub3A_674 = arith.subf %get3A_667, %get3A_673 : vector<16xf32>
      %mul3A_675 = arith.mulf %sub3A_674, %sub3A_674 : vector<16xf32>
      %add3A_676 = arith.addf %mul3A_675, %add3A_661 : vector<16xf32>
      %add3A_677 = arith.constant 128 : i32
      %add3A_678 = arith.addi %add3A_677, %scan3A_227 : i32
      %get3A_679 = arith.index_cast %add3A_678 : i32 to index
      %get3A_680 = arith.constant 480 : index
      %get3A_681 = tpu.vector_load %arg6[%get3A_679, %get3A_680] {strides = array<i32>} : memref<192x512xf32, #tpu.memory_space<vmem>>, vector<1x16xf32>,
      %get3A_682 = vector.shape_cast %get3A_681 : vector<1x16xf32> to vector<16xf32>
      %add3A_683 = arith.constant 32 : i32
      %add3A_684 = arith.addi %add3A_683, %scan3A_227 : i32
      %get3A_685 = arith.index_cast %add3A_684 : i32 to index
      %get3A_686 = arith.constant 480 : index
      %get3A_687 = tpu.vector_load %arg6[%get3A_685, %get3A_686] {strides = array<i32>} : memref<192x512xf32, #tpu.memory_space<vmem>>, vector<1x16xf32>,
      %get3A_688 = vector.shape_cast %get3A_687 : vector<1x16xf32> to vector<16xf32>
      %sub3A_689 = arith.subf %get3A_682, %get3A_688 : vector<16xf32>
      %mul3A_690 = arith.mulf %sub3A_689, %sub3A_689 : vector<16xf32>
      %add3A_691 = arith.addf %mul3A_690, %add3A_676 : vector<16xf32>
      %add3A_692 = arith.constant 128 : i32
      %add3A_693 = arith.addi %add3A_692, %scan3A_227 : i32
      %get3A_694 = arith.index_cast %add3A_693 : i32 to index
      %get3A_695 = arith.constant 496 : index
      %get3A_696 = tpu.vector_load %arg6[%get3A_694, %get3A_695] {strides = array<i32>} : memref<192x512xf32, #tpu.memory_space<vmem>>, vector<1x16xf32>,
      %get3A_697 = vector.shape_cast %get3A_696 : vector<1x16xf32> to vector<16xf32>
      %add3A_698 = arith.constant 32 : i32
      %add3A_699 = arith.addi %add3A_698, %scan3A_227 : i32
      %get3A_700 = arith.index_cast %add3A_699 : i32 to index
      %get3A_701 = arith.constant 496 : index
      %get3A_702 = tpu.vector_load %arg6[%get3A_700, %get3A_701] {strides = array<i32>} : memref<192x512xf32, #tpu.memory_space<vmem>>, vector<1x16xf32>,
      %get3A_703 = vector.shape_cast %get3A_702 : vector<1x16xf32> to vector<16xf32>
      %sub3A_704 = arith.subf %get3A_697, %get3A_703 : vector<16xf32>
      %mul3A_705 = arith.mulf %sub3A_704, %sub3A_704 : vector<16xf32>
      %add3A_706 = arith.addf %mul3A_705, %add3A_691 : vector<16xf32>
      scf.yield %add3A_706 : vector<16xf32>
    }
    %scan3A_172 = arith.constant 32 : i32
    %dma_wait3A_173 = arith.constant 64 : i32
    %dma_wait3A_174 = arith.constant 0 : i32
    %dma_wait3A_175 = tpu.memref_slice %arg6[%dma_wait3A_173, %dma_wait3A_174] : memref<192x512xf32, #tpu.memory_space<vmem>> -> memref<32x512xf32, #tpu.memory_space<vmem>>
    %dma_wait3A_176 = arith.constant 64 : i32
    %dma_wait3A_177 = tpu.memref_slice %arg7[%dma_wait3A_176] : memref<128xi32, #tpu.memory_space<vmem>> -> memref<32xi32, #tpu.memory_space<vmem>>
    %dma_wait3A_178 = arith.constant 0 : i32
    %dma_wait3A_179 = arith.constant 0 : i32
    %dma_wait3A_180 = tpu.memref_slice %arg4[%dma_wait3A_178, %dma_wait3A_179] : memref<10000x512xf32, #tpu.memory_space<hbm>> -> memref<10000x512xf32, #tpu.memory_space<hbm>>
    tpu.wait_indirect_dma semaphore(%arg15 : memref<!tpu.dma_semaphore, #tpu.memory_space<semaphore_mem>>) src(%dma_wait3A_180 : memref<10000x512xf32, #tpu.memory_space<hbm>>) dst(%dma_wait3A_175 : memref<32x512xf32, #tpu.memory_space<vmem>>)
    %dma_wait3A_181 = arith.constant 160 : i32
    %dma_wait3A_182 = arith.constant 0 : i32
    %dma_wait3A_183 = tpu.memref_slice %arg6[%dma_wait3A_181, %dma_wait3A_182] : memref<192x512xf32, #tpu.memory_space<vmem>> -> memref<32x512xf32, #tpu.memory_space<vmem>>
    %dma_wait3A_184 = arith.constant 0 : i32
    %dma_wait3A_185 = tpu.memref_slice %arg2[%add3A_71, %dma_wait3A_184] : memref<4096x512xf32, #tpu.memory_space<hbm>> -> memref<32x512xf32, #tpu.memory_space<hbm>>
    %dma_wait3A_186 = arith.constant 160 : i32
    %dma_wait3A_187 = arith.constant 0 : i32
    %dma_wait3A_188 = tpu.memref_slice %arg6[%dma_wait3A_186, %dma_wait3A_187] : memref<192x512xf32, #tpu.memory_space<vmem>> -> memref<32x512xf32, #tpu.memory_space<vmem>>
    %dma_wait3A_189 = arith.constant 0 : i32
    %dma_wait3A_190 = tpu.memref_slice %arg2[%add3A_71, %dma_wait3A_189] : memref<4096x512xf32, #tpu.memory_space<hbm>> -> memref<32x512xf32, #tpu.memory_space<hbm>>
    tpu.wait_dma2 semaphore(%arg16 : memref<!tpu.dma_semaphore, #tpu.memory_space<semaphore_mem>>) src(%dma_wait3A_190 : memref<32x512xf32, #tpu.memory_space<hbm>>) dst(%dma_wait3A_188 : memref<32x512xf32, #tpu.memory_space<vmem>>)
    %scan3A_191 = arith.constant 0 : i32
    %scan3A_192 = arith.constant 32 : i32
    %scan3A_193 = arith.addi %scan3A_191, %scan3A_192 : i32
    %scan3A_194 = arith.constant 1 : i32
    %scan3A_195 = scf.for %scan3A_227 = %scan3A_191 to %scan3A_193 step %scan3A_194 iter_args(%scan3A_228 = %scan3A_171) -> (vector<16xf32>)  : i32 {
      %add3A_229 = arith.constant 160 : i32
      %add3A_230 = arith.addi %add3A_229, %scan3A_227 : i32
      %get3A = arith.index_cast %add3A_230 : i32 to index
      %get3A_231 = arith.constant 0 : index
      %get3A_232 = tpu.vector_load %arg6[%get3A, %get3A_231] {strides = array<i32>} : memref<192x512xf32, #tpu.memory_space<vmem>>, vector<1x16xf32>,
      %get3A_233 = vector.shape_cast %get3A_232 : vector<1x16xf32> to vector<16xf32>
      %add3A_234 = arith.constant 64 : i32
      %add3A_235 = arith.addi %add3A_234, %scan3A_227 : i32
      %get3A_236 = arith.index_cast %add3A_235 : i32 to index
      %get3A_237 = arith.constant 0 : index
      %get3A_238 = tpu.vector_load %arg6[%get3A_236, %get3A_237] {strides = array<i32>} : memref<192x512xf32, #tpu.memory_space<vmem>>, vector<1x16xf32>,
      %get3A_239 = vector.shape_cast %get3A_238 : vector<1x16xf32> to vector<16xf32>
      %sub3A = arith.subf %get3A_233, %get3A_239 : vector<16xf32>
      %mul3A_240 = arith.mulf %sub3A, %sub3A : vector<16xf32>
      %add3A_241 = arith.addf %mul3A_240, %scan3A_228 : vector<16xf32>
      %add3A_242 = arith.constant 160 : i32
      %add3A_243 = arith.addi %add3A_242, %scan3A_227 : i32
      %get3A_244 = arith.index_cast %add3A_243 : i32 to index
      %get3A_245 = arith.constant 16 : index
      %get3A_246 = tpu.vector_load %arg6[%get3A_244, %get3A_245] {strides = array<i32>} : memref<192x512xf32, #tpu.memory_space<vmem>>, vector<1x16xf32>,
      %get3A_247 = vector.shape_cast %get3A_246 : vector<1x16xf32> to vector<16xf32>
      %add3A_248 = arith.constant 64 : i32
      %add3A_249 = arith.addi %add3A_248, %scan3A_227 : i32
      %get3A_250 = arith.index_cast %add3A_249 : i32 to index
      %get3A_251 = arith.constant 16 : index
      %get3A_252 = tpu.vector_load %arg6[%get3A_250, %get3A_251] {strides = array<i32>} : memref<192x512xf32, #tpu.memory_space<vmem>>, vector<1x16xf32>,
      %get3A_253 = vector.shape_cast %get3A_252 : vector<1x16xf32> to vector<16xf32>
      %sub3A_254 = arith.subf %get3A_247, %get3A_253 : vector<16xf32>
      %mul3A_255 = arith.mulf %sub3A_254, %sub3A_254 : vector<16xf32>
      %add3A_256 = arith.addf %mul3A_255, %add3A_241 : vector<16xf32>
      %add3A_257 = arith.constant 160 : i32
      %add3A_258 = arith.addi %add3A_257, %scan3A_227 : i32
      %get3A_259 = arith.index_cast %add3A_258 : i32 to index
      %get3A_260 = arith.constant 32 : index
      %get3A_261 = tpu.vector_load %arg6[%get3A_259, %get3A_260] {strides = array<i32>} : memref<192x512xf32, #tpu.memory_space<vmem>>, vector<1x16xf32>,
      %get3A_262 = vector.shape_cast %get3A_261 : vector<1x16xf32> to vector<16xf32>
      %add3A_263 = arith.constant 64 : i32
      %add3A_264 = arith.addi %add3A_263, %scan3A_227 : i32
      %get3A_265 = arith.index_cast %add3A_264 : i32 to index
      %get3A_266 = arith.constant 32 : index
      %get3A_267 = tpu.vector_load %arg6[%get3A_265, %get3A_266] {strides = array<i32>} : memref<192x512xf32, #tpu.memory_space<vmem>>, vector<1x16xf32>,
      %get3A_268 = vector.shape_cast %get3A_267 : vector<1x16xf32> to vector<16xf32>
      %sub3A_269 = arith.subf %get3A_262, %get3A_268 : vector<16xf32>
      %mul3A_270 = arith.mulf %sub3A_269, %sub3A_269 : vector<16xf32>
      %add3A_271 = arith.addf %mul3A_270, %add3A_256 : vector<16xf32>
      %add3A_272 = arith.constant 160 : i32
      %add3A_273 = arith.addi %add3A_272, %scan3A_227 : i32
      %get3A_274 = arith.index_cast %add3A_273 : i32 to index
      %get3A_275 = arith.constant 48 : index
      %get3A_276 = tpu.vector_load %arg6[%get3A_274, %get3A_275] {strides = array<i32>} : memref<192x512xf32, #tpu.memory_space<vmem>>, vector<1x16xf32>,
      %get3A_277 = vector.shape_cast %get3A_276 : vector<1x16xf32> to vector<16xf32>
      %add3A_278 = arith.constant 64 : i32
      %add3A_279 = arith.addi %add3A_278, %scan3A_227 : i32
      %get3A_280 = arith.index_cast %add3A_279 : i32 to index
      %get3A_281 = arith.constant 48 : index
      %get3A_282 = tpu.vector_load %arg6[%get3A_280, %get3A_281] {strides = array<i32>} : memref<192x512xf32, #tpu.memory_space<vmem>>, vector<1x16xf32>,
      %get3A_283 = vector.shape_cast %get3A_282 : vector<1x16xf32> to vector<16xf32>
      %sub3A_284 = arith.subf %get3A_277, %get3A_283 : vector<16xf32>
      %mul3A_285 = arith.mulf %sub3A_284, %sub3A_284 : vector<16xf32>
      %add3A_286 = arith.addf %mul3A_285, %add3A_271 : vector<16xf32>
      %add3A_287 = arith.constant 160 : i32
      %add3A_288 = arith.addi %add3A_287, %scan3A_227 : i32
      %get3A_289 = arith.index_cast %add3A_288 : i32 to index
      %get3A_290 = arith.constant 64 : index
      %get3A_291 = tpu.vector_load %arg6[%get3A_289, %get3A_290] {strides = array<i32>} : memref<192x512xf32, #tpu.memory_space<vmem>>, vector<1x16xf32>,
      %get3A_292 = vector.shape_cast %get3A_291 : vector<1x16xf32> to vector<16xf32>
      %add3A_293 = arith.constant 64 : i32
      %add3A_294 = arith.addi %add3A_293, %scan3A_227 : i32
      %get3A_295 = arith.index_cast %add3A_294 : i32 to index
      %get3A_296 = arith.constant 64 : index
      %get3A_297 = tpu.vector_load %arg6[%get3A_295, %get3A_296] {strides = array<i32>} : memref<192x512xf32, #tpu.memory_space<vmem>>, vector<1x16xf32>,
      %get3A_298 = vector.shape_cast %get3A_297 : vector<1x16xf32> to vector<16xf32>
      %sub3A_299 = arith.subf %get3A_292, %get3A_298 : vector<16xf32>
      %mul3A_300 = arith.mulf %sub3A_299, %sub3A_299 : vector<16xf32>
      %add3A_301 = arith.addf %mul3A_300, %add3A_286 : vector<16xf32>
      %add3A_302 = arith.constant 160 : i32
      %add3A_303 = arith.addi %add3A_302, %scan3A_227 : i32
      %get3A_304 = arith.index_cast %add3A_303 : i32 to index
      %get3A_305 = arith.constant 80 : index
      %get3A_306 = tpu.vector_load %arg6[%get3A_304, %get3A_305] {strides = array<i32>} : memref<192x512xf32, #tpu.memory_space<vmem>>, vector<1x16xf32>,
      %get3A_307 = vector.shape_cast %get3A_306 : vector<1x16xf32> to vector<16xf32>
      %add3A_308 = arith.constant 64 : i32
      %add3A_309 = arith.addi %add3A_308, %scan3A_227 : i32
      %get3A_310 = arith.index_cast %add3A_309 : i32 to index
      %get3A_311 = arith.constant 80 : index
      %get3A_312 = tpu.vector_load %arg6[%get3A_310, %get3A_311] {strides = array<i32>} : memref<192x512xf32, #tpu.memory_space<vmem>>, vector<1x16xf32>,
      %get3A_313 = vector.shape_cast %get3A_312 : vector<1x16xf32> to vector<16xf32>
      %sub3A_314 = arith.subf %get3A_307, %get3A_313 : vector<16xf32>
      %mul3A_315 = arith.mulf %sub3A_314, %sub3A_314 : vector<16xf32>
      %add3A_316 = arith.addf %mul3A_315, %add3A_301 : vector<16xf32>
      %add3A_317 = arith.constant 160 : i32
      %add3A_318 = arith.addi %add3A_317, %scan3A_227 : i32
      %get3A_319 = arith.index_cast %add3A_318 : i32 to index
      %get3A_320 = arith.constant 96 : index
      %get3A_321 = tpu.vector_load %arg6[%get3A_319, %get3A_320] {strides = array<i32>} : memref<192x512xf32, #tpu.memory_space<vmem>>, vector<1x16xf32>,
      %get3A_322 = vector.shape_cast %get3A_321 : vector<1x16xf32> to vector<16xf32>
      %add3A_323 = arith.constant 64 : i32
      %add3A_324 = arith.addi %add3A_323, %scan3A_227 : i32
      %get3A_325 = arith.index_cast %add3A_324 : i32 to index
      %get3A_326 = arith.constant 96 : index
      %get3A_327 = tpu.vector_load %arg6[%get3A_325, %get3A_326] {strides = array<i32>} : memref<192x512xf32, #tpu.memory_space<vmem>>, vector<1x16xf32>,
      %get3A_328 = vector.shape_cast %get3A_327 : vector<1x16xf32> to vector<16xf32>
      %sub3A_329 = arith.subf %get3A_322, %get3A_328 : vector<16xf32>
      %mul3A_330 = arith.mulf %sub3A_329, %sub3A_329 : vector<16xf32>
      %add3A_331 = arith.addf %mul3A_330, %add3A_316 : vector<16xf32>
      %add3A_332 = arith.constant 160 : i32
      %add3A_333 = arith.addi %add3A_332, %scan3A_227 : i32
      %get3A_334 = arith.index_cast %add3A_333 : i32 to index
      %get3A_335 = arith.constant 112 : index
      %get3A_336 = tpu.vector_load %arg6[%get3A_334, %get3A_335] {strides = array<i32>} : memref<192x512xf32, #tpu.memory_space<vmem>>, vector<1x16xf32>,
      %get3A_337 = vector.shape_cast %get3A_336 : vector<1x16xf32> to vector<16xf32>
      %add3A_338 = arith.constant 64 : i32
      %add3A_339 = arith.addi %add3A_338, %scan3A_227 : i32
      %get3A_340 = arith.index_cast %add3A_339 : i32 to index
      %get3A_341 = arith.constant 112 : index
      %get3A_342 = tpu.vector_load %arg6[%get3A_340, %get3A_341] {strides = array<i32>} : memref<192x512xf32, #tpu.memory_space<vmem>>, vector<1x16xf32>,
      %get3A_343 = vector.shape_cast %get3A_342 : vector<1x16xf32> to vector<16xf32>
      %sub3A_344 = arith.subf %get3A_337, %get3A_343 : vector<16xf32>
      %mul3A_345 = arith.mulf %sub3A_344, %sub3A_344 : vector<16xf32>
      %add3A_346 = arith.addf %mul3A_345, %add3A_331 : vector<16xf32>
      %add3A_347 = arith.constant 160 : i32
      %add3A_348 = arith.addi %add3A_347, %scan3A_227 : i32
      %get3A_349 = arith.index_cast %add3A_348 : i32 to index
      %get3A_350 = arith.constant 128 : index
      %get3A_351 = tpu.vector_load %arg6[%get3A_349, %get3A_350] {strides = array<i32>} : memref<192x512xf32, #tpu.memory_space<vmem>>, vector<1x16xf32>,
      %get3A_352 = vector.shape_cast %get3A_351 : vector<1x16xf32> to vector<16xf32>
      %add3A_353 = arith.constant 64 : i32
      %add3A_354 = arith.addi %add3A_353, %scan3A_227 : i32
      %get3A_355 = arith.index_cast %add3A_354 : i32 to index
      %get3A_356 = arith.constant 128 : index
      %get3A_357 = tpu.vector_load %arg6[%get3A_355, %get3A_356] {strides = array<i32>} : memref<192x512xf32, #tpu.memory_space<vmem>>, vector<1x16xf32>,
      %get3A_358 = vector.shape_cast %get3A_357 : vector<1x16xf32> to vector<16xf32>
      %sub3A_359 = arith.subf %get3A_352, %get3A_358 : vector<16xf32>
      %mul3A_360 = arith.mulf %sub3A_359, %sub3A_359 : vector<16xf32>
      %add3A_361 = arith.addf %mul3A_360, %add3A_346 : vector<16xf32>
      %add3A_362 = arith.constant 160 : i32
      %add3A_363 = arith.addi %add3A_362, %scan3A_227 : i32
      %get3A_364 = arith.index_cast %add3A_363 : i32 to index
      %get3A_365 = arith.constant 144 : index
      %get3A_366 = tpu.vector_load %arg6[%get3A_364, %get3A_365] {strides = array<i32>} : memref<192x512xf32, #tpu.memory_space<vmem>>, vector<1x16xf32>,
      %get3A_367 = vector.shape_cast %get3A_366 : vector<1x16xf32> to vector<16xf32>
      %add3A_368 = arith.constant 64 : i32
      %add3A_369 = arith.addi %add3A_368, %scan3A_227 : i32
      %get3A_370 = arith.index_cast %add3A_369 : i32 to index
      %get3A_371 = arith.constant 144 : index
      %get3A_372 = tpu.vector_load %arg6[%get3A_370, %get3A_371] {strides = array<i32>} : memref<192x512xf32, #tpu.memory_space<vmem>>, vector<1x16xf32>,
      %get3A_373 = vector.shape_cast %get3A_372 : vector<1x16xf32> to vector<16xf32>
      %sub3A_374 = arith.subf %get3A_367, %get3A_373 : vector<16xf32>
      %mul3A_375 = arith.mulf %sub3A_374, %sub3A_374 : vector<16xf32>
      %add3A_376 = arith.addf %mul3A_375, %add3A_361 : vector<16xf32>
      %add3A_377 = arith.constant 160 : i32
      %add3A_378 = arith.addi %add3A_377, %scan3A_227 : i32
      %get3A_379 = arith.index_cast %add3A_378 : i32 to index
      %get3A_380 = arith.constant 160 : index
      %get3A_381 = tpu.vector_load %arg6[%get3A_379, %get3A_380] {strides = array<i32>} : memref<192x512xf32, #tpu.memory_space<vmem>>, vector<1x16xf32>,
      %get3A_382 = vector.shape_cast %get3A_381 : vector<1x16xf32> to vector<16xf32>
      %add3A_383 = arith.constant 64 : i32
      %add3A_384 = arith.addi %add3A_383, %scan3A_227 : i32
      %get3A_385 = arith.index_cast %add3A_384 : i32 to index
      %get3A_386 = arith.constant 160 : index
      %get3A_387 = tpu.vector_load %arg6[%get3A_385, %get3A_386] {strides = array<i32>} : memref<192x512xf32, #tpu.memory_space<vmem>>, vector<1x16xf32>,
      %get3A_388 = vector.shape_cast %get3A_387 : vector<1x16xf32> to vector<16xf32>
      %sub3A_389 = arith.subf %get3A_382, %get3A_388 : vector<16xf32>
      %mul3A_390 = arith.mulf %sub3A_389, %sub3A_389 : vector<16xf32>
      %add3A_391 = arith.addf %mul3A_390, %add3A_376 : vector<16xf32>
      %add3A_392 = arith.constant 160 : i32
      %add3A_393 = arith.addi %add3A_392, %scan3A_227 : i32
      %get3A_394 = arith.index_cast %add3A_393 : i32 to index
      %get3A_395 = arith.constant 176 : index
      %get3A_396 = tpu.vector_load %arg6[%get3A_394, %get3A_395] {strides = array<i32>} : memref<192x512xf32, #tpu.memory_space<vmem>>, vector<1x16xf32>,
      %get3A_397 = vector.shape_cast %get3A_396 : vector<1x16xf32> to vector<16xf32>
      %add3A_398 = arith.constant 64 : i32
      %add3A_399 = arith.addi %add3A_398, %scan3A_227 : i32
      %get3A_400 = arith.index_cast %add3A_399 : i32 to index
      %get3A_401 = arith.constant 176 : index
      %get3A_402 = tpu.vector_load %arg6[%get3A_400, %get3A_401] {strides = array<i32>} : memref<192x512xf32, #tpu.memory_space<vmem>>, vector<1x16xf32>,
      %get3A_403 = vector.shape_cast %get3A_402 : vector<1x16xf32> to vector<16xf32>
      %sub3A_404 = arith.subf %get3A_397, %get3A_403 : vector<16xf32>
      %mul3A_405 = arith.mulf %sub3A_404, %sub3A_404 : vector<16xf32>
      %add3A_406 = arith.addf %mul3A_405, %add3A_391 : vector<16xf32>
      %add3A_407 = arith.constant 160 : i32
      %add3A_408 = arith.addi %add3A_407, %scan3A_227 : i32
      %get3A_409 = arith.index_cast %add3A_408 : i32 to index
      %get3A_410 = arith.constant 192 : index
      %get3A_411 = tpu.vector_load %arg6[%get3A_409, %get3A_410] {strides = array<i32>} : memref<192x512xf32, #tpu.memory_space<vmem>>, vector<1x16xf32>,
      %get3A_412 = vector.shape_cast %get3A_411 : vector<1x16xf32> to vector<16xf32>
      %add3A_413 = arith.constant 64 : i32
      %add3A_414 = arith.addi %add3A_413, %scan3A_227 : i32
      %get3A_415 = arith.index_cast %add3A_414 : i32 to index
      %get3A_416 = arith.constant 192 : index
      %get3A_417 = tpu.vector_load %arg6[%get3A_415, %get3A_416] {strides = array<i32>} : memref<192x512xf32, #tpu.memory_space<vmem>>, vector<1x16xf32>,
      %get3A_418 = vector.shape_cast %get3A_417 : vector<1x16xf32> to vector<16xf32>
      %sub3A_419 = arith.subf %get3A_412, %get3A_418 : vector<16xf32>
      %mul3A_420 = arith.mulf %sub3A_419, %sub3A_419 : vector<16xf32>
      %add3A_421 = arith.addf %mul3A_420, %add3A_406 : vector<16xf32>
      %add3A_422 = arith.constant 160 : i32
      %add3A_423 = arith.addi %add3A_422, %scan3A_227 : i32
      %get3A_424 = arith.index_cast %add3A_423 : i32 to index
      %get3A_425 = arith.constant 208 : index
      %get3A_426 = tpu.vector_load %arg6[%get3A_424, %get3A_425] {strides = array<i32>} : memref<192x512xf32, #tpu.memory_space<vmem>>, vector<1x16xf32>,
      %get3A_427 = vector.shape_cast %get3A_426 : vector<1x16xf32> to vector<16xf32>
      %add3A_428 = arith.constant 64 : i32
      %add3A_429 = arith.addi %add3A_428, %scan3A_227 : i32
      %get3A_430 = arith.index_cast %add3A_429 : i32 to index
      %get3A_431 = arith.constant 208 : index
      %get3A_432 = tpu.vector_load %arg6[%get3A_430, %get3A_431] {strides = array<i32>} : memref<192x512xf32, #tpu.memory_space<vmem>>, vector<1x16xf32>,
      %get3A_433 = vector.shape_cast %get3A_432 : vector<1x16xf32> to vector<16xf32>
      %sub3A_434 = arith.subf %get3A_427, %get3A_433 : vector<16xf32>
      %mul3A_435 = arith.mulf %sub3A_434, %sub3A_434 : vector<16xf32>
      %add3A_436 = arith.addf %mul3A_435, %add3A_421 : vector<16xf32>
      %add3A_437 = arith.constant 160 : i32
      %add3A_438 = arith.addi %add3A_437, %scan3A_227 : i32
      %get3A_439 = arith.index_cast %add3A_438 : i32 to index
      %get3A_440 = arith.constant 224 : index
      %get3A_441 = tpu.vector_load %arg6[%get3A_439, %get3A_440] {strides = array<i32>} : memref<192x512xf32, #tpu.memory_space<vmem>>, vector<1x16xf32>,
      %get3A_442 = vector.shape_cast %get3A_441 : vector<1x16xf32> to vector<16xf32>
      %add3A_443 = arith.constant 64 : i32
      %add3A_444 = arith.addi %add3A_443, %scan3A_227 : i32
      %get3A_445 = arith.index_cast %add3A_444 : i32 to index
      %get3A_446 = arith.constant 224 : index
      %get3A_447 = tpu.vector_load %arg6[%get3A_445, %get3A_446] {strides = array<i32>} : memref<192x512xf32, #tpu.memory_space<vmem>>, vector<1x16xf32>,
      %get3A_448 = vector.shape_cast %get3A_447 : vector<1x16xf32> to vector<16xf32>
      %sub3A_449 = arith.subf %get3A_442, %get3A_448 : vector<16xf32>
      %mul3A_450 = arith.mulf %sub3A_449, %sub3A_449 : vector<16xf32>
      %add3A_451 = arith.addf %mul3A_450, %add3A_436 : vector<16xf32>
      %add3A_452 = arith.constant 160 : i32
      %add3A_453 = arith.addi %add3A_452, %scan3A_227 : i32
      %get3A_454 = arith.index_cast %add3A_453 : i32 to index
      %get3A_455 = arith.constant 240 : index
      %get3A_456 = tpu.vector_load %arg6[%get3A_454, %get3A_455] {strides = array<i32>} : memref<192x512xf32, #tpu.memory_space<vmem>>, vector<1x16xf32>,
      %get3A_457 = vector.shape_cast %get3A_456 : vector<1x16xf32> to vector<16xf32>
      %add3A_458 = arith.constant 64 : i32
      %add3A_459 = arith.addi %add3A_458, %scan3A_227 : i32
      %get3A_460 = arith.index_cast %add3A_459 : i32 to index
      %get3A_461 = arith.constant 240 : index
      %get3A_462 = tpu.vector_load %arg6[%get3A_460, %get3A_461] {strides = array<i32>} : memref<192x512xf32, #tpu.memory_space<vmem>>, vector<1x16xf32>,
      %get3A_463 = vector.shape_cast %get3A_462 : vector<1x16xf32> to vector<16xf32>
      %sub3A_464 = arith.subf %get3A_457, %get3A_463 : vector<16xf32>
      %mul3A_465 = arith.mulf %sub3A_464, %sub3A_464 : vector<16xf32>
      %add3A_466 = arith.addf %mul3A_465, %add3A_451 : vector<16xf32>
      %add3A_467 = arith.constant 160 : i32
      %add3A_468 = arith.addi %add3A_467, %scan3A_227 : i32
      %get3A_469 = arith.index_cast %add3A_468 : i32 to index
      %get3A_470 = arith.constant 256 : index
      %get3A_471 = tpu.vector_load %arg6[%get3A_469, %get3A_470] {strides = array<i32>} : memref<192x512xf32, #tpu.memory_space<vmem>>, vector<1x16xf32>,
      %get3A_472 = vector.shape_cast %get3A_471 : vector<1x16xf32> to vector<16xf32>
      %add3A_473 = arith.constant 64 : i32
      %add3A_474 = arith.addi %add3A_473, %scan3A_227 : i32
      %get3A_475 = arith.index_cast %add3A_474 : i32 to index
      %get3A_476 = arith.constant 256 : index
      %get3A_477 = tpu.vector_load %arg6[%get3A_475, %get3A_476] {strides = array<i32>} : memref<192x512xf32, #tpu.memory_space<vmem>>, vector<1x16xf32>,
      %get3A_478 = vector.shape_cast %get3A_477 : vector<1x16xf32> to vector<16xf32>
      %sub3A_479 = arith.subf %get3A_472, %get3A_478 : vector<16xf32>
      %mul3A_480 = arith.mulf %sub3A_479, %sub3A_479 : vector<16xf32>
      %add3A_481 = arith.addf %mul3A_480, %add3A_466 : vector<16xf32>
      %add3A_482 = arith.constant 160 : i32
      %add3A_483 = arith.addi %add3A_482, %scan3A_227 : i32
      %get3A_484 = arith.index_cast %add3A_483 : i32 to index
      %get3A_485 = arith.constant 272 : index
      %get3A_486 = tpu.vector_load %arg6[%get3A_484, %get3A_485] {strides = array<i32>} : memref<192x512xf32, #tpu.memory_space<vmem>>, vector<1x16xf32>,
      %get3A_487 = vector.shape_cast %get3A_486 : vector<1x16xf32> to vector<16xf32>
      %add3A_488 = arith.constant 64 : i32
      %add3A_489 = arith.addi %add3A_488, %scan3A_227 : i32
      %get3A_490 = arith.index_cast %add3A_489 : i32 to index
      %get3A_491 = arith.constant 272 : index
      %get3A_492 = tpu.vector_load %arg6[%get3A_490, %get3A_491] {strides = array<i32>} : memref<192x512xf32, #tpu.memory_space<vmem>>, vector<1x16xf32>,
      %get3A_493 = vector.shape_cast %get3A_492 : vector<1x16xf32> to vector<16xf32>
      %sub3A_494 = arith.subf %get3A_487, %get3A_493 : vector<16xf32>
      %mul3A_495 = arith.mulf %sub3A_494, %sub3A_494 : vector<16xf32>
      %add3A_496 = arith.addf %mul3A_495, %add3A_481 : vector<16xf32>
      %add3A_497 = arith.constant 160 : i32
      %add3A_498 = arith.addi %add3A_497, %scan3A_227 : i32
      %get3A_499 = arith.index_cast %add3A_498 : i32 to index
      %get3A_500 = arith.constant 288 : index
      %get3A_501 = tpu.vector_load %arg6[%get3A_499, %get3A_500] {strides = array<i32>} : memref<192x512xf32, #tpu.memory_space<vmem>>, vector<1x16xf32>,
      %get3A_502 = vector.shape_cast %get3A_501 : vector<1x16xf32> to vector<16xf32>
      %add3A_503 = arith.constant 64 : i32
      %add3A_504 = arith.addi %add3A_503, %scan3A_227 : i32
      %get3A_505 = arith.index_cast %add3A_504 : i32 to index
      %get3A_506 = arith.constant 288 : index
      %get3A_507 = tpu.vector_load %arg6[%get3A_505, %get3A_506] {strides = array<i32>} : memref<192x512xf32, #tpu.memory_space<vmem>>, vector<1x16xf32>,
      %get3A_508 = vector.shape_cast %get3A_507 : vector<1x16xf32> to vector<16xf32>
      %sub3A_509 = arith.subf %get3A_502, %get3A_508 : vector<16xf32>
      %mul3A_510 = arith.mulf %sub3A_509, %sub3A_509 : vector<16xf32>
      %add3A_511 = arith.addf %mul3A_510, %add3A_496 : vector<16xf32>
      %add3A_512 = arith.constant 160 : i32
      %add3A_513 = arith.addi %add3A_512, %scan3A_227 : i32
      %get3A_514 = arith.index_cast %add3A_513 : i32 to index
      %get3A_515 = arith.constant 304 : index
      %get3A_516 = tpu.vector_load %arg6[%get3A_514, %get3A_515] {strides = array<i32>} : memref<192x512xf32, #tpu.memory_space<vmem>>, vector<1x16xf32>,
      %get3A_517 = vector.shape_cast %get3A_516 : vector<1x16xf32> to vector<16xf32>
      %add3A_518 = arith.constant 64 : i32
      %add3A_519 = arith.addi %add3A_518, %scan3A_227 : i32
      %get3A_520 = arith.index_cast %add3A_519 : i32 to index
      %get3A_521 = arith.constant 304 : index
      %get3A_522 = tpu.vector_load %arg6[%get3A_520, %get3A_521] {strides = array<i32>} : memref<192x512xf32, #tpu.memory_space<vmem>>, vector<1x16xf32>,
      %get3A_523 = vector.shape_cast %get3A_522 : vector<1x16xf32> to vector<16xf32>
      %sub3A_524 = arith.subf %get3A_517, %get3A_523 : vector<16xf32>
      %mul3A_525 = arith.mulf %sub3A_524, %sub3A_524 : vector<16xf32>
      %add3A_526 = arith.addf %mul3A_525, %add3A_511 : vector<16xf32>
      %add3A_527 = arith.constant 160 : i32
      %add3A_528 = arith.addi %add3A_527, %scan3A_227 : i32
      %get3A_529 = arith.index_cast %add3A_528 : i32 to index
      %get3A_530 = arith.constant 320 : index
      %get3A_531 = tpu.vector_load %arg6[%get3A_529, %get3A_530] {strides = array<i32>} : memref<192x512xf32, #tpu.memory_space<vmem>>, vector<1x16xf32>,
      %get3A_532 = vector.shape_cast %get3A_531 : vector<1x16xf32> to vector<16xf32>
      %add3A_533 = arith.constant 64 : i32
      %add3A_534 = arith.addi %add3A_533, %scan3A_227 : i32
      %get3A_535 = arith.index_cast %add3A_534 : i32 to index
      %get3A_536 = arith.constant 320 : index
      %get3A_537 = tpu.vector_load %arg6[%get3A_535, %get3A_536] {strides = array<i32>} : memref<192x512xf32, #tpu.memory_space<vmem>>, vector<1x16xf32>,
      %get3A_538 = vector.shape_cast %get3A_537 : vector<1x16xf32> to vector<16xf32>
      %sub3A_539 = arith.subf %get3A_532, %get3A_538 : vector<16xf32>
      %mul3A_540 = arith.mulf %sub3A_539, %sub3A_539 : vector<16xf32>
      %add3A_541 = arith.addf %mul3A_540, %add3A_526 : vector<16xf32>
      %add3A_542 = arith.constant 160 : i32
      %add3A_543 = arith.addi %add3A_542, %scan3A_227 : i32
      %get3A_544 = arith.index_cast %add3A_543 : i32 to index
      %get3A_545 = arith.constant 336 : index
      %get3A_546 = tpu.vector_load %arg6[%get3A_544, %get3A_545] {strides = array<i32>} : memref<192x512xf32, #tpu.memory_space<vmem>>, vector<1x16xf32>,
      %get3A_547 = vector.shape_cast %get3A_546 : vector<1x16xf32> to vector<16xf32>
      %add3A_548 = arith.constant 64 : i32
      %add3A_549 = arith.addi %add3A_548, %scan3A_227 : i32
      %get3A_550 = arith.index_cast %add3A_549 : i32 to index
      %get3A_551 = arith.constant 336 : index
      %get3A_552 = tpu.vector_load %arg6[%get3A_550, %get3A_551] {strides = array<i32>} : memref<192x512xf32, #tpu.memory_space<vmem>>, vector<1x16xf32>,
      %get3A_553 = vector.shape_cast %get3A_552 : vector<1x16xf32> to vector<16xf32>
      %sub3A_554 = arith.subf %get3A_547, %get3A_553 : vector<16xf32>
      %mul3A_555 = arith.mulf %sub3A_554, %sub3A_554 : vector<16xf32>
      %add3A_556 = arith.addf %mul3A_555, %add3A_541 : vector<16xf32>
      %add3A_557 = arith.constant 160 : i32
      %add3A_558 = arith.addi %add3A_557, %scan3A_227 : i32
      %get3A_559 = arith.index_cast %add3A_558 : i32 to index
      %get3A_560 = arith.constant 352 : index
      %get3A_561 = tpu.vector_load %arg6[%get3A_559, %get3A_560] {strides = array<i32>} : memref<192x512xf32, #tpu.memory_space<vmem>>, vector<1x16xf32>,
      %get3A_562 = vector.shape_cast %get3A_561 : vector<1x16xf32> to vector<16xf32>
      %add3A_563 = arith.constant 64 : i32
      %add3A_564 = arith.addi %add3A_563, %scan3A_227 : i32
      %get3A_565 = arith.index_cast %add3A_564 : i32 to index
      %get3A_566 = arith.constant 352 : index
      %get3A_567 = tpu.vector_load %arg6[%get3A_565, %get3A_566] {strides = array<i32>} : memref<192x512xf32, #tpu.memory_space<vmem>>, vector<1x16xf32>,
      %get3A_568 = vector.shape_cast %get3A_567 : vector<1x16xf32> to vector<16xf32>
      %sub3A_569 = arith.subf %get3A_562, %get3A_568 : vector<16xf32>
      %mul3A_570 = arith.mulf %sub3A_569, %sub3A_569 : vector<16xf32>
      %add3A_571 = arith.addf %mul3A_570, %add3A_556 : vector<16xf32>
      %add3A_572 = arith.constant 160 : i32
      %add3A_573 = arith.addi %add3A_572, %scan3A_227 : i32
      %get3A_574 = arith.index_cast %add3A_573 : i32 to index
      %get3A_575 = arith.constant 368 : index
      %get3A_576 = tpu.vector_load %arg6[%get3A_574, %get3A_575] {strides = array<i32>} : memref<192x512xf32, #tpu.memory_space<vmem>>, vector<1x16xf32>,
      %get3A_577 = vector.shape_cast %get3A_576 : vector<1x16xf32> to vector<16xf32>
      %add3A_578 = arith.constant 64 : i32
      %add3A_579 = arith.addi %add3A_578, %scan3A_227 : i32
      %get3A_580 = arith.index_cast %add3A_579 : i32 to index
      %get3A_581 = arith.constant 368 : index
      %get3A_582 = tpu.vector_load %arg6[%get3A_580, %get3A_581] {strides = array<i32>} : memref<192x512xf32, #tpu.memory_space<vmem>>, vector<1x16xf32>,
      %get3A_583 = vector.shape_cast %get3A_582 : vector<1x16xf32> to vector<16xf32>
      %sub3A_584 = arith.subf %get3A_577, %get3A_583 : vector<16xf32>
      %mul3A_585 = arith.mulf %sub3A_584, %sub3A_584 : vector<16xf32>
      %add3A_586 = arith.addf %mul3A_585, %add3A_571 : vector<16xf32>
      %add3A_587 = arith.constant 160 : i32
      %add3A_588 = arith.addi %add3A_587, %scan3A_227 : i32
      %get3A_589 = arith.index_cast %add3A_588 : i32 to index
      %get3A_590 = arith.constant 384 : index
      %get3A_591 = tpu.vector_load %arg6[%get3A_589, %get3A_590] {strides = array<i32>} : memref<192x512xf32, #tpu.memory_space<vmem>>, vector<1x16xf32>,
      %get3A_592 = vector.shape_cast %get3A_591 : vector<1x16xf32> to vector<16xf32>
      %add3A_593 = arith.constant 64 : i32
      %add3A_594 = arith.addi %add3A_593, %scan3A_227 : i32
      %get3A_595 = arith.index_cast %add3A_594 : i32 to index
      %get3A_596 = arith.constant 384 : index
      %get3A_597 = tpu.vector_load %arg6[%get3A_595, %get3A_596] {strides = array<i32>} : memref<192x512xf32, #tpu.memory_space<vmem>>, vector<1x16xf32>,
      %get3A_598 = vector.shape_cast %get3A_597 : vector<1x16xf32> to vector<16xf32>
      %sub3A_599 = arith.subf %get3A_592, %get3A_598 : vector<16xf32>
      %mul3A_600 = arith.mulf %sub3A_599, %sub3A_599 : vector<16xf32>
      %add3A_601 = arith.addf %mul3A_600, %add3A_586 : vector<16xf32>
      %add3A_602 = arith.constant 160 : i32
      %add3A_603 = arith.addi %add3A_602, %scan3A_227 : i32
      %get3A_604 = arith.index_cast %add3A_603 : i32 to index
      %get3A_605 = arith.constant 400 : index
      %get3A_606 = tpu.vector_load %arg6[%get3A_604, %get3A_605] {strides = array<i32>} : memref<192x512xf32, #tpu.memory_space<vmem>>, vector<1x16xf32>,
      %get3A_607 = vector.shape_cast %get3A_606 : vector<1x16xf32> to vector<16xf32>
      %add3A_608 = arith.constant 64 : i32
      %add3A_609 = arith.addi %add3A_608, %scan3A_227 : i32
      %get3A_610 = arith.index_cast %add3A_609 : i32 to index
      %get3A_611 = arith.constant 400 : index
      %get3A_612 = tpu.vector_load %arg6[%get3A_610, %get3A_611] {strides = array<i32>} : memref<192x512xf32, #tpu.memory_space<vmem>>, vector<1x16xf32>,
      %get3A_613 = vector.shape_cast %get3A_612 : vector<1x16xf32> to vector<16xf32>
      %sub3A_614 = arith.subf %get3A_607, %get3A_613 : vector<16xf32>
      %mul3A_615 = arith.mulf %sub3A_614, %sub3A_614 : vector<16xf32>
      %add3A_616 = arith.addf %mul3A_615, %add3A_601 : vector<16xf32>
      %add3A_617 = arith.constant 160 : i32
      %add3A_618 = arith.addi %add3A_617, %scan3A_227 : i32
      %get3A_619 = arith.index_cast %add3A_618 : i32 to index
      %get3A_620 = arith.constant 416 : index
      %get3A_621 = tpu.vector_load %arg6[%get3A_619, %get3A_620] {strides = array<i32>} : memref<192x512xf32, #tpu.memory_space<vmem>>, vector<1x16xf32>,
      %get3A_622 = vector.shape_cast %get3A_621 : vector<1x16xf32> to vector<16xf32>
      %add3A_623 = arith.constant 64 : i32
      %add3A_624 = arith.addi %add3A_623, %scan3A_227 : i32
      %get3A_625 = arith.index_cast %add3A_624 : i32 to index
      %get3A_626 = arith.constant 416 : index
      %get3A_627 = tpu.vector_load %arg6[%get3A_625, %get3A_626] {strides = array<i32>} : memref<192x512xf32, #tpu.memory_space<vmem>>, vector<1x16xf32>,
      %get3A_628 = vector.shape_cast %get3A_627 : vector<1x16xf32> to vector<16xf32>
      %sub3A_629 = arith.subf %get3A_622, %get3A_628 : vector<16xf32>
      %mul3A_630 = arith.mulf %sub3A_629, %sub3A_629 : vector<16xf32>
      %add3A_631 = arith.addf %mul3A_630, %add3A_616 : vector<16xf32>
      %add3A_632 = arith.constant 160 : i32
      %add3A_633 = arith.addi %add3A_632, %scan3A_227 : i32
      %get3A_634 = arith.index_cast %add3A_633 : i32 to index
      %get3A_635 = arith.constant 432 : index
      %get3A_636 = tpu.vector_load %arg6[%get3A_634, %get3A_635] {strides = array<i32>} : memref<192x512xf32, #tpu.memory_space<vmem>>, vector<1x16xf32>,
      %get3A_637 = vector.shape_cast %get3A_636 : vector<1x16xf32> to vector<16xf32>
      %add3A_638 = arith.constant 64 : i32
      %add3A_639 = arith.addi %add3A_638, %scan3A_227 : i32
      %get3A_640 = arith.index_cast %add3A_639 : i32 to index
      %get3A_641 = arith.constant 432 : index
      %get3A_642 = tpu.vector_load %arg6[%get3A_640, %get3A_641] {strides = array<i32>} : memref<192x512xf32, #tpu.memory_space<vmem>>, vector<1x16xf32>,
      %get3A_643 = vector.shape_cast %get3A_642 : vector<1x16xf32> to vector<16xf32>
      %sub3A_644 = arith.subf %get3A_637, %get3A_643 : vector<16xf32>
      %mul3A_645 = arith.mulf %sub3A_644, %sub3A_644 : vector<16xf32>
      %add3A_646 = arith.addf %mul3A_645, %add3A_631 : vector<16xf32>
      %add3A_647 = arith.constant 160 : i32
      %add3A_648 = arith.addi %add3A_647, %scan3A_227 : i32
      %get3A_649 = arith.index_cast %add3A_648 : i32 to index
      %get3A_650 = arith.constant 448 : index
      %get3A_651 = tpu.vector_load %arg6[%get3A_649, %get3A_650] {strides = array<i32>} : memref<192x512xf32, #tpu.memory_space<vmem>>, vector<1x16xf32>,
      %get3A_652 = vector.shape_cast %get3A_651 : vector<1x16xf32> to vector<16xf32>
      %add3A_653 = arith.constant 64 : i32
      %add3A_654 = arith.addi %add3A_653, %scan3A_227 : i32
      %get3A_655 = arith.index_cast %add3A_654 : i32 to index
      %get3A_656 = arith.constant 448 : index
      %get3A_657 = tpu.vector_load %arg6[%get3A_655, %get3A_656] {strides = array<i32>} : memref<192x512xf32, #tpu.memory_space<vmem>>, vector<1x16xf32>,
      %get3A_658 = vector.shape_cast %get3A_657 : vector<1x16xf32> to vector<16xf32>
      %sub3A_659 = arith.subf %get3A_652, %get3A_658 : vector<16xf32>
      %mul3A_660 = arith.mulf %sub3A_659, %sub3A_659 : vector<16xf32>
      %add3A_661 = arith.addf %mul3A_660, %add3A_646 : vector<16xf32>
      %add3A_662 = arith.constant 160 : i32
      %add3A_663 = arith.addi %add3A_662, %scan3A_227 : i32
      %get3A_664 = arith.index_cast %add3A_663 : i32 to index
      %get3A_665 = arith.constant 464 : index
      %get3A_666 = tpu.vector_load %arg6[%get3A_664, %get3A_665] {strides = array<i32>} : memref<192x512xf32, #tpu.memory_space<vmem>>, vector<1x16xf32>,
      %get3A_667 = vector.shape_cast %get3A_666 : vector<1x16xf32> to vector<16xf32>
      %add3A_668 = arith.constant 64 : i32
      %add3A_669 = arith.addi %add3A_668, %scan3A_227 : i32
      %get3A_670 = arith.index_cast %add3A_669 : i32 to index
      %get3A_671 = arith.constant 464 : index
      %get3A_672 = tpu.vector_load %arg6[%get3A_670, %get3A_671] {strides = array<i32>} : memref<192x512xf32, #tpu.memory_space<vmem>>, vector<1x16xf32>,
      %get3A_673 = vector.shape_cast %get3A_672 : vector<1x16xf32> to vector<16xf32>
      %sub3A_674 = arith.subf %get3A_667, %get3A_673 : vector<16xf32>
      %mul3A_675 = arith.mulf %sub3A_674, %sub3A_674 : vector<16xf32>
      %add3A_676 = arith.addf %mul3A_675, %add3A_661 : vector<16xf32>
      %add3A_677 = arith.constant 160 : i32
      %add3A_678 = arith.addi %add3A_677, %scan3A_227 : i32
      %get3A_679 = arith.index_cast %add3A_678 : i32 to index
      %get3A_680 = arith.constant 480 : index
      %get3A_681 = tpu.vector_load %arg6[%get3A_679, %get3A_680] {strides = array<i32>} : memref<192x512xf32, #tpu.memory_space<vmem>>, vector<1x16xf32>,
      %get3A_682 = vector.shape_cast %get3A_681 : vector<1x16xf32> to vector<16xf32>
      %add3A_683 = arith.constant 64 : i32
      %add3A_684 = arith.addi %add3A_683, %scan3A_227 : i32
      %get3A_685 = arith.index_cast %add3A_684 : i32 to index
      %get3A_686 = arith.constant 480 : index
      %get3A_687 = tpu.vector_load %arg6[%get3A_685, %get3A_686] {strides = array<i32>} : memref<192x512xf32, #tpu.memory_space<vmem>>, vector<1x16xf32>,
      %get3A_688 = vector.shape_cast %get3A_687 : vector<1x16xf32> to vector<16xf32>
      %sub3A_689 = arith.subf %get3A_682, %get3A_688 : vector<16xf32>
      %mul3A_690 = arith.mulf %sub3A_689, %sub3A_689 : vector<16xf32>
      %add3A_691 = arith.addf %mul3A_690, %add3A_676 : vector<16xf32>
      %add3A_692 = arith.constant 160 : i32
      %add3A_693 = arith.addi %add3A_692, %scan3A_227 : i32
      %get3A_694 = arith.index_cast %add3A_693 : i32 to index
      %get3A_695 = arith.constant 496 : index
      %get3A_696 = tpu.vector_load %arg6[%get3A_694, %get3A_695] {strides = array<i32>} : memref<192x512xf32, #tpu.memory_space<vmem>>, vector<1x16xf32>,
      %get3A_697 = vector.shape_cast %get3A_696 : vector<1x16xf32> to vector<16xf32>
      %add3A_698 = arith.constant 64 : i32
      %add3A_699 = arith.addi %add3A_698, %scan3A_227 : i32
      %get3A_700 = arith.index_cast %add3A_699 : i32 to index
      %get3A_701 = arith.constant 496 : index
      %get3A_702 = tpu.vector_load %arg6[%get3A_700, %get3A_701] {strides = array<i32>} : memref<192x512xf32, #tpu.memory_space<vmem>>, vector<1x16xf32>,
      %get3A_703 = vector.shape_cast %get3A_702 : vector<1x16xf32> to vector<16xf32>
      %sub3A_704 = arith.subf %get3A_697, %get3A_703 : vector<16xf32>
      %mul3A_705 = arith.mulf %sub3A_704, %sub3A_704 : vector<16xf32>
      %add3A_706 = arith.addf %mul3A_705, %add3A_691 : vector<16xf32>
      scf.yield %add3A_706 : vector<16xf32>
    }
    %scan3A_196 = arith.constant 32 : i32
    %dma_wait3A_197 = arith.constant 0 : i32
    %dma_wait3A_198 = arith.constant 0 : i32
    %dma_wait3A_199 = tpu.memref_slice %arg6[%dma_wait3A_197, %dma_wait3A_198] : memref<192x512xf32, #tpu.memory_space<vmem>> -> memref<32x512xf32, #tpu.memory_space<vmem>>
    %dma_wait3A_200 = arith.constant 96 : i32
    %dma_wait3A_201 = tpu.memref_slice %arg7[%dma_wait3A_200] : memref<128xi32, #tpu.memory_space<vmem>> -> memref<32xi32, #tpu.memory_space<vmem>>
    %dma_wait3A_202 = arith.constant 0 : i32
    %dma_wait3A_203 = arith.constant 0 : i32
    %dma_wait3A_204 = tpu.memref_slice %arg4[%dma_wait3A_202, %dma_wait3A_203] : memref<10000x512xf32, #tpu.memory_space<hbm>> -> memref<10000x512xf32, #tpu.memory_space<hbm>>
    tpu.wait_indirect_dma semaphore(%arg9 : memref<!tpu.dma_semaphore, #tpu.memory_space<semaphore_mem>>) src(%dma_wait3A_204 : memref<10000x512xf32, #tpu.memory_space<hbm>>) dst(%dma_wait3A_199 : memref<32x512xf32, #tpu.memory_space<vmem>>)
    %dma_wait3A_205 = arith.constant 96 : i32
    %dma_wait3A_206 = arith.constant 0 : i32
    %dma_wait3A_207 = tpu.memref_slice %arg6[%dma_wait3A_205, %dma_wait3A_206] : memref<192x512xf32, #tpu.memory_space<vmem>> -> memref<32x512xf32, #tpu.memory_space<vmem>>
    %dma_wait3A_208 = arith.constant 0 : i32
    %dma_wait3A_209 = tpu.memref_slice %arg2[%add3A_138, %dma_wait3A_208] : memref<4096x512xf32, #tpu.memory_space<hbm>> -> memref<32x512xf32, #tpu.memory_space<hbm>>
    %dma_wait3A_210 = arith.constant 96 : i32
    %dma_wait3A_211 = arith.constant 0 : i32
    %dma_wait3A_212 = tpu.memref_slice %arg6[%dma_wait3A_210, %dma_wait3A_211] : memref<192x512xf32, #tpu.memory_space<vmem>> -> memref<32x512xf32, #tpu.memory_space<vmem>>
    %dma_wait3A_213 = arith.constant 0 : i32
    %dma_wait3A_214 = tpu.memref_slice %arg2[%add3A_138, %dma_wait3A_213] : memref<4096x512xf32, #tpu.memory_space<hbm>> -> memref<32x512xf32, #tpu.memory_space<hbm>>
    tpu.wait_dma2 semaphore(%arg10 : memref<!tpu.dma_semaphore, #tpu.memory_space<semaphore_mem>>) src(%dma_wait3A_214 : memref<32x512xf32, #tpu.memory_space<hbm>>) dst(%dma_wait3A_212 : memref<32x512xf32, #tpu.memory_space<vmem>>)
    %scan3A_215 = arith.constant 0 : i32
    %scan3A_216 = arith.constant 32 : i32
    %scan3A_217 = arith.addi %scan3A_215, %scan3A_216 : i32
    %scan3A_218 = arith.constant 1 : i32
    %scan3A_219 = scf.for %scan3A_227 = %scan3A_215 to %scan3A_217 step %scan3A_218 iter_args(%scan3A_228 = %scan3A_195) -> (vector<16xf32>)  : i32 {
      %add3A_229 = arith.constant 96 : i32
      %add3A_230 = arith.addi %add3A_229, %scan3A_227 : i32
      %get3A = arith.index_cast %add3A_230 : i32 to index
      %get3A_231 = arith.constant 0 : index
      %get3A_232 = tpu.vector_load %arg6[%get3A, %get3A_231] {strides = array<i32>} : memref<192x512xf32, #tpu.memory_space<vmem>>, vector<1x16xf32>,
      %get3A_233 = vector.shape_cast %get3A_232 : vector<1x16xf32> to vector<16xf32>
      %add3A_234 = arith.constant 0 : i32
      %add3A_235 = arith.addi %add3A_234, %scan3A_227 : i32
      %get3A_236 = arith.index_cast %add3A_235 : i32 to index
      %get3A_237 = arith.constant 0 : index
      %get3A_238 = tpu.vector_load %arg6[%get3A_236, %get3A_237] {strides = array<i32>} : memref<192x512xf32, #tpu.memory_space<vmem>>, vector<1x16xf32>,
      %get3A_239 = vector.shape_cast %get3A_238 : vector<1x16xf32> to vector<16xf32>
      %sub3A = arith.subf %get3A_233, %get3A_239 : vector<16xf32>
      %mul3A_240 = arith.mulf %sub3A, %sub3A : vector<16xf32>
      %add3A_241 = arith.addf %mul3A_240, %scan3A_228 : vector<16xf32>
      %add3A_242 = arith.constant 96 : i32
      %add3A_243 = arith.addi %add3A_242, %scan3A_227 : i32
      %get3A_244 = arith.index_cast %add3A_243 : i32 to index
      %get3A_245 = arith.constant 16 : index
      %get3A_246 = tpu.vector_load %arg6[%get3A_244, %get3A_245] {strides = array<i32>} : memref<192x512xf32, #tpu.memory_space<vmem>>, vector<1x16xf32>,
      %get3A_247 = vector.shape_cast %get3A_246 : vector<1x16xf32> to vector<16xf32>
      %add3A_248 = arith.constant 0 : i32
      %add3A_249 = arith.addi %add3A_248, %scan3A_227 : i32
      %get3A_250 = arith.index_cast %add3A_249 : i32 to index
      %get3A_251 = arith.constant 16 : index
      %get3A_252 = tpu.vector_load %arg6[%get3A_250, %get3A_251] {strides = array<i32>} : memref<192x512xf32, #tpu.memory_space<vmem>>, vector<1x16xf32>,
      %get3A_253 = vector.shape_cast %get3A_252 : vector<1x16xf32> to vector<16xf32>
      %sub3A_254 = arith.subf %get3A_247, %get3A_253 : vector<16xf32>
      %mul3A_255 = arith.mulf %sub3A_254, %sub3A_254 : vector<16xf32>
      %add3A_256 = arith.addf %mul3A_255, %add3A_241 : vector<16xf32>
      %add3A_257 = arith.constant 96 : i32
      %add3A_258 = arith.addi %add3A_257, %scan3A_227 : i32
      %get3A_259 = arith.index_cast %add3A_258 : i32 to index
      %get3A_260 = arith.constant 32 : index
      %get3A_261 = tpu.vector_load %arg6[%get3A_259, %get3A_260] {strides = array<i32>} : memref<192x512xf32, #tpu.memory_space<vmem>>, vector<1x16xf32>,
      %get3A_262 = vector.shape_cast %get3A_261 : vector<1x16xf32> to vector<16xf32>
      %add3A_263 = arith.constant 0 : i32
      %add3A_264 = arith.addi %add3A_263, %scan3A_227 : i32
      %get3A_265 = arith.index_cast %add3A_264 : i32 to index
      %get3A_266 = arith.constant 32 : index
      %get3A_267 = tpu.vector_load %arg6[%get3A_265, %get3A_266] {strides = array<i32>} : memref<192x512xf32, #tpu.memory_space<vmem>>, vector<1x16xf32>,
      %get3A_268 = vector.shape_cast %get3A_267 : vector<1x16xf32> to vector<16xf32>
      %sub3A_269 = arith.subf %get3A_262, %get3A_268 : vector<16xf32>
      %mul3A_270 = arith.mulf %sub3A_269, %sub3A_269 : vector<16xf32>
      %add3A_271 = arith.addf %mul3A_270, %add3A_256 : vector<16xf32>
      %add3A_272 = arith.constant 96 : i32
      %add3A_273 = arith.addi %add3A_272, %scan3A_227 : i32
      %get3A_274 = arith.index_cast %add3A_273 : i32 to index
      %get3A_275 = arith.constant 48 : index
      %get3A_276 = tpu.vector_load %arg6[%get3A_274, %get3A_275] {strides = array<i32>} : memref<192x512xf32, #tpu.memory_space<vmem>>, vector<1x16xf32>,
      %get3A_277 = vector.shape_cast %get3A_276 : vector<1x16xf32> to vector<16xf32>
      %add3A_278 = arith.constant 0 : i32
      %add3A_279 = arith.addi %add3A_278, %scan3A_227 : i32
      %get3A_280 = arith.index_cast %add3A_279 : i32 to index
      %get3A_281 = arith.constant 48 : index
      %get3A_282 = tpu.vector_load %arg6[%get3A_280, %get3A_281] {strides = array<i32>} : memref<192x512xf32, #tpu.memory_space<vmem>>, vector<1x16xf32>,
      %get3A_283 = vector.shape_cast %get3A_282 : vector<1x16xf32> to vector<16xf32>
      %sub3A_284 = arith.subf %get3A_277, %get3A_283 : vector<16xf32>
      %mul3A_285 = arith.mulf %sub3A_284, %sub3A_284 : vector<16xf32>
      %add3A_286 = arith.addf %mul3A_285, %add3A_271 : vector<16xf32>
      %add3A_287 = arith.constant 96 : i32
      %add3A_288 = arith.addi %add3A_287, %scan3A_227 : i32
      %get3A_289 = arith.index_cast %add3A_288 : i32 to index
      %get3A_290 = arith.constant 64 : index
      %get3A_291 = tpu.vector_load %arg6[%get3A_289, %get3A_290] {strides = array<i32>} : memref<192x512xf32, #tpu.memory_space<vmem>>, vector<1x16xf32>,
      %get3A_292 = vector.shape_cast %get3A_291 : vector<1x16xf32> to vector<16xf32>
      %add3A_293 = arith.constant 0 : i32
      %add3A_294 = arith.addi %add3A_293, %scan3A_227 : i32
      %get3A_295 = arith.index_cast %add3A_294 : i32 to index
      %get3A_296 = arith.constant 64 : index
      %get3A_297 = tpu.vector_load %arg6[%get3A_295, %get3A_296] {strides = array<i32>} : memref<192x512xf32, #tpu.memory_space<vmem>>, vector<1x16xf32>,
      %get3A_298 = vector.shape_cast %get3A_297 : vector<1x16xf32> to vector<16xf32>
      %sub3A_299 = arith.subf %get3A_292, %get3A_298 : vector<16xf32>
      %mul3A_300 = arith.mulf %sub3A_299, %sub3A_299 : vector<16xf32>
      %add3A_301 = arith.addf %mul3A_300, %add3A_286 : vector<16xf32>
      %add3A_302 = arith.constant 96 : i32
      %add3A_303 = arith.addi %add3A_302, %scan3A_227 : i32
      %get3A_304 = arith.index_cast %add3A_303 : i32 to index
      %get3A_305 = arith.constant 80 : index
      %get3A_306 = tpu.vector_load %arg6[%get3A_304, %get3A_305] {strides = array<i32>} : memref<192x512xf32, #tpu.memory_space<vmem>>, vector<1x16xf32>,
      %get3A_307 = vector.shape_cast %get3A_306 : vector<1x16xf32> to vector<16xf32>
      %add3A_308 = arith.constant 0 : i32
      %add3A_309 = arith.addi %add3A_308, %scan3A_227 : i32
      %get3A_310 = arith.index_cast %add3A_309 : i32 to index
      %get3A_311 = arith.constant 80 : index
      %get3A_312 = tpu.vector_load %arg6[%get3A_310, %get3A_311] {strides = array<i32>} : memref<192x512xf32, #tpu.memory_space<vmem>>, vector<1x16xf32>,
      %get3A_313 = vector.shape_cast %get3A_312 : vector<1x16xf32> to vector<16xf32>
      %sub3A_314 = arith.subf %get3A_307, %get3A_313 : vector<16xf32>
      %mul3A_315 = arith.mulf %sub3A_314, %sub3A_314 : vector<16xf32>
      %add3A_316 = arith.addf %mul3A_315, %add3A_301 : vector<16xf32>
      %add3A_317 = arith.constant 96 : i32
      %add3A_318 = arith.addi %add3A_317, %scan3A_227 : i32
      %get3A_319 = arith.index_cast %add3A_318 : i32 to index
      %get3A_320 = arith.constant 96 : index
      %get3A_321 = tpu.vector_load %arg6[%get3A_319, %get3A_320] {strides = array<i32>} : memref<192x512xf32, #tpu.memory_space<vmem>>, vector<1x16xf32>,
      %get3A_322 = vector.shape_cast %get3A_321 : vector<1x16xf32> to vector<16xf32>
      %add3A_323 = arith.constant 0 : i32
      %add3A_324 = arith.addi %add3A_323, %scan3A_227 : i32
      %get3A_325 = arith.index_cast %add3A_324 : i32 to index
      %get3A_326 = arith.constant 96 : index
      %get3A_327 = tpu.vector_load %arg6[%get3A_325, %get3A_326] {strides = array<i32>} : memref<192x512xf32, #tpu.memory_space<vmem>>, vector<1x16xf32>,
      %get3A_328 = vector.shape_cast %get3A_327 : vector<1x16xf32> to vector<16xf32>
      %sub3A_329 = arith.subf %get3A_322, %get3A_328 : vector<16xf32>
      %mul3A_330 = arith.mulf %sub3A_329, %sub3A_329 : vector<16xf32>
      %add3A_331 = arith.addf %mul3A_330, %add3A_316 : vector<16xf32>
      %add3A_332 = arith.constant 96 : i32
      %add3A_333 = arith.addi %add3A_332, %scan3A_227 : i32
      %get3A_334 = arith.index_cast %add3A_333 : i32 to index
      %get3A_335 = arith.constant 112 : index
      %get3A_336 = tpu.vector_load %arg6[%get3A_334, %get3A_335] {strides = array<i32>} : memref<192x512xf32, #tpu.memory_space<vmem>>, vector<1x16xf32>,
      %get3A_337 = vector.shape_cast %get3A_336 : vector<1x16xf32> to vector<16xf32>
      %add3A_338 = arith.constant 0 : i32
      %add3A_339 = arith.addi %add3A_338, %scan3A_227 : i32
      %get3A_340 = arith.index_cast %add3A_339 : i32 to index
      %get3A_341 = arith.constant 112 : index
      %get3A_342 = tpu.vector_load %arg6[%get3A_340, %get3A_341] {strides = array<i32>} : memref<192x512xf32, #tpu.memory_space<vmem>>, vector<1x16xf32>,
      %get3A_343 = vector.shape_cast %get3A_342 : vector<1x16xf32> to vector<16xf32>
      %sub3A_344 = arith.subf %get3A_337, %get3A_343 : vector<16xf32>
      %mul3A_345 = arith.mulf %sub3A_344, %sub3A_344 : vector<16xf32>
      %add3A_346 = arith.addf %mul3A_345, %add3A_331 : vector<16xf32>
      %add3A_347 = arith.constant 96 : i32
      %add3A_348 = arith.addi %add3A_347, %scan3A_227 : i32
      %get3A_349 = arith.index_cast %add3A_348 : i32 to index
      %get3A_350 = arith.constant 128 : index
      %get3A_351 = tpu.vector_load %arg6[%get3A_349, %get3A_350] {strides = array<i32>} : memref<192x512xf32, #tpu.memory_space<vmem>>, vector<1x16xf32>,
      %get3A_352 = vector.shape_cast %get3A_351 : vector<1x16xf32> to vector<16xf32>
      %add3A_353 = arith.constant 0 : i32
      %add3A_354 = arith.addi %add3A_353, %scan3A_227 : i32
      %get3A_355 = arith.index_cast %add3A_354 : i32 to index
      %get3A_356 = arith.constant 128 : index
      %get3A_357 = tpu.vector_load %arg6[%get3A_355, %get3A_356] {strides = array<i32>} : memref<192x512xf32, #tpu.memory_space<vmem>>, vector<1x16xf32>,
      %get3A_358 = vector.shape_cast %get3A_357 : vector<1x16xf32> to vector<16xf32>
      %sub3A_359 = arith.subf %get3A_352, %get3A_358 : vector<16xf32>
      %mul3A_360 = arith.mulf %sub3A_359, %sub3A_359 : vector<16xf32>
      %add3A_361 = arith.addf %mul3A_360, %add3A_346 : vector<16xf32>
      %add3A_362 = arith.constant 96 : i32
      %add3A_363 = arith.addi %add3A_362, %scan3A_227 : i32
      %get3A_364 = arith.index_cast %add3A_363 : i32 to index
      %get3A_365 = arith.constant 144 : index
      %get3A_366 = tpu.vector_load %arg6[%get3A_364, %get3A_365] {strides = array<i32>} : memref<192x512xf32, #tpu.memory_space<vmem>>, vector<1x16xf32>,
      %get3A_367 = vector.shape_cast %get3A_366 : vector<1x16xf32> to vector<16xf32>
      %add3A_368 = arith.constant 0 : i32
      %add3A_369 = arith.addi %add3A_368, %scan3A_227 : i32
      %get3A_370 = arith.index_cast %add3A_369 : i32 to index
      %get3A_371 = arith.constant 144 : index
      %get3A_372 = tpu.vector_load %arg6[%get3A_370, %get3A_371] {strides = array<i32>} : memref<192x512xf32, #tpu.memory_space<vmem>>, vector<1x16xf32>,
      %get3A_373 = vector.shape_cast %get3A_372 : vector<1x16xf32> to vector<16xf32>
      %sub3A_374 = arith.subf %get3A_367, %get3A_373 : vector<16xf32>
      %mul3A_375 = arith.mulf %sub3A_374, %sub3A_374 : vector<16xf32>
      %add3A_376 = arith.addf %mul3A_375, %add3A_361 : vector<16xf32>
      %add3A_377 = arith.constant 96 : i32
      %add3A_378 = arith.addi %add3A_377, %scan3A_227 : i32
      %get3A_379 = arith.index_cast %add3A_378 : i32 to index
      %get3A_380 = arith.constant 160 : index
      %get3A_381 = tpu.vector_load %arg6[%get3A_379, %get3A_380] {strides = array<i32>} : memref<192x512xf32, #tpu.memory_space<vmem>>, vector<1x16xf32>,
      %get3A_382 = vector.shape_cast %get3A_381 : vector<1x16xf32> to vector<16xf32>
      %add3A_383 = arith.constant 0 : i32
      %add3A_384 = arith.addi %add3A_383, %scan3A_227 : i32
      %get3A_385 = arith.index_cast %add3A_384 : i32 to index
      %get3A_386 = arith.constant 160 : index
      %get3A_387 = tpu.vector_load %arg6[%get3A_385, %get3A_386] {strides = array<i32>} : memref<192x512xf32, #tpu.memory_space<vmem>>, vector<1x16xf32>,
      %get3A_388 = vector.shape_cast %get3A_387 : vector<1x16xf32> to vector<16xf32>
      %sub3A_389 = arith.subf %get3A_382, %get3A_388 : vector<16xf32>
      %mul3A_390 = arith.mulf %sub3A_389, %sub3A_389 : vector<16xf32>
      %add3A_391 = arith.addf %mul3A_390, %add3A_376 : vector<16xf32>
      %add3A_392 = arith.constant 96 : i32
      %add3A_393 = arith.addi %add3A_392, %scan3A_227 : i32
      %get3A_394 = arith.index_cast %add3A_393 : i32 to index
      %get3A_395 = arith.constant 176 : index
      %get3A_396 = tpu.vector_load %arg6[%get3A_394, %get3A_395] {strides = array<i32>} : memref<192x512xf32, #tpu.memory_space<vmem>>, vector<1x16xf32>,
      %get3A_397 = vector.shape_cast %get3A_396 : vector<1x16xf32> to vector<16xf32>
      %add3A_398 = arith.constant 0 : i32
      %add3A_399 = arith.addi %add3A_398, %scan3A_227 : i32
      %get3A_400 = arith.index_cast %add3A_399 : i32 to index
      %get3A_401 = arith.constant 176 : index
      %get3A_402 = tpu.vector_load %arg6[%get3A_400, %get3A_401] {strides = array<i32>} : memref<192x512xf32, #tpu.memory_space<vmem>>, vector<1x16xf32>,
      %get3A_403 = vector.shape_cast %get3A_402 : vector<1x16xf32> to vector<16xf32>
      %sub3A_404 = arith.subf %get3A_397, %get3A_403 : vector<16xf32>
      %mul3A_405 = arith.mulf %sub3A_404, %sub3A_404 : vector<16xf32>
      %add3A_406 = arith.addf %mul3A_405, %add3A_391 : vector<16xf32>
      %add3A_407 = arith.constant 96 : i32
      %add3A_408 = arith.addi %add3A_407, %scan3A_227 : i32
      %get3A_409 = arith.index_cast %add3A_408 : i32 to index
      %get3A_410 = arith.constant 192 : index
      %get3A_411 = tpu.vector_load %arg6[%get3A_409, %get3A_410] {strides = array<i32>} : memref<192x512xf32, #tpu.memory_space<vmem>>, vector<1x16xf32>,
      %get3A_412 = vector.shape_cast %get3A_411 : vector<1x16xf32> to vector<16xf32>
      %add3A_413 = arith.constant 0 : i32
      %add3A_414 = arith.addi %add3A_413, %scan3A_227 : i32
      %get3A_415 = arith.index_cast %add3A_414 : i32 to index
      %get3A_416 = arith.constant 192 : index
      %get3A_417 = tpu.vector_load %arg6[%get3A_415, %get3A_416] {strides = array<i32>} : memref<192x512xf32, #tpu.memory_space<vmem>>, vector<1x16xf32>,
      %get3A_418 = vector.shape_cast %get3A_417 : vector<1x16xf32> to vector<16xf32>
      %sub3A_419 = arith.subf %get3A_412, %get3A_418 : vector<16xf32>
      %mul3A_420 = arith.mulf %sub3A_419, %sub3A_419 : vector<16xf32>
      %add3A_421 = arith.addf %mul3A_420, %add3A_406 : vector<16xf32>
      %add3A_422 = arith.constant 96 : i32
      %add3A_423 = arith.addi %add3A_422, %scan3A_227 : i32
      %get3A_424 = arith.index_cast %add3A_423 : i32 to index
      %get3A_425 = arith.constant 208 : index
      %get3A_426 = tpu.vector_load %arg6[%get3A_424, %get3A_425] {strides = array<i32>} : memref<192x512xf32, #tpu.memory_space<vmem>>, vector<1x16xf32>,
      %get3A_427 = vector.shape_cast %get3A_426 : vector<1x16xf32> to vector<16xf32>
      %add3A_428 = arith.constant 0 : i32
      %add3A_429 = arith.addi %add3A_428, %scan3A_227 : i32
      %get3A_430 = arith.index_cast %add3A_429 : i32 to index
      %get3A_431 = arith.constant 208 : index
      %get3A_432 = tpu.vector_load %arg6[%get3A_430, %get3A_431] {strides = array<i32>} : memref<192x512xf32, #tpu.memory_space<vmem>>, vector<1x16xf32>,
      %get3A_433 = vector.shape_cast %get3A_432 : vector<1x16xf32> to vector<16xf32>
      %sub3A_434 = arith.subf %get3A_427, %get3A_433 : vector<16xf32>
      %mul3A_435 = arith.mulf %sub3A_434, %sub3A_434 : vector<16xf32>
      %add3A_436 = arith.addf %mul3A_435, %add3A_421 : vector<16xf32>
      %add3A_437 = arith.constant 96 : i32
      %add3A_438 = arith.addi %add3A_437, %scan3A_227 : i32
      %get3A_439 = arith.index_cast %add3A_438 : i32 to index
      %get3A_440 = arith.constant 224 : index
      %get3A_441 = tpu.vector_load %arg6[%get3A_439, %get3A_440] {strides = array<i32>} : memref<192x512xf32, #tpu.memory_space<vmem>>, vector<1x16xf32>,
      %get3A_442 = vector.shape_cast %get3A_441 : vector<1x16xf32> to vector<16xf32>
      %add3A_443 = arith.constant 0 : i32
      %add3A_444 = arith.addi %add3A_443, %scan3A_227 : i32
      %get3A_445 = arith.index_cast %add3A_444 : i32 to index
      %get3A_446 = arith.constant 224 : index
      %get3A_447 = tpu.vector_load %arg6[%get3A_445, %get3A_446] {strides = array<i32>} : memref<192x512xf32, #tpu.memory_space<vmem>>, vector<1x16xf32>,
      %get3A_448 = vector.shape_cast %get3A_447 : vector<1x16xf32> to vector<16xf32>
      %sub3A_449 = arith.subf %get3A_442, %get3A_448 : vector<16xf32>
      %mul3A_450 = arith.mulf %sub3A_449, %sub3A_449 : vector<16xf32>
      %add3A_451 = arith.addf %mul3A_450, %add3A_436 : vector<16xf32>
      %add3A_452 = arith.constant 96 : i32
      %add3A_453 = arith.addi %add3A_452, %scan3A_227 : i32
      %get3A_454 = arith.index_cast %add3A_453 : i32 to index
      %get3A_455 = arith.constant 240 : index
      %get3A_456 = tpu.vector_load %arg6[%get3A_454, %get3A_455] {strides = array<i32>} : memref<192x512xf32, #tpu.memory_space<vmem>>, vector<1x16xf32>,
      %get3A_457 = vector.shape_cast %get3A_456 : vector<1x16xf32> to vector<16xf32>
      %add3A_458 = arith.constant 0 : i32
      %add3A_459 = arith.addi %add3A_458, %scan3A_227 : i32
      %get3A_460 = arith.index_cast %add3A_459 : i32 to index
      %get3A_461 = arith.constant 240 : index
      %get3A_462 = tpu.vector_load %arg6[%get3A_460, %get3A_461] {strides = array<i32>} : memref<192x512xf32, #tpu.memory_space<vmem>>, vector<1x16xf32>,
      %get3A_463 = vector.shape_cast %get3A_462 : vector<1x16xf32> to vector<16xf32>
      %sub3A_464 = arith.subf %get3A_457, %get3A_463 : vector<16xf32>
      %mul3A_465 = arith.mulf %sub3A_464, %sub3A_464 : vector<16xf32>
      %add3A_466 = arith.addf %mul3A_465, %add3A_451 : vector<16xf32>
      %add3A_467 = arith.constant 96 : i32
      %add3A_468 = arith.addi %add3A_467, %scan3A_227 : i32
      %get3A_469 = arith.index_cast %add3A_468 : i32 to index
      %get3A_470 = arith.constant 256 : index
      %get3A_471 = tpu.vector_load %arg6[%get3A_469, %get3A_470] {strides = array<i32>} : memref<192x512xf32, #tpu.memory_space<vmem>>, vector<1x16xf32>,
      %get3A_472 = vector.shape_cast %get3A_471 : vector<1x16xf32> to vector<16xf32>
      %add3A_473 = arith.constant 0 : i32
      %add3A_474 = arith.addi %add3A_473, %scan3A_227 : i32
      %get3A_475 = arith.index_cast %add3A_474 : i32 to index
      %get3A_476 = arith.constant 256 : index
      %get3A_477 = tpu.vector_load %arg6[%get3A_475, %get3A_476] {strides = array<i32>} : memref<192x512xf32, #tpu.memory_space<vmem>>, vector<1x16xf32>,
      %get3A_478 = vector.shape_cast %get3A_477 : vector<1x16xf32> to vector<16xf32>
      %sub3A_479 = arith.subf %get3A_472, %get3A_478 : vector<16xf32>
      %mul3A_480 = arith.mulf %sub3A_479, %sub3A_479 : vector<16xf32>
      %add3A_481 = arith.addf %mul3A_480, %add3A_466 : vector<16xf32>
      %add3A_482 = arith.constant 96 : i32
      %add3A_483 = arith.addi %add3A_482, %scan3A_227 : i32
      %get3A_484 = arith.index_cast %add3A_483 : i32 to index
      %get3A_485 = arith.constant 272 : index
      %get3A_486 = tpu.vector_load %arg6[%get3A_484, %get3A_485] {strides = array<i32>} : memref<192x512xf32, #tpu.memory_space<vmem>>, vector<1x16xf32>,
      %get3A_487 = vector.shape_cast %get3A_486 : vector<1x16xf32> to vector<16xf32>
      %add3A_488 = arith.constant 0 : i32
      %add3A_489 = arith.addi %add3A_488, %scan3A_227 : i32
      %get3A_490 = arith.index_cast %add3A_489 : i32 to index
      %get3A_491 = arith.constant 272 : index
      %get3A_492 = tpu.vector_load %arg6[%get3A_490, %get3A_491] {strides = array<i32>} : memref<192x512xf32, #tpu.memory_space<vmem>>, vector<1x16xf32>,
      %get3A_493 = vector.shape_cast %get3A_492 : vector<1x16xf32> to vector<16xf32>
      %sub3A_494 = arith.subf %get3A_487, %get3A_493 : vector<16xf32>
      %mul3A_495 = arith.mulf %sub3A_494, %sub3A_494 : vector<16xf32>
      %add3A_496 = arith.addf %mul3A_495, %add3A_481 : vector<16xf32>
      %add3A_497 = arith.constant 96 : i32
      %add3A_498 = arith.addi %add3A_497, %scan3A_227 : i32
      %get3A_499 = arith.index_cast %add3A_498 : i32 to index
      %get3A_500 = arith.constant 288 : index
      %get3A_501 = tpu.vector_load %arg6[%get3A_499, %get3A_500] {strides = array<i32>} : memref<192x512xf32, #tpu.memory_space<vmem>>, vector<1x16xf32>,
      %get3A_502 = vector.shape_cast %get3A_501 : vector<1x16xf32> to vector<16xf32>
      %add3A_503 = arith.constant 0 : i32
      %add3A_504 = arith.addi %add3A_503, %scan3A_227 : i32
      %get3A_505 = arith.index_cast %add3A_504 : i32 to index
      %get3A_506 = arith.constant 288 : index
      %get3A_507 = tpu.vector_load %arg6[%get3A_505, %get3A_506] {strides = array<i32>} : memref<192x512xf32, #tpu.memory_space<vmem>>, vector<1x16xf32>,
      %get3A_508 = vector.shape_cast %get3A_507 : vector<1x16xf32> to vector<16xf32>
      %sub3A_509 = arith.subf %get3A_502, %get3A_508 : vector<16xf32>
      %mul3A_510 = arith.mulf %sub3A_509, %sub3A_509 : vector<16xf32>
      %add3A_511 = arith.addf %mul3A_510, %add3A_496 : vector<16xf32>
      %add3A_512 = arith.constant 96 : i32
      %add3A_513 = arith.addi %add3A_512, %scan3A_227 : i32
      %get3A_514 = arith.index_cast %add3A_513 : i32 to index
      %get3A_515 = arith.constant 304 : index
      %get3A_516 = tpu.vector_load %arg6[%get3A_514, %get3A_515] {strides = array<i32>} : memref<192x512xf32, #tpu.memory_space<vmem>>, vector<1x16xf32>,
      %get3A_517 = vector.shape_cast %get3A_516 : vector<1x16xf32> to vector<16xf32>
      %add3A_518 = arith.constant 0 : i32
      %add3A_519 = arith.addi %add3A_518, %scan3A_227 : i32
      %get3A_520 = arith.index_cast %add3A_519 : i32 to index
      %get3A_521 = arith.constant 304 : index
      %get3A_522 = tpu.vector_load %arg6[%get3A_520, %get3A_521] {strides = array<i32>} : memref<192x512xf32, #tpu.memory_space<vmem>>, vector<1x16xf32>,
      %get3A_523 = vector.shape_cast %get3A_522 : vector<1x16xf32> to vector<16xf32>
      %sub3A_524 = arith.subf %get3A_517, %get3A_523 : vector<16xf32>
      %mul3A_525 = arith.mulf %sub3A_524, %sub3A_524 : vector<16xf32>
      %add3A_526 = arith.addf %mul3A_525, %add3A_511 : vector<16xf32>
      %add3A_527 = arith.constant 96 : i32
      %add3A_528 = arith.addi %add3A_527, %scan3A_227 : i32
      %get3A_529 = arith.index_cast %add3A_528 : i32 to index
      %get3A_530 = arith.constant 320 : index
      %get3A_531 = tpu.vector_load %arg6[%get3A_529, %get3A_530] {strides = array<i32>} : memref<192x512xf32, #tpu.memory_space<vmem>>, vector<1x16xf32>,
      %get3A_532 = vector.shape_cast %get3A_531 : vector<1x16xf32> to vector<16xf32>
      %add3A_533 = arith.constant 0 : i32
      %add3A_534 = arith.addi %add3A_533, %scan3A_227 : i32
      %get3A_535 = arith.index_cast %add3A_534 : i32 to index
      %get3A_536 = arith.constant 320 : index
      %get3A_537 = tpu.vector_load %arg6[%get3A_535, %get3A_536] {strides = array<i32>} : memref<192x512xf32, #tpu.memory_space<vmem>>, vector<1x16xf32>,
      %get3A_538 = vector.shape_cast %get3A_537 : vector<1x16xf32> to vector<16xf32>
      %sub3A_539 = arith.subf %get3A_532, %get3A_538 : vector<16xf32>
      %mul3A_540 = arith.mulf %sub3A_539, %sub3A_539 : vector<16xf32>
      %add3A_541 = arith.addf %mul3A_540, %add3A_526 : vector<16xf32>
      %add3A_542 = arith.constant 96 : i32
      %add3A_543 = arith.addi %add3A_542, %scan3A_227 : i32
      %get3A_544 = arith.index_cast %add3A_543 : i32 to index
      %get3A_545 = arith.constant 336 : index
      %get3A_546 = tpu.vector_load %arg6[%get3A_544, %get3A_545] {strides = array<i32>} : memref<192x512xf32, #tpu.memory_space<vmem>>, vector<1x16xf32>,
      %get3A_547 = vector.shape_cast %get3A_546 : vector<1x16xf32> to vector<16xf32>
      %add3A_548 = arith.constant 0 : i32
      %add3A_549 = arith.addi %add3A_548, %scan3A_227 : i32
      %get3A_550 = arith.index_cast %add3A_549 : i32 to index
      %get3A_551 = arith.constant 336 : index
      %get3A_552 = tpu.vector_load %arg6[%get3A_550, %get3A_551] {strides = array<i32>} : memref<192x512xf32, #tpu.memory_space<vmem>>, vector<1x16xf32>,
      %get3A_553 = vector.shape_cast %get3A_552 : vector<1x16xf32> to vector<16xf32>
      %sub3A_554 = arith.subf %get3A_547, %get3A_553 : vector<16xf32>
      %mul3A_555 = arith.mulf %sub3A_554, %sub3A_554 : vector<16xf32>
      %add3A_556 = arith.addf %mul3A_555, %add3A_541 : vector<16xf32>
      %add3A_557 = arith.constant 96 : i32
      %add3A_558 = arith.addi %add3A_557, %scan3A_227 : i32
      %get3A_559 = arith.index_cast %add3A_558 : i32 to index
      %get3A_560 = arith.constant 352 : index
      %get3A_561 = tpu.vector_load %arg6[%get3A_559, %get3A_560] {strides = array<i32>} : memref<192x512xf32, #tpu.memory_space<vmem>>, vector<1x16xf32>,
      %get3A_562 = vector.shape_cast %get3A_561 : vector<1x16xf32> to vector<16xf32>
      %add3A_563 = arith.constant 0 : i32
      %add3A_564 = arith.addi %add3A_563, %scan3A_227 : i32
      %get3A_565 = arith.index_cast %add3A_564 : i32 to index
      %get3A_566 = arith.constant 352 : index
      %get3A_567 = tpu.vector_load %arg6[%get3A_565, %get3A_566] {strides = array<i32>} : memref<192x512xf32, #tpu.memory_space<vmem>>, vector<1x16xf32>,
      %get3A_568 = vector.shape_cast %get3A_567 : vector<1x16xf32> to vector<16xf32>
      %sub3A_569 = arith.subf %get3A_562, %get3A_568 : vector<16xf32>
      %mul3A_570 = arith.mulf %sub3A_569, %sub3A_569 : vector<16xf32>
      %add3A_571 = arith.addf %mul3A_570, %add3A_556 : vector<16xf32>
      %add3A_572 = arith.constant 96 : i32
      %add3A_573 = arith.addi %add3A_572, %scan3A_227 : i32
      %get3A_574 = arith.index_cast %add3A_573 : i32 to index
      %get3A_575 = arith.constant 368 : index
      %get3A_576 = tpu.vector_load %arg6[%get3A_574, %get3A_575] {strides = array<i32>} : memref<192x512xf32, #tpu.memory_space<vmem>>, vector<1x16xf32>,
      %get3A_577 = vector.shape_cast %get3A_576 : vector<1x16xf32> to vector<16xf32>
      %add3A_578 = arith.constant 0 : i32
      %add3A_579 = arith.addi %add3A_578, %scan3A_227 : i32
      %get3A_580 = arith.index_cast %add3A_579 : i32 to index
      %get3A_581 = arith.constant 368 : index
      %get3A_582 = tpu.vector_load %arg6[%get3A_580, %get3A_581] {strides = array<i32>} : memref<192x512xf32, #tpu.memory_space<vmem>>, vector<1x16xf32>,
      %get3A_583 = vector.shape_cast %get3A_582 : vector<1x16xf32> to vector<16xf32>
      %sub3A_584 = arith.subf %get3A_577, %get3A_583 : vector<16xf32>
      %mul3A_585 = arith.mulf %sub3A_584, %sub3A_584 : vector<16xf32>
      %add3A_586 = arith.addf %mul3A_585, %add3A_571 : vector<16xf32>
      %add3A_587 = arith.constant 96 : i32
      %add3A_588 = arith.addi %add3A_587, %scan3A_227 : i32
      %get3A_589 = arith.index_cast %add3A_588 : i32 to index
      %get3A_590 = arith.constant 384 : index
      %get3A_591 = tpu.vector_load %arg6[%get3A_589, %get3A_590] {strides = array<i32>} : memref<192x512xf32, #tpu.memory_space<vmem>>, vector<1x16xf32>,
      %get3A_592 = vector.shape_cast %get3A_591 : vector<1x16xf32> to vector<16xf32>
      %add3A_593 = arith.constant 0 : i32
      %add3A_594 = arith.addi %add3A_593, %scan3A_227 : i32
      %get3A_595 = arith.index_cast %add3A_594 : i32 to index
      %get3A_596 = arith.constant 384 : index
      %get3A_597 = tpu.vector_load %arg6[%get3A_595, %get3A_596] {strides = array<i32>} : memref<192x512xf32, #tpu.memory_space<vmem>>, vector<1x16xf32>,
      %get3A_598 = vector.shape_cast %get3A_597 : vector<1x16xf32> to vector<16xf32>
      %sub3A_599 = arith.subf %get3A_592, %get3A_598 : vector<16xf32>
      %mul3A_600 = arith.mulf %sub3A_599, %sub3A_599 : vector<16xf32>
      %add3A_601 = arith.addf %mul3A_600, %add3A_586 : vector<16xf32>
      %add3A_602 = arith.constant 96 : i32
      %add3A_603 = arith.addi %add3A_602, %scan3A_227 : i32
      %get3A_604 = arith.index_cast %add3A_603 : i32 to index
      %get3A_605 = arith.constant 400 : index
      %get3A_606 = tpu.vector_load %arg6[%get3A_604, %get3A_605] {strides = array<i32>} : memref<192x512xf32, #tpu.memory_space<vmem>>, vector<1x16xf32>,
      %get3A_607 = vector.shape_cast %get3A_606 : vector<1x16xf32> to vector<16xf32>
      %add3A_608 = arith.constant 0 : i32
      %add3A_609 = arith.addi %add3A_608, %scan3A_227 : i32
      %get3A_610 = arith.index_cast %add3A_609 : i32 to index
      %get3A_611 = arith.constant 400 : index
      %get3A_612 = tpu.vector_load %arg6[%get3A_610, %get3A_611] {strides = array<i32>} : memref<192x512xf32, #tpu.memory_space<vmem>>, vector<1x16xf32>,
      %get3A_613 = vector.shape_cast %get3A_612 : vector<1x16xf32> to vector<16xf32>
      %sub3A_614 = arith.subf %get3A_607, %get3A_613 : vector<16xf32>
      %mul3A_615 = arith.mulf %sub3A_614, %sub3A_614 : vector<16xf32>
      %add3A_616 = arith.addf %mul3A_615, %add3A_601 : vector<16xf32>
      %add3A_617 = arith.constant 96 : i32
      %add3A_618 = arith.addi %add3A_617, %scan3A_227 : i32
      %get3A_619 = arith.index_cast %add3A_618 : i32 to index
      %get3A_620 = arith.constant 416 : index
      %get3A_621 = tpu.vector_load %arg6[%get3A_619, %get3A_620] {strides = array<i32>} : memref<192x512xf32, #tpu.memory_space<vmem>>, vector<1x16xf32>,
      %get3A_622 = vector.shape_cast %get3A_621 : vector<1x16xf32> to vector<16xf32>
      %add3A_623 = arith.constant 0 : i32
      %add3A_624 = arith.addi %add3A_623, %scan3A_227 : i32
      %get3A_625 = arith.index_cast %add3A_624 : i32 to index
      %get3A_626 = arith.constant 416 : index
      %get3A_627 = tpu.vector_load %arg6[%get3A_625, %get3A_626] {strides = array<i32>} : memref<192x512xf32, #tpu.memory_space<vmem>>, vector<1x16xf32>,
      %get3A_628 = vector.shape_cast %get3A_627 : vector<1x16xf32> to vector<16xf32>
      %sub3A_629 = arith.subf %get3A_622, %get3A_628 : vector<16xf32>
      %mul3A_630 = arith.mulf %sub3A_629, %sub3A_629 : vector<16xf32>
      %add3A_631 = arith.addf %mul3A_630, %add3A_616 : vector<16xf32>
      %add3A_632 = arith.constant 96 : i32
      %add3A_633 = arith.addi %add3A_632, %scan3A_227 : i32
      %get3A_634 = arith.index_cast %add3A_633 : i32 to index
      %get3A_635 = arith.constant 432 : index
      %get3A_636 = tpu.vector_load %arg6[%get3A_634, %get3A_635] {strides = array<i32>} : memref<192x512xf32, #tpu.memory_space<vmem>>, vector<1x16xf32>,
      %get3A_637 = vector.shape_cast %get3A_636 : vector<1x16xf32> to vector<16xf32>
      %add3A_638 = arith.constant 0 : i32
      %add3A_639 = arith.addi %add3A_638, %scan3A_227 : i32
      %get3A_640 = arith.index_cast %add3A_639 : i32 to index
      %get3A_641 = arith.constant 432 : index
      %get3A_642 = tpu.vector_load %arg6[%get3A_640, %get3A_641] {strides = array<i32>} : memref<192x512xf32, #tpu.memory_space<vmem>>, vector<1x16xf32>,
      %get3A_643 = vector.shape_cast %get3A_642 : vector<1x16xf32> to vector<16xf32>
      %sub3A_644 = arith.subf %get3A_637, %get3A_643 : vector<16xf32>
      %mul3A_645 = arith.mulf %sub3A_644, %sub3A_644 : vector<16xf32>
      %add3A_646 = arith.addf %mul3A_645, %add3A_631 : vector<16xf32>
      %add3A_647 = arith.constant 96 : i32
      %add3A_648 = arith.addi %add3A_647, %scan3A_227 : i32
      %get3A_649 = arith.index_cast %add3A_648 : i32 to index
      %get3A_650 = arith.constant 448 : index
      %get3A_651 = tpu.vector_load %arg6[%get3A_649, %get3A_650] {strides = array<i32>} : memref<192x512xf32, #tpu.memory_space<vmem>>, vector<1x16xf32>,
      %get3A_652 = vector.shape_cast %get3A_651 : vector<1x16xf32> to vector<16xf32>
      %add3A_653 = arith.constant 0 : i32
      %add3A_654 = arith.addi %add3A_653, %scan3A_227 : i32
      %get3A_655 = arith.index_cast %add3A_654 : i32 to index
      %get3A_656 = arith.constant 448 : index
      %get3A_657 = tpu.vector_load %arg6[%get3A_655, %get3A_656] {strides = array<i32>} : memref<192x512xf32, #tpu.memory_space<vmem>>, vector<1x16xf32>,
      %get3A_658 = vector.shape_cast %get3A_657 : vector<1x16xf32> to vector<16xf32>
      %sub3A_659 = arith.subf %get3A_652, %get3A_658 : vector<16xf32>
      %mul3A_660 = arith.mulf %sub3A_659, %sub3A_659 : vector<16xf32>
      %add3A_661 = arith.addf %mul3A_660, %add3A_646 : vector<16xf32>
      %add3A_662 = arith.constant 96 : i32
      %add3A_663 = arith.addi %add3A_662, %scan3A_227 : i32
      %get3A_664 = arith.index_cast %add3A_663 : i32 to index
      %get3A_665 = arith.constant 464 : index
      %get3A_666 = tpu.vector_load %arg6[%get3A_664, %get3A_665] {strides = array<i32>} : memref<192x512xf32, #tpu.memory_space<vmem>>, vector<1x16xf32>,
      %get3A_667 = vector.shape_cast %get3A_666 : vector<1x16xf32> to vector<16xf32>
      %add3A_668 = arith.constant 0 : i32
      %add3A_669 = arith.addi %add3A_668, %scan3A_227 : i32
      %get3A_670 = arith.index_cast %add3A_669 : i32 to index
      %get3A_671 = arith.constant 464 : index
      %get3A_672 = tpu.vector_load %arg6[%get3A_670, %get3A_671] {strides = array<i32>} : memref<192x512xf32, #tpu.memory_space<vmem>>, vector<1x16xf32>,
      %get3A_673 = vector.shape_cast %get3A_672 : vector<1x16xf32> to vector<16xf32>
      %sub3A_674 = arith.subf %get3A_667, %get3A_673 : vector<16xf32>
      %mul3A_675 = arith.mulf %sub3A_674, %sub3A_674 : vector<16xf32>
      %add3A_676 = arith.addf %mul3A_675, %add3A_661 : vector<16xf32>
      %add3A_677 = arith.constant 96 : i32
      %add3A_678 = arith.addi %add3A_677, %scan3A_227 : i32
      %get3A_679 = arith.index_cast %add3A_678 : i32 to index
      %get3A_680 = arith.constant 480 : index
      %get3A_681 = tpu.vector_load %arg6[%get3A_679, %get3A_680] {strides = array<i32>} : memref<192x512xf32, #tpu.memory_space<vmem>>, vector<1x16xf32>,
      %get3A_682 = vector.shape_cast %get3A_681 : vector<1x16xf32> to vector<16xf32>
      %add3A_683 = arith.constant 0 : i32
      %add3A_684 = arith.addi %add3A_683, %scan3A_227 : i32
      %get3A_685 = arith.index_cast %add3A_684 : i32 to index
      %get3A_686 = arith.constant 480 : index
      %get3A_687 = tpu.vector_load %arg6[%get3A_685, %get3A_686] {strides = array<i32>} : memref<192x512xf32, #tpu.memory_space<vmem>>, vector<1x16xf32>,
      %get3A_688 = vector.shape_cast %get3A_687 : vector<1x16xf32> to vector<16xf32>
      %sub3A_689 = arith.subf %get3A_682, %get3A_688 : vector<16xf32>
      %mul3A_690 = arith.mulf %sub3A_689, %sub3A_689 : vector<16xf32>
      %add3A_691 = arith.addf %mul3A_690, %add3A_676 : vector<16xf32>
      %add3A_692 = arith.constant 96 : i32
      %add3A_693 = arith.addi %add3A_692, %scan3A_227 : i32
      %get3A_694 = arith.index_cast %add3A_693 : i32 to index
      %get3A_695 = arith.constant 496 : index
      %get3A_696 = tpu.vector_load %arg6[%get3A_694, %get3A_695] {strides = array<i32>} : memref<192x512xf32, #tpu.memory_space<vmem>>, vector<1x16xf32>,
      %get3A_697 = vector.shape_cast %get3A_696 : vector<1x16xf32> to vector<16xf32>
      %add3A_698 = arith.constant 0 : i32
      %add3A_699 = arith.addi %add3A_698, %scan3A_227 : i32
      %get3A_700 = arith.index_cast %add3A_699 : i32 to index
      %get3A_701 = arith.constant 496 : index
      %get3A_702 = tpu.vector_load %arg6[%get3A_700, %get3A_701] {strides = array<i32>} : memref<192x512xf32, #tpu.memory_space<vmem>>, vector<1x16xf32>,
      %get3A_703 = vector.shape_cast %get3A_702 : vector<1x16xf32> to vector<16xf32>
      %sub3A_704 = arith.subf %get3A_697, %get3A_703 : vector<16xf32>
      %mul3A_705 = arith.mulf %sub3A_704, %sub3A_704 : vector<16xf32>
      %add3A_706 = arith.addf %mul3A_705, %add3A_691 : vector<16xf32>
      scf.yield %add3A_706 : vector<16xf32>
    }
    %scan3A_220 = arith.constant 32 : i32
    %mul3A_221 = arith.constant 4.76837158E-7 : f32
    %mul3A_222 = vector.broadcast %mul3A_221 : f32 to vector<16xf32>
    %mul3A_223 = arith.mulf %scan3A_219, %mul3A_222 : vector<16xf32>
    %swap3A = arith.constant 0 : index
    %swap3A_224 = tpu.vector_load %arg8[%swap3A] {strides = array<i32>} : memref<16xf32, #tpu.memory_space<vmem>>, vector<16xf32>,
    %swap3A_225 = vector.shape_cast %swap3A_224 : vector<16xf32> to vector<16xf32>
    %swap3A_226 = vector.shape_cast %mul3A_223 : vector<16xf32> to vector<16xf32>
    tpu.vector_store %arg8[%swap3A], %swap3A_226 {strides = array<i32>} : memref<16xf32, #tpu.memory_space<vmem>>, vector<16xf32>,
    "tpu.region"() ({
      %run_scoped3A = tpu.sem_alloc : memref<!tpu.dma_semaphore, #tpu.memory_space<semaphore_mem>>
      %dma_start3A_227 = arith.constant 0 : i32
      %dma_start3A_228 = tpu.memref_slice %arg5[%add3A, %dma_start3A_227] : memref<32x16xf32, #tpu.memory_space<hbm>> -> memref<1x16xf32, #tpu.memory_space<hbm>>
      %dma_start3A_229 = tpu.memref_squeeze %dma_start3A_228 : memref<1x16xf32, #tpu.memory_space<hbm>> -> memref<16xf32, #tpu.memory_space<hbm>>
      %dma_start3A_230 = arith.constant 0 : i32
      %dma_start3A_231 = tpu.memref_slice %arg5[%add3A, %dma_start3A_230] : memref<32x16xf32, #tpu.memory_space<hbm>> -> memref<1x16xf32, #tpu.memory_space<hbm>>
      %dma_start3A_232 = tpu.memref_squeeze %dma_start3A_231 : memref<1x16xf32, #tpu.memory_space<hbm>> -> memref<16xf32, #tpu.memory_space<hbm>>
      tpu.enqueue_dma source(%arg8 : memref<16xf32, #tpu.memory_space<vmem>>) target(%dma_start3A_232 : memref<16xf32, #tpu.memory_space<hbm>>) target_semaphore(%run_scoped3A : memref<!tpu.dma_semaphore, #tpu.memory_space<semaphore_mem>>)
      %dma_wait3A_233 = arith.constant 0 : i32
      %dma_wait3A_234 = tpu.memref_slice %arg5[%add3A, %dma_wait3A_233] : memref<32x16xf32, #tpu.memory_space<hbm>> -> memref<1x16xf32, #tpu.memory_space<hbm>>
      %dma_wait3A_235 = tpu.memref_squeeze %dma_wait3A_234 : memref<1x16xf32, #tpu.memory_space<hbm>> -> memref<16xf32, #tpu.memory_space<hbm>>
      %dma_wait3A_236 = arith.constant 0 : i32
      %dma_wait3A_237 = tpu.memref_slice %arg5[%add3A, %dma_wait3A_236] : memref<32x16xf32, #tpu.memory_space<hbm>> -> memref<1x16xf32, #tpu.memory_space<hbm>>
      %dma_wait3A_238 = tpu.memref_squeeze %dma_wait3A_237 : memref<1x16xf32, #tpu.memory_space<hbm>> -> memref<16xf32, #tpu.memory_space<hbm>>
      tpu.wait_dma2 semaphore(%run_scoped3A : memref<!tpu.dma_semaphore, #tpu.memory_space<semaphore_mem>>) src(%arg8 : memref<16xf32, #tpu.memory_space<vmem>>) dst(%dma_wait3A_238 : memref<16xf32, #tpu.memory_space<hbm>>)
      tpu.yield
    }) : () -> ()
    return
  }
}

</mosaic_0001>

<sc_bundles>
// kernel: kernel.3.cloned.1.call-start
scs
__scs_entry_jumppad:
0x0: {  	(pc) =	sbr.rel $0x88, $3  }
0x1: {  	(tag) =	ssettag $0x0;
	lr =	simm.s32 $0x1  }
0x2: {  	[smem:$0x3F9E] =	sst lr;
	_ =	strace $0xD0000000  }
0x3: {  	_ = 	snop  }
0x4: {  	_ = 	snop  }
0x5: {  	_ = 	snop  }
0x6: {  	_ = 	snop  }
0x7: {  	_ = 	snop  }
__scs_overlays_trampoline_lowered:
0x8: {  	[smem:$0x3FAD] =	sst s0  }
0x9: {  	[smem:$0x3FAE] =	sst s1  }
0xa: {  	[smem:$0x3FAF] =	sst s2  }
0xb: {  	[smem:$0x3FB0] =	sst s3  }
0xc: {  	[smem:$0x3FB1] =	sst s4  }
0xd: {  	[smem:$0x3FB2] =	sst s5  }
0xe: {  	[smem:$0x3FB3] =	sst s6  }
0xf: {  	[smem:$0x3FB4] =	sst s7  }
0x10: {  	[smem:$0x3FB5] =	sst s8  }
0x11: {  	[smem:$0x3FB6] =	sst s9;
	s0 =	simm.s32 @!p0 $0x0  }
0x12: {  	s1 =	sld [smem:$0x3F9C];
	s0 =	simm.s32 @p0 $0x1  }
0x13: {  	[smem:$0x3FB7] =	sst s0;
	s0 =	simm.s32 @!p1 $0x0  }
0x14: {  	s2 =	sld [smem:$0x3F9B];
	s0 =	simm.s32 @p1 $0x1  }
0x15: {  	[smem:$0x3FB8] =	sst s0;
	s0 =	simm.s32 @!p2 $0x0  }
0x16: {  	s3 =	sld [smem:$0x3FDB];
	s0 =	simm.s32 @p2 $0x1  }
0x17: {  	s4 =	simm.s32 $0x1BF5;
	[smem:$0x3FBA] =	sst s0  }
0x18: {  	s0 =	sld [smem:$0x3F9D];
	_ =	swait.ge [sflag:s4], $0x0  }
0x19: {  	s7 =	sld [smem:$0x3F9E]  }
0x1a: {  	s8 =	sadd.s32 $0xFFFFE003, lr  }
0x1b: {  	s9 =	sadd.s32 $0xFFFFFEF7, lr;
	s5 =	simm.s32 $0xFFFFFFFF;
	p2 =	slt.u32 s8, $0xFFFFF086  }
0x1c: {  	p1 =	slt.u32 s9, $0xF7A;
	s5 =	simm.s32 @!p2 $0x0  }
0x1d: {  	s5 =	simm.s32 @p1 $0x1;
	p0 =	seq.s32 s7, s2  }
0x1e: {  	s7 =	smul.u32 @!p0 $0xF7A, s2;
	p2 =	seq.s32 @!p0 s5, $0x0  }
0x1f: {  	s9 =	smul.u32 $0xF7A, s1;
	s8 =	simm.s32 @!p0 $0x1BF5;
	p2 =	por !p2, p0  }
0x20: {  	[sflag:s8] =	ssyncset.s32 @!p0 $0xFFFFF086;
	s6 =	sadd.s32 @!p0 s3, s7;
	s7 =	simm.s32 @!p0 $0x108  }
0x21: {  	s3 =	sadd.s32 s3, s9;
	s6 =	sadd.s32 @!p0 $0x88, s6;
	s7 =	simm.s32 @p2 $0x1082  }
0x22: {  	[simem:s7], [sflag:s8] =	dma.local @!p0 [hbm:s6], $0xF7A  }
0x23: {  	s9 =	sor.u32 $0xD0000000, s2;
	s6 =	simm.s32 $0x108;
	_ =	swait.ge @!p0 [sflag:s8], $0x0  }
0x24: {  	s3 =	sadd.s32 $0x88, s3;
	s6 =	simm.s32 @!p1 $0x1082;
	[sflag:s4] =	ssyncset.s32 $0xFFFFF086  }
0x25: {  	[simem:s6], [sflag:s4] =	dma.local [hbm:s3], $0xF7A  }
0x26: {  	[smem:$0x3F9E] =	sst s1;
	(tag) =	ssettag s2;
	_ =	strace s9  }
0x27: {  	s1 =	sld [smem:$0x3FAE]  }
0x28: {  	s2 =	sld [smem:$0x3FAF]  }
0x29: {  	s4 =	sld [smem:$0x3FB1]  }
0x2a: {  	p0 =	seq.s32 s5, $0x0;
	s5 =	sld [smem:$0x3FB2]  }
0x2b: {  	s6 =	sld [smem:$0x3FB3]  }
0x2c: {  	s7 =	sld [smem:$0x3FB4]  }
0x2d: {  	s3 =	simm.s32 $0x108;
	s8 =	sld [smem:$0x3FB5]  }
0x2e: {  	s3 =	simm.s32 @!p0 $0x1082;
	s9 =	sld [smem:$0x3FB6]  }
0x2f: {  	lr =	sadd.s32 s0, s3;
	s0 =	sld [smem:$0x3FAD]  }
0x30: {  	s3 =	sld [smem:$0x3FB0]  }
0x31: {  	[smem:$0x3FB9] =	sst s10  }
0x32: {  	s10 =	sld [smem:$0x3FB7];
	_ =	sdelay $0x3  }
0x33: {  	p0 =	seq.s32 s10, $0x1;
	s10 =	sld [smem:$0x3FB9];
	_ =	sdelay $0x3  }
0x34: {  	[smem:$0x3FB9] =	sst s10  }
0x35: {  	s10 =	sld [smem:$0x3FB8];
	_ =	sdelay $0x3  }
0x36: {  	p1 =	seq.s32 s10, $0x1;
	s10 =	sld [smem:$0x3FB9];
	_ =	sdelay $0x3  }
0x37: {  	[smem:$0x3FB9] =	sst s10  }
0x38: {  	s10 =	sld [smem:$0x3FBA]  }
0x39: {  	_ = 	snop;
	(pc) =	sbr.ind lr, $3  }
0x3a: {  	_ = 	snop  }
0x3b: {  	_ = 	snop  }
0x3c: {  	p2 =	seq.s32 s10, $0x1;
	s10 =	sld [smem:$0x3FB9]  }
0x3d: {  	_ =	shalt  }
0x3e: {  	_ =	shalt  }
0x3f: {  	_ =	shalt  }
0x40: {  	_ =	shalt  }
0x41: {  	_ =	shalt  }
0x42: {  	_ =	shalt  }
0x43: {  	_ =	shalt  }
0x44: {  	_ =	shalt  }
0x45: {  	_ =	shalt  }
0x46: {  	_ =	shalt  }
0x47: {  	_ =	shalt  }
0x48: {  	_ =	shalt  }
0x49: {  	_ =	shalt  }
0x4a: {  	_ =	shalt  }
0x4b: {  	_ =	shalt  }
0x4c: {  	_ =	shalt  }
0x4d: {  	_ =	shalt  }
0x4e: {  	_ =	shalt  }
0x4f: {  	_ =	shalt  }
0x50: {  	_ =	shalt  }
0x51: {  	_ =	shalt  }
0x52: {  	_ =	shalt  }
0x53: {  	_ =	shalt  }
0x54: {  	_ =	shalt  }
0x55: {  	_ =	shalt  }
0x56: {  	_ =	shalt  }
0x57: {  	_ =	shalt  }
0x58: {  	_ =	shalt  }
0x59: {  	_ =	shalt  }
0x5a: {  	_ =	shalt  }
0x5b: {  	_ =	shalt  }
0x5c: {  	_ =	shalt  }
0x5d: {  	_ =	shalt  }
0x5e: {  	_ =	shalt  }
0x5f: {  	_ =	shalt  }
0x60: {  	_ =	shalt  }
0x61: {  	_ =	shalt  }
0x62: {  	_ =	shalt  }
0x63: {  	_ =	shalt  }
0x64: {  	_ =	shalt  }
0x65: {  	_ =	shalt  }
0x66: {  	_ =	shalt  }
0x67: {  	_ =	shalt  }
0x68: {  	_ =	shalt  }
0x69: {  	_ =	shalt  }
0x6a: {  	_ =	shalt  }
0x6b: {  	_ =	shalt  }
0x6c: {  	_ =	shalt  }
0x6d: {  	_ =	shalt  }
0x6e: {  	_ =	shalt  }
0x6f: {  	_ =	shalt  }
0x70: {  	_ =	shalt  }
0x71: {  	_ =	shalt  }
0x72: {  	_ =	shalt  }
0x73: {  	_ =	shalt  }
0x74: {  	_ =	shalt  }
0x75: {  	_ =	shalt  }
0x76: {  	_ =	shalt  }
0x77: {  	_ =	shalt  }
0x78: {  	_ =	shalt  }
0x79: {  	_ =	shalt  }
0x7a: {  	_ =	shalt  }
0x7b: {  	_ =	shalt  }
0x7c: {  	_ =	shalt  }
0x7d: {  	_ =	shalt  }
0x7e: {  	_ =	shalt  }
0x7f: {  	_ =	shalt  }
0x80: {  	_ =	shalt  }
0x81: {  	_ =	shalt  }
0x82: {  	_ =	shalt  }
0x83: {  	_ =	shalt  }
0x84: {  	_ =	shalt  }
0x85: {  	_ =	shalt  }
0x86: {  	_ =	shalt  }
0x87: {  	_ =	shalt  }
.Lfunc_end0:
.L_simem_size_0:
called_computation_lowered:
.L_overlay_start_0:
0x88: {  	s2 =	sld [smem:$0x3FD9]  }
0x89: {  	s3 =	sld [smem:$0x3FFE];
	_ =	sdelay $0x1  }
0x8a: {  	s1 =	srdreg.scid  }
0x8b: {  	s0 =	sand.u32 $0x1, s1  }
0x8c: {  	s17 =	sshll.u32 s0, $0xA;
	s2 =	sadd.s32 s3, s2  }
0x8d: {  	s2 =	sadd.s32 s2, s17  }
0x8e: {  	[smem:$0x3FC5] =	sst s2  }
0x8f: {  	_ = 	snop  }
0x90: {  	s2 =	sld [smem:$0x3FC9]  }
0x91: {  	s18 =	sld [smem:$0x3FC8]  }
0x92: {  	s4 =	sld [smem:$0x3FC7];
	(tm) =	ssettm $0x1  }
0x93: {  	s5 =	sld [smem:$0x3FFB];
	_ =	sdelay $0x3  }
0x94: {  	_ =	strace s5  }
0x95: {  	s5 =	sld [smem:$0x3FFC];
	_ =	sdelay $0x3  }
0x96: {  	_ =	strace s5  }
0x97: {  	s5 =	sld [smem:$0x3FFD];
	_ =	sdelay $0x3  }
0x98: {  	_ =	strace s5  }
0x99: {  	_ =	strace $0x8FFFFFFF  }
0x9a: {  	s19 =	sld [smem:$0x3FDB];
	_ =	sdelay $0x1  }
0x9b: {  	s6 =	simm.s32 $_scs_section_size  }
0x9c: {  	s7 =	simm.s32 $_size__tile_overlayer_lowered;
	s8 =	simm.s32 $_tile_overlayer_lowered  }
0x9d: {  	s22 =	simm.s32 $0x1BFF;
	s21 =	sshll.u32 s8, $0x1;
	s5 =	sadd.s32 s6, s19  }
0x9e: {  	s9 =	simm.s32 $0x0;
	s20 =	sshll.u32 s7, $0x1;
	s7 =	sadd.s32 s21, s5  }
0x9f: {  	[timem:s9], [sflag:s22] =	dma.local [hbm:s7], s20  }
0xa0: {  	_ =	swait.ge [sflag:s22], s20  }
0xa1: {  	s6 =	ssub.s32 $0x0, s20;
	[sflag:s22] =	ssyncset.done $0x0  }
0xa2: {  	[sflag:s22] =	ssyncadd.s32 s6;
	_ =	sdelay $0x1  }
0xa3: {  	s23 =	simm.s32 $0x1B8B  }
0xa4: {  	_ =	swait.ge [sflag:s23], $0x1  }
0xa5: {  	[sflag:s23] =	ssyncset.done $0x0  }
0xa6: {  	s25 =	simm.s32 $0x1B8E;
	s24 =	sld [smem:$0x3FFE];
	[sflag:s23] =	ssyncadd.s32 $0xFFFFFFFF  }
0xa7: {  	s26 =	simm.s32 $execute0_lowered;
	[smem:$0x3FD2] =	sst s25  }
0xa8: {  	s7 =	sshll.u32 s26, $0x1;
	_ =	strace $0x80000046;
	[dreg:$0x1] =	wrdreg $0xFFFFFFFF  }
0xa9: {  	s28 =	simm.s32 $_size_execute0_lowered;
	s5 =	sadd.s32 s5, s7;
	[dreg:$0x0] =	wrdreg $0x0  }
0xaa: {  	s7 =	sshll.u32 s28, $0x1;
	[dreg:$0x2] =	wrdreg s5  }
0xab: {  	[dreg:$0x3] =	wrdreg s7  }
0xac: {  	[dreg:$0x4] =	wrdreg $0xC0  }
0xad: {  	_ =	task [dreg:s9], $0x5FFFF  }
0xae: {  	[dreg:$0x1] =	wrdreg $0xFFFFFFFF  }
0xaf: {  	[dreg:$0x0] =	wrdreg $0x60  }
0xb0: {  	[dreg:$0x2] =	wrdreg s2  }
0xb1: {  	[dreg:$0x3] =	wrdreg s18  }
0xb2: {  	[dreg:$0x4] =	wrdreg s4  }
0xb3: {  	[dreg:$0x5] =	wrdreg s24  }
0xb4: {  	[dreg:$0x6] =	wrdreg $0x9  }
0xb5: {  	_ =	task.clear_ibuf [dreg:s9], $0x7FFFF;
	_ =	strace $0x90000046  }
0xb6: {  	s29 =	simm.s32 $0x9;
	_ =	strace $0x80000048  }
0xb7: {  	_ =	swait.ge [sflag:s29], $0x1  }
0xb8: {  	[sflag:s29] =	ssyncadd.s32 $0xFFFFFFFF  }
0xb9: {  	_ =	strace $0x90000048  }
0xba: {  	_ =	sfence  }
0xbb: {  	s30 =	sld [smem:$0x0];
	_ =	sdelay $0x2  }
0xbc: {  	s31 =	sshll.u32 s1, $0xD;
	s1 =	sshrl.u32 s1, $0x2  }
0xbd: {  	s3 =	sand.u32 $0x4000, s31;
	s1 =	sadd.s32 s1, s30  }
0xbe: {  	s0 =	sor.u32 s3, s0;
	s1 =	sshll.u32 s1, $0x11  }
0xbf: {  	s0 =	sor.u32 s1, s0  }
0xc0: {  	s0 =	sadd.s32 $0x8F2B, s0  }
0xc1: {  	[sflag:s0] =	ssyncadd.remote.s32 $0x1  }
0xc2: {  	_ =	sfence.sel $0xFFFF  }
0xc3: {  	[dreg:$0x0] =	wrdreg $0xFFFFFFFF;
	(pc) =	sbr.abs _section_cstart, $3  }
0xc4: {  	[dreg:$0x1] =	wrdreg $0xFFFFFFFF  }
0xc5: {  	_ =	task.clear_ibuf [dreg:s9], $0x2FFFF;
	_ =	strace $0x9FFFFFFF  }
0xc6: {  	(tm) =	ssettm $0x7FFFFFFF  }
0xc7: {  	_ =	shalt  }
tec
execute0_lowered:
.L_overlay_start_1:
0x0: {  	(tag) =	ssettag $0x1  }
0x1: {  	s0 =	rddreg [dreg:$0x0]  }
0x2: {  	s2 =	rddreg [dreg:$0x1]  }
0x3: {  	s1 =	rddreg [dreg:$0x2]  }
0x4: {  	s11 =	rddreg [dreg:$0x3];
	s4 =	srdreg.scid  }
0x5: {  	s3 =	simm.s32 $0x0;
	s6 =	stileid.u32;
	s14 =	simm.s32 $0x9  }
0x6: {  	s18 =	simm.s32 $0x800;
	s19 =	simm.s32 $0xC000;
	s20 =	simm.s32 $0x2800  }
0x7: {  	s21 =	simm.s32 $0x3000;
	s22 =	simm.s32 $0x3800;
	s23 =	simm.s32 $0x4  }
0x8: {  	s24 =	simm.s32 $0x5;
	s25 =	simm.s32 $0x6;
	s26 =	simm.s32 $0x7  }
0x9: {  	s28 =	simm.s32 $0x8;
	s30 =	simm.s32 $0x0;
	s4 =	sand.u32 $0x1, s4  }
0xa: {  	[smem:$0x7FF] =	sst s3;
	s6 =	sshll.u32 s6, $0x1;
	s5 =	ssub.s32 $0x2, s4  }
0xb: {  	_ =	strace $0x80000047;
	s4 =	sor.u32 s4, s6;
	s7 =	sshrl.u32 s5, $0x1  }
0xc: {  	s13 =	sshll.u32 s4, $0x4;
	s6 =	sshll.u32 s4, $0xD;
	s12 =	ssub.s32 s5, s7  }
0xd: {  	s4 =	sadd.s32 s2, s13;
	s5 =	sadd.s32 $0x100, s1;
	s6 =	sadd.s32 s0, s6  }
0xe: {  	v2 =	vlaneseq.u32;
	s11 =	sadd.s32 s11, s13;
	s0 =	simm.s32 $0x1;
	s2 =	simm.s32 $0x2  }
0xf: {  	vm0 =	vmmov $0xffff;
	v1 =	vshrl.u32 v2, $0x3;
	s13 =	simm.s32 $0x3;
	s7 =	sadd.s32 $0x200, s6;
	s8 =	sadd.s32 $0x800, s6  }
0x10: {  	v0 =	vand.u32 $0x7, v2;
	v2 =	vor.u32 $0x8, v2;
	v1 =	vmul.u32 $0x8, v1;
	s9 =	sadd.s32 $0x1000, s6;
	s10 =	sadd.s32 $0x1800, s6;
	s12 =	smax.u32 s12, $0x1  }
.LBB2_1:
0x11: {  	s15 =	simm.s32 $0x18000  }
0x12: {  	[tilespmem:s15], [sflag:$0x9] =	stream.linear.gather [hbm4b:s4+s3], $0x80, $0x38;
	[tilespmem:$0x18100] =	vst v63  }
0x13: {  	_ =	swait.ge [sflag:s14], $0x80  }
0x14: {  	[sflag:s14] =	ssyncset.done $0x0  }
0x15: {  	[sflag:s14] =	ssyncadd.s32 $0xFFFFFF80  }
0x16: {  	v3 =	vld.msk [tilespmem:$0x18000], $0xff;
	_ =	sdelay $0x4  }
0x17: {  	v4 =	vshll.u32 v3, $0x2  }
0x18: {  	v3 =	vand.u32 $0x7, v3;
	v4 =	vand.u32 $0xFFFFFFE0, v4  }
0x19: {  	v3 =	vor.u32 v3, v4  }
0x1a: {  	v3 =	vperm.xlane v3, v0;
	_ =	sdelay $0x1  }
0x1b: {  	v3 =	vadd.s32 v1, v3;
	_ =	sdelay $0x4  }
0x1c: {  	[tilespmem:s3], [sflag:$0x1] =	stream.indirect_vreg.gather [hbm4b:s1+s3], $0x80, v3, vm0, $0xb8;
	[tilespmem:$0x18100] =	vst v63  }
0x1d: {  	_ = 	snop  }
0x1e: {  	[tilespmem:s18], [sflag:$0x1] =	stream.indirect_vreg.gather [hbm4b:s5+s3], $0x80, v3, vm0, $0xb8;
	[tilespmem:$0x18100] =	vst v63  }
0x1f: {  	_ = 	snop  }
0x20: {  	[tilespmem:s19], [sflag:$0x2] =	stream.linear.gather [hbm4b:s6+s3], $0x1000, $0x38;
	[tilespmem:$0x18100] =	vst v63  }
0x21: {  	v3 =	vld [tilespmem:$0x18008];
	_ =	sdelay $0x4  }
0x22: {  	v4 =	vshll.u32 v3, $0x2  }
0x23: {  	v3 =	vand.u32 $0x7, v3;
	v4 =	vand.u32 $0xFFFFFFE0, v4  }
0x24: {  	v3 =	vor.u32 v3, v4  }
0x25: {  	v4 =	vperm.xlane v3, v0;
	_ =	sdelay $0x1  }
0x26: {  	v4 =	vadd.s32 v1, v4;
	_ =	sdelay $0x1  }
0x27: {  	v3 =	vperm.xlane v3, v2;
	_ =	sdelay $0x1  }
0x28: {  	s17 =	simm.s32 $0x1000;
	v3 =	vadd.s32 v1, v3  }
0x29: {  	[tilespmem:s17], [sflag:$0x3] =	stream.indirect_vreg.gather [hbm4b:s1+s3], $0x80, v4, vm0, $0xb8;
	[tilespmem:$0x18100] =	vst v63  }
0x2a: {  	s29 =	simm.s32 $0x1800  }
0x2b: {  	[tilespmem:s29], [sflag:$0x3] =	stream.indirect_vreg.gather [hbm4b:s5+s3], $0x80, v4, vm0, $0xb8;
	[tilespmem:$0x18100] =	vst v63  }
0x2c: {  	s16 =	simm.s32 $0x2000  }
0x2d: {  	[tilespmem:s16], [sflag:$0x3] =	stream.indirect_vreg.gather [hbm4b:s1+s3], $0x80, v3, vm0, $0xb8;
	[tilespmem:$0x18100] =	vst v63  }
0x2e: {  	_ = 	snop  }
0x2f: {  	[tilespmem:s20], [sflag:$0x3] =	stream.indirect_vreg.gather [hbm4b:s5+s3], $0x80, v3, vm0, $0xb8;
	[tilespmem:$0x18100] =	vst v63  }
0x30: {  	v3 =	vld.msk [tilespmem:$0x18018], $0xff;
	_ =	sdelay $0x4  }
0x31: {  	v4 =	vshll.u32 v3, $0x2  }
0x32: {  	v3 =	vand.u32 $0x7, v3;
	v4 =	vand.u32 $0xFFFFFFE0, v4  }
0x33: {  	v3 =	vor.u32 v3, v4  }
0x34: {  	v3 =	vperm.xlane v3, v0;
	_ =	sdelay $0x1  }
0x35: {  	v3 =	vadd.s32 v1, v3;
	_ =	sdelay $0x4  }
0x36: {  	[tilespmem:s21], [sflag:$0x3] =	stream.indirect_vreg.gather [hbm4b:s1+s3], $0x80, v3, vm0, $0xb8;
	[tilespmem:$0x18100] =	vst v63  }
0x37: {  	_ = 	snop  }
0x38: {  	[tilespmem:s22], [sflag:$0x3] =	stream.indirect_vreg.gather [hbm4b:s5+s3], $0x80, v3, vm0, $0xb8;
	[tilespmem:$0x18100] =	vst v63  }
0x39: {  	s17 =	simm.s32 $0xD000  }
0x3a: {  	[tilespmem:s17], [sflag:$0x4] =	stream.linear.gather [hbm4b:s7+s3], $0x3000, $0x38;
	[tilespmem:$0x18100] =	vst v63  }
0x3b: {  	v3 =	vld [tilespmem:$0x18020];
	_ =	sdelay $0x4  }
0x3c: {  	v4 =	vshll.u32 v3, $0x2  }
0x3d: {  	v3 =	vand.u32 $0x7, v3;
	v4 =	vand.u32 $0xFFFFFFE0, v4  }
0x3e: {  	v3 =	vor.u32 v3, v4  }
0x3f: {  	v4 =	vperm.xlane v3, v0;
	_ =	sdelay $0x1  }
0x40: {  	v4 =	vadd.s32 v1, v4;
	_ =	sdelay $0x1  }
0x41: {  	v3 =	vperm.xlane v3, v2;
	_ =	sdelay $0x1  }
0x42: {  	s29 =	simm.s32 $0x4000;
	v3 =	vadd.s32 v1, v3  }
0x43: {  	[tilespmem:s29], [sflag:$0x5] =	stream.indirect_vreg.gather [hbm4b:s1+s3], $0x80, v4, vm0, $0xb8;
	[tilespmem:$0x18100] =	vst v63  }
0x44: {  	s16 =	simm.s32 $0x4800  }
0x45: {  	[tilespmem:s16], [sflag:$0x5] =	stream.indirect_vreg.gather [hbm4b:s5+s3], $0x80, v4, vm0, $0xb8;
	[tilespmem:$0x18100] =	vst v63  }
0x46: {  	s17 =	simm.s32 $0x5000  }
0x47: {  	[tilespmem:s17], [sflag:$0x5] =	stream.indirect_vreg.gather [hbm4b:s1+s3], $0x80, v3, vm0, $0xb8;
	[tilespmem:$0x18100] =	vst v63  }
0x48: {  	s29 =	simm.s32 $0x5800  }
0x49: {  	[tilespmem:s29], [sflag:$0x5] =	stream.indirect_vreg.gather [hbm4b:s5+s3], $0x80, v3, vm0, $0xb8;
	[tilespmem:$0x18100] =	vst v63  }
0x4a: {  	v3 =	vld [tilespmem:$0x18030];
	_ =	sdelay $0x4  }
0x4b: {  	v4 =	vshll.u32 v3, $0x2  }
0x4c: {  	v3 =	vand.u32 $0x7, v3;
	v4 =	vand.u32 $0xFFFFFFE0, v4  }
0x4d: {  	v3 =	vor.u32 v3, v4  }
0x4e: {  	v4 =	vperm.xlane v3, v0;
	_ =	sdelay $0x1  }
0x4f: {  	v4 =	vadd.s32 v1, v4;
	_ =	sdelay $0x1  }
0x50: {  	v3 =	vperm.xlane v3, v2;
	_ =	sdelay $0x1  }
0x51: {  	s16 =	simm.s32 $0x6000;
	v3 =	vadd.s32 v1, v3  }
0x52: {  	[tilespmem:s16], [sflag:$0x5] =	stream.indirect_vreg.gather [hbm4b:s1+s3], $0x80, v4, vm0, $0xb8;
	[tilespmem:$0x18100] =	vst v63  }
0x53: {  	s17 =	simm.s32 $0x6800  }
0x54: {  	[tilespmem:s17], [sflag:$0x5] =	stream.indirect_vreg.gather [hbm4b:s5+s3], $0x80, v4, vm0, $0xb8;
	[tilespmem:$0x18100] =	vst v63  }
0x55: {  	s29 =	simm.s32 $0x7000  }
0x56: {  	[tilespmem:s29], [sflag:$0x5] =	stream.indirect_vreg.gather [hbm4b:s1+s3], $0x80, v3, vm0, $0xb8;
	[tilespmem:$0x18100] =	vst v63  }
0x57: {  	s16 =	simm.s32 $0x7800  }
0x58: {  	[tilespmem:s16], [sflag:$0x5] =	stream.indirect_vreg.gather [hbm4b:s5+s3], $0x80, v3, vm0, $0xb8;
	[tilespmem:$0x18100] =	vst v63  }
0x59: {  	s17 =	simm.s32 $0x10000  }
0x5a: {  	[tilespmem:s17], [sflag:$0x6] =	stream.linear.gather [hbm4b:s8+s3], $0x4000, $0x38;
	[tilespmem:$0x18100] =	vst v63  }
0x5b: {  	v3 =	vld [tilespmem:$0x18040];
	_ =	sdelay $0x4  }
0x5c: {  	v4 =	vshll.u32 v3, $0x2  }
0x5d: {  	v3 =	vand.u32 $0x7, v3;
	v4 =	vand.u32 $0xFFFFFFE0, v4  }
0x5e: {  	v3 =	vor.u32 v3, v4  }
0x5f: {  	v4 =	vperm.xlane v3, v0;
	_ =	sdelay $0x1  }
0x60: {  	v4 =	vadd.s32 v1, v4;
	_ =	sdelay $0x1  }
0x61: {  	v3 =	vperm.xlane v3, v2;
	_ =	sdelay $0x1  }
0x62: {  	s29 =	simm.s32 $0x8000;
	v3 =	vadd.s32 v1, v3  }
0x63: {  	[tilespmem:s29], [sflag:$0x7] =	stream.indirect_vreg.gather [hbm4b:s1+s3], $0x80, v4, vm0, $0xb8;
	[tilespmem:$0x18100] =	vst v63  }
0x64: {  	s16 =	simm.s32 $0x8800  }
0x65: {  	[tilespmem:s16], [sflag:$0x7] =	stream.indirect_vreg.gather [hbm4b:s5+s3], $0x80, v4, vm0, $0xb8;
	[tilespmem:$0x18100] =	vst v63  }
0x66: {  	s17 =	simm.s32 $0x9000  }
0x67: {  	[tilespmem:s17], [sflag:$0x7] =	stream.indirect_vreg.gather [hbm4b:s1+s3], $0x80, v3, vm0, $0xb8;
	[tilespmem:$0x18100] =	vst v63  }
0x68: {  	s29 =	simm.s32 $0x9800  }
0x69: {  	[tilespmem:s29], [sflag:$0x7] =	stream.indirect_vreg.gather [hbm4b:s5+s3], $0x80, v3, vm0, $0xb8;
	[tilespmem:$0x18100] =	vst v63  }
0x6a: {  	v3 =	vld [tilespmem:$0x18050];
	_ =	sdelay $0x4  }
0x6b: {  	v4 =	vshll.u32 v3, $0x2  }
0x6c: {  	v3 =	vand.u32 $0x7, v3;
	v4 =	vand.u32 $0xFFFFFFE0, v4  }
0x6d: {  	v3 =	vor.u32 v3, v4  }
0x6e: {  	v4 =	vperm.xlane v3, v0;
	_ =	sdelay $0x1  }
0x6f: {  	v4 =	vadd.s32 v1, v4;
	_ =	sdelay $0x1  }
0x70: {  	v3 =	vperm.xlane v3, v2;
	_ =	sdelay $0x1  }
0x71: {  	s16 =	simm.s32 $0xA000;
	v3 =	vadd.s32 v1, v3  }
0x72: {  	[tilespmem:s16], [sflag:$0x7] =	stream.indirect_vreg.gather [hbm4b:s1+s3], $0x80, v4, vm0, $0xb8;
	[tilespmem:$0x18100] =	vst v63  }
0x73: {  	s17 =	simm.s32 $0xA800  }
0x74: {  	[tilespmem:s17], [sflag:$0x7] =	stream.indirect_vreg.gather [hbm4b:s5+s3], $0x80, v4, vm0, $0xb8;
	[tilespmem:$0x18100] =	vst v63  }
0x75: {  	s29 =	simm.s32 $0xB000  }
0x76: {  	[tilespmem:s29], [sflag:$0x7] =	stream.indirect_vreg.gather [hbm4b:s1+s3], $0x80, v3, vm0, $0xb8;
	[tilespmem:$0x18100] =	vst v63  }
0x77: {  	s16 =	simm.s32 $0xB800  }
0x78: {  	[tilespmem:s16], [sflag:$0x7] =	stream.indirect_vreg.gather [hbm4b:s5+s3], $0x80, v3, vm0, $0xb8;
	[tilespmem:$0x18100] =	vst v63  }
0x79: {  	s17 =	simm.s32 $0x14000  }
0x7a: {  	[tilespmem:s17], [sflag:$0x8] =	stream.linear.gather [hbm4b:s9+s3], $0x4000, $0x38;
	[tilespmem:$0x18100] =	vst v63  }
0x7b: {  	_ =	swait.ge [sflag:s0], $0x1000  }
0x7c: {  	[sflag:s0] =	ssyncset.done $0x0  }
0x7d: {  	[sflag:s0] =	ssyncadd.s32 $0xFFFFF000  }
0x7e: {  	_ =	swait.ge [sflag:s2], $0x1000  }
0x7f: {  	[sflag:s2] =	ssyncset.done $0x0  }
0x80: {  	s29 =	simm.s32 $0x0;
	[sflag:s2] =	ssyncadd.s32 $0xFFFFF000  }
0x81: {  	v3 =	vld [tilespmem:s29+$0xC000]  }
0x82: {  	v4 =	vld [tilespmem:s29+$0x0]  }
0x83: {  	v5 =	vld [tilespmem:s29+$0xC010]  }
0x84: {  	v6 =	vld [tilespmem:s29+$0x10]  }
0x85: {  	v7 =	vld [tilespmem:s29+$0xC020]  }
0x86: {  	v8 =	vld [tilespmem:s29+$0x20]  }
0x87: {  	v9 =	vld [tilespmem:s29+$0x30];
	v3 =	vsub.f32 v3, v4  }
0x88: {  	v4 =	vld [tilespmem:s29+$0xC030]  }
0x89: {  	v11 =	vld [tilespmem:s29+$0x40];
	v5 =	vsub.f32 v5, v6;
	v3 =	vmul.f32 v3, v3  }
0x8a: {  	v10 =	vimm.f32 $0.0e+00;
	v6 =	vld [tilespmem:s29+$0xC040]  }
0x8b: {  	v7 =	vsub.f32 v7, v8;
	v8 =	vld [tilespmem:s29+$0xC050];
	v5 =	vmul.f32 v5, v5;
	v3 =	vadd.f32 v3, v10  }
0x8c: {  	v10 =	vld [tilespmem:s29+$0x50]  }
0x8d: {  	v4 =	vsub.f32 v4, v9;
	v9 =	vld [tilespmem:s29+$0x60];
	v3 =	vadd.f32 v5, v3;
	v5 =	vmul.f32 v7, v7  }
0x8e: {  	v7 =	vld [tilespmem:s29+$0xC060]  }
0x8f: {  	v4 =	vmul.f32 v4, v4;
	v3 =	vadd.f32 v5, v3;
	v5 =	vsub.f32 v6, v11;
	v6 =	vld [tilespmem:s29+$0xC070]  }
0x90: {  	v11 =	vld [tilespmem:s29+$0x70]  }
0x91: {  	v3 =	vadd.f32 v4, v3;
	v4 =	vmul.f32 v5, v5;
	v5 =	vsub.f32 v8, v10;
	v8 =	vld [tilespmem:s29+$0xC400]  }
0x92: {  	v10 =	vld [tilespmem:s29+$0x400]  }
0x93: {  	v3 =	vadd.f32 v4, v3;
	v4 =	vmul.f32 v5, v5;
	v5 =	vsub.f32 v7, v9;
	v7 =	vld [tilespmem:s29+$0xC410]  }
0x94: {  	v9 =	vld [tilespmem:s29+$0x410]  }
0x95: {  	v3 =	vadd.f32 v4, v3;
	v4 =	vmul.f32 v5, v5;
	v5 =	vsub.f32 v6, v11;
	v6 =	vld [tilespmem:s29+$0xC420]  }
0x96: {  	v11 =	vld [tilespmem:s29+$0x420]  }
0x97: {  	v3 =	vadd.f32 v4, v3;
	v4 =	vmul.f32 v5, v5;
	v5 =	vsub.f32 v8, v10;
	v8 =	vld [tilespmem:s29+$0xC430]  }
0x98: {  	v10 =	vld [tilespmem:s29+$0x430]  }
0x99: {  	v3 =	vadd.f32 v4, v3;
	v4 =	vmul.f32 v5, v5;
	v5 =	vsub.f32 v7, v9;
	v7 =	vld [tilespmem:s29+$0xC440]  }
0x9a: {  	v9 =	vld [tilespmem:s29+$0x440]  }
0x9b: {  	v3 =	vadd.f32 v4, v3;
	v4 =	vmul.f32 v5, v5;
	v5 =	vsub.f32 v6, v11;
	v6 =	vld [tilespmem:s29+$0xC450]  }
0x9c: {  	v11 =	vld [tilespmem:s29+$0x450]  }
0x9d: {  	v3 =	vadd.f32 v4, v3;
	v4 =	vmul.f32 v5, v5;
	v5 =	vsub.f32 v8, v10;
	v8 =	vld [tilespmem:s29+$0xC460]  }
0x9e: {  	v10 =	vld [tilespmem:s29+$0x460]  }
0x9f: {  	v3 =	vadd.f32 v4, v3;
	v4 =	vmul.f32 v5, v5;
	v5 =	vsub.f32 v7, v9;
	v7 =	vld [tilespmem:s29+$0xC470]  }
0xa0: {  	v9 =	vld [tilespmem:s29+$0x470]  }
0xa1: {  	v3 =	vadd.f32 v4, v3;
	v4 =	vmul.f32 v5, v5;
	v5 =	vsub.f32 v6, v11;
	v6 =	vld [tilespmem:s29+$0xC800]  }
0xa2: {  	v11 =	vld [tilespmem:s29+$0x800]  }
0xa3: {  	v3 =	vadd.f32 v4, v3;
	v4 =	vmul.f32 v5, v5;
	v5 =	vsub.f32 v8, v10;
	v8 =	vld [tilespmem:s29+$0xC810]  }
0xa4: {  	v10 =	vld [tilespmem:s29+$0x810]  }
0xa5: {  	v3 =	vadd.f32 v4, v3;
	v4 =	vmul.f32 v5, v5;
	v5 =	vsub.f32 v7, v9;
	v7 =	vld [tilespmem:s29+$0xC820]  }
0xa6: {  	v9 =	vld [tilespmem:s29+$0x820]  }
0xa7: {  	v3 =	vadd.f32 v4, v3;
	v4 =	vmul.f32 v5, v5;
	v5 =	vsub.f32 v6, v11;
	v6 =	vld [tilespmem:s29+$0xC830]  }
0xa8: {  	v11 =	vld [tilespmem:s29+$0x830]  }
0xa9: {  	v3 =	vadd.f32 v4, v3;
	v4 =	vmul.f32 v5, v5;
	v5 =	vsub.f32 v8, v10;
	v8 =	vld [tilespmem:s29+$0xC840]  }
0xaa: {  	v10 =	vld [tilespmem:s29+$0x840]  }
0xab: {  	v3 =	vadd.f32 v4, v3;
	v4 =	vmul.f32 v5, v5;
	v5 =	vsub.f32 v7, v9;
	v7 =	vld [tilespmem:s29+$0xC850]  }
0xac: {  	v9 =	vld [tilespmem:s29+$0x850]  }
0xad: {  	v3 =	vadd.f32 v4, v3;
	v4 =	vmul.f32 v5, v5;
	v5 =	vsub.f32 v6, v11;
	v6 =	vld [tilespmem:s29+$0xC860]  }
0xae: {  	v11 =	vld [tilespmem:s29+$0x860]  }
0xaf: {  	v3 =	vadd.f32 v4, v3;
	v4 =	vmul.f32 v5, v5;
	v5 =	vsub.f32 v8, v10;
	v8 =	vld [tilespmem:s29+$0xC870]  }
0xb0: {  	v10 =	vld [tilespmem:s29+$0x870]  }
0xb1: {  	v3 =	vadd.f32 v4, v3;
	v4 =	vmul.f32 v5, v5;
	v5 =	vsub.f32 v7, v9;
	v7 =	vld [tilespmem:s29+$0xCC00]  }
0xb2: {  	v9 =	vld [tilespmem:s29+$0xC00]  }
0xb3: {  	v3 =	vadd.f32 v4, v3;
	v4 =	vmul.f32 v5, v5;
	v5 =	vsub.f32 v6, v11;
	v6 =	vld [tilespmem:s29+$0xCC10]  }
0xb4: {  	v11 =	vld [tilespmem:s29+$0xC10]  }
0xb5: {  	v3 =	vadd.f32 v4, v3;
	v4 =	vmul.f32 v5, v5;
	v5 =	vsub.f32 v8, v10;
	v8 =	vld [tilespmem:s29+$0xCC20]  }
0xb6: {  	v10 =	vld [tilespmem:s29+$0xC20]  }
0xb7: {  	v3 =	vadd.f32 v4, v3;
	v4 =	vmul.f32 v5, v5;
	v5 =	vsub.f32 v7, v9;
	v7 =	vld [tilespmem:s29+$0xCC30]  }
0xb8: {  	v9 =	vld [tilespmem:s29+$0xC30]  }
0xb9: {  	v12 =	vld [tilespmem:s29+$0xC40];
	v3 =	vadd.f32 v4, v3;
	v4 =	vmul.f32 v5, v5;
	v5 =	vsub.f32 v6, v11  }
0xba: {  	v11 =	vld [tilespmem:s29+$0xCC40]  }
0xbb: {  	v13 =	vld [tilespmem:s29+$0xC50];
	v3 =	vadd.f32 v4, v3;
	v4 =	vmul.f32 v5, v5;
	v5 =	vsub.f32 v8, v10  }
0xbc: {  	v10 =	vld [tilespmem:s29+$0xCC50]  }
0xbd: {  	v6 =	vld [tilespmem:s29+$0xC60];
	v7 =	vsub.f32 v7, v9;
	v4 =	vadd.f32 v4, v3;
	v5 =	vmul.f32 v5, v5  }
0xbe: {  	v3 =	vld [tilespmem:s29+$0xCC60]  }
0xbf: {  	v9 =	vmul.f32 v7, v7;
	v11 =	vsub.f32 v11, v12;
	v7 =	vld [tilespmem:s29+$0xC70];
	v8 =	vadd.f32 v5, v4  }
0xc0: {  	s31 =	simm.s32 $0x80;
	v4 =	vld [tilespmem:s29+$0xCC70]  }
0xc1: {  	s15 =	simm.s32 $0x400;
	v5 =	vld [tilespmem:s31+$0xC000];
	v10 =	vsub.f32 v10, v13;
	v8 =	vadd.f32 v9, v8;
	v9 =	vmul.f32 v11, v11  }
.LBB2_2:
0xc2: {  	p0 =	sne.s32 s15, $0xE00;
	v11 =	vld [tilespmem:s31+$0x0]  }
0xc3: {  	v12 =	vld [tilespmem:s31+$0xC010];
	v8 =	vadd.f32 v9, v8;
	v9 =	vmul.f32 v10, v10;
	v3 =	vsub.f32 v3, v6  }
0xc4: {  	v6 =	vld [tilespmem:s31+$0x10]  }
0xc5: {  	v10 =	vld [tilespmem:s31+$0xC020];
	v8 =	vadd.f32 v9, v8;
	v3 =	vmul.f32 v3, v3;
	v4 =	vsub.f32 v4, v7  }
0xc6: {  	v7 =	vld [tilespmem:s31+$0x20]  }
0xc7: {  	v5 =	vsub.f32 v5, v11;
	v9 =	vld [tilespmem:s31+$0xC030];
	v3 =	vadd.f32 v3, v8;
	v4 =	vmul.f32 v4, v4  }
0xc8: {  	v8 =	vld [tilespmem:s31+$0x30]  }
0xc9: {  	v5 =	vmul.f32 v5, v5;
	v6 =	vsub.f32 v12, v6;
	v11 =	vld [tilespmem:s31+$0xC040];
	v3 =	vadd.f32 v4, v3  }
0xca: {  	v4 =	vld [tilespmem:s31+$0x40]  }
0xcb: {  	v3 =	vadd.f32 v5, v3;
	v5 =	vmul.f32 v6, v6;
	v6 =	vsub.f32 v10, v7;
	v7 =	vld [tilespmem:s31+$0xC050]  }
0xcc: {  	v10 =	vld [tilespmem:s31+$0x50]  }
0xcd: {  	v3 =	vadd.f32 v5, v3;
	v5 =	vmul.f32 v6, v6;
	v6 =	vsub.f32 v9, v8;
	v8 =	vld [tilespmem:s31+$0xC060]  }
0xce: {  	v9 =	vld [tilespmem:s31+$0x60]  }
0xcf: {  	v3 =	vadd.f32 v5, v3;
	v5 =	vmul.f32 v6, v6;
	v4 =	vsub.f32 v11, v4;
	v6 =	vld [tilespmem:s31+$0xC070]  }
0xd0: {  	v11 =	vld [tilespmem:s31+$0x70]  }
0xd1: {  	v3 =	vadd.f32 v5, v3;
	v4 =	vmul.f32 v4, v4;
	v5 =	vsub.f32 v7, v10;
	v7 =	vld [tilespmem:s31+$0xC400]  }
0xd2: {  	v10 =	vld [tilespmem:s31+$0x400]  }
0xd3: {  	v3 =	vadd.f32 v4, v3;
	v4 =	vmul.f32 v5, v5;
	v5 =	vsub.f32 v8, v9;
	v8 =	vld [tilespmem:s31+$0xC410]  }
0xd4: {  	v9 =	vld [tilespmem:s31+$0x410]  }
0xd5: {  	v3 =	vadd.f32 v4, v3;
	v4 =	vmul.f32 v5, v5;
	v5 =	vsub.f32 v6, v11;
	v6 =	vld [tilespmem:s31+$0xC420]  }
0xd6: {  	v11 =	vld [tilespmem:s31+$0x420]  }
0xd7: {  	v3 =	vadd.f32 v4, v3;
	v4 =	vmul.f32 v5, v5;
	v5 =	vsub.f32 v7, v10;
	v7 =	vld [tilespmem:s31+$0xC430]  }
0xd8: {  	v10 =	vld [tilespmem:s31+$0x430]  }
0xd9: {  	v3 =	vadd.f32 v4, v3;
	v4 =	vmul.f32 v5, v5;
	v5 =	vsub.f32 v8, v9;
	v8 =	vld [tilespmem:s31+$0xC440]  }
0xda: {  	v9 =	vld [tilespmem:s31+$0x440]  }
0xdb: {  	v3 =	vadd.f32 v4, v3;
	v4 =	vmul.f32 v5, v5;
	v5 =	vsub.f32 v6, v11;
	v6 =	vld [tilespmem:s31+$0xC450]  }
0xdc: {  	v11 =	vld [tilespmem:s31+$0x450]  }
0xdd: {  	v3 =	vadd.f32 v4, v3;
	v4 =	vmul.f32 v5, v5;
	v5 =	vsub.f32 v7, v10;
	v7 =	vld [tilespmem:s31+$0xC460]  }
0xde: {  	v10 =	vld [tilespmem:s31+$0x460]  }
0xdf: {  	v3 =	vadd.f32 v4, v3;
	v4 =	vmul.f32 v5, v5;
	v5 =	vsub.f32 v8, v9;
	v8 =	vld [tilespmem:s31+$0xC470]  }
0xe0: {  	v9 =	vld [tilespmem:s31+$0x470]  }
0xe1: {  	v3 =	vadd.f32 v4, v3;
	v4 =	vmul.f32 v5, v5;
	v5 =	vsub.f32 v6, v11;
	v6 =	vld [tilespmem:s31+$0xC800]  }
0xe2: {  	v11 =	vld [tilespmem:s31+$0x800]  }
0xe3: {  	v3 =	vadd.f32 v4, v3;
	v4 =	vmul.f32 v5, v5;
	v5 =	vsub.f32 v7, v10;
	v7 =	vld [tilespmem:s31+$0xC810]  }
0xe4: {  	v10 =	vld [tilespmem:s31+$0x810]  }
0xe5: {  	v3 =	vadd.f32 v4, v3;
	v4 =	vmul.f32 v5, v5;
	v5 =	vsub.f32 v8, v9;
	v8 =	vld [tilespmem:s31+$0xC820]  }
0xe6: {  	v9 =	vld [tilespmem:s31+$0x820]  }
0xe7: {  	v3 =	vadd.f32 v4, v3;
	v4 =	vmul.f32 v5, v5;
	v5 =	vsub.f32 v6, v11;
	v6 =	vld [tilespmem:s31+$0xC830]  }
0xe8: {  	v11 =	vld [tilespmem:s31+$0x830]  }
0xe9: {  	v3 =	vadd.f32 v4, v3;
	v4 =	vmul.f32 v5, v5;
	v5 =	vsub.f32 v7, v10;
	v7 =	vld [tilespmem:s31+$0xC840]  }
0xea: {  	v10 =	vld [tilespmem:s31+$0x840]  }
0xeb: {  	v3 =	vadd.f32 v4, v3;
	v4 =	vmul.f32 v5, v5;
	v5 =	vsub.f32 v8, v9;
	v8 =	vld [tilespmem:s31+$0xC850]  }
0xec: {  	v9 =	vld [tilespmem:s31+$0x850]  }
0xed: {  	v3 =	vadd.f32 v4, v3;
	v4 =	vmul.f32 v5, v5;
	v5 =	vsub.f32 v6, v11;
	v6 =	vld [tilespmem:s31+$0xC860]  }
0xee: {  	v11 =	vld [tilespmem:s31+$0x860]  }
0xef: {  	v3 =	vadd.f32 v4, v3;
	v4 =	vmul.f32 v5, v5;
	v5 =	vsub.f32 v7, v10;
	v7 =	vld [tilespmem:s31+$0xC870]  }
0xf0: {  	v10 =	vld [tilespmem:s31+$0x870]  }
0xf1: {  	v3 =	vadd.f32 v4, v3;
	v4 =	vmul.f32 v5, v5;
	v5 =	vsub.f32 v8, v9;
	v8 =	vld [tilespmem:s31+$0xCC00]  }
0xf2: {  	v9 =	vld [tilespmem:s31+$0xC00]  }
0xf3: {  	v3 =	vadd.f32 v4, v3;
	v4 =	vmul.f32 v5, v5;
	v5 =	vsub.f32 v6, v11;
	v6 =	vld [tilespmem:s31+$0xCC10]  }
0xf4: {  	v11 =	vld [tilespmem:s31+$0xC10]  }
0xf5: {  	v3 =	vadd.f32 v4, v3;
	v4 =	vmul.f32 v5, v5;
	v5 =	vsub.f32 v7, v10;
	v7 =	vld [tilespmem:s31+$0xCC20]  }
0xf6: {  	v10 =	vld [tilespmem:s31+$0xC20]  }
0xf7: {  	v3 =	vadd.f32 v4, v3;
	v4 =	vmul.f32 v5, v5;
	v5 =	vsub.f32 v8, v9;
	v8 =	vld [tilespmem:s31+$0xCC30]  }
0xf8: {  	v9 =	vld [tilespmem:s31+$0xC30]  }
0xf9: {  	v3 =	vadd.f32 v4, v3;
	v4 =	vmul.f32 v5, v5;
	v5 =	vsub.f32 v6, v11;
	v11 =	vld [tilespmem:s31+$0xCC40]  }
0xfa: {  	v12 =	vld [tilespmem:s31+$0xC40]  }
0xfb: {  	v3 =	vadd.f32 v4, v3;
	v4 =	vmul.f32 v5, v5;
	v5 =	vsub.f32 v7, v10;
	v10 =	vld [tilespmem:s31+$0xCC50]  }
0xfc: {  	v13 =	vld [tilespmem:s31+$0xC50]  }
.Ltmp0:
0xfd: {  	v4 =	vadd.f32 v4, v3;
	v5 =	vmul.f32 v5, v5;
	v7 =	vsub.f32 v8, v9;
	v3 =	vld [tilespmem:s31+$0xCC60];
	(pc) =	sbr.rel @p0 .LBB2_2-.Ltmp0, $4  }
0xfe: {  	v6 =	vld [tilespmem:s31+$0xC60]  }
0xff: {  	v8 =	vadd.f32 v5, v4;
	v9 =	vmul.f32 v7, v7;
	v11 =	vsub.f32 v11, v12;
	v4 =	vld [tilespmem:s31+$0xCC70]  }
0x100: {  	v7 =	vld [tilespmem:s31+$0xC70];
	s31 =	sshra.s32 s15, $0x2  }
0x101: {  	s15 =	sadd.s32 $0x200, s15;
	v5 =	vld [tilespmem:s31+$0xC000];
	v8 =	vadd.f32 v9, v8;
	v9 =	vmul.f32 v11, v11;
	v10 =	vsub.f32 v10, v13  }
0x102: {  	v11 =	vld [tilespmem:s31+$0x0]  }
0x103: {  	v12 =	vld [tilespmem:s31+$0xC010]  }
0x104: {  	v13 =	vld [tilespmem:s31+$0x10]  }
0x105: {  	v14 =	vld [tilespmem:s31+$0xC020]  }
0x106: {  	v15 =	vld [tilespmem:s31+$0x20]  }
0x107: {  	v16 =	vld [tilespmem:s31+$0xC030]  }
0x108: {  	v17 =	vld [tilespmem:s31+$0x30];
	v8 =	vadd.f32 v9, v8;
	v9 =	vmul.f32 v10, v10;
	v3 =	vsub.f32 v3, v6  }
0x109: {  	v18 =	vld [tilespmem:s31+$0xC040]  }
0x10a: {  	v26 =	vld [tilespmem:s31+$0xC400];
	v8 =	vadd.f32 v9, v8;
	v3 =	vmul.f32 v3, v3;
	v4 =	vsub.f32 v4, v7  }
0x10b: {  	v28 =	vld [tilespmem:s31+$0x400]  }
0x10c: {  	v29 =	vld [tilespmem:s31+$0xC410];
	v5 =	vsub.f32 v5, v11;
	v3 =	vadd.f32 v3, v8;
	v4 =	vmul.f32 v4, v4  }
0x10d: {  	v31 =	vld [tilespmem:s31+$0x410]  }
0x10e: {  	v32 =	vld [tilespmem:s31+$0xC420];
	v12 =	vsub.f32 v12, v13;
	v5 =	vmul.f32 v5, v5;
	v3 =	vadd.f32 v4, v3  }
0x10f: {  	v6 =	vld [tilespmem:s31+$0x40]  }
0x110: {  	v10 =	vld [tilespmem:s31+$0xC050];
	v27 =	vsub.f32 v14, v15;
	v3 =	vadd.f32 v5, v3;
	v5 =	vmul.f32 v12, v12  }
0x111: {  	v7 =	vld [tilespmem:s31+$0x50]  }
0x112: {  	v9 =	vld [tilespmem:s31+$0xC060];
	v30 =	vsub.f32 v16, v17;
	v3 =	vadd.f32 v5, v3;
	v5 =	vmul.f32 v27, v27  }
0x113: {  	v8 =	vld [tilespmem:s31+$0x60]  }
0x114: {  	v11 =	vld [tilespmem:s31+$0xC070];
	v6 =	vsub.f32 v18, v6;
	v3 =	vadd.f32 v5, v3;
	v5 =	vmul.f32 v30, v30  }
0x115: {  	v4 =	vld [tilespmem:s31+$0x70]  }
0x116: {  	v33 =	vld [tilespmem:s31+$0x420];
	v3 =	vadd.f32 v5, v3;
	v5 =	vmul.f32 v6, v6;
	v6 =	vsub.f32 v10, v7  }
0x117: {  	v34 =	vld [tilespmem:s31+$0xC430]  }
0x118: {  	v35 =	vld [tilespmem:s31+$0x460];
	v3 =	vadd.f32 v5, v3;
	v5 =	vmul.f32 v6, v6;
	v6 =	vsub.f32 v9, v8  }
0x119: {  	v36 =	vld [tilespmem:s31+$0xC470]  }
0x11a: {  	v37 =	vld [tilespmem:s31+$0x470];
	v4 =	vsub.f32 v11, v4;
	v3 =	vadd.f32 v5, v3;
	v5 =	vmul.f32 v6, v6  }
0x11b: {  	v38 =	vld [tilespmem:s31+$0xC800]  }
0x11c: {  	v39 =	vld [tilespmem:s31+$0x800];
	v4 =	vmul.f32 v4, v4;
	v3 =	vadd.f32 v5, v3;
	v5 =	vsub.f32 v26, v28  }
0x11d: {  	v7 =	vld [tilespmem:s31+$0x430]  }
0x11e: {  	v10 =	vld [tilespmem:s31+$0xC440];
	v3 =	vadd.f32 v4, v3;
	v4 =	vmul.f32 v5, v5;
	v5 =	vsub.f32 v29, v31  }
0x11f: {  	v8 =	vld [tilespmem:s31+$0x440]  }
0x120: {  	v9 =	vld [tilespmem:s31+$0xC450];
	v3 =	vadd.f32 v4, v3;
	v4 =	vmul.f32 v5, v5;
	v5 =	vsub.f32 v32, v33  }
0x121: {  	v6 =	vld [tilespmem:s31+$0x450]  }
0x122: {  	v40 =	vld [tilespmem:s31+$0xC810];
	v3 =	vadd.f32 v4, v3;
	v4 =	vmul.f32 v5, v5;
	v5 =	vsub.f32 v34, v7  }
0x123: {  	v11 =	vld [tilespmem:s31+$0xC460]  }
0x124: {  	v41 =	vld [tilespmem:s31+$0xC820];
	v3 =	vadd.f32 v4, v3;
	v4 =	vmul.f32 v5, v5;
	v5 =	vsub.f32 v10, v8  }
0x125: {  	v42 =	vld [tilespmem:s31+$0xC850]  }
0x126: {  	v43 =	vld [tilespmem:s31+$0x850];
	v3 =	vadd.f32 v4, v3;
	v4 =	vmul.f32 v5, v5;
	v5 =	vsub.f32 v9, v6  }
0x127: {  	v44 =	vld [tilespmem:s31+$0xC860]  }
0x128: {  	v45 =	vld [tilespmem:s31+$0x860];
	v3 =	vadd.f32 v4, v3;
	v4 =	vmul.f32 v5, v5;
	v5 =	vsub.f32 v11, v35  }
0x129: {  	v7 =	vld [tilespmem:s31+$0x810]  }
0x12a: {  	v46 =	vld [tilespmem:s31+$0xC870];
	v3 =	vadd.f32 v4, v3;
	v4 =	vmul.f32 v5, v5;
	v5 =	vsub.f32 v36, v37  }
0x12b: {  	v8 =	vld [tilespmem:s31+$0x820]  }
0x12c: {  	v10 =	vld [tilespmem:s31+$0xC830];
	v3 =	vadd.f32 v4, v3;
	v4 =	vmul.f32 v5, v5;
	v5 =	vsub.f32 v38, v39  }
0x12d: {  	v6 =	vld [tilespmem:s31+$0x830]  }
0x12e: {  	v9 =	vld [tilespmem:s31+$0xC840];
	v3 =	vadd.f32 v4, v3;
	v4 =	vmul.f32 v5, v5;
	v5 =	vsub.f32 v40, v7  }
0x12f: {  	v11 =	vld [tilespmem:s31+$0x840]  }
0x130: {  	v47 =	vld [tilespmem:s31+$0xCC00];
	v3 =	vadd.f32 v4, v3;
	v4 =	vmul.f32 v5, v5;
	v5 =	vsub.f32 v41, v8  }
0x131: {  	v48 =	vld [tilespmem:s31+$0xCC10]  }
0x132: {  	v49 =	vld [tilespmem:s31+$0xC30];
	v3 =	vadd.f32 v4, v3;
	v4 =	vmul.f32 v5, v5;
	v5 =	vsub.f32 v10, v6  }
0x133: {  	v50 =	vld [tilespmem:s31+$0xCC40]  }
0x134: {  	v51 =	vld [tilespmem:s31+$0xC40];
	v3 =	vadd.f32 v4, v3;
	v4 =	vmul.f32 v5, v5;
	v5 =	vsub.f32 v9, v11  }
0x135: {  	v7 =	vld [tilespmem:s31+$0x870]  }
0x136: {  	v52 =	vld [tilespmem:s31+$0xCC50];
	v3 =	vadd.f32 v4, v3;
	v4 =	vmul.f32 v5, v5;
	v5 =	vsub.f32 v42, v43  }
0x137: {  	v8 =	vld [tilespmem:s31+$0xC00]  }
0x138: {  	v53 =	vld [tilespmem:s31+$0xCC60];
	v3 =	vadd.f32 v4, v3;
	v4 =	vmul.f32 v5, v5;
	v5 =	vsub.f32 v44, v45  }
0x139: {  	v6 =	vld [tilespmem:s31+$0xC10]  }
0x13a: {  	v10 =	vld [tilespmem:s31+$0xCC20];
	v3 =	vadd.f32 v4, v3;
	v4 =	vmul.f32 v5, v5;
	v5 =	vsub.f32 v46, v7  }
0x13b: {  	v9 =	vld [tilespmem:s31+$0xC20]  }
0x13c: {  	v54 =	vld [tilespmem:s31+$0xCC70];
	v3 =	vadd.f32 v4, v3;
	v4 =	vmul.f32 v5, v5;
	v5 =	vsub.f32 v47, v8  }
0x13d: {  	v11 =	vld [tilespmem:s31+$0xCC30]  }
0x13e: {  	v7 =	vld [tilespmem:s31+$0xC50];
	v3 =	vadd.f32 v4, v3;
	v4 =	vmul.f32 v5, v5;
	v5 =	vsub.f32 v48, v6  }
0x13f: {  	v8 =	vld [tilespmem:s31+$0xC60]  }
0x140: {  	v6 =	vld [tilespmem:s31+$0xC70];
	_ =	swait.ge [sflag:s13], $0x3000;
	v3 =	vadd.f32 v4, v3;
	v4 =	vsub.f32 v10, v9;
	v5 =	vmul.f32 v5, v5  }
0x141: {  	[sflag:s13] =	ssyncset.done $0x0  }
0x142: {  	[sflag:s13] =	ssyncadd.s32 $0xFFFFD000;
	v3 =	vadd.f32 v5, v3;
	v5 =	vsub.f32 v11, v49;
	v4 =	vmul.f32 v4, v4  }
0x143: {  	s15 =	simm.s32 $0x0;
	_ =	swait.ge [sflag:s23], $0x3000  }
0x144: {  	s16 =	sand.u32 $0x3000, s15;
	s15 =	sand.u32 $0x380, s15;
	[sflag:s23] =	ssyncset.done $0x0;
	v3 =	vadd.f32 v4, v3;
	v4 =	vmul.f32 v5, v5;
	v5 =	vsub.f32 v50, v51  }
0x145: {  	s31 =	sor.u32 s15, s16;
	[sflag:s23] =	ssyncadd.s32 $0xFFFFD000  }
0x146: {  	v9 =	vld [tilespmem:s31+$0xD000];
	v3 =	vadd.f32 v4, v3;
	v4 =	vmul.f32 v5, v5;
	v5 =	vsub.f32 v52, v7  }
0x147: {  	v7 =	vld [tilespmem:s31+$0x1000]  }
0x148: {  	v10 =	vld [tilespmem:s31+$0xD010];
	v3 =	vadd.f32 v4, v3;
	v4 =	vmul.f32 v5, v5;
	v5 =	vsub.f32 v53, v8  }
0x149: {  	v8 =	vld [tilespmem:s31+$0x1010]  }
0x14a: {  	v11 =	vld [tilespmem:s31+$0xD020];
	v3 =	vadd.f32 v4, v3;
	v4 =	vmul.f32 v5, v5;
	v5 =	vsub.f32 v54, v6  }
0x14b: {  	v6 =	vld [tilespmem:s31+$0x1020]  }
0x14c: {  	v55 =	vld [tilespmem:s31+$0xD030];
	v3 =	vadd.f32 v4, v3;
	v4 =	vmul.f32 v5, v5;
	v5 =	vsub.f32 v9, v7  }
0x14d: {  	v7 =	vld [tilespmem:s31+$0x1030]  }
0x14e: {  	v9 =	vld [tilespmem:s31+$0xD040];
	v3 =	vadd.f32 v4, v3;
	v4 =	vmul.f32 v5, v5;
	v5 =	vsub.f32 v10, v8  }
0x14f: {  	v8 =	vld [tilespmem:s31+$0x1040]  }
0x150: {  	v10 =	vld [tilespmem:s31+$0xD050];
	v3 =	vadd.f32 v4, v3;
	v4 =	vmul.f32 v5, v5;
	v5 =	vsub.f32 v11, v6  }
0x151: {  	v6 =	vld [tilespmem:s31+$0x1050]  }
0x152: {  	v11 =	vld [tilespmem:s31+$0xD060];
	v3 =	vadd.f32 v4, v3;
	v4 =	vmul.f32 v5, v5;
	v5 =	vsub.f32 v55, v7  }
0x153: {  	v7 =	vld [tilespmem:s31+$0x1060]  }
0x154: {  	v56 =	vld [tilespmem:s31+$0xD070];
	v3 =	vadd.f32 v4, v3;
	v4 =	vmul.f32 v5, v5;
	v5 =	vsub.f32 v9, v8  }
0x155: {  	v8 =	vld [tilespmem:s31+$0x1070]  }
0x156: {  	v9 =	vld [tilespmem:s31+$0xD400];
	v3 =	vadd.f32 v4, v3;
	v4 =	vmul.f32 v5, v5;
	v5 =	vsub.f32 v10, v6  }
0x157: {  	v6 =	vld [tilespmem:s31+$0x1400]  }
0x158: {  	v10 =	vld [tilespmem:s31+$0xD410];
	v3 =	vadd.f32 v4, v3;
	v4 =	vmul.f32 v5, v5;
	v5 =	vsub.f32 v11, v7  }
0x159: {  	v7 =	vld [tilespmem:s31+$0x1410]  }
0x15a: {  	v11 =	vld [tilespmem:s31+$0xD420];
	v3 =	vadd.f32 v4, v3;
	v4 =	vmul.f32 v5, v5;
	v5 =	vsub.f32 v56, v8  }
0x15b: {  	v8 =	vld [tilespmem:s31+$0x1420]  }
0x15c: {  	v57 =	vld [tilespmem:s31+$0xD430];
	v3 =	vadd.f32 v4, v3;
	v4 =	vmul.f32 v5, v5;
	v5 =	vsub.f32 v9, v6  }
0x15d: {  	v6 =	vld [tilespmem:s31+$0x1430]  }
0x15e: {  	v9 =	vld [tilespmem:s31+$0xD440];
	v3 =	vadd.f32 v4, v3;
	v4 =	vmul.f32 v5, v5;
	v5 =	vsub.f32 v10, v7  }
0x15f: {  	v7 =	vld [tilespmem:s31+$0x1440]  }
0x160: {  	v10 =	vld [tilespmem:s31+$0xD450];
	v3 =	vadd.f32 v4, v3;
	v4 =	vmul.f32 v5, v5;
	v5 =	vsub.f32 v11, v8  }
0x161: {  	v8 =	vld [tilespmem:s31+$0x1450]  }
0x162: {  	v11 =	vld [tilespmem:s31+$0xD460];
	v3 =	vadd.f32 v4, v3;
	v4 =	vmul.f32 v5, v5;
	v5 =	vsub.f32 v57, v6  }
0x163: {  	v6 =	vld [tilespmem:s31+$0x1460]  }
0x164: {  	v58 =	vld [tilespmem:s31+$0xD470];
	v3 =	vadd.f32 v4, v3;
	v4 =	vmul.f32 v5, v5;
	v5 =	vsub.f32 v9, v7  }
0x165: {  	v7 =	vld [tilespmem:s31+$0x1470]  }
0x166: {  	v9 =	vld [tilespmem:s31+$0xD800];
	v3 =	vadd.f32 v4, v3;
	v4 =	vmul.f32 v5, v5;
	v5 =	vsub.f32 v10, v8  }
0x167: {  	v8 =	vld [tilespmem:s31+$0x1800]  }
0x168: {  	v10 =	vld [tilespmem:s31+$0xD810];
	v3 =	vadd.f32 v4, v3;
	v4 =	vmul.f32 v5, v5;
	v5 =	vsub.f32 v11, v6  }
0x169: {  	v6 =	vld [tilespmem:s31+$0x1810]  }
0x16a: {  	v11 =	vld [tilespmem:s31+$0xD820];
	v3 =	vadd.f32 v4, v3;
	v4 =	vmul.f32 v5, v5;
	v5 =	vsub.f32 v58, v7  }
0x16b: {  	v7 =	vld [tilespmem:s31+$0x1820]  }
0x16c: {  	v59 =	vld [tilespmem:s31+$0xD830];
	v3 =	vadd.f32 v4, v3;
	v4 =	vmul.f32 v5, v5;
	v5 =	vsub.f32 v9, v8  }
0x16d: {  	v8 =	vld [tilespmem:s31+$0x1830]  }
0x16e: {  	v9 =	vld [tilespmem:s31+$0xD840];
	v3 =	vadd.f32 v4, v3;
	v4 =	vmul.f32 v5, v5;
	v5 =	vsub.f32 v10, v6  }
0x16f: {  	v6 =	vld [tilespmem:s31+$0x1840]  }
0x170: {  	v10 =	vld [tilespmem:s31+$0xD850];
	v3 =	vadd.f32 v4, v3;
	v4 =	vmul.f32 v5, v5;
	v5 =	vsub.f32 v11, v7  }
0x171: {  	v7 =	vld [tilespmem:s31+$0x1850]  }
0x172: {  	v11 =	vld [tilespmem:s31+$0xD860];
	v3 =	vadd.f32 v4, v3;
	v4 =	vmul.f32 v5, v5;
	v5 =	vsub.f32 v59, v8  }
0x173: {  	v8 =	vld [tilespmem:s31+$0x1860]  }
0x174: {  	v60 =	vld [tilespmem:s31+$0xD870];
	v3 =	vadd.f32 v4, v3;
	v4 =	vmul.f32 v5, v5;
	v5 =	vsub.f32 v9, v6  }
0x175: {  	v6 =	vld [tilespmem:s31+$0x1870]  }
0x176: {  	v9 =	vld [tilespmem:s31+$0xDC00];
	v3 =	vadd.f32 v4, v3;
	v4 =	vmul.f32 v5, v5;
	v5 =	vsub.f32 v10, v7  }
0x177: {  	v7 =	vld [tilespmem:s31+$0x1C00]  }
0x178: {  	v10 =	vld [tilespmem:s31+$0xDC10];
	v3 =	vadd.f32 v4, v3;
	v4 =	vmul.f32 v5, v5;
	v5 =	vsub.f32 v11, v8  }
0x179: {  	v8 =	vld [tilespmem:s31+$0x1C10]  }
0x17a: {  	v11 =	vld [tilespmem:s31+$0xDC20];
	v3 =	vadd.f32 v4, v3;
	v4 =	vmul.f32 v5, v5;
	v5 =	vsub.f32 v60, v6  }
0x17b: {  	v6 =	vld [tilespmem:s31+$0x1C20]  }
0x17c: {  	v61 =	vld [tilespmem:s31+$0xDC30];
	v3 =	vadd.f32 v4, v3;
	v4 =	vmul.f32 v5, v5;
	v5 =	vsub.f32 v9, v7  }
0x17d: {  	v7 =	vld [tilespmem:s31+$0x1C30]  }
0x17e: {  	v62 =	vld [tilespmem:s31+$0xDC40];
	v8 =	vsub.f32 v10, v8;
	v4 =	vadd.f32 v4, v3;
	v5 =	vmul.f32 v5, v5  }
0x17f: {  	v63 =	vld [tilespmem:s31+$0x1C40]  }
0x180: {  	v3 =	vld [tilespmem:s31+$0xDC50];
	v8 =	vmul.f32 v8, v8;
	v6 =	vsub.f32 v11, v6;
	v9 =	vadd.f32 v5, v4  }
0x181: {  	v5 =	vld [tilespmem:s31+$0x1C50]  }
0x182: {  	v4 =	vld [tilespmem:s31+$0xDC60];
	v10 =	vsub.f32 v61, v7;
	v8 =	vadd.f32 v8, v9;
	v9 =	vmul.f32 v6, v6  }
0x183: {  	s17 =	simm.s32 $0x200;
	s15 =	simm.s32 $0x80;
	v6 =	vld [tilespmem:s31+$0x1C60]  }
0x184: {  	s16 =	sand.u32 $0x3000, s17;
	s29 =	sand.u32 $0x380, s15;
	v11 =	vsub.f32 v62, v63;
	v7 =	vld [tilespmem:s31+$0xDC70];
	v10 =	vmul.f32 v10, v10;
	v9 =	vadd.f32 v9, v8  }
0x185: {  	s29 =	sor.u32 s29, s16;
	s16 =	simm.s32 $0x400;
	v8 =	vld [tilespmem:s31+$0x1C70]  }
.LBB2_4:
0x186: {  	p0 =	sne.s32 s16, $0x2E00;
	v12 =	vld [tilespmem:s29+$0xD000];
	v9 =	vadd.f32 v10, v9;
	v10 =	vmul.f32 v11, v11;
	v3 =	vsub.f32 v3, v5  }
0x187: {  	v5 =	vld [tilespmem:s29+$0x1000]  }
0x188: {  	v11 =	vld [tilespmem:s29+$0xD010];
	v9 =	vadd.f32 v10, v9;
	v3 =	vmul.f32 v3, v3;
	v4 =	vsub.f32 v4, v6  }
0x189: {  	v6 =	vld [tilespmem:s29+$0x1010]  }
0x18a: {  	v10 =	vld [tilespmem:s29+$0xD020];
	v3 =	vadd.f32 v3, v9;
	v4 =	vmul.f32 v4, v4;
	v7 =	vsub.f32 v7, v8  }
0x18b: {  	v8 =	vld [tilespmem:s29+$0x1020]  }
0x18c: {  	v5 =	vsub.f32 v12, v5;
	v9 =	vld [tilespmem:s29+$0xD030];
	v3 =	vadd.f32 v4, v3;
	v4 =	vmul.f32 v7, v7  }
0x18d: {  	v7 =	vld [tilespmem:s29+$0x1030]  }
0x18e: {  	v5 =	vmul.f32 v5, v5;
	v6 =	vsub.f32 v11, v6;
	v11 =	vld [tilespmem:s29+$0xD040];
	v3 =	vadd.f32 v4, v3  }
0x18f: {  	v4 =	vld [tilespmem:s29+$0x1040]  }
0x190: {  	v3 =	vadd.f32 v5, v3;
	v5 =	vmul.f32 v6, v6;
	v6 =	vsub.f32 v10, v8;
	v8 =	vld [tilespmem:s29+$0xD050]  }
0x191: {  	v10 =	vld [tilespmem:s29+$0x1050]  }
0x192: {  	v3 =	vadd.f32 v5, v3;
	v5 =	vmul.f32 v6, v6;
	v6 =	vsub.f32 v9, v7;
	v7 =	vld [tilespmem:s29+$0xD060]  }
0x193: {  	v9 =	vld [tilespmem:s29+$0x1060]  }
0x194: {  	v3 =	vadd.f32 v5, v3;
	v5 =	vmul.f32 v6, v6;
	v4 =	vsub.f32 v11, v4;
	v6 =	vld [tilespmem:s29+$0xD070]  }
0x195: {  	v11 =	vld [tilespmem:s29+$0x1070]  }
0x196: {  	v3 =	vadd.f32 v5, v3;
	v4 =	vmul.f32 v4, v4;
	v5 =	vsub.f32 v8, v10;
	v8 =	vld [tilespmem:s29+$0xD400]  }
0x197: {  	v10 =	vld [tilespmem:s29+$0x1400]  }
0x198: {  	v3 =	vadd.f32 v4, v3;
	v4 =	vmul.f32 v5, v5;
	v5 =	vsub.f32 v7, v9;
	v7 =	vld [tilespmem:s29+$0xD410]  }
0x199: {  	v9 =	vld [tilespmem:s29+$0x1410]  }
0x19a: {  	v3 =	vadd.f32 v4, v3;
	v4 =	vmul.f32 v5, v5;
	v5 =	vsub.f32 v6, v11;
	v6 =	vld [tilespmem:s29+$0xD420]  }
0x19b: {  	v11 =	vld [tilespmem:s29+$0x1420]  }
0x19c: {  	v3 =	vadd.f32 v4, v3;
	v4 =	vmul.f32 v5, v5;
	v5 =	vsub.f32 v8, v10;
	v8 =	vld [tilespmem:s29+$0xD430]  }
0x19d: {  	v10 =	vld [tilespmem:s29+$0x1430]  }
0x19e: {  	v3 =	vadd.f32 v4, v3;
	v4 =	vmul.f32 v5, v5;
	v5 =	vsub.f32 v7, v9;
	v7 =	vld [tilespmem:s29+$0xD440]  }
0x19f: {  	v9 =	vld [tilespmem:s29+$0x1440]  }
0x1a0: {  	v3 =	vadd.f32 v4, v3;
	v4 =	vmul.f32 v5, v5;
	v5 =	vsub.f32 v6, v11;
	v6 =	vld [tilespmem:s29+$0xD450]  }
0x1a1: {  	v11 =	vld [tilespmem:s29+$0x1450]  }
0x1a2: {  	v3 =	vadd.f32 v4, v3;
	v4 =	vmul.f32 v5, v5;
	v5 =	vsub.f32 v8, v10;
	v8 =	vld [tilespmem:s29+$0xD460]  }
0x1a3: {  	v10 =	vld [tilespmem:s29+$0x1460]  }
0x1a4: {  	v3 =	vadd.f32 v4, v3;
	v4 =	vmul.f32 v5, v5;
	v5 =	vsub.f32 v7, v9;
	v7 =	vld [tilespmem:s29+$0xD470]  }
0x1a5: {  	v9 =	vld [tilespmem:s29+$0x1470]  }
0x1a6: {  	v3 =	vadd.f32 v4, v3;
	v4 =	vmul.f32 v5, v5;
	v5 =	vsub.f32 v6, v11;
	v6 =	vld [tilespmem:s29+$0xD800]  }
0x1a7: {  	v11 =	vld [tilespmem:s29+$0x1800]  }
0x1a8: {  	v3 =	vadd.f32 v4, v3;
	v4 =	vmul.f32 v5, v5;
	v5 =	vsub.f32 v8, v10;
	v8 =	vld [tilespmem:s29+$0xD810]  }
0x1a9: {  	v10 =	vld [tilespmem:s29+$0x1810]  }
0x1aa: {  	v3 =	vadd.f32 v4, v3;
	v4 =	vmul.f32 v5, v5;
	v5 =	vsub.f32 v7, v9;
	v7 =	vld [tilespmem:s29+$0xD820]  }
0x1ab: {  	v9 =	vld [tilespmem:s29+$0x1820]  }
0x1ac: {  	v3 =	vadd.f32 v4, v3;
	v4 =	vmul.f32 v5, v5;
	v5 =	vsub.f32 v6, v11;
	v6 =	vld [tilespmem:s29+$0xD830]  }
0x1ad: {  	v11 =	vld [tilespmem:s29+$0x1830]  }
0x1ae: {  	v3 =	vadd.f32 v4, v3;
	v4 =	vmul.f32 v5, v5;
	v5 =	vsub.f32 v8, v10;
	v8 =	vld [tilespmem:s29+$0xD840]  }
0x1af: {  	v10 =	vld [tilespmem:s29+$0x1840]  }
0x1b0: {  	v3 =	vadd.f32 v4, v3;
	v4 =	vmul.f32 v5, v5;
	v5 =	vsub.f32 v7, v9;
	v7 =	vld [tilespmem:s29+$0xD850]  }
0x1b1: {  	v9 =	vld [tilespmem:s29+$0x1850]  }
0x1b2: {  	v3 =	vadd.f32 v4, v3;
	v4 =	vmul.f32 v5, v5;
	v5 =	vsub.f32 v6, v11;
	v6 =	vld [tilespmem:s29+$0xD860]  }
0x1b3: {  	v11 =	vld [tilespmem:s29+$0x1860]  }
0x1b4: {  	v3 =	vadd.f32 v4, v3;
	v4 =	vmul.f32 v5, v5;
	v5 =	vsub.f32 v8, v10;
	v8 =	vld [tilespmem:s29+$0xD870]  }
0x1b5: {  	v10 =	vld [tilespmem:s29+$0x1870]  }
0x1b6: {  	v3 =	vadd.f32 v4, v3;
	v4 =	vmul.f32 v5, v5;
	v5 =	vsub.f32 v7, v9;
	v7 =	vld [tilespmem:s29+$0xDC00]  }
0x1b7: {  	v9 =	vld [tilespmem:s29+$0x1C00]  }
0x1b8: {  	v3 =	vadd.f32 v4, v3;
	v4 =	vmul.f32 v5, v5;
	v5 =	vsub.f32 v6, v11;
	v6 =	vld [tilespmem:s29+$0xDC10]  }
0x1b9: {  	v11 =	vld [tilespmem:s29+$0x1C10]  }
0x1ba: {  	v3 =	vadd.f32 v4, v3;
	v4 =	vmul.f32 v5, v5;
	v5 =	vsub.f32 v8, v10;
	v8 =	vld [tilespmem:s29+$0xDC20]  }
0x1bb: {  	v10 =	vld [tilespmem:s29+$0x1C20]  }
0x1bc: {  	v3 =	vadd.f32 v4, v3;
	v4 =	vmul.f32 v5, v5;
	v5 =	vsub.f32 v7, v9;
	v7 =	vld [tilespmem:s29+$0xDC30]  }
0x1bd: {  	v9 =	vld [tilespmem:s29+$0x1C30]  }
0x1be: {  	v3 =	vadd.f32 v4, v3;
	v4 =	vmul.f32 v5, v5;
	v5 =	vsub.f32 v6, v11;
	v11 =	vld [tilespmem:s29+$0xDC40]  }
0x1bf: {  	v12 =	vld [tilespmem:s29+$0x1C40]  }
0x1c0: {  	v4 =	vadd.f32 v4, v3;
	v6 =	vmul.f32 v5, v5;
	v8 =	vsub.f32 v8, v10;
	v3 =	vld [tilespmem:s29+$0xDC50]  }
.Ltmp1:
0x1c1: {  	v5 =	vld [tilespmem:s29+$0x1C50];
	(pc) =	sbr.rel @p0 .LBB2_4-.Ltmp1, $4  }
0x1c2: {  	v10 =	vadd.f32 v6, v4;
	v8 =	vmul.f32 v8, v8;
	v7 =	vsub.f32 v7, v9;
	v4 =	vld [tilespmem:s29+$0xDC60]  }
0x1c3: {  	s15 =	sadd.s32 $0x80, s15;
	v6 =	vld [tilespmem:s29+$0x1C60]  }
0x1c4: {  	s31 =	sand.u32 $0x3000, s16;
	s17 =	sand.u32 $0x380, s15;
	v9 =	vadd.f32 v8, v10;
	v10 =	vmul.f32 v7, v7;
	v11 =	vsub.f32 v11, v12;
	v7 =	vld [tilespmem:s29+$0xDC70]  }
0x1c5: {  	s16 =	sadd.s32 $0x200, s16;
	v8 =	vld [tilespmem:s29+$0x1C70];
	s29 =	sor.u32 s17, s31  }
0x1c6: {  	v12 =	vld [tilespmem:s29+$0xD000]  }
0x1c7: {  	v13 =	vld [tilespmem:s29+$0x1000]  }
0x1c8: {  	v14 =	vld [tilespmem:s29+$0xD010]  }
0x1c9: {  	v15 =	vld [tilespmem:s29+$0x1010]  }
0x1ca: {  	v16 =	vld [tilespmem:s29+$0xD020]  }
0x1cb: {  	v17 =	vld [tilespmem:s29+$0x1020]  }
0x1cc: {  	v18 =	vld [tilespmem:s29+$0xD030]  }
0x1cd: {  	v19 =	vld [tilespmem:s29+$0x1030]  }
0x1ce: {  	v20 =	vld [tilespmem:s29+$0xD040]  }
0x1cf: {  	v21 =	vld [tilespmem:s29+$0x1040]  }
0x1d0: {  	v22 =	vld [tilespmem:s29+$0xD050]  }
0x1d1: {  	v23 =	vld [tilespmem:s29+$0x1050]  }
0x1d2: {  	v24 =	vld [tilespmem:s29+$0xD060]  }
0x1d3: {  	v25 =	vld [tilespmem:s29+$0x1060]  }
0x1d4: {  	v26 =	vld [tilespmem:s29+$0xD070]  }
0x1d5: {  	v27 =	vld [tilespmem:s29+$0x1070]  }
0x1d6: {  	v28 =	vld [tilespmem:s29+$0xD400]  }
0x1d7: {  	v29 =	vld [tilespmem:s29+$0x1400]  }
0x1d8: {  	v30 =	vld [tilespmem:s29+$0xD410]  }
0x1d9: {  	v31 =	vld [tilespmem:s29+$0x1410]  }
0x1da: {  	v32 =	vld [tilespmem:s29+$0xD420]  }
0x1db: {  	v33 =	vld [tilespmem:s29+$0x1420]  }
0x1dc: {  	v34 =	vld [tilespmem:s29+$0xD430]  }
0x1dd: {  	v35 =	vld [tilespmem:s29+$0x1430]  }
0x1de: {  	v36 =	vld [tilespmem:s29+$0xD440]  }
0x1df: {  	v37 =	vld [tilespmem:s29+$0x1440]  }
0x1e0: {  	v38 =	vld [tilespmem:s29+$0xD450]  }
0x1e1: {  	v39 =	vld [tilespmem:s29+$0x1450]  }
0x1e2: {  	v40 =	vld [tilespmem:s29+$0xD460]  }
0x1e3: {  	v41 =	vld [tilespmem:s29+$0x1460]  }
0x1e4: {  	v42 =	vld [tilespmem:s29+$0xD470]  }
0x1e5: {  	v43 =	vld [tilespmem:s29+$0x1470]  }
0x1e6: {  	v44 =	vld [tilespmem:s29+$0xD800]  }
0x1e7: {  	v45 =	vld [tilespmem:s29+$0x1800]  }
0x1e8: {  	v3 =	vsub.f32 v3, v5;
	v5 =	vld [tilespmem:s29+$0xD810]  }
0x1e9: {  	v9 =	vadd.f32 v10, v9;
	v10 =	vmul.f32 v11, v11;
	v11 =	vld [tilespmem:s29+$0x1810]  }
0x1ea: {  	v51 =	vld [tilespmem:$0x18060]  }
0x1eb: {  	v57 =	vld [tilespmem:s29+$0xDC50]  }
0x1ec: {  	v58 =	vld [tilespmem:s29+$0x1C50];
	v9 =	vadd.f32 v10, v9;
	v3 =	vmul.f32 v3, v3;
	v4 =	vsub.f32 v4, v6  }
0x1ed: {  	v60 =	vld [tilespmem:s29+$0xDC60]  }
0x1ee: {  	v6 =	vld [tilespmem:s29+$0xD820];
	v3 =	vadd.f32 v3, v9;
	v4 =	vmul.f32 v4, v4;
	v7 =	vsub.f32 v7, v8  }
0x1ef: {  	v10 =	vld [tilespmem:s29+$0x1820]  }
0x1f0: {  	v8 =	vld [tilespmem:s29+$0xD830];
	v12 =	vsub.f32 v12, v13;
	v3 =	vadd.f32 v4, v3;
	v4 =	vmul.f32 v7, v7  }
0x1f1: {  	v9 =	vld [tilespmem:s29+$0x1830]  }
0x1f2: {  	v13 =	vld [tilespmem:s29+$0x1840];
	v14 =	vsub.f32 v14, v15;
	v12 =	vmul.f32 v12, v12;
	v3 =	vadd.f32 v4, v3  }
0x1f3: {  	v15 =	vld [tilespmem:s29+$0x1850]  }
0x1f4: {  	v62 =	vsub.f32 v16, v17;
	v16 =	vld [tilespmem:s29+$0xD860];
	v61 =	vmul.f32 v14, v14;
	v3 =	vadd.f32 v12, v3  }
0x1f5: {  	v17 =	vld [tilespmem:s29+$0x1860]  }
0x1f6: {  	v46 =	vsub.f32 v18, v19;
	v18 =	vld [tilespmem:s29+$0xD870];
	v63 =	vmul.f32 v62, v62;
	v3 =	vadd.f32 v61, v3  }
0x1f7: {  	v19 =	vld [tilespmem:s29+$0x1870]  }
0x1f8: {  	v48 =	vsub.f32 v20, v21;
	v20 =	vld [tilespmem:s29+$0xDC00];
	v47 =	vmul.f32 v46, v46;
	v3 =	vadd.f32 v63, v3  }
0x1f9: {  	v21 =	vld [tilespmem:s29+$0x1C00]  }
0x1fa: {  	v50 =	vsub.f32 v22, v23;
	v23 =	vld [tilespmem:s29+$0xDC10];
	v49 =	vmul.f32 v48, v48;
	v3 =	vadd.f32 v47, v3  }
0x1fb: {  	v53 =	vsub.f32 v24, v25;
	v24 =	vld [tilespmem:s29+$0x1C10];
	v26 =	vsub.f32 v26, v27  }
0x1fc: {  	v25 =	vld [tilespmem:s29+$0xDC20];
	v52 =	vmul.f32 v50, v50;
	v46 =	vshll.u32 v51, $0x2;
	v3 =	vadd.f32 v49, v3  }
0x1fd: {  	v27 =	vld [tilespmem:s29+$0xDC30];
	v22 =	vand.u32 $0x7, v51;
	v28 =	vsub.f32 v28, v29;
	v46 =	vand.u32 $0xFFFFFFE0, v46  }
0x1fe: {  	v29 =	vld [tilespmem:s29+$0xDC40];
	v54 =	vmul.f32 v53, v53;
	v22 =	vor.u32 v22, v46;
	v3 =	vadd.f32 v52, v3  }
0x1ff: {  	v7 =	vld [tilespmem:s29+$0xD840];
	v47 =	vperm.xlane v22, v0  }
0x200: {  	v14 =	vld [tilespmem:s29+$0x1C20];
	v26 =	vmul.f32 v26, v26;
	v3 =	vadd.f32 v54, v3  }
0x201: {  	v62 =	vld [tilespmem:s29+$0xDC70];
	v47 =	vadd.s32 v1, v47  }
0x202: {  	v56 =	vsub.f32 v30, v31;
	v55 =	vmul.f32 v28, v28;
	v4 =	vld [tilespmem:s29+$0xD850];
	v3 =	vadd.f32 v26, v3  }
0x203: {  	v46 =	vld [tilespmem:s29+$0x1C40];
	v22 =	vperm.xlane v22, v2  }
0x204: {  	v32 =	vsub.f32 v32, v33;
	v59 =	vmul.f32 v56, v56;
	v12 =	vld [tilespmem:s29+$0x1C30];
	v3 =	vadd.f32 v55, v3  }
0x205: {  	s15 =	simm.s32 $0x0;
	v61 =	vld [tilespmem:s29+$0x1C60];
	v22 =	vadd.s32 v1, v22  }
0x206: {  	v34 =	vsub.f32 v34, v35;
	v32 =	vmul.f32 v32, v32;
	v63 =	vld [tilespmem:s29+$0x1C70];
	[tilespmem:s15], [sflag:$0x1] =	stream.indirect_vreg.gather [hbm4b:s1+s15], $0x80, v47, vm0, $0xb8;
	v3 =	vadd.f32 v59, v3  }
0x207: {  	v37 =	vsub.f32 v36, v37  }
0x208: {  	v34 =	vmul.f32 v34, v34;
	[tilespmem:s18], [sflag:$0x1] =	stream.indirect_vreg.gather [hbm4b:s5+s15], $0x80, v47, vm0, $0xb8;
	v3 =	vadd.f32 v32, v3;
	[tilespmem:$0x18100] =	vst v63  }
0x209: {  	s16 =	simm.s32 $0x1000;
	v48 =	vsub.f32 v38, v39  }
0x20a: {  	[tilespmem:s16], [sflag:$0x1] =	stream.indirect_vreg.gather [hbm4b:s1+s15], $0x80, v22, vm0, $0xb8;
	v32 =	vmul.f32 v37, v37;
	v3 =	vadd.f32 v34, v3;
	[tilespmem:$0x18100] =	vst v63  }
0x20b: {  	s17 =	simm.s32 $0x1800;
	v49 =	vsub.f32 v40, v41  }
0x20c: {  	[tilespmem:s17], [sflag:$0x1] =	stream.indirect_vreg.gather [hbm4b:s5+s15], $0x80, v22, vm0, $0xb8;
	v34 =	vmul.f32 v48, v48;
	v3 =	vadd.f32 v32, v3;
	[tilespmem:$0x18100] =	vst v63  }
0x20d: {  	v52 =	vld [tilespmem:$0x18070]  }
0x20e: {  	v51 =	vsub.f32 v42, v43;
	v50 =	vmul.f32 v49, v49;
	v3 =	vadd.f32 v34, v3;
	_ =	sdelay $0x1  }
0x20f: {  	v53 =	vsub.f32 v44, v45;
	v32 =	vmul.f32 v51, v51;
	v3 =	vadd.f32 v50, v3  }
0x210: {  	v5 =	vsub.f32 v5, v11  }
0x211: {  	v22 =	vmul.f32 v53, v53;
	v11 =	vshll.u32 v52, $0x2;
	v3 =	vadd.f32 v32, v3  }
0x212: {  	v6 =	vsub.f32 v6, v10;
	v54 =	vand.u32 $0x7, v52;
	v11 =	vand.u32 $0xFFFFFFE0, v11  }
0x213: {  	v5 =	vmul.f32 v5, v5;
	v10 =	vor.u32 v54, v11;
	v3 =	vadd.f32 v22, v3  }
0x214: {  	v11 =	vperm.xlane v10, v0  }
0x215: {  	v6 =	vmul.f32 v6, v6;
	v3 =	vadd.f32 v5, v3  }
0x216: {  	v5 =	vsub.f32 v8, v9;
	v8 =	vadd.s32 v1, v11  }
0x217: {  	v3 =	vadd.f32 v6, v3  }
0x218: {  	v5 =	vmul.f32 v5, v5;
	v6 =	vsub.f32 v7, v13;
	v7 =	vperm.xlane v10, v2  }
0x219: {  	v4 =	vsub.f32 v4, v15  }
0x21a: {  	s18 =	simm.s32 $0x2000;
	v3 =	vadd.f32 v5, v3;
	v5 =	vmul.f32 v6, v6;
	v6 =	vadd.s32 v1, v7  }
0x21b: {  	[tilespmem:s18], [sflag:$0x1] =	stream.indirect_vreg.gather [hbm4b:s1+s15], $0x80, v8, vm0, $0xb8;
	[tilespmem:$0x18100] =	vst v63  }
0x21c: {  	v4 =	vmul.f32 v4, v4;
	v3 =	vadd.f32 v5, v3;
	v5 =	vsub.f32 v16, v17  }
0x21d: {  	[tilespmem:s20], [sflag:$0x1] =	stream.indirect_vreg.gather [hbm4b:s5+s15], $0x80, v8, vm0, $0xb8;
	[tilespmem:$0x18100] =	vst v63  }
0x21e: {  	v3 =	vadd.f32 v4, v3;
	v4 =	vmul.f32 v5, v5;
	v5 =	vsub.f32 v18, v19  }
0x21f: {  	[tilespmem:s21], [sflag:$0x1] =	stream.indirect_vreg.gather [hbm4b:s1+s15], $0x80, v6, vm0, $0xb8;
	[tilespmem:$0x18100] =	vst v63  }
0x220: {  	v3 =	vadd.f32 v4, v3;
	v4 =	vsub.f32 v20, v21;
	v5 =	vmul.f32 v5, v5  }
0x221: {  	[tilespmem:s22], [sflag:$0x1] =	stream.indirect_vreg.gather [hbm4b:s5+s15], $0x80, v6, vm0, $0xb8;
	[tilespmem:$0x18100] =	vst v63  }
0x222: {  	v3 =	vadd.f32 v5, v3;
	v5 =	vsub.f32 v23, v24;
	v4 =	vmul.f32 v4, v4  }
0x223: {  	[tilespmem:s19], [sflag:$0x2] =	stream.linear.gather [hbm4b:s10+s15], $0x4000, $0x38;
	[tilespmem:$0x18100] =	vst v63  }
0x224: {  	_ =	swait.ge [sflag:s24], $0x4000;
	v3 =	vadd.f32 v4, v3;
	v4 =	vsub.f32 v25, v14;
	v5 =	vmul.f32 v5, v5  }
0x225: {  	[sflag:s24] =	ssyncset.done $0x0  }
0x226: {  	[sflag:s24] =	ssyncadd.s32 $0xFFFFC000;
	v3 =	vadd.f32 v5, v3;
	v5 =	vsub.f32 v27, v12;
	v4 =	vmul.f32 v4, v4  }
0x227: {  	_ =	swait.ge [sflag:s25], $0x4000  }
0x228: {  	s17 =	sand.u32 $0x380, s15;
	s19 =	sand.u32 $0x3000, s15;
	[sflag:s25] =	ssyncset.done $0x0;
	v3 =	vadd.f32 v4, v3;
	v4 =	vmul.f32 v5, v5;
	v5 =	vsub.f32 v29, v46  }
0x229: {  	s16 =	sor.u32 s17, s19;
	[sflag:s25] =	ssyncadd.s32 $0xFFFFC000  }
0x22a: {  	v6 =	vld [tilespmem:s16+$0x10000];
	v3 =	vadd.f32 v4, v3;
	v4 =	vmul.f32 v5, v5;
	v5 =	vsub.f32 v57, v58  }
0x22b: {  	v7 =	vld [tilespmem:s16+$0x4000]  }
0x22c: {  	v8 =	vld [tilespmem:s16+$0x10010];
	v3 =	vadd.f32 v4, v3;
	v4 =	vmul.f32 v5, v5;
	v5 =	vsub.f32 v60, v61  }
0x22d: {  	v9 =	vld [tilespmem:s16+$0x4010]  }
0x22e: {  	v10 =	vld [tilespmem:s16+$0x10020];
	v3 =	vadd.f32 v4, v3;
	v4 =	vmul.f32 v5, v5;
	v5 =	vsub.f32 v62, v63  }
0x22f: {  	v11 =	vld [tilespmem:s16+$0x4020]  }
0x230: {  	v55 =	vld [tilespmem:s16+$0x10030];
	v3 =	vadd.f32 v4, v3;
	v4 =	vmul.f32 v5, v5;
	v5 =	vsub.f32 v6, v7  }
0x231: {  	v6 =	vld [tilespmem:s16+$0x4030]  }
0x232: {  	v7 =	vld [tilespmem:s16+$0x10040];
	v3 =	vadd.f32 v4, v3;
	v4 =	vmul.f32 v5, v5;
	v5 =	vsub.f32 v8, v9  }
0x233: {  	v8 =	vld [tilespmem:s16+$0x4040]  }
0x234: {  	v9 =	vld [tilespmem:s16+$0x10050];
	v3 =	vadd.f32 v4, v3;
	v4 =	vmul.f32 v5, v5;
	v5 =	vsub.f32 v10, v11  }
0x235: {  	v10 =	vld [tilespmem:s16+$0x4050]  }
0x236: {  	v11 =	vld [tilespmem:s16+$0x10060];
	v3 =	vadd.f32 v4, v3;
	v4 =	vmul.f32 v5, v5;
	v5 =	vsub.f32 v55, v6  }
0x237: {  	v6 =	vld [tilespmem:s16+$0x4060]  }
0x238: {  	v56 =	vld [tilespmem:s16+$0x10070];
	v3 =	vadd.f32 v4, v3;
	v4 =	vmul.f32 v5, v5;
	v5 =	vsub.f32 v7, v8  }
0x239: {  	v7 =	vld [tilespmem:s16+$0x4070]  }
0x23a: {  	v8 =	vld [tilespmem:s16+$0x10400];
	v3 =	vadd.f32 v4, v3;
	v4 =	vmul.f32 v5, v5;
	v5 =	vsub.f32 v9, v10  }
0x23b: {  	v9 =	vld [tilespmem:s16+$0x4400]  }
0x23c: {  	v10 =	vld [tilespmem:s16+$0x10410];
	v3 =	vadd.f32 v4, v3;
	v4 =	vmul.f32 v5, v5;
	v5 =	vsub.f32 v11, v6  }
0x23d: {  	v6 =	vld [tilespmem:s16+$0x4410]  }
0x23e: {  	v11 =	vld [tilespmem:s16+$0x10420];
	v3 =	vadd.f32 v4, v3;
	v4 =	vmul.f32 v5, v5;
	v5 =	vsub.f32 v56, v7  }
0x23f: {  	v7 =	vld [tilespmem:s16+$0x4420]  }
0x240: {  	v57 =	vld [tilespmem:s16+$0x10430];
	v3 =	vadd.f32 v4, v3;
	v4 =	vmul.f32 v5, v5;
	v5 =	vsub.f32 v8, v9  }
0x241: {  	v8 =	vld [tilespmem:s16+$0x4430]  }
0x242: {  	v9 =	vld [tilespmem:s16+$0x10440];
	v3 =	vadd.f32 v4, v3;
	v4 =	vmul.f32 v5, v5;
	v5 =	vsub.f32 v10, v6  }
0x243: {  	v6 =	vld [tilespmem:s16+$0x4440]  }
0x244: {  	v10 =	vld [tilespmem:s16+$0x10450];
	v3 =	vadd.f32 v4, v3;
	v4 =	vmul.f32 v5, v5;
	v5 =	vsub.f32 v11, v7  }
0x245: {  	v7 =	vld [tilespmem:s16+$0x4450]  }
0x246: {  	v11 =	vld [tilespmem:s16+$0x10460];
	v3 =	vadd.f32 v4, v3;
	v4 =	vmul.f32 v5, v5;
	v5 =	vsub.f32 v57, v8  }
0x247: {  	v8 =	vld [tilespmem:s16+$0x4460]  }
0x248: {  	v58 =	vld [tilespmem:s16+$0x10470];
	v3 =	vadd.f32 v4, v3;
	v4 =	vmul.f32 v5, v5;
	v5 =	vsub.f32 v9, v6  }
0x249: {  	v6 =	vld [tilespmem:s16+$0x4470]  }
0x24a: {  	v9 =	vld [tilespmem:s16+$0x10800];
	v3 =	vadd.f32 v4, v3;
	v4 =	vmul.f32 v5, v5;
	v5 =	vsub.f32 v10, v7  }
0x24b: {  	v7 =	vld [tilespmem:s16+$0x4800]  }
0x24c: {  	v10 =	vld [tilespmem:s16+$0x10810];
	v3 =	vadd.f32 v4, v3;
	v4 =	vmul.f32 v5, v5;
	v5 =	vsub.f32 v11, v8  }
0x24d: {  	v8 =	vld [tilespmem:s16+$0x4810]  }
0x24e: {  	v11 =	vld [tilespmem:s16+$0x10820];
	v3 =	vadd.f32 v4, v3;
	v4 =	vmul.f32 v5, v5;
	v5 =	vsub.f32 v58, v6  }
0x24f: {  	v6 =	vld [tilespmem:s16+$0x4820]  }
0x250: {  	v59 =	vld [tilespmem:s16+$0x10830];
	v3 =	vadd.f32 v4, v3;
	v4 =	vmul.f32 v5, v5;
	v5 =	vsub.f32 v9, v7  }
0x251: {  	v7 =	vld [tilespmem:s16+$0x4830]  }
0x252: {  	v9 =	vld [tilespmem:s16+$0x10840];
	v3 =	vadd.f32 v4, v3;
	v4 =	vmul.f32 v5, v5;
	v5 =	vsub.f32 v10, v8  }
0x253: {  	v8 =	vld [tilespmem:s16+$0x4840]  }
0x254: {  	v10 =	vld [tilespmem:s16+$0x10850];
	v3 =	vadd.f32 v4, v3;
	v4 =	vmul.f32 v5, v5;
	v5 =	vsub.f32 v11, v6  }
0x255: {  	v6 =	vld [tilespmem:s16+$0x4850]  }
0x256: {  	v11 =	vld [tilespmem:s16+$0x10860];
	v3 =	vadd.f32 v4, v3;
	v4 =	vmul.f32 v5, v5;
	v5 =	vsub.f32 v59, v7  }
0x257: {  	s15 =	sand.u32 $0xFFFFF000, s15;
	v7 =	vld [tilespmem:s16+$0x4860]  }
0x258: {  	s15 =	sadd.s32 $0x0, s15;
	v60 =	vld [tilespmem:s16+$0x10870];
	v3 =	vadd.f32 v4, v3;
	v4 =	vmul.f32 v5, v5;
	v5 =	vsub.f32 v9, v8  }
0x259: {  	v8 =	vld [tilespmem:s16+$0x4870];
	s16 =	sor.u32 $0x10C00, s15  }
0x25a: {  	s17 =	sor.u32 $0x4C00, s15;
	v9 =	vld [tilespmem:s16+$0x0];
	v3 =	vadd.f32 v4, v3;
	v4 =	vmul.f32 v5, v5;
	v5 =	vsub.f32 v10, v6  }
0x25b: {  	v6 =	vld [tilespmem:s17+$0x0]  }
0x25c: {  	v10 =	vld [tilespmem:s16+$0x10];
	v3 =	vadd.f32 v4, v3;
	v4 =	vmul.f32 v5, v5;
	v5 =	vsub.f32 v11, v7  }
0x25d: {  	v7 =	vld [tilespmem:s17+$0x10]  }
0x25e: {  	v11 =	vld [tilespmem:s16+$0x20];
	v3 =	vadd.f32 v4, v3;
	v4 =	vmul.f32 v5, v5;
	v5 =	vsub.f32 v60, v8  }
0x25f: {  	v8 =	vld [tilespmem:s17+$0x20]  }
0x260: {  	v61 =	vld [tilespmem:s16+$0x30];
	v3 =	vadd.f32 v4, v3;
	v4 =	vmul.f32 v5, v5;
	v5 =	vsub.f32 v9, v6  }
0x261: {  	v6 =	vld [tilespmem:s17+$0x30]  }
0x262: {  	v63 =	vld [tilespmem:s17+$0x40];
	v7 =	vsub.f32 v10, v7;
	v4 =	vadd.f32 v4, v3;
	v5 =	vmul.f32 v5, v5  }
0x263: {  	v62 =	vld [tilespmem:s16+$0x40]  }
0x264: {  	v3 =	vld [tilespmem:s16+$0x50];
	v7 =	vmul.f32 v7, v7;
	v8 =	vsub.f32 v11, v8;
	v9 =	vadd.f32 v5, v4  }
0x265: {  	v5 =	vld [tilespmem:s17+$0x50]  }
0x266: {  	v4 =	vld [tilespmem:s16+$0x60];
	v8 =	vmul.f32 v8, v8;
	v10 =	vsub.f32 v61, v6;
	v9 =	vadd.f32 v7, v9  }
0x267: {  	s31 =	simm.s32 $0x80;
	s29 =	simm.s32 $0x200;
	v6 =	vld [tilespmem:s17+$0x60]  }
0x268: {  	s18 =	sand.u32 $0x3000, s29;
	s19 =	sand.u32 $0x380, s31;
	v11 =	vsub.f32 v62, v63;
	v7 =	vld [tilespmem:s16+$0x70];
	v10 =	vmul.f32 v10, v10;
	v9 =	vadd.f32 v8, v9  }
0x269: {  	s15 =	sor.u32 s19, s18;
	s16 =	simm.s32 $0x400;
	v8 =	vld [tilespmem:s17+$0x70]  }
.LBB2_6:
0x26a: {  	p0 =	sne.s32 s16, $0x3E00;
	v12 =	vld [tilespmem:s15+$0x10000];
	v9 =	vadd.f32 v10, v9;
	v10 =	vmul.f32 v11, v11;
	v3 =	vsub.f32 v3, v5  }
0x26b: {  	v5 =	vld [tilespmem:s15+$0x4000]  }
0x26c: {  	v11 =	vld [tilespmem:s15+$0x10010];
	v9 =	vadd.f32 v10, v9;
	v3 =	vmul.f32 v3, v3;
	v4 =	vsub.f32 v4, v6  }
0x26d: {  	v6 =	vld [tilespmem:s15+$0x4010]  }
0x26e: {  	v10 =	vld [tilespmem:s15+$0x10020];
	v3 =	vadd.f32 v3, v9;
	v4 =	vmul.f32 v4, v4;
	v7 =	vsub.f32 v7, v8  }
0x26f: {  	v8 =	vld [tilespmem:s15+$0x4020]  }
0x270: {  	v5 =	vsub.f32 v12, v5;
	v9 =	vld [tilespmem:s15+$0x10030];
	v3 =	vadd.f32 v4, v3;
	v4 =	vmul.f32 v7, v7  }
0x271: {  	v7 =	vld [tilespmem:s15+$0x4030]  }
0x272: {  	v5 =	vmul.f32 v5, v5;
	v6 =	vsub.f32 v11, v6;
	v11 =	vld [tilespmem:s15+$0x10040];
	v3 =	vadd.f32 v4, v3  }
0x273: {  	v4 =	vld [tilespmem:s15+$0x4040]  }
0x274: {  	v3 =	vadd.f32 v5, v3;
	v5 =	vmul.f32 v6, v6;
	v6 =	vsub.f32 v10, v8;
	v8 =	vld [tilespmem:s15+$0x10050]  }
0x275: {  	v10 =	vld [tilespmem:s15+$0x4050]  }
0x276: {  	v3 =	vadd.f32 v5, v3;
	v5 =	vmul.f32 v6, v6;
	v6 =	vsub.f32 v9, v7;
	v7 =	vld [tilespmem:s15+$0x10060]  }
0x277: {  	v9 =	vld [tilespmem:s15+$0x4060]  }
0x278: {  	v3 =	vadd.f32 v5, v3;
	v5 =	vmul.f32 v6, v6;
	v4 =	vsub.f32 v11, v4;
	v6 =	vld [tilespmem:s15+$0x10070]  }
0x279: {  	v11 =	vld [tilespmem:s15+$0x4070]  }
0x27a: {  	v3 =	vadd.f32 v5, v3;
	v4 =	vmul.f32 v4, v4;
	v5 =	vsub.f32 v8, v10;
	v8 =	vld [tilespmem:s15+$0x10400]  }
0x27b: {  	v10 =	vld [tilespmem:s15+$0x4400]  }
0x27c: {  	v3 =	vadd.f32 v4, v3;
	v4 =	vmul.f32 v5, v5;
	v5 =	vsub.f32 v7, v9;
	v7 =	vld [tilespmem:s15+$0x10410]  }
0x27d: {  	v9 =	vld [tilespmem:s15+$0x4410]  }
0x27e: {  	v3 =	vadd.f32 v4, v3;
	v4 =	vmul.f32 v5, v5;
	v5 =	vsub.f32 v6, v11;
	v6 =	vld [tilespmem:s15+$0x10420]  }
0x27f: {  	v11 =	vld [tilespmem:s15+$0x4420]  }
0x280: {  	v3 =	vadd.f32 v4, v3;
	v4 =	vmul.f32 v5, v5;
	v5 =	vsub.f32 v8, v10;
	v8 =	vld [tilespmem:s15+$0x10430]  }
0x281: {  	v10 =	vld [tilespmem:s15+$0x4430]  }
0x282: {  	v3 =	vadd.f32 v4, v3;
	v4 =	vmul.f32 v5, v5;
	v5 =	vsub.f32 v7, v9;
	v7 =	vld [tilespmem:s15+$0x10440]  }
0x283: {  	v9 =	vld [tilespmem:s15+$0x4440]  }
0x284: {  	v3 =	vadd.f32 v4, v3;
	v4 =	vmul.f32 v5, v5;
	v5 =	vsub.f32 v6, v11;
	v6 =	vld [tilespmem:s15+$0x10450]  }
0x285: {  	v11 =	vld [tilespmem:s15+$0x4450]  }
0x286: {  	v3 =	vadd.f32 v4, v3;
	v4 =	vmul.f32 v5, v5;
	v5 =	vsub.f32 v8, v10;
	v8 =	vld [tilespmem:s15+$0x10460]  }
0x287: {  	v10 =	vld [tilespmem:s15+$0x4460]  }
0x288: {  	v3 =	vadd.f32 v4, v3;
	v4 =	vmul.f32 v5, v5;
	v5 =	vsub.f32 v7, v9;
	v7 =	vld [tilespmem:s15+$0x10470]  }
0x289: {  	v9 =	vld [tilespmem:s15+$0x4470]  }
0x28a: {  	v3 =	vadd.f32 v4, v3;
	v4 =	vmul.f32 v5, v5;
	v5 =	vsub.f32 v6, v11;
	v6 =	vld [tilespmem:s15+$0x10800]  }
0x28b: {  	v11 =	vld [tilespmem:s15+$0x4800]  }
0x28c: {  	v3 =	vadd.f32 v4, v3;
	v4 =	vmul.f32 v5, v5;
	v5 =	vsub.f32 v8, v10;
	v8 =	vld [tilespmem:s15+$0x10810]  }
0x28d: {  	v10 =	vld [tilespmem:s15+$0x4810]  }
0x28e: {  	v3 =	vadd.f32 v4, v3;
	v4 =	vmul.f32 v5, v5;
	v5 =	vsub.f32 v7, v9;
	v7 =	vld [tilespmem:s15+$0x10820]  }
0x28f: {  	v9 =	vld [tilespmem:s15+$0x4820]  }
0x290: {  	v3 =	vadd.f32 v4, v3;
	v4 =	vmul.f32 v5, v5;
	v5 =	vsub.f32 v6, v11;
	v6 =	vld [tilespmem:s15+$0x10830]  }
0x291: {  	v11 =	vld [tilespmem:s15+$0x4830]  }
0x292: {  	v3 =	vadd.f32 v4, v3;
	v4 =	vmul.f32 v5, v5;
	v5 =	vsub.f32 v8, v10;
	v8 =	vld [tilespmem:s15+$0x10840]  }
0x293: {  	v10 =	vld [tilespmem:s15+$0x4840]  }
0x294: {  	v3 =	vadd.f32 v4, v3;
	v4 =	vmul.f32 v5, v5;
	v5 =	vsub.f32 v7, v9;
	v7 =	vld [tilespmem:s15+$0x10850]  }
0x295: {  	v9 =	vld [tilespmem:s15+$0x4850]  }
0x296: {  	v3 =	vadd.f32 v4, v3;
	v4 =	vmul.f32 v5, v5;
	v5 =	vsub.f32 v6, v11;
	v6 =	vld [tilespmem:s15+$0x10860]  }
0x297: {  	s17 =	sand.u32 $0xFFFFF000, s29;
	s29 =	smov.u32 s16;
	v11 =	vld [tilespmem:s15+$0x4860]  }
0x298: {  	s17 =	sadd.s32 s17, s31;
	v3 =	vadd.f32 v4, v3;
	v4 =	vmul.f32 v5, v5;
	v5 =	vsub.f32 v8, v10;
	v8 =	vld [tilespmem:s15+$0x10870]  }
0x299: {  	v10 =	vld [tilespmem:s15+$0x4870];
	s15 =	sor.u32 $0x10C00, s17  }
0x29a: {  	s17 =	sor.u32 $0x4C00, s17;
	v3 =	vadd.f32 v4, v3;
	v4 =	vmul.f32 v5, v5;
	v5 =	vsub.f32 v7, v9;
	v7 =	vld [tilespmem:s15+$0x0]  }
0x29b: {  	v9 =	vld [tilespmem:s17+$0x0]  }
0x29c: {  	v3 =	vadd.f32 v4, v3;
	v4 =	vmul.f32 v5, v5;
	v5 =	vsub.f32 v6, v11;
	v6 =	vld [tilespmem:s15+$0x10]  }
0x29d: {  	v11 =	vld [tilespmem:s17+$0x10]  }
0x29e: {  	v3 =	vadd.f32 v4, v3;
	v4 =	vmul.f32 v5, v5;
	v5 =	vsub.f32 v8, v10;
	v8 =	vld [tilespmem:s15+$0x20]  }
0x29f: {  	v10 =	vld [tilespmem:s17+$0x20]  }
0x2a0: {  	v3 =	vadd.f32 v4, v3;
	v4 =	vmul.f32 v5, v5;
	v5 =	vsub.f32 v7, v9;
	v7 =	vld [tilespmem:s15+$0x30]  }
0x2a1: {  	v9 =	vld [tilespmem:s17+$0x30]  }
0x2a2: {  	v3 =	vadd.f32 v4, v3;
	v4 =	vmul.f32 v5, v5;
	v5 =	vsub.f32 v6, v11;
	v11 =	vld [tilespmem:s15+$0x40]  }
0x2a3: {  	v12 =	vld [tilespmem:s17+$0x40]  }
0x2a4: {  	v4 =	vadd.f32 v4, v3;
	v6 =	vmul.f32 v5, v5;
	v8 =	vsub.f32 v8, v10;
	v3 =	vld [tilespmem:s15+$0x50]  }
.Ltmp2:
0x2a5: {  	v5 =	vld [tilespmem:s17+$0x50];
	(pc) =	sbr.rel @p0 .LBB2_6-.Ltmp2, $4  }
0x2a6: {  	v10 =	vadd.f32 v6, v4;
	v8 =	vmul.f32 v8, v8;
	v7 =	vsub.f32 v7, v9;
	v4 =	vld [tilespmem:s15+$0x60]  }
0x2a7: {  	s31 =	sadd.s32 $0x80, s31;
	v6 =	vld [tilespmem:s17+$0x60]  }
0x2a8: {  	s18 =	sand.u32 $0x3000, s16;
	s19 =	sand.u32 $0x380, s31;
	v9 =	vadd.f32 v8, v10;
	v10 =	vmul.f32 v7, v7;
	v11 =	vsub.f32 v11, v12;
	v7 =	vld [tilespmem:s15+$0x70]  }
0x2a9: {  	s16 =	sadd.s32 $0x200, s16;
	s15 =	sor.u32 s19, s18;
	v8 =	vld [tilespmem:s17+$0x70]  }
0x2aa: {  	v12 =	vld [tilespmem:s15+$0x10000]  }
0x2ab: {  	v13 =	vld [tilespmem:s15+$0x4000]  }
0x2ac: {  	v14 =	vld [tilespmem:s15+$0x10010]  }
0x2ad: {  	v15 =	vld [tilespmem:s15+$0x4010]  }
0x2ae: {  	v16 =	vld [tilespmem:s15+$0x10020]  }
0x2af: {  	v17 =	vld [tilespmem:s15+$0x4020];
	v9 =	vadd.f32 v10, v9;
	v10 =	vmul.f32 v11, v11;
	v3 =	vsub.f32 v3, v5  }
0x2b0: {  	v18 =	vld [tilespmem:s15+$0x10030]  }
0x2b1: {  	v5 =	vld [tilespmem:s15+$0x4030];
	v9 =	vadd.f32 v10, v9;
	v3 =	vmul.f32 v3, v3;
	v4 =	vsub.f32 v4, v6  }
0x2b2: {  	v11 =	vld [tilespmem:s15+$0x10040]  }
0x2b3: {  	v25 =	vld [tilespmem:s15+$0x10070];
	v3 =	vadd.f32 v3, v9;
	v4 =	vmul.f32 v4, v4;
	v7 =	vsub.f32 v7, v8  }
0x2b4: {  	v26 =	vld [tilespmem:s15+$0x10400]  }
0x2b5: {  	v29 =	vld [tilespmem:s15+$0x4400];
	v12 =	vsub.f32 v12, v13;
	v3 =	vadd.f32 v4, v3;
	v4 =	vmul.f32 v7, v7  }
0x2b6: {  	v30 =	vld [tilespmem:s15+$0x10410]  }
0x2b7: {  	v32 =	vld [tilespmem:s15+$0x4410];
	v14 =	vsub.f32 v14, v15;
	v12 =	vmul.f32 v12, v12;
	v3 =	vadd.f32 v4, v3  }
0x2b8: {  	v6 =	vld [tilespmem:s15+$0x4040]  }
0x2b9: {  	v10 =	vld [tilespmem:s15+$0x10050];
	v28 =	vsub.f32 v16, v17;
	v27 =	vmul.f32 v14, v14;
	v3 =	vadd.f32 v12, v3  }
0x2ba: {  	v8 =	vld [tilespmem:s15+$0x4050]  }
0x2bb: {  	v9 =	vld [tilespmem:s15+$0x10060];
	v5 =	vsub.f32 v18, v5;
	v31 =	vmul.f32 v28, v28;
	v3 =	vadd.f32 v27, v3  }
0x2bc: {  	v7 =	vld [tilespmem:s15+$0x4060]  }
0x2bd: {  	v33 =	vld [tilespmem:s15+$0x10420];
	v5 =	vmul.f32 v5, v5;
	v6 =	vsub.f32 v11, v6;
	v3 =	vadd.f32 v31, v3  }
0x2be: {  	v4 =	vld [tilespmem:s15+$0x4070]  }
0x2bf: {  	v34 =	vld [tilespmem:s15+$0x10430];
	v3 =	vadd.f32 v5, v3;
	v5 =	vmul.f32 v6, v6;
	v6 =	vsub.f32 v10, v8  }
0x2c0: {  	v35 =	vld [tilespmem:s15+$0x10460]  }
0x2c1: {  	v36 =	vld [tilespmem:s15+$0x4460];
	v3 =	vadd.f32 v5, v3;
	v5 =	vmul.f32 v6, v6;
	v6 =	vsub.f32 v9, v7  }
0x2c2: {  	v37 =	vld [tilespmem:s15+$0x10470]  }
0x2c3: {  	v38 =	vld [tilespmem:s15+$0x4470];
	v4 =	vsub.f32 v25, v4;
	v3 =	vadd.f32 v5, v3;
	v5 =	vmul.f32 v6, v6  }
0x2c4: {  	v11 =	vld [tilespmem:s15+$0x4420]  }
0x2c5: {  	v39 =	vld [tilespmem:s15+$0x10800];
	v4 =	vmul.f32 v4, v4;
	v3 =	vadd.f32 v5, v3;
	v5 =	vsub.f32 v26, v29  }
0x2c6: {  	v8 =	vld [tilespmem:s15+$0x4430]  }
0x2c7: {  	v10 =	vld [tilespmem:s15+$0x10440];
	v3 =	vadd.f32 v4, v3;
	v4 =	vmul.f32 v5, v5;
	v5 =	vsub.f32 v30, v32  }
0x2c8: {  	v7 =	vld [tilespmem:s15+$0x4440]  }
0x2c9: {  	v9 =	vld [tilespmem:s15+$0x10450];
	v3 =	vadd.f32 v4, v3;
	v4 =	vmul.f32 v5, v5;
	v5 =	vsub.f32 v33, v11  }
0x2ca: {  	v6 =	vld [tilespmem:s15+$0x4450]  }
0x2cb: {  	v40 =	vld [tilespmem:s15+$0x10810];
	v3 =	vadd.f32 v4, v3;
	v4 =	vmul.f32 v5, v5;
	v5 =	vsub.f32 v34, v8  }
0x2cc: {  	v41 =	vld [tilespmem:s15+$0x10820]  }
0x2cd: {  	v42 =	vld [tilespmem:s15+$0x4840];
	v3 =	vadd.f32 v4, v3;
	v4 =	vmul.f32 v5, v5;
	v5 =	vsub.f32 v10, v7  }
0x2ce: {  	v43 =	vld [tilespmem:s15+$0x10850]  }
0x2cf: {  	v44 =	vld [tilespmem:s15+$0x4850];
	v3 =	vadd.f32 v4, v3;
	v4 =	vmul.f32 v5, v5;
	v5 =	vsub.f32 v9, v6  }
0x2d0: {  	v11 =	vld [tilespmem:s15+$0x4800]  }
0x2d1: {  	v45 =	vld [tilespmem:s15+$0x10860];
	v3 =	vadd.f32 v4, v3;
	v4 =	vmul.f32 v5, v5;
	v5 =	vsub.f32 v35, v36  }
0x2d2: {  	v8 =	vld [tilespmem:s15+$0x4810]  }
0x2d3: {  	v46 =	vld [tilespmem:s15+$0x10870];
	v3 =	vadd.f32 v4, v3;
	v4 =	vmul.f32 v5, v5;
	v5 =	vsub.f32 v37, v38  }
0x2d4: {  	s16 =	sand.u32 $0xFFFFF000, s29;
	v7 =	vld [tilespmem:s15+$0x4820]  }
0x2d5: {  	s16 =	sadd.s32 s16, s31;
	v10 =	vld [tilespmem:s15+$0x10830];
	v3 =	vadd.f32 v4, v3;
	v4 =	vmul.f32 v5, v5;
	v5 =	vsub.f32 v39, v11  }
0x2d6: {  	s18 =	sor.u32 $0x10C00, s16;
	v6 =	vld [tilespmem:s15+$0x4830]  }
0x2d7: {  	v47 =	vld [tilespmem:s18+$0x0];
	v3 =	vadd.f32 v4, v3;
	v4 =	vmul.f32 v5, v5;
	v5 =	vsub.f32 v40, v8  }
0x2d8: {  	v9 =	vld [tilespmem:s15+$0x10840]  }
0x2d9: {  	v48 =	vld [tilespmem:s18+$0x10];
	v3 =	vadd.f32 v4, v3;
	v4 =	vmul.f32 v5, v5;
	v5 =	vsub.f32 v41, v7  }
0x2da: {  	s16 =	sor.u32 $0x4C00, s16;
	v49 =	vld [tilespmem:s18+$0x30]  }
0x2db: {  	v50 =	vld [tilespmem:s16+$0x30];
	v3 =	vadd.f32 v4, v3;
	v4 =	vmul.f32 v5, v5;
	v5 =	vsub.f32 v10, v6  }
0x2dc: {  	v11 =	vld [tilespmem:s15+$0x4860]  }
0x2dd: {  	v51 =	vld [tilespmem:s18+$0x40];
	v3 =	vadd.f32 v4, v3;
	v4 =	vmul.f32 v5, v5;
	v5 =	vsub.f32 v9, v42  }
0x2de: {  	v8 =	vld [tilespmem:s15+$0x4870]  }
0x2df: {  	v52 =	vld [tilespmem:s18+$0x50];
	v3 =	vadd.f32 v4, v3;
	v4 =	vmul.f32 v5, v5;
	v5 =	vsub.f32 v43, v44  }
0x2e0: {  	v7 =	vld [tilespmem:s16+$0x0]  }
0x2e1: {  	v53 =	vld [tilespmem:s18+$0x60];
	v3 =	vadd.f32 v4, v3;
	v4 =	vmul.f32 v5, v5;
	v5 =	vsub.f32 v45, v11  }
0x2e2: {  	v6 =	vld [tilespmem:s16+$0x10]  }
0x2e3: {  	v10 =	vld [tilespmem:s18+$0x20];
	v3 =	vadd.f32 v4, v3;
	v4 =	vmul.f32 v5, v5;
	v5 =	vsub.f32 v46, v8  }
0x2e4: {  	v9 =	vld [tilespmem:s16+$0x20]  }
0x2e5: {  	v54 =	vld [tilespmem:s18+$0x70];
	v3 =	vadd.f32 v4, v3;
	v4 =	vmul.f32 v5, v5;
	v5 =	vsub.f32 v47, v7  }
0x2e6: {  	v11 =	vld [tilespmem:s16+$0x40]  }
0x2e7: {  	v8 =	vld [tilespmem:s16+$0x50];
	v3 =	vadd.f32 v4, v3;
	v4 =	vmul.f32 v5, v5;
	v5 =	vsub.f32 v48, v6  }
0x2e8: {  	v7 =	vld [tilespmem:s16+$0x60]  }
0x2e9: {  	v6 =	vld [tilespmem:s16+$0x70];
	_ =	swait.ge [sflag:s26], $0x4000;
	v3 =	vadd.f32 v4, v3;
	v4 =	vsub.f32 v10, v9;
	v5 =	vmul.f32 v5, v5  }
0x2ea: {  	[sflag:s26] =	ssyncset.done $0x0  }
0x2eb: {  	[sflag:s26] =	ssyncadd.s32 $0xFFFFC000;
	v3 =	vadd.f32 v5, v3;
	v5 =	vsub.f32 v49, v50;
	v4 =	vmul.f32 v4, v4  }
0x2ec: {  	s19 =	simm.s32 $0x0;
	_ =	swait.ge [sflag:s28], $0x4000  }
0x2ed: {  	s17 =	sand.u32 $0x380, s19;
	s18 =	sand.u32 $0x3000, s19;
	[sflag:s28] =	ssyncset.done $0x0;
	v3 =	vadd.f32 v4, v3;
	v4 =	vmul.f32 v5, v5;
	v5 =	vsub.f32 v51, v11  }
0x2ee: {  	s16 =	sor.u32 s17, s18;
	[sflag:s28] =	ssyncadd.s32 $0xFFFFC000  }
0x2ef: {  	v9 =	vld [tilespmem:s16+$0x14000];
	v3 =	vadd.f32 v4, v3;
	v4 =	vmul.f32 v5, v5;
	v5 =	vsub.f32 v52, v8  }
0x2f0: {  	v8 =	vld [tilespmem:s16+$0x8000]  }
0x2f1: {  	v10 =	vld [tilespmem:s16+$0x14010];
	v3 =	vadd.f32 v4, v3;
	v4 =	vmul.f32 v5, v5;
	v5 =	vsub.f32 v53, v7  }
0x2f2: {  	v7 =	vld [tilespmem:s16+$0x8010]  }
0x2f3: {  	v11 =	vld [tilespmem:s16+$0x14020];
	v3 =	vadd.f32 v4, v3;
	v4 =	vmul.f32 v5, v5;
	v5 =	vsub.f32 v54, v6  }
0x2f4: {  	v6 =	vld [tilespmem:s16+$0x8020]  }
0x2f5: {  	v55 =	vld [tilespmem:s16+$0x14030];
	v3 =	vadd.f32 v4, v3;
	v4 =	vmul.f32 v5, v5;
	v5 =	vsub.f32 v9, v8  }
0x2f6: {  	v8 =	vld [tilespmem:s16+$0x8030]  }
0x2f7: {  	v9 =	vld [tilespmem:s16+$0x14040];
	v3 =	vadd.f32 v4, v3;
	v4 =	vmul.f32 v5, v5;
	v5 =	vsub.f32 v10, v7  }
0x2f8: {  	v7 =	vld [tilespmem:s16+$0x8040]  }
0x2f9: {  	v10 =	vld [tilespmem:s16+$0x14050];
	v3 =	vadd.f32 v4, v3;
	v4 =	vmul.f32 v5, v5;
	v5 =	vsub.f32 v11, v6  }
0x2fa: {  	v6 =	vld [tilespmem:s16+$0x8050]  }
0x2fb: {  	v11 =	vld [tilespmem:s16+$0x14060];
	v3 =	vadd.f32 v4, v3;
	v4 =	vmul.f32 v5, v5;
	v5 =	vsub.f32 v55, v8  }
0x2fc: {  	v8 =	vld [tilespmem:s16+$0x8060]  }
0x2fd: {  	v56 =	vld [tilespmem:s16+$0x14070];
	v3 =	vadd.f32 v4, v3;
	v4 =	vmul.f32 v5, v5;
	v5 =	vsub.f32 v9, v7  }
0x2fe: {  	v7 =	vld [tilespmem:s16+$0x8070]  }
0x2ff: {  	v9 =	vld [tilespmem:s16+$0x14400];
	v3 =	vadd.f32 v4, v3;
	v4 =	vmul.f32 v5, v5;
	v5 =	vsub.f32 v10, v6  }
0x300: {  	v6 =	vld [tilespmem:s16+$0x8400]  }
0x301: {  	v10 =	vld [tilespmem:s16+$0x14410];
	v3 =	vadd.f32 v4, v3;
	v4 =	vmul.f32 v5, v5;
	v5 =	vsub.f32 v11, v8  }
0x302: {  	v8 =	vld [tilespmem:s16+$0x8410]  }
0x303: {  	v11 =	vld [tilespmem:s16+$0x14420];
	v3 =	vadd.f32 v4, v3;
	v4 =	vmul.f32 v5, v5;
	v5 =	vsub.f32 v56, v7  }
0x304: {  	v7 =	vld [tilespmem:s16+$0x8420]  }
0x305: {  	v57 =	vld [tilespmem:s16+$0x14430];
	v3 =	vadd.f32 v4, v3;
	v4 =	vmul.f32 v5, v5;
	v5 =	vsub.f32 v9, v6  }
0x306: {  	v6 =	vld [tilespmem:s16+$0x8430]  }
0x307: {  	v9 =	vld [tilespmem:s16+$0x14440];
	v3 =	vadd.f32 v4, v3;
	v4 =	vmul.f32 v5, v5;
	v5 =	vsub.f32 v10, v8  }
0x308: {  	v8 =	vld [tilespmem:s16+$0x8440]  }
0x309: {  	v10 =	vld [tilespmem:s16+$0x14450];
	v3 =	vadd.f32 v4, v3;
	v4 =	vmul.f32 v5, v5;
	v5 =	vsub.f32 v11, v7  }
0x30a: {  	v7 =	vld [tilespmem:s16+$0x8450]  }
0x30b: {  	v11 =	vld [tilespmem:s16+$0x14460];
	v3 =	vadd.f32 v4, v3;
	v4 =	vmul.f32 v5, v5;
	v5 =	vsub.f32 v57, v6  }
0x30c: {  	v6 =	vld [tilespmem:s16+$0x8460]  }
0x30d: {  	v58 =	vld [tilespmem:s16+$0x14470];
	v3 =	vadd.f32 v4, v3;
	v4 =	vmul.f32 v5, v5;
	v5 =	vsub.f32 v9, v8  }
0x30e: {  	v8 =	vld [tilespmem:s16+$0x8470]  }
0x30f: {  	v9 =	vld [tilespmem:s16+$0x14800];
	v3 =	vadd.f32 v4, v3;
	v4 =	vmul.f32 v5, v5;
	v5 =	vsub.f32 v10, v7  }
0x310: {  	v7 =	vld [tilespmem:s16+$0x8800]  }
0x311: {  	v10 =	vld [tilespmem:s16+$0x14810];
	v3 =	vadd.f32 v4, v3;
	v4 =	vmul.f32 v5, v5;
	v5 =	vsub.f32 v11, v6  }
0x312: {  	v6 =	vld [tilespmem:s16+$0x8810]  }
0x313: {  	v11 =	vld [tilespmem:s16+$0x14820];
	v3 =	vadd.f32 v4, v3;
	v4 =	vmul.f32 v5, v5;
	v5 =	vsub.f32 v58, v8  }
0x314: {  	v8 =	vld [tilespmem:s16+$0x8820]  }
0x315: {  	v59 =	vld [tilespmem:s16+$0x14830];
	v3 =	vadd.f32 v4, v3;
	v4 =	vmul.f32 v5, v5;
	v5 =	vsub.f32 v9, v7  }
0x316: {  	v7 =	vld [tilespmem:s16+$0x8830]  }
0x317: {  	v9 =	vld [tilespmem:s16+$0x14840];
	v3 =	vadd.f32 v4, v3;
	v4 =	vmul.f32 v5, v5;
	v5 =	vsub.f32 v10, v6  }
0x318: {  	v6 =	vld [tilespmem:s16+$0x8840]  }
0x319: {  	v10 =	vld [tilespmem:s16+$0x14850];
	v3 =	vadd.f32 v4, v3;
	v4 =	vmul.f32 v5, v5;
	v5 =	vsub.f32 v11, v8  }
0x31a: {  	v8 =	vld [tilespmem:s16+$0x8850]  }
0x31b: {  	v11 =	vld [tilespmem:s16+$0x14860];
	v3 =	vadd.f32 v4, v3;
	v4 =	vmul.f32 v5, v5;
	v5 =	vsub.f32 v59, v7  }
0x31c: {  	s15 =	sand.u32 $0xFFFFF000, s19;
	v7 =	vld [tilespmem:s16+$0x8860]  }
0x31d: {  	s15 =	sadd.s32 $0x0, s15;
	v60 =	vld [tilespmem:s16+$0x14870];
	v3 =	vadd.f32 v4, v3;
	v4 =	vmul.f32 v5, v5;
	v5 =	vsub.f32 v9, v6  }
0x31e: {  	v6 =	vld [tilespmem:s16+$0x8870];
	s16 =	sor.u32 $0x14C00, s15  }
0x31f: {  	s17 =	sor.u32 $0x8C00, s15;
	v9 =	vld [tilespmem:s16+$0x0];
	v3 =	vadd.f32 v4, v3;
	v4 =	vmul.f32 v5, v5;
	v5 =	vsub.f32 v10, v8  }
0x320: {  	v8 =	vld [tilespmem:s17+$0x0]  }
0x321: {  	v10 =	vld [tilespmem:s16+$0x10];
	v3 =	vadd.f32 v4, v3;
	v4 =	vmul.f32 v5, v5;
	v5 =	vsub.f32 v11, v7  }
0x322: {  	v7 =	vld [tilespmem:s17+$0x10]  }
0x323: {  	v11 =	vld [tilespmem:s16+$0x20];
	v3 =	vadd.f32 v4, v3;
	v4 =	vmul.f32 v5, v5;
	v5 =	vsub.f32 v60, v6  }
0x324: {  	v6 =	vld [tilespmem:s17+$0x20]  }
0x325: {  	v61 =	vld [tilespmem:s16+$0x30];
	v3 =	vadd.f32 v4, v3;
	v4 =	vmul.f32 v5, v5;
	v5 =	vsub.f32 v9, v8  }
0x326: {  	v8 =	vld [tilespmem:s17+$0x30]  }
0x327: {  	v63 =	vld [tilespmem:s17+$0x40];
	v7 =	vsub.f32 v10, v7;
	v4 =	vadd.f32 v4, v3;
	v5 =	vmul.f32 v5, v5  }
0x328: {  	v62 =	vld [tilespmem:s16+$0x40]  }
0x329: {  	v3 =	vld [tilespmem:s16+$0x50];
	v7 =	vmul.f32 v7, v7;
	v6 =	vsub.f32 v11, v6;
	v9 =	vadd.f32 v5, v4  }
0x32a: {  	v5 =	vld [tilespmem:s17+$0x50]  }
0x32b: {  	v4 =	vld [tilespmem:s16+$0x60];
	v10 =	vmul.f32 v6, v6;
	v8 =	vsub.f32 v61, v8;
	v9 =	vadd.f32 v7, v9  }
0x32c: {  	s29 =	simm.s32 $0x200;
	s31 =	simm.s32 $0x80;
	v6 =	vld [tilespmem:s17+$0x60]  }
0x32d: {  	s19 =	sand.u32 $0x3000, s29;
	s18 =	sand.u32 $0x380, s31;
	v11 =	vsub.f32 v62, v63;
	v7 =	vld [tilespmem:s16+$0x70];
	v9 =	vadd.f32 v10, v9;
	v10 =	vmul.f32 v8, v8  }
0x32e: {  	s15 =	sor.u32 s18, s19;
	s16 =	simm.s32 $0x400;
	v8 =	vld [tilespmem:s17+$0x70]  }
.LBB2_8:
0x32f: {  	p0 =	sne.s32 s16, $0x3E00;
	v12 =	vld [tilespmem:s15+$0x14000];
	v9 =	vadd.f32 v10, v9;
	v10 =	vmul.f32 v11, v11;
	v3 =	vsub.f32 v3, v5  }
0x330: {  	v5 =	vld [tilespmem:s15+$0x8000]  }
0x331: {  	v11 =	vld [tilespmem:s15+$0x14010];
	v9 =	vadd.f32 v10, v9;
	v3 =	vmul.f32 v3, v3;
	v4 =	vsub.f32 v4, v6  }
0x332: {  	v6 =	vld [tilespmem:s15+$0x8010]  }
0x333: {  	v10 =	vld [tilespmem:s15+$0x14020];
	v3 =	vadd.f32 v3, v9;
	v4 =	vmul.f32 v4, v4;
	v7 =	vsub.f32 v7, v8  }
0x334: {  	v8 =	vld [tilespmem:s15+$0x8020]  }
0x335: {  	v5 =	vsub.f32 v12, v5;
	v9 =	vld [tilespmem:s15+$0x14030];
	v3 =	vadd.f32 v4, v3;
	v4 =	vmul.f32 v7, v7  }
0x336: {  	v7 =	vld [tilespmem:s15+$0x8030]  }
0x337: {  	v5 =	vmul.f32 v5, v5;
	v6 =	vsub.f32 v11, v6;
	v11 =	vld [tilespmem:s15+$0x14040];
	v3 =	vadd.f32 v4, v3  }
0x338: {  	v4 =	vld [tilespmem:s15+$0x8040]  }
0x339: {  	v3 =	vadd.f32 v5, v3;
	v5 =	vmul.f32 v6, v6;
	v6 =	vsub.f32 v10, v8;
	v8 =	vld [tilespmem:s15+$0x14050]  }
0x33a: {  	v10 =	vld [tilespmem:s15+$0x8050]  }
0x33b: {  	v3 =	vadd.f32 v5, v3;
	v5 =	vmul.f32 v6, v6;
	v6 =	vsub.f32 v9, v7;
	v7 =	vld [tilespmem:s15+$0x14060]  }
0x33c: {  	v9 =	vld [tilespmem:s15+$0x8060]  }
0x33d: {  	v3 =	vadd.f32 v5, v3;
	v5 =	vmul.f32 v6, v6;
	v4 =	vsub.f32 v11, v4;
	v6 =	vld [tilespmem:s15+$0x14070]  }
0x33e: {  	v11 =	vld [tilespmem:s15+$0x8070]  }
0x33f: {  	v3 =	vadd.f32 v5, v3;
	v4 =	vmul.f32 v4, v4;
	v5 =	vsub.f32 v8, v10;
	v8 =	vld [tilespmem:s15+$0x14400]  }
0x340: {  	v10 =	vld [tilespmem:s15+$0x8400]  }
0x341: {  	v3 =	vadd.f32 v4, v3;
	v4 =	vmul.f32 v5, v5;
	v5 =	vsub.f32 v7, v9;
	v7 =	vld [tilespmem:s15+$0x14410]  }
0x342: {  	v9 =	vld [tilespmem:s15+$0x8410]  }
0x343: {  	v3 =	vadd.f32 v4, v3;
	v4 =	vmul.f32 v5, v5;
	v5 =	vsub.f32 v6, v11;
	v6 =	vld [tilespmem:s15+$0x14420]  }
0x344: {  	v11 =	vld [tilespmem:s15+$0x8420]  }
0x345: {  	v3 =	vadd.f32 v4, v3;
	v4 =	vmul.f32 v5, v5;
	v5 =	vsub.f32 v8, v10;
	v8 =	vld [tilespmem:s15+$0x14430]  }
0x346: {  	v10 =	vld [tilespmem:s15+$0x8430]  }
0x347: {  	v3 =	vadd.f32 v4, v3;
	v4 =	vmul.f32 v5, v5;
	v5 =	vsub.f32 v7, v9;
	v7 =	vld [tilespmem:s15+$0x14440]  }
0x348: {  	v9 =	vld [tilespmem:s15+$0x8440]  }
0x349: {  	v3 =	vadd.f32 v4, v3;
	v4 =	vmul.f32 v5, v5;
	v5 =	vsub.f32 v6, v11;
	v6 =	vld [tilespmem:s15+$0x14450]  }
0x34a: {  	v11 =	vld [tilespmem:s15+$0x8450]  }
0x34b: {  	v3 =	vadd.f32 v4, v3;
	v4 =	vmul.f32 v5, v5;
	v5 =	vsub.f32 v8, v10;
	v8 =	vld [tilespmem:s15+$0x14460]  }
0x34c: {  	v10 =	vld [tilespmem:s15+$0x8460]  }
0x34d: {  	v3 =	vadd.f32 v4, v3;
	v4 =	vmul.f32 v5, v5;
	v5 =	vsub.f32 v7, v9;
	v7 =	vld [tilespmem:s15+$0x14470]  }
0x34e: {  	v9 =	vld [tilespmem:s15+$0x8470]  }
0x34f: {  	v3 =	vadd.f32 v4, v3;
	v4 =	vmul.f32 v5, v5;
	v5 =	vsub.f32 v6, v11;
	v6 =	vld [tilespmem:s15+$0x14800]  }
0x350: {  	v11 =	vld [tilespmem:s15+$0x8800]  }
0x351: {  	v3 =	vadd.f32 v4, v3;
	v4 =	vmul.f32 v5, v5;
	v5 =	vsub.f32 v8, v10;
	v8 =	vld [tilespmem:s15+$0x14810]  }
0x352: {  	v10 =	vld [tilespmem:s15+$0x8810]  }
0x353: {  	v3 =	vadd.f32 v4, v3;
	v4 =	vmul.f32 v5, v5;
	v5 =	vsub.f32 v7, v9;
	v7 =	vld [tilespmem:s15+$0x14820]  }
0x354: {  	v9 =	vld [tilespmem:s15+$0x8820]  }
0x355: {  	v3 =	vadd.f32 v4, v3;
	v4 =	vmul.f32 v5, v5;
	v5 =	vsub.f32 v6, v11;
	v6 =	vld [tilespmem:s15+$0x14830]  }
0x356: {  	v11 =	vld [tilespmem:s15+$0x8830]  }
0x357: {  	v3 =	vadd.f32 v4, v3;
	v4 =	vmul.f32 v5, v5;
	v5 =	vsub.f32 v8, v10;
	v8 =	vld [tilespmem:s15+$0x14840]  }
0x358: {  	v10 =	vld [tilespmem:s15+$0x8840]  }
0x359: {  	v3 =	vadd.f32 v4, v3;
	v4 =	vmul.f32 v5, v5;
	v5 =	vsub.f32 v7, v9;
	v7 =	vld [tilespmem:s15+$0x14850]  }
0x35a: {  	v9 =	vld [tilespmem:s15+$0x8850]  }
0x35b: {  	v3 =	vadd.f32 v4, v3;
	v4 =	vmul.f32 v5, v5;
	v5 =	vsub.f32 v6, v11;
	v6 =	vld [tilespmem:s15+$0x14860]  }
0x35c: {  	s17 =	sand.u32 $0xFFFFF000, s29;
	s29 =	smov.u32 s16;
	v11 =	vld [tilespmem:s15+$0x8860]  }
0x35d: {  	s17 =	sadd.s32 s17, s31;
	v3 =	vadd.f32 v4, v3;
	v4 =	vmul.f32 v5, v5;
	v5 =	vsub.f32 v8, v10;
	v8 =	vld [tilespmem:s15+$0x14870]  }
0x35e: {  	v10 =	vld [tilespmem:s15+$0x8870];
	s15 =	sor.u32 $0x14C00, s17  }
0x35f: {  	s17 =	sor.u32 $0x8C00, s17;
	v3 =	vadd.f32 v4, v3;
	v4 =	vmul.f32 v5, v5;
	v5 =	vsub.f32 v7, v9;
	v7 =	vld [tilespmem:s15+$0x0]  }
0x360: {  	v9 =	vld [tilespmem:s17+$0x0]  }
0x361: {  	v3 =	vadd.f32 v4, v3;
	v4 =	vmul.f32 v5, v5;
	v5 =	vsub.f32 v6, v11;
	v6 =	vld [tilespmem:s15+$0x10]  }
0x362: {  	v11 =	vld [tilespmem:s17+$0x10]  }
0x363: {  	v3 =	vadd.f32 v4, v3;
	v4 =	vmul.f32 v5, v5;
	v5 =	vsub.f32 v8, v10;
	v8 =	vld [tilespmem:s15+$0x20]  }
0x364: {  	v10 =	vld [tilespmem:s17+$0x20]  }
0x365: {  	v3 =	vadd.f32 v4, v3;
	v4 =	vmul.f32 v5, v5;
	v5 =	vsub.f32 v7, v9;
	v7 =	vld [tilespmem:s15+$0x30]  }
0x366: {  	v9 =	vld [tilespmem:s17+$0x30]  }
0x367: {  	v3 =	vadd.f32 v4, v3;
	v4 =	vmul.f32 v5, v5;
	v5 =	vsub.f32 v6, v11;
	v11 =	vld [tilespmem:s15+$0x40]  }
0x368: {  	v12 =	vld [tilespmem:s17+$0x40]  }
0x369: {  	v4 =	vadd.f32 v4, v3;
	v6 =	vmul.f32 v5, v5;
	v8 =	vsub.f32 v8, v10;
	v3 =	vld [tilespmem:s15+$0x50]  }
.Ltmp3:
0x36a: {  	v5 =	vld [tilespmem:s17+$0x50];
	(pc) =	sbr.rel @p0 .LBB2_8-.Ltmp3, $4  }
0x36b: {  	v10 =	vadd.f32 v6, v4;
	v8 =	vmul.f32 v8, v8;
	v7 =	vsub.f32 v7, v9;
	v4 =	vld [tilespmem:s15+$0x60]  }
0x36c: {  	s31 =	sadd.s32 $0x80, s31;
	v6 =	vld [tilespmem:s17+$0x60]  }
0x36d: {  	s18 =	sand.u32 $0x3000, s16;
	s19 =	sand.u32 $0x380, s31;
	v9 =	vadd.f32 v8, v10;
	v10 =	vmul.f32 v7, v7;
	v11 =	vsub.f32 v11, v12;
	v7 =	vld [tilespmem:s15+$0x70]  }
0x36e: {  	s16 =	sadd.s32 $0x200, s16;
	s15 =	sor.u32 s19, s18;
	v8 =	vld [tilespmem:s17+$0x70]  }
0x36f: {  	v12 =	vld [tilespmem:s15+$0x14000]  }
0x370: {  	v13 =	vld [tilespmem:s15+$0x8000]  }
0x371: {  	v14 =	vld [tilespmem:s15+$0x14010]  }
0x372: {  	v15 =	vld [tilespmem:s15+$0x8010]  }
0x373: {  	v16 =	vld [tilespmem:s15+$0x14020]  }
0x374: {  	v17 =	vld [tilespmem:s15+$0x8020];
	v9 =	vadd.f32 v10, v9;
	v10 =	vmul.f32 v11, v11;
	v3 =	vsub.f32 v3, v5  }
0x375: {  	v18 =	vld [tilespmem:s15+$0x14030]  }
0x376: {  	v5 =	vld [tilespmem:s15+$0x8030];
	v9 =	vadd.f32 v10, v9;
	v3 =	vmul.f32 v3, v3;
	v4 =	vsub.f32 v4, v6  }
0x377: {  	v11 =	vld [tilespmem:s15+$0x14040]  }
0x378: {  	v25 =	vld [tilespmem:s15+$0x14070];
	v3 =	vadd.f32 v3, v9;
	v4 =	vmul.f32 v4, v4;
	v7 =	vsub.f32 v7, v8  }
0x379: {  	v26 =	vld [tilespmem:s15+$0x14400]  }
0x37a: {  	v29 =	vld [tilespmem:s15+$0x8400];
	v12 =	vsub.f32 v12, v13;
	v3 =	vadd.f32 v4, v3;
	v4 =	vmul.f32 v7, v7  }
0x37b: {  	v30 =	vld [tilespmem:s15+$0x14410]  }
0x37c: {  	v32 =	vld [tilespmem:s15+$0x8410];
	v14 =	vsub.f32 v14, v15;
	v12 =	vmul.f32 v12, v12;
	v3 =	vadd.f32 v4, v3  }
0x37d: {  	v6 =	vld [tilespmem:s15+$0x8040]  }
0x37e: {  	v10 =	vld [tilespmem:s15+$0x14050];
	v28 =	vsub.f32 v16, v17;
	v27 =	vmul.f32 v14, v14;
	v3 =	vadd.f32 v12, v3  }
0x37f: {  	v8 =	vld [tilespmem:s15+$0x8050]  }
0x380: {  	v9 =	vld [tilespmem:s15+$0x14060];
	v5 =	vsub.f32 v18, v5;
	v31 =	vmul.f32 v28, v28;
	v3 =	vadd.f32 v27, v3  }
0x381: {  	v7 =	vld [tilespmem:s15+$0x8060]  }
0x382: {  	v33 =	vld [tilespmem:s15+$0x14420];
	v5 =	vmul.f32 v5, v5;
	v6 =	vsub.f32 v11, v6;
	v3 =	vadd.f32 v31, v3  }
0x383: {  	v4 =	vld [tilespmem:s15+$0x8070]  }
0x384: {  	v34 =	vld [tilespmem:s15+$0x14430];
	v3 =	vadd.f32 v5, v3;
	v5 =	vmul.f32 v6, v6;
	v6 =	vsub.f32 v10, v8  }
0x385: {  	v35 =	vld [tilespmem:s15+$0x14460]  }
0x386: {  	v36 =	vld [tilespmem:s15+$0x8460];
	v3 =	vadd.f32 v5, v3;
	v5 =	vmul.f32 v6, v6;
	v6 =	vsub.f32 v9, v7  }
0x387: {  	v37 =	vld [tilespmem:s15+$0x14470]  }
0x388: {  	v38 =	vld [tilespmem:s15+$0x8470];
	v4 =	vsub.f32 v25, v4;
	v3 =	vadd.f32 v5, v3;
	v5 =	vmul.f32 v6, v6  }
0x389: {  	v11 =	vld [tilespmem:s15+$0x8420]  }
0x38a: {  	v39 =	vld [tilespmem:s15+$0x14800];
	v4 =	vmul.f32 v4, v4;
	v3 =	vadd.f32 v5, v3;
	v5 =	vsub.f32 v26, v29  }
0x38b: {  	v8 =	vld [tilespmem:s15+$0x8430]  }
0x38c: {  	v10 =	vld [tilespmem:s15+$0x14440];
	v3 =	vadd.f32 v4, v3;
	v4 =	vmul.f32 v5, v5;
	v5 =	vsub.f32 v30, v32  }
0x38d: {  	v7 =	vld [tilespmem:s15+$0x8440]  }
0x38e: {  	v9 =	vld [tilespmem:s15+$0x14450];
	v3 =	vadd.f32 v4, v3;
	v4 =	vmul.f32 v5, v5;
	v5 =	vsub.f32 v33, v11  }
0x38f: {  	v6 =	vld [tilespmem:s15+$0x8450]  }
0x390: {  	v40 =	vld [tilespmem:s15+$0x14810];
	v3 =	vadd.f32 v4, v3;
	v4 =	vmul.f32 v5, v5;
	v5 =	vsub.f32 v34, v8  }
0x391: {  	v41 =	vld [tilespmem:s15+$0x14820]  }
0x392: {  	v42 =	vld [tilespmem:s15+$0x8840];
	v3 =	vadd.f32 v4, v3;
	v4 =	vmul.f32 v5, v5;
	v5 =	vsub.f32 v10, v7  }
0x393: {  	v43 =	vld [tilespmem:s15+$0x14850]  }
0x394: {  	v44 =	vld [tilespmem:s15+$0x8850];
	v3 =	vadd.f32 v4, v3;
	v4 =	vmul.f32 v5, v5;
	v5 =	vsub.f32 v9, v6  }
0x395: {  	v11 =	vld [tilespmem:s15+$0x8800]  }
0x396: {  	v45 =	vld [tilespmem:s15+$0x14860];
	v3 =	vadd.f32 v4, v3;
	v4 =	vmul.f32 v5, v5;
	v5 =	vsub.f32 v35, v36  }
0x397: {  	v8 =	vld [tilespmem:s15+$0x8810]  }
0x398: {  	v46 =	vld [tilespmem:s15+$0x14870];
	v3 =	vadd.f32 v4, v3;
	v4 =	vmul.f32 v5, v5;
	v5 =	vsub.f32 v37, v38  }
0x399: {  	s16 =	sand.u32 $0xFFFFF000, s29;
	v7 =	vld [tilespmem:s15+$0x8820]  }
0x39a: {  	s16 =	sadd.s32 s16, s31;
	v10 =	vld [tilespmem:s15+$0x14830];
	v3 =	vadd.f32 v4, v3;
	v4 =	vmul.f32 v5, v5;
	v5 =	vsub.f32 v39, v11  }
0x39b: {  	s19 =	sor.u32 $0x14C00, s16;
	v6 =	vld [tilespmem:s15+$0x8830]  }
0x39c: {  	v47 =	vld [tilespmem:s19+$0x0];
	v3 =	vadd.f32 v4, v3;
	v4 =	vmul.f32 v5, v5;
	v5 =	vsub.f32 v40, v8  }
0x39d: {  	v9 =	vld [tilespmem:s15+$0x14840]  }
0x39e: {  	v48 =	vld [tilespmem:s19+$0x10];
	v3 =	vadd.f32 v4, v3;
	v4 =	vmul.f32 v5, v5;
	v5 =	vsub.f32 v41, v7  }
0x39f: {  	s16 =	sor.u32 $0x8C00, s16;
	v49 =	vld [tilespmem:s19+$0x30]  }
0x3a0: {  	v50 =	vld [tilespmem:s16+$0x30];
	v3 =	vadd.f32 v4, v3;
	v4 =	vmul.f32 v5, v5;
	v5 =	vsub.f32 v10, v6  }
0x3a1: {  	v11 =	vld [tilespmem:s15+$0x8860]  }
0x3a2: {  	v51 =	vld [tilespmem:s19+$0x40];
	v3 =	vadd.f32 v4, v3;
	v4 =	vmul.f32 v5, v5;
	v5 =	vsub.f32 v9, v42  }
0x3a3: {  	v8 =	vld [tilespmem:s15+$0x8870]  }
0x3a4: {  	v52 =	vld [tilespmem:s19+$0x50];
	v3 =	vadd.f32 v4, v3;
	v4 =	vmul.f32 v5, v5;
	v5 =	vsub.f32 v43, v44  }
0x3a5: {  	v7 =	vld [tilespmem:s16+$0x0]  }
0x3a6: {  	v53 =	vld [tilespmem:s19+$0x60];
	v3 =	vadd.f32 v4, v3;
	v4 =	vmul.f32 v5, v5;
	v5 =	vsub.f32 v45, v11  }
0x3a7: {  	v6 =	vld [tilespmem:s16+$0x10]  }
0x3a8: {  	v10 =	vld [tilespmem:s19+$0x20];
	v3 =	vadd.f32 v4, v3;
	v4 =	vmul.f32 v5, v5;
	v5 =	vsub.f32 v46, v8  }
0x3a9: {  	v9 =	vld [tilespmem:s16+$0x20]  }
0x3aa: {  	v54 =	vld [tilespmem:s19+$0x70];
	v3 =	vadd.f32 v4, v3;
	v4 =	vmul.f32 v5, v5;
	v5 =	vsub.f32 v47, v7  }
0x3ab: {  	v11 =	vld [tilespmem:s16+$0x40]  }
0x3ac: {  	v8 =	vld [tilespmem:s16+$0x50];
	v3 =	vadd.f32 v4, v3;
	v4 =	vmul.f32 v5, v5;
	v5 =	vsub.f32 v48, v6  }
0x3ad: {  	v7 =	vld [tilespmem:s16+$0x60]  }
0x3ae: {  	v6 =	vld [tilespmem:s16+$0x70];
	_ =	swait.ge [sflag:s0], $0x4000;
	v3 =	vadd.f32 v4, v3;
	v4 =	vsub.f32 v10, v9;
	v5 =	vmul.f32 v5, v5  }
0x3af: {  	[sflag:s0] =	ssyncset.done $0x0  }
0x3b0: {  	[sflag:s0] =	ssyncadd.s32 $0xFFFFC000;
	v3 =	vadd.f32 v5, v3;
	v5 =	vsub.f32 v49, v50;
	v4 =	vmul.f32 v4, v4  }
0x3b1: {  	s17 =	simm.s32 $0x0;
	_ =	swait.ge [sflag:s2], $0x4000  }
0x3b2: {  	s29 =	sand.u32 $0x3000, s17;
	s18 =	sand.u32 $0x380, s17;
	[sflag:s2] =	ssyncset.done $0x0;
	v3 =	vadd.f32 v4, v3;
	v4 =	vmul.f32 v5, v5;
	v5 =	vsub.f32 v51, v11  }
0x3b3: {  	s16 =	sor.u32 s18, s29;
	[sflag:s2] =	ssyncadd.s32 $0xFFFFC000  }
0x3b4: {  	v9 =	vld [tilespmem:s16+$0xC000];
	v3 =	vadd.f32 v4, v3;
	v4 =	vmul.f32 v5, v5;
	v5 =	vsub.f32 v52, v8  }
0x3b5: {  	v8 =	vld [tilespmem:s16+$0x0]  }
0x3b6: {  	v10 =	vld [tilespmem:s16+$0xC010];
	v3 =	vadd.f32 v4, v3;
	v4 =	vmul.f32 v5, v5;
	v5 =	vsub.f32 v53, v7  }
0x3b7: {  	v7 =	vld [tilespmem:s16+$0x10]  }
0x3b8: {  	v11 =	vld [tilespmem:s16+$0xC020];
	v3 =	vadd.f32 v4, v3;
	v4 =	vmul.f32 v5, v5;
	v5 =	vsub.f32 v54, v6  }
0x3b9: {  	v6 =	vld [tilespmem:s16+$0x20]  }
0x3ba: {  	v55 =	vld [tilespmem:s16+$0xC030];
	v3 =	vadd.f32 v4, v3;
	v4 =	vmul.f32 v5, v5;
	v5 =	vsub.f32 v9, v8  }
0x3bb: {  	v8 =	vld [tilespmem:s16+$0x30]  }
0x3bc: {  	v9 =	vld [tilespmem:s16+$0xC040];
	v3 =	vadd.f32 v4, v3;
	v4 =	vmul.f32 v5, v5;
	v5 =	vsub.f32 v10, v7  }
0x3bd: {  	v7 =	vld [tilespmem:s16+$0x40]  }
0x3be: {  	v10 =	vld [tilespmem:s16+$0xC050];
	v3 =	vadd.f32 v4, v3;
	v4 =	vmul.f32 v5, v5;
	v5 =	vsub.f32 v11, v6  }
0x3bf: {  	v6 =	vld [tilespmem:s16+$0x50]  }
0x3c0: {  	v11 =	vld [tilespmem:s16+$0xC060];
	v3 =	vadd.f32 v4, v3;
	v4 =	vmul.f32 v5, v5;
	v5 =	vsub.f32 v55, v8  }
0x3c1: {  	v8 =	vld [tilespmem:s16+$0x60]  }
0x3c2: {  	v56 =	vld [tilespmem:s16+$0xC070];
	v3 =	vadd.f32 v4, v3;
	v4 =	vmul.f32 v5, v5;
	v5 =	vsub.f32 v9, v7  }
0x3c3: {  	v7 =	vld [tilespmem:s16+$0x70]  }
0x3c4: {  	v9 =	vld [tilespmem:s16+$0xC400];
	v3 =	vadd.f32 v4, v3;
	v4 =	vmul.f32 v5, v5;
	v5 =	vsub.f32 v10, v6  }
0x3c5: {  	v6 =	vld [tilespmem:s16+$0x400]  }
0x3c6: {  	v10 =	vld [tilespmem:s16+$0xC410];
	v3 =	vadd.f32 v4, v3;
	v4 =	vmul.f32 v5, v5;
	v5 =	vsub.f32 v11, v8  }
0x3c7: {  	v8 =	vld [tilespmem:s16+$0x410]  }
0x3c8: {  	v11 =	vld [tilespmem:s16+$0xC420];
	v3 =	vadd.f32 v4, v3;
	v4 =	vmul.f32 v5, v5;
	v5 =	vsub.f32 v56, v7  }
0x3c9: {  	v7 =	vld [tilespmem:s16+$0x420]  }
0x3ca: {  	v57 =	vld [tilespmem:s16+$0xC430];
	v3 =	vadd.f32 v4, v3;
	v4 =	vmul.f32 v5, v5;
	v5 =	vsub.f32 v9, v6  }
0x3cb: {  	v6 =	vld [tilespmem:s16+$0x430]  }
0x3cc: {  	v9 =	vld [tilespmem:s16+$0xC440];
	v3 =	vadd.f32 v4, v3;
	v4 =	vmul.f32 v5, v5;
	v5 =	vsub.f32 v10, v8  }
0x3cd: {  	v8 =	vld [tilespmem:s16+$0x440]  }
0x3ce: {  	v10 =	vld [tilespmem:s16+$0xC450];
	v3 =	vadd.f32 v4, v3;
	v4 =	vmul.f32 v5, v5;
	v5 =	vsub.f32 v11, v7  }
0x3cf: {  	v7 =	vld [tilespmem:s16+$0x450]  }
0x3d0: {  	v11 =	vld [tilespmem:s16+$0xC460];
	v3 =	vadd.f32 v4, v3;
	v4 =	vmul.f32 v5, v5;
	v5 =	vsub.f32 v57, v6  }
0x3d1: {  	v6 =	vld [tilespmem:s16+$0x460]  }
0x3d2: {  	v58 =	vld [tilespmem:s16+$0xC470];
	v3 =	vadd.f32 v4, v3;
	v4 =	vmul.f32 v5, v5;
	v5 =	vsub.f32 v9, v8  }
0x3d3: {  	v8 =	vld [tilespmem:s16+$0x470]  }
0x3d4: {  	v9 =	vld [tilespmem:s16+$0xC800];
	v3 =	vadd.f32 v4, v3;
	v4 =	vmul.f32 v5, v5;
	v5 =	vsub.f32 v10, v7  }
0x3d5: {  	v7 =	vld [tilespmem:s16+$0x800]  }
0x3d6: {  	v10 =	vld [tilespmem:s16+$0xC810];
	v3 =	vadd.f32 v4, v3;
	v4 =	vmul.f32 v5, v5;
	v5 =	vsub.f32 v11, v6  }
0x3d7: {  	v6 =	vld [tilespmem:s16+$0x810]  }
0x3d8: {  	v11 =	vld [tilespmem:s16+$0xC820];
	v3 =	vadd.f32 v4, v3;
	v4 =	vmul.f32 v5, v5;
	v5 =	vsub.f32 v58, v8  }
0x3d9: {  	v8 =	vld [tilespmem:s16+$0x820]  }
0x3da: {  	v59 =	vld [tilespmem:s16+$0xC830];
	v3 =	vadd.f32 v4, v3;
	v4 =	vmul.f32 v5, v5;
	v5 =	vsub.f32 v9, v7  }
0x3db: {  	v7 =	vld [tilespmem:s16+$0x830]  }
0x3dc: {  	v9 =	vld [tilespmem:s16+$0xC840];
	v3 =	vadd.f32 v4, v3;
	v4 =	vmul.f32 v5, v5;
	v5 =	vsub.f32 v10, v6  }
0x3dd: {  	v6 =	vld [tilespmem:s16+$0x840]  }
0x3de: {  	v10 =	vld [tilespmem:s16+$0xC850];
	v3 =	vadd.f32 v4, v3;
	v4 =	vmul.f32 v5, v5;
	v5 =	vsub.f32 v11, v8  }
0x3df: {  	v8 =	vld [tilespmem:s16+$0x850]  }
0x3e0: {  	v11 =	vld [tilespmem:s16+$0xC860];
	v3 =	vadd.f32 v4, v3;
	v4 =	vmul.f32 v5, v5;
	v5 =	vsub.f32 v59, v7  }
0x3e1: {  	v7 =	vld [tilespmem:s16+$0x860]  }
0x3e2: {  	v60 =	vld [tilespmem:s16+$0xC870];
	v3 =	vadd.f32 v4, v3;
	v4 =	vmul.f32 v5, v5;
	v5 =	vsub.f32 v9, v6  }
0x3e3: {  	s15 =	sor.u32 s29, s17;
	v6 =	vld [tilespmem:s16+$0x870]  }
0x3e4: {  	s17 =	sor.u32 $0xCC00, s15;
	v9 =	vld [tilespmem:s16+$0xC00];
	v3 =	vadd.f32 v4, v3;
	v4 =	vmul.f32 v5, v5;
	v5 =	vsub.f32 v10, v8  }
0x3e5: {  	v8 =	vld [tilespmem:s17+$0x0]  }
0x3e6: {  	v10 =	vld [tilespmem:s16+$0xC10];
	v3 =	vadd.f32 v4, v3;
	v4 =	vmul.f32 v5, v5;
	v5 =	vsub.f32 v11, v7  }
0x3e7: {  	v7 =	vld [tilespmem:s17+$0x10]  }
0x3e8: {  	v11 =	vld [tilespmem:s16+$0xC20];
	v3 =	vadd.f32 v4, v3;
	v4 =	vmul.f32 v5, v5;
	v5 =	vsub.f32 v60, v6  }
0x3e9: {  	v6 =	vld [tilespmem:s17+$0x20]  }
0x3ea: {  	v61 =	vld [tilespmem:s16+$0xC30];
	v3 =	vadd.f32 v4, v3;
	v4 =	vmul.f32 v5, v5;
	v5 =	vsub.f32 v8, v9  }
0x3eb: {  	v8 =	vld [tilespmem:s17+$0x30]  }
0x3ec: {  	v62 =	vld [tilespmem:s16+$0xC40];
	v7 =	vsub.f32 v7, v10;
	v4 =	vadd.f32 v4, v3;
	v5 =	vmul.f32 v5, v5  }
0x3ed: {  	v63 =	vld [tilespmem:s17+$0x40]  }
0x3ee: {  	v3 =	vld [tilespmem:s16+$0xC50];
	v7 =	vmul.f32 v7, v7;
	v6 =	vsub.f32 v6, v11;
	v9 =	vadd.f32 v5, v4  }
0x3ef: {  	v5 =	vld [tilespmem:s17+$0x50]  }
0x3f0: {  	v4 =	vld [tilespmem:s16+$0xC60];
	v10 =	vmul.f32 v6, v6;
	v8 =	vsub.f32 v8, v61;
	v9 =	vadd.f32 v7, v9  }
0x3f1: {  	s19 =	simm.s32 $0x200;
	s29 =	simm.s32 $0x80;
	v6 =	vld [tilespmem:s17+$0x60]  }
0x3f2: {  	s15 =	sand.u32 $0x3000, s19;
	s18 =	sand.u32 $0x380, s29;
	v11 =	vsub.f32 v63, v62;
	v7 =	vld [tilespmem:s16+$0xC70];
	v9 =	vadd.f32 v10, v9;
	v10 =	vmul.f32 v8, v8  }
0x3f3: {  	s31 =	sor.u32 s18, s15;
	s16 =	simm.s32 $0x400;
	v8 =	vld [tilespmem:s17+$0x70]  }
.LBB2_10:
0x3f4: {  	p0 =	sne.s32 s16, $0x3E00;
	v12 =	vld [tilespmem:s31+$0xC000];
	v9 =	vadd.f32 v10, v9;
	v10 =	vmul.f32 v11, v11;
	v3 =	vsub.f32 v5, v3  }
0x3f5: {  	v5 =	vld [tilespmem:s31+$0x0]  }
0x3f6: {  	v11 =	vld [tilespmem:s31+$0xC010];
	v9 =	vadd.f32 v10, v9;
	v3 =	vmul.f32 v3, v3;
	v4 =	vsub.f32 v6, v4  }
0x3f7: {  	v6 =	vld [tilespmem:s31+$0x10]  }
0x3f8: {  	v10 =	vld [tilespmem:s31+$0xC020];
	v3 =	vadd.f32 v3, v9;
	v4 =	vmul.f32 v4, v4;
	v7 =	vsub.f32 v8, v7  }
0x3f9: {  	v8 =	vld [tilespmem:s31+$0x20]  }
0x3fa: {  	v5 =	vsub.f32 v12, v5;
	v9 =	vld [tilespmem:s31+$0xC030];
	v3 =	vadd.f32 v4, v3;
	v4 =	vmul.f32 v7, v7  }
0x3fb: {  	v7 =	vld [tilespmem:s31+$0x30]  }
0x3fc: {  	v5 =	vmul.f32 v5, v5;
	v6 =	vsub.f32 v11, v6;
	v11 =	vld [tilespmem:s31+$0xC040];
	v3 =	vadd.f32 v4, v3  }
0x3fd: {  	v4 =	vld [tilespmem:s31+$0x40]  }
0x3fe: {  	v3 =	vadd.f32 v5, v3;
	v5 =	vmul.f32 v6, v6;
	v6 =	vsub.f32 v10, v8;
	v8 =	vld [tilespmem:s31+$0xC050]  }
0x3ff: {  	v10 =	vld [tilespmem:s31+$0x50]  }
0x400: {  	v3 =	vadd.f32 v5, v3;
	v5 =	vmul.f32 v6, v6;
	v6 =	vsub.f32 v9, v7;
	v7 =	vld [tilespmem:s31+$0xC060]  }
0x401: {  	v9 =	vld [tilespmem:s31+$0x60]  }
0x402: {  	v3 =	vadd.f32 v5, v3;
	v5 =	vmul.f32 v6, v6;
	v4 =	vsub.f32 v11, v4;
	v6 =	vld [tilespmem:s31+$0xC070]  }
0x403: {  	v11 =	vld [tilespmem:s31+$0x70]  }
0x404: {  	v3 =	vadd.f32 v5, v3;
	v4 =	vmul.f32 v4, v4;
	v5 =	vsub.f32 v8, v10;
	v8 =	vld [tilespmem:s31+$0xC400]  }
0x405: {  	v10 =	vld [tilespmem:s31+$0x400]  }
0x406: {  	v3 =	vadd.f32 v4, v3;
	v4 =	vmul.f32 v5, v5;
	v5 =	vsub.f32 v7, v9;
	v7 =	vld [tilespmem:s31+$0xC410]  }
0x407: {  	v9 =	vld [tilespmem:s31+$0x410]  }
0x408: {  	v3 =	vadd.f32 v4, v3;
	v4 =	vmul.f32 v5, v5;
	v5 =	vsub.f32 v6, v11;
	v6 =	vld [tilespmem:s31+$0xC420]  }
0x409: {  	v11 =	vld [tilespmem:s31+$0x420]  }
0x40a: {  	v3 =	vadd.f32 v4, v3;
	v4 =	vmul.f32 v5, v5;
	v5 =	vsub.f32 v8, v10;
	v8 =	vld [tilespmem:s31+$0xC430]  }
0x40b: {  	v10 =	vld [tilespmem:s31+$0x430]  }
0x40c: {  	v3 =	vadd.f32 v4, v3;
	v4 =	vmul.f32 v5, v5;
	v5 =	vsub.f32 v7, v9;
	v7 =	vld [tilespmem:s31+$0xC440]  }
0x40d: {  	v9 =	vld [tilespmem:s31+$0x440]  }
0x40e: {  	v3 =	vadd.f32 v4, v3;
	v4 =	vmul.f32 v5, v5;
	v5 =	vsub.f32 v6, v11;
	v6 =	vld [tilespmem:s31+$0xC450]  }
0x40f: {  	v11 =	vld [tilespmem:s31+$0x450]  }
0x410: {  	v3 =	vadd.f32 v4, v3;
	v4 =	vmul.f32 v5, v5;
	v5 =	vsub.f32 v8, v10;
	v8 =	vld [tilespmem:s31+$0xC460]  }
0x411: {  	v10 =	vld [tilespmem:s31+$0x460]  }
0x412: {  	v3 =	vadd.f32 v4, v3;
	v4 =	vmul.f32 v5, v5;
	v5 =	vsub.f32 v7, v9;
	v7 =	vld [tilespmem:s31+$0xC470]  }
0x413: {  	v9 =	vld [tilespmem:s31+$0x470]  }
0x414: {  	v3 =	vadd.f32 v4, v3;
	v4 =	vmul.f32 v5, v5;
	v5 =	vsub.f32 v6, v11;
	v6 =	vld [tilespmem:s31+$0xC800]  }
0x415: {  	v11 =	vld [tilespmem:s31+$0x800]  }
0x416: {  	v3 =	vadd.f32 v4, v3;
	v4 =	vmul.f32 v5, v5;
	v5 =	vsub.f32 v8, v10;
	v8 =	vld [tilespmem:s31+$0xC810]  }
0x417: {  	v10 =	vld [tilespmem:s31+$0x810]  }
0x418: {  	v3 =	vadd.f32 v4, v3;
	v4 =	vmul.f32 v5, v5;
	v5 =	vsub.f32 v7, v9;
	v7 =	vld [tilespmem:s31+$0xC820]  }
0x419: {  	v9 =	vld [tilespmem:s31+$0x820]  }
0x41a: {  	v3 =	vadd.f32 v4, v3;
	v4 =	vmul.f32 v5, v5;
	v5 =	vsub.f32 v6, v11;
	v6 =	vld [tilespmem:s31+$0xC830]  }
0x41b: {  	v11 =	vld [tilespmem:s31+$0x830]  }
0x41c: {  	v3 =	vadd.f32 v4, v3;
	v4 =	vmul.f32 v5, v5;
	v5 =	vsub.f32 v8, v10;
	v8 =	vld [tilespmem:s31+$0xC840]  }
0x41d: {  	v10 =	vld [tilespmem:s31+$0x840]  }
0x41e: {  	v3 =	vadd.f32 v4, v3;
	v4 =	vmul.f32 v5, v5;
	v5 =	vsub.f32 v7, v9;
	v7 =	vld [tilespmem:s31+$0xC850]  }
0x41f: {  	v9 =	vld [tilespmem:s31+$0x850]  }
0x420: {  	v3 =	vadd.f32 v4, v3;
	v4 =	vmul.f32 v5, v5;
	v5 =	vsub.f32 v6, v11;
	v6 =	vld [tilespmem:s31+$0xC860]  }
0x421: {  	v11 =	vld [tilespmem:s31+$0x860]  }
0x422: {  	v3 =	vadd.f32 v4, v3;
	v4 =	vmul.f32 v5, v5;
	v5 =	vsub.f32 v8, v10;
	v8 =	vld [tilespmem:s31+$0xC870]  }
0x423: {  	s15 =	sor.u32 s15, s29;
	v10 =	vld [tilespmem:s31+$0x870]  }
0x424: {  	s17 =	sor.u32 $0xCC00, s15;
	v3 =	vadd.f32 v4, v3;
	v4 =	vmul.f32 v5, v5;
	v5 =	vsub.f32 v7, v9;
	v7 =	vld [tilespmem:s31+$0xC00]  }
0x425: {  	v9 =	vld [tilespmem:s17+$0x0]  }
0x426: {  	v3 =	vadd.f32 v4, v3;
	v4 =	vmul.f32 v5, v5;
	v5 =	vsub.f32 v6, v11;
	v6 =	vld [tilespmem:s31+$0xC10]  }
0x427: {  	v11 =	vld [tilespmem:s17+$0x10]  }
0x428: {  	v3 =	vadd.f32 v4, v3;
	v4 =	vmul.f32 v5, v5;
	v5 =	vsub.f32 v8, v10;
	v8 =	vld [tilespmem:s31+$0xC20]  }
0x429: {  	v10 =	vld [tilespmem:s17+$0x20]  }
0x42a: {  	v3 =	vadd.f32 v4, v3;
	v4 =	vmul.f32 v5, v5;
	v5 =	vsub.f32 v9, v7;
	v7 =	vld [tilespmem:s31+$0xC30]  }
0x42b: {  	v9 =	vld [tilespmem:s17+$0x30]  }
0x42c: {  	v3 =	vadd.f32 v4, v3;
	v4 =	vmul.f32 v5, v5;
	v5 =	vsub.f32 v11, v6;
	v11 =	vld [tilespmem:s31+$0xC40]  }
0x42d: {  	v12 =	vld [tilespmem:s17+$0x40]  }
0x42e: {  	v4 =	vadd.f32 v4, v3;
	v6 =	vmul.f32 v5, v5;
	v8 =	vsub.f32 v10, v8;
	v3 =	vld [tilespmem:s31+$0xC50]  }
.Ltmp4:
0x42f: {  	v5 =	vld [tilespmem:s17+$0x50];
	(pc) =	sbr.rel @p0 .LBB2_10-.Ltmp4, $4  }
0x430: {  	v10 =	vadd.f32 v6, v4;
	v8 =	vmul.f32 v8, v8;
	v7 =	vsub.f32 v9, v7;
	v4 =	vld [tilespmem:s31+$0xC60]  }
0x431: {  	s29 =	sadd.s32 $0x80, s29;
	v6 =	vld [tilespmem:s17+$0x60]  }
0x432: {  	s15 =	sand.u32 $0x3000, s16;
	s18 =	sand.u32 $0x380, s29;
	v9 =	vadd.f32 v8, v10;
	v10 =	vmul.f32 v7, v7;
	v11 =	vsub.f32 v12, v11;
	v7 =	vld [tilespmem:s31+$0xC70]  }
0x433: {  	s16 =	sadd.s32 $0x200, s16;
	s31 =	sor.u32 s18, s15;
	v8 =	vld [tilespmem:s17+$0x70]  }
0x434: {  	v12 =	vld [tilespmem:s31+$0xC000];
	v9 =	vadd.f32 v10, v9;
	v44 =	vmul.f32 v11, v11;
	v3 =	vsub.f32 v5, v3  }
0x435: {  	v45 =	vld [tilespmem:s31+$0x0]  }
0x436: {  	v46 =	vld [tilespmem:s31+$0xC010];
	v9 =	vadd.f32 v44, v9;
	v3 =	vmul.f32 v3, v3;
	v4 =	vsub.f32 v6, v4  }
0x437: {  	v47 =	vld [tilespmem:s31+$0x10]  }
0x438: {  	v48 =	vld [tilespmem:s31+$0xC020];
	v3 =	vadd.f32 v3, v9;
	v4 =	vmul.f32 v4, v4;
	v7 =	vsub.f32 v8, v7  }
0x439: {  	v49 =	vld [tilespmem:s31+$0x20]  }
0x43a: {  	v50 =	vld [tilespmem:s31+$0xC030];
	v5 =	vsub.f32 v12, v45;
	v3 =	vadd.f32 v4, v3;
	v51 =	vmul.f32 v7, v7  }
0x43b: {  	v52 =	vld [tilespmem:s31+$0x30]  }
0x43c: {  	v53 =	vld [tilespmem:s31+$0xC040];
	v6 =	vsub.f32 v46, v47;
	v5 =	vmul.f32 v5, v5;
	v3 =	vadd.f32 v51, v3  }
0x43d: {  	v54 =	vld [tilespmem:s31+$0x40]  }
0x43e: {  	v57 =	vld [tilespmem:s31+$0xC050];
	v56 =	vsub.f32 v48, v49;
	v55 =	vmul.f32 v6, v6;
	v3 =	vadd.f32 v5, v3  }
0x43f: {  	v58 =	vld [tilespmem:s31+$0x50]  }
0x440: {  	v61 =	vld [tilespmem:s31+$0xC060];
	v60 =	vsub.f32 v50, v52;
	v59 =	vmul.f32 v56, v56;
	v3 =	vadd.f32 v55, v3  }
0x441: {  	v62 =	vld [tilespmem:s31+$0x60]  }
0x442: {  	v13 =	vld [tilespmem:s31+$0x70];
	v4 =	vsub.f32 v53, v54;
	v63 =	vmul.f32 v60, v60;
	v3 =	vadd.f32 v59, v3  }
0x443: {  	v12 =	vld [tilespmem:s31+$0xC070]  }
0x444: {  	v15 =	vld [tilespmem:s31+$0xC400];
	v14 =	vsub.f32 v57, v58;
	v4 =	vmul.f32 v4, v4;
	v3 =	vadd.f32 v63, v3  }
0x445: {  	v16 =	vld [tilespmem:s31+$0x400]  }
0x446: {  	v19 =	vld [tilespmem:s31+$0xC410];
	v18 =	vsub.f32 v61, v62;
	v17 =	vmul.f32 v14, v14;
	v3 =	vadd.f32 v4, v3  }
0x447: {  	v20 =	vld [tilespmem:s31+$0x410]  }
0x448: {  	v23 =	vld [tilespmem:s31+$0xC420];
	v21 =	vmul.f32 v18, v18;
	v22 =	vsub.f32 v12, v13;
	v3 =	vadd.f32 v17, v3  }
0x449: {  	v24 =	vld [tilespmem:s31+$0x420]  }
0x44a: {  	v27 =	vld [tilespmem:s31+$0xC430];
	v26 =	vsub.f32 v15, v16;
	v25 =	vmul.f32 v22, v22;
	v3 =	vadd.f32 v21, v3  }
0x44b: {  	v28 =	vld [tilespmem:s31+$0x430]  }
0x44c: {  	v31 =	vld [tilespmem:s31+$0xC440];
	v30 =	vsub.f32 v19, v20;
	v29 =	vmul.f32 v26, v26;
	v3 =	vadd.f32 v25, v3  }
0x44d: {  	v32 =	vld [tilespmem:s31+$0x440]  }
0x44e: {  	v35 =	vld [tilespmem:s31+$0xC450];
	v34 =	vsub.f32 v23, v24;
	v33 =	vmul.f32 v30, v30;
	v3 =	vadd.f32 v29, v3  }
0x44f: {  	v36 =	vld [tilespmem:s31+$0x450]  }
0x450: {  	v39 =	vld [tilespmem:s31+$0xC460];
	v38 =	vsub.f32 v27, v28;
	v37 =	vmul.f32 v34, v34;
	v3 =	vadd.f32 v33, v3  }
0x451: {  	v40 =	vld [tilespmem:s31+$0x460]  }
0x452: {  	v43 =	vld [tilespmem:s31+$0xC470];
	v42 =	vsub.f32 v31, v32;
	v41 =	vmul.f32 v38, v38;
	v3 =	vadd.f32 v37, v3  }
0x453: {  	v44 =	vld [tilespmem:s31+$0x470]  }
0x454: {  	v46 =	vsub.f32 v35, v36;
	v47 =	vld [tilespmem:s31+$0xC800];
	v45 =	vmul.f32 v42, v42;
	v3 =	vadd.f32 v41, v3  }
0x455: {  	v48 =	vld [tilespmem:s31+$0x800]  }
0x456: {  	v50 =	vsub.f32 v39, v40;
	v52 =	vld [tilespmem:s31+$0x810];
	v49 =	vmul.f32 v46, v46;
	v3 =	vadd.f32 v45, v3  }
0x457: {  	v51 =	vld [tilespmem:s31+$0xC810]  }
0x458: {  	v53 =	vmul.f32 v50, v50;
	v54 =	vsub.f32 v43, v44;
	v56 =	vld [tilespmem:s31+$0x820];
	v3 =	vadd.f32 v49, v3  }
0x459: {  	v55 =	vld [tilespmem:s31+$0xC820]  }
0x45a: {  	v60 =	vld [tilespmem:s31+$0x830];
	v57 =	vmul.f32 v54, v54;
	v58 =	vsub.f32 v47, v48;
	v3 =	vadd.f32 v53, v3  }
0x45b: {  	v59 =	vld [tilespmem:s31+$0xC830]  }
0x45c: {  	v12 =	vld [tilespmem:s31+$0x840];
	v61 =	vmul.f32 v58, v58;
	v62 =	vsub.f32 v51, v52;
	v3 =	vadd.f32 v57, v3  }
0x45d: {  	v63 =	vld [tilespmem:s31+$0xC840]  }
0x45e: {  	v15 =	vld [tilespmem:s31+$0xC850];
	v13 =	vmul.f32 v62, v62;
	v14 =	vsub.f32 v55, v56;
	v3 =	vadd.f32 v61, v3  }
0x45f: {  	v16 =	vld [tilespmem:s31+$0x850]  }
0x460: {  	v19 =	vld [tilespmem:s31+$0xC860];
	v18 =	vsub.f32 v59, v60;
	v17 =	vmul.f32 v14, v14;
	v3 =	vadd.f32 v13, v3  }
0x461: {  	v20 =	vld [tilespmem:s31+$0x860]  }
0x462: {  	v23 =	vld [tilespmem:s31+$0xC870];
	v22 =	vsub.f32 v63, v12;
	v21 =	vmul.f32 v18, v18;
	v3 =	vadd.f32 v17, v3  }
0x463: {  	s15 =	sor.u32 s15, s29;
	v24 =	vld [tilespmem:s31+$0x870]  }
0x464: {  	s15 =	sor.u32 $0xCC00, s15;
	v27 =	vld [tilespmem:s31+$0xC00];
	v26 =	vsub.f32 v15, v16;
	v25 =	vmul.f32 v22, v22;
	v3 =	vadd.f32 v21, v3  }
0x465: {  	v28 =	vld [tilespmem:s15+$0x0]  }
0x466: {  	v31 =	vld [tilespmem:s31+$0xC10];
	v30 =	vsub.f32 v19, v20;
	v29 =	vmul.f32 v26, v26;
	v3 =	vadd.f32 v25, v3  }
0x467: {  	v32 =	vld [tilespmem:s15+$0x10]  }
0x468: {  	v35 =	vld [tilespmem:s31+$0xC20];
	v34 =	vsub.f32 v23, v24;
	v33 =	vmul.f32 v30, v30;
	v3 =	vadd.f32 v29, v3  }
0x469: {  	v36 =	vld [tilespmem:s15+$0x20]  }
0x46a: {  	v39 =	vld [tilespmem:s31+$0xC30];
	v38 =	vsub.f32 v28, v27;
	v37 =	vmul.f32 v34, v34;
	v3 =	vadd.f32 v33, v3  }
0x46b: {  	v40 =	vld [tilespmem:s15+$0x30]  }
0x46c: {  	v43 =	vld [tilespmem:s31+$0xC40];
	v42 =	vsub.f32 v32, v31;
	v41 =	vmul.f32 v38, v38;
	v3 =	vadd.f32 v37, v3  }
0x46d: {  	v44 =	vld [tilespmem:s15+$0x40]  }
0x46e: {  	v46 =	vsub.f32 v36, v35;
	v47 =	vld [tilespmem:s31+$0xC50];
	v45 =	vmul.f32 v42, v42;
	v3 =	vadd.f32 v41, v3  }
0x46f: {  	v48 =	vld [tilespmem:s15+$0x50]  }
0x470: {  	v50 =	vsub.f32 v40, v39;
	v51 =	vld [tilespmem:s31+$0xC60];
	v49 =	vmul.f32 v46, v46;
	v3 =	vadd.f32 v45, v3  }
0x471: {  	v52 =	vld [tilespmem:s15+$0x60]  }
0x472: {  	v54 =	vsub.f32 v44, v43;
	v55 =	vld [tilespmem:s31+$0xC70];
	v53 =	vmul.f32 v50, v50;
	v3 =	vadd.f32 v49, v3  }
0x473: {  	v56 =	vld [tilespmem:s15+$0x70]  }
0x474: {  	v58 =	vsub.f32 v48, v47;
	v57 =	vmul.f32 v54, v54;
	v3 =	vadd.f32 v53, v3;
	_ =	sdelay $0x1  }
0x475: {  	v59 =	vmul.f32 v58, v58;
	v60 =	vsub.f32 v52, v51;
	v3 =	vadd.f32 v57, v3;
	_ =	sdelay $0x1  }
0x476: {  	v62 =	vsub.f32 v56, v55;
	v61 =	vmul.f32 v60, v60;
	v3 =	vadd.f32 v59, v3;
	_ =	sdelay $0x1  }
0x477: {  	v63 =	vmul.f32 v62, v62;
	v3 =	vadd.f32 v61, v3;
	_ =	sdelay $0x1  }
0x478: {  	v3 =	vadd.f32 v63, v3;
	_ =	sdelay $0x1  }
0x479: {  	s30 =	sadd.s32 $0x1, s30;
	v3 =	vmul.f32 $4.768371580e-07, v3  }
0x47a: {  	p0 =	sne.s32 s30, s12  }
.Ltmp5:
0x47b: {  	s31 =	simm.s32 $0x18080;
	[tilespmem:$0x18080] =	vst v3;
	(pc) =	sbr.rel @p0 .LBB2_1-.Ltmp5, $4  }
0x47c: {  	[hbm4b:s11+s3] =	stream.linear.scatter [tilespmem:s31], [sflag:$0x9], $0x80, $0x38;
	[tilespmem:$0x18100] =	vst v63  }
0x47d: {  	_ =	swait.ge [sflag:s14], $0x80  }
0x47e: {  	[sflag:s14] =	ssyncset.done $0x0  }
0x47f: {  	s18 =	simm.s32 $0x800;
	s19 =	simm.s32 $0xC000;
	[sflag:s14] =	ssyncadd.s32 $0xFFFFFF80  }
0x480: {  	_ =	sfence.sel $0x180000  }
0x481: {  	[bflag:$0x0] =	sbarrier.arrive $0xFFFF  }
0x482: {  	_ =	strace $0x90000047  }
0x483: {  	s0 =	stileid.u32;
	[bflag:$0x2] =	sbarrier.arrive $0xFFFF  }
0x484: {  	p0 =	sne.s32 s0, $0x0;
	s0 =	rddreg [dreg:$0x4]  }
0x485: {  	s0 =	sadd.s32 @!p0 $0x100000, s0  }
0x486: {  	[sflag:s0] =	ssyncadd.tile.s32 @!p0 $0x1;
	_ =	shalt  }
.Lfunc_end2:
_tile_overlayer_lowered:
.L_overlay_start_2:
0x487: {  	(tag) =	ssettag $0x2  }
0x488: {  	s0 =	rddreg [dreg:$0x0];
	s2 =	stileid.u32  }
0x489: {  	s1 =	rddreg [dreg:$0x1];
	p0 =	sne.s32 s2, $0x0  }
0x48a: {  	s3 =	rddreg [dreg:$0x2];
	[bflag:$0x3] =	sbarrier.arrive $0xFFFF;
	s2 =	simm.s32 @!p0 $0x1C09  }
0x48b: {  	[timem:s3], [sflag:s2] =	dma.local @!p0 [hbm:s0], s1  }
0x48c: {  	s0 =	simm.s32 @!p0 $0x9  }
0x48d: {  	_ =	swait.ge @!p0 [sflag:s0], s1  }
0x48e: {  	s1 =	ssub.s32 @!p0 $0x0, s1;
	[sflag:s0] =	ssyncset.done @!p0 $0x0  }
0x48f: {  	[sflag:s0] =	ssyncadd.s32 @!p0 s1  }
0x490: {  	[bflag:$0x3] =	sbarrier.arrive $0xFFFF  }
0x491: {  	_ =	shalt  }

</sc_bundles>
